<compile_context>
chip_gen: v7x
topology: tpu7x:2x2x1
jax: 0.10.2.dev20260603
libtpu: 0.0.44.dev20260713+nightly
codegen_flags: <defaults>
</compile_context>

<pallas_src>
import functools

import numpy as np
import jax
import jax.numpy as jnp
from jax import lax
from jax.experimental import pallas as pl
from jax.experimental.pallas import tpu as pltpu
from jax.experimental.pallas import tpu_sc as plsc

EPS_BN = 1e-5
EPS_LN = 1e-5

try:
    _info = plsc.get_sparse_core_info()
    _NC, _NS = _info.num_cores, _info.num_subcores
except Exception:
    _NC, _NS = 2, 16
_NW = _NC * _NS

_CHUNK = 128




def _chunks(total, step):
    out = []
    o = 0
    while o < total:
        out.append((o, min(step, total - o)))
        o += step
    return out


def _rows_per_subcore(N):
    return ((N + _NS * 8 - 1) // (_NS * 8)) * 8


@functools.lru_cache(maxsize=None)
def _make_sc_spmm(N, E, D, gather=True):
    nch = E // _CHUNK
    assert E % _CHUNK == 0 and nch % (8 * _NW) == 0
    nw_f = nch // _NW
    rps = _rows_per_subcore(N)
    NP = rps * _NS
    zc = _chunks(rps, _CHUNK)
    budget = (2097151 - NP * D) // _NS
    PH = nw_f
    while 2 * PH * _CHUNK + 2 * _CHUNK * D > budget:
        PH = (PH + 1) // 2
    while nw_f % PH:
        PH -= 1
    nphase = nw_f // PH
    pairs, odd = divmod(PH, 2)
    mesh = plsc.VectorSubcoreMesh(core_axis_name="c", subcore_axis_name="s")

    @functools.partial(
        pl.kernel,
        out_type=jax.ShapeDtypeStruct((_NC, NP, D), jnp.float32),
        mesh=mesh,
        scratch_types=[
            pltpu.VMEM((PH, _CHUNK), jnp.int32),
            pltpu.VMEM((PH, _CHUNK), jnp.int32),
            pltpu.VMEM((_CHUNK, D), jnp.float32),
            pltpu.VMEM((_CHUNK, D), jnp.float32),
            pltpu.VMEM_SHARED((NP, D), jnp.float32),
            pltpu.SemaphoreType.DMA,
            pltpu.SemaphoreType.DMA,
        ],
    )
    def sc_spmm(rows_hbm, src_hbm, dst_hbm, zeros_hbm, out_hbm, sidx, didx,
                buf_a, buf_b, acc_sh, sem_a, sem_b):
        cid = lax.axis_index("c")
        sid = lax.axis_index("s")
        wid = sid * _NC + cid
        r0 = sid * rps
        pltpu.sync_copy(zeros_hbm, buf_a)
        for o, sz in zc:
            pltpu.sync_copy(buf_a.at[pl.ds(0, sz)],
                            acc_sh.at[pl.ds(r0 + o, sz)])
        cbase = wid * nw_f
        if not gather:
            pltpu.sync_copy(rows_hbm, buf_a)
        plsc.subcore_barrier()

        if gather:

            def phase(p, carry):
                pb = cbase + p * PH
                pltpu.sync_copy(src_hbm.at[pl.ds(pb, PH)], sidx)
                pltpu.sync_copy(dst_hbm.at[pl.ds(pb, PH)], didx)

                def body(i, carry):
                    pltpu.async_copy(rows_hbm.at[sidx.at[i]], buf_a,
                                     sem_a).wait()
                    pltpu.sync_copy(buf_a, acc_sh.at[didx.at[i]], add=True)
                    return carry

                lax.fori_loop(0, PH, body, 0)
                return carry

            lax.fori_loop(0, nphase, phase, 0)
        else:

            def phase(p, carry):
                pb = cbase + p * PH
                pltpu.sync_copy(dst_hbm.at[pl.ds(pb, PH)], didx)

                def body(i, carry):
                    pltpu.sync_copy(buf_a, acc_sh.at[didx.at[i]], add=True)
                    return carry

                lax.fori_loop(0, PH, body, 0)
                return carry

            lax.fori_loop(0, nphase, phase, 0)

        plsc.subcore_barrier()
        for o, sz in zc:
            pltpu.sync_copy(acc_sh.at[pl.ds(r0 + o, sz)],
                            buf_a.at[pl.ds(0, sz)])
            pltpu.sync_copy(buf_a.at[pl.ds(0, sz)],
                            out_hbm.at[cid, pl.ds(r0 + o, sz)])

    return sc_spmm



_BN_S = 1.0 / (1.0 + EPS_BN) ** 0.5


def _ln_body(a, w, b):
    mu = jnp.mean(a, axis=-1, keepdims=True)
    var = jnp.mean((a - mu) ** 2, axis=-1, keepdims=True)
    return (a - mu) * lax.rsqrt(var + EPS_LN) * w[None, :] + b[None, :]


def _tc_init_trans_body(x_ref, gfw_ref, gfb_ref, gbw_ref, gbb_ref, tfw_ref,
                        tfb_ref, qkv_ref, lnw_ref, lnb_ref, h0_ref, x1_ref,
                        *, layers, n):
    x = x_ref[...]
    h = jnp.dot(x, gfw_ref[...], preferred_element_type=jnp.float32)
    h = h + gfb_ref[...][None, :]
    h = h * (_BN_S * gbw_ref[...])[None, :] + gbb_ref[...][None, :]
    h0_ref[...] = jnp.maximum(h, 0.0)
    z = jnp.dot(x, tfw_ref[...], preferred_element_type=jnp.float32)
    z = z + tfb_ref[...][None, :]
    z = _ln_body(z, lnw_ref[0], lnb_ref[0])
    z = jnp.maximum(z, 0.0)
    last = z
    fn = jnp.float32(n)
    for l in range(layers):
        q = jnp.dot(z, qkv_ref[l, 0], preferred_element_type=jnp.float32)
        k = jnp.dot(z, qkv_ref[l, 1], preferred_element_type=jnp.float32)
        v = jnp.dot(z, qkv_ref[l, 2], preferred_element_type=jnp.float32)
        inv_qk = lax.rsqrt(jnp.sum(q * q) * jnp.sum(k * k))
        kvs = lax.dot_general(k, v, (((0,), (0,)), ((), ())),
                              preferred_element_type=jnp.float32)
        ks = jnp.sum(k, axis=0)
        num = jnp.dot(q, kvs, preferred_element_type=jnp.float32) * inv_qk \
            + fn * v
        den = jnp.sum(q * ks[None, :], axis=1, keepdims=True) * inv_qk + fn
        a = (num / den + last) * 0.5
        a = _ln_body(a, lnw_ref[l + 1], lnb_ref[l + 1])
        z = jnp.maximum(a, 0.0)
        last = z
    x1_ref[...] = z


def _tc_dinv_hw_body(degp_ref, h0_ref, w1_ref, dinv_ref, hws_ref, *, D):
    n = h0_ref.shape[0]
    d = degp_ref[0, 0:n, 0:1] + degp_ref[1, 0:n, 0:1] + 1.0
    dinv = jnp.broadcast_to(lax.rsqrt(d), (n, D))
    dinv_ref[...] = dinv
    hw = jnp.dot(h0_ref[...], w1_ref[...], preferred_element_type=jnp.float32)
    hws_ref[...] = dinv * hw


def _tc_gcn_body(p_ref, hws_ref, h_ref, dinv_ref, bnw_ref, bnb_ref, cb_ref,
                 wn_ref, hn_ref, hwsn_ref):
    dinv = dinv_ref[...]
    n = dinv.shape[0]
    agg = dinv * (p_ref[0, 0:n] + p_ref[1, 0:n] + hws_ref[...]) \
        + cb_ref[...][None, :]
    c = jnp.maximum(agg * (_BN_S * bnw_ref[...])[None, :]
                    + bnb_ref[...][None, :], 0.0)
    hn = c + h_ref[...]
    hn_ref[...] = hn
    if wn_ref is not None:
        hw = jnp.dot(hn, wn_ref[...], preferred_element_type=jnp.float32)
        hwsn_ref[...] = dinv * hw


def _tc_gcn_final_body(p_ref, hws_ref, h_ref, dinv_ref, bnw_ref, bnb_ref,
                       cb_ref, x1_ref, fcw_ref, fcb_ref, out_ref):
    dinv = dinv_ref[...]
    n = dinv.shape[0]
    agg = dinv * (p_ref[0, 0:n] + p_ref[1, 0:n] + hws_ref[...]) \
        + cb_ref[...][None, :]
    c = jnp.maximum(agg * (_BN_S * bnw_ref[...])[None, :]
                    + bnb_ref[...][None, :], 0.0)
    hn = c + h_ref[...]
    o = 0.5 * hn + 0.5 * x1_ref[...]
    t = jnp.dot(o, fcw_ref[...], preferred_element_type=jnp.float32)
    t = t + fcb_ref[...][None, :]
    m = jnp.max(t, axis=-1, keepdims=True)
    e = jnp.exp(t - m)
    s = jnp.sum(e, axis=-1, keepdims=True)
    out_ref[...] = t - m - jnp.log(s)


def _tc_call(body, out_shapes, *args, **static):
    if static:
        body = functools.partial(body, **static)
    return pl.pallas_call(body, out_shape=out_shapes)(*args)




def kernel(x, edge_index, batch, g_fc_w, g_fc_b, g_bn_w, g_bn_b, g_conv_w,
           g_conv_b, t_fc_w, t_fc_b, t_ln_w, t_ln_b, t_qkv_w, fc_w, fc_b):
    N, D_IN = x.shape
    E = edge_index.shape[1]
    HID = g_fc_w.shape[1]
    OUT = fc_w.shape[1]
    gnn_layers = g_conv_w.shape[0]
    trans_layers = t_qkv_w.shape[0]

    rps = _rows_per_subcore(N)
    NP = rps * _NS
    align = _CHUNK * 8 * _NW
    E_p = -(-E // align) * align
    npad = E_p - E
    if npad:
        pad_src = jnp.asarray(np.arange(npad, dtype=np.int32) % N)
        pad_dst = jnp.asarray(N + (np.arange(npad, dtype=np.int32) % (NP - N)))
        src_f = jnp.concatenate([edge_index[0], pad_src])
        dst_f = jnp.concatenate([edge_index[1], pad_dst])
    else:
        src_f = edge_index[0]
        dst_f = edge_index[1]
    src2 = src_f.reshape(E_p // _CHUNK, _CHUNK)
    dst2 = dst_f.reshape(E_p // _CHUNK, _CHUNK)
    f32 = jnp.float32

    zeros_d = jnp.zeros((_CHUNK, HID), f32)
    DW = HID
    zeros_dw = zeros_d
    ones_dw = jnp.ones((_CHUNK, DW), f32)

    spmm = _make_sc_spmm(N, E_p, HID)

    degp = _make_sc_spmm(N, E_p, DW, gather=False)(ones_dw, src2, dst2,
                                                   zeros_dw)

    h0, x1 = _tc_call(
        _tc_init_trans_body,
        (jax.ShapeDtypeStruct((N, HID), f32),) * 2,
        x, g_fc_w, g_fc_b, g_bn_w[0], g_bn_b[0], t_fc_w, t_fc_b,
        t_qkv_w, t_ln_w, t_ln_b, layers=trans_layers, n=N)

    dinv, hws = _tc_call(
        _tc_dinv_hw_body,
        (jax.ShapeDtypeStruct((N, HID), f32),) * 2,
        degp, h0, g_conv_w[0], D=HID)

    h = h0
    for l in range(gnn_layers):
        p = spmm(hws, src2, dst2, zeros_d)
        if l + 1 < gnn_layers:
            h, hws = _tc_call(
                _tc_gcn_body,
                (jax.ShapeDtypeStruct((N, HID), f32),) * 2,
                p, hws, h, dinv, g_bn_w[l + 1], g_bn_b[l + 1], g_conv_b[l],
                g_conv_w[l + 1])
        else:
            h = _tc_call(
                _tc_gcn_final_body,
                jax.ShapeDtypeStruct((N, OUT), f32),
                p, hws, h, dinv, g_bn_w[l + 1], g_bn_b[l + 1], g_conv_b[l],
                x1, fc_w, fc_b)
    return h

# --- scband reference (transcript-rebuilt; emitter-appended) ---
"""Pipeline reference for scband-sgformer-1949915152402 (READ-ONLY COPY).

The authoritative reference and input builder live on the scoring server;
editing this copy changes nothing except your own understanding.
"""

import jax, jax.numpy as jnp
import numpy as np

N = 10000
E = 320000
D_IN = 128
HID = 128
OUT = 128
GNN_LAYERS = 3
TRANS_LAYERS = 2
EPS_BN = 1e-5
EPS_LN = 1e-5


def setup_inputs(seed: int = 0) -> dict:
    key = jax.random.key(seed)
    ks = jax.random.split(key, 16)
    s = 0.05
    inp = {}
    inp['x'] = jax.random.normal(ks[0], (N, D_IN), dtype=jnp.float32)
    inp['edge_index'] = jax.random.randint(ks[1], (2, E), 0, N, dtype=jnp.int32)
    inp['batch'] = jnp.zeros((N,), dtype=jnp.int32)
    inp['g_fc_w'] = jax.random.normal(ks[2], (D_IN, HID), dtype=jnp.float32) * s
    inp['g_fc_b'] = jnp.zeros((HID,), dtype=jnp.float32)
    inp['g_bn_w'] = jnp.ones((GNN_LAYERS + 1, HID), dtype=jnp.float32)
    inp['g_bn_b'] = jnp.zeros((GNN_LAYERS + 1, HID), dtype=jnp.float32)
    inp['g_conv_w'] = jax.random.normal(ks[3], (GNN_LAYERS, HID, HID), dtype=jnp.float32) * s
    inp['g_conv_b'] = jnp.zeros((GNN_LAYERS, HID), dtype=jnp.float32)
    inp['t_fc_w'] = jax.random.normal(ks[4], (D_IN, HID), dtype=jnp.float32) * s
    inp['t_fc_b'] = jnp.zeros((HID,), dtype=jnp.float32)
    inp['t_ln_w'] = jnp.ones((TRANS_LAYERS + 1, HID), dtype=jnp.float32)
    inp['t_ln_b'] = jnp.zeros((TRANS_LAYERS + 1, HID), dtype=jnp.float32)
    inp['t_qkv_w'] = jax.random.normal(ks[5], (TRANS_LAYERS, 3, HID, HID), dtype=jnp.float32) * s
    inp['fc_w'] = jax.random.normal(ks[6], (HID, OUT), dtype=jnp.float32) * s
    inp['fc_b'] = jnp.zeros((OUT,), dtype=jnp.float32)
    return inp


def _bn_eval(h, w, b):
    # BatchNorm1d in eval mode with running_mean=0, running_var=1
    return h / jnp.sqrt(1.0 + EPS_BN) * w + b


def _ln(h, w, b):
    mu = jnp.mean(h, axis=-1, keepdims=True)
    var = jnp.mean((h - mu) ** 2, axis=-1, keepdims=True)
    return (h - mu) / jnp.sqrt(var + EPS_LN) * w + b


def _gcn(h, src, dst, dinv, w, b):
    # GCNConv: symmetric norm with self-loops (self-loop norm = dinv[i]^2)
    hw = h @ w
    norm = dinv[src] * dinv[dst]
    msg = hw[src] * norm[:, None]
    agg = jnp.zeros_like(hw).at[dst].add(msg)
    agg = agg + hw * (dinv * dinv)[:, None]
    return agg + b


def _attn(z, mask, qw, kw, vw):
    # SGFormerAttention with heads=1, head_channels=HID, qkv_bias=False
    q = (z @ qw)[:, :, None, :]
    k = (z @ kw)[:, :, None, :]
    v = (z @ vw)[:, :, None, :]
    v = v * mask[:, :, None, None].astype(z.dtype)
    q = q / jnp.sqrt(jnp.sum(q * q))  # global L2 norm, as in torch.norm(qs, p=2)
    k = k / jnp.sqrt(jnp.sum(k * k))
    n = q.shape[1]
    kvs = jnp.einsum('blhm,blhd->bhmd', k, v)
    num = jnp.einsum('bnhm,bhmd->bnhd', q, kvs) + n * v
    ones = jnp.ones((q.shape[0], k.shape[1]), dtype=z.dtype)
    ks_sum = jnp.einsum('blhm,bl->bhm', k, ones)
    denom = jnp.einsum('bnhm,bhm->bnh', q, ks_sum)[..., None] + n
    return (num / denom).mean(axis=2)


def _forward(x, edge_index, batch, g_fc_w, g_fc_b, g_bn_w, g_bn_b, g_conv_w, g_conv_b, t_fc_w, t_fc_b, t_ln_w, t_ln_b, t_qkv_w, fc_w, fc_b):
    # ---- trans branch (SGModule); batch is all zeros -> single dense graph ----
    indices = jnp.argsort(batch, stable=True)
    rev_perm = jnp.zeros_like(indices).at[indices].set(jnp.arange(indices.shape[0], dtype=indices.dtype))
    xs = x[indices]
    dense = xs[None]
    mask = jnp.ones((1, xs.shape[0]), dtype=bool)
    z = dense @ t_fc_w + t_fc_b
    z = _ln(z, t_ln_w[0], t_ln_b[0])
    z = jax.nn.relu(z)
    last = z
    for l in range(TRANS_LAYERS):
        a = _attn(z, mask, t_qkv_w[l, 0], t_qkv_w[l, 1], t_qkv_w[l, 2])
        a = (a + last) / 2.0
        a = _ln(a, t_ln_w[l + 1], t_ln_b[l + 1])
        a = jax.nn.relu(a)
        z = a
        last = z
    x1 = z[0][rev_perm]
    # ---- gnn branch (GraphModule) ----
    src = edge_index[0]
    dst = edge_index[1]
    deg = jnp.zeros((x.shape[0],), jnp.float32).at[dst].add(1.0) + 1.0
    dinv = jax.lax.rsqrt(deg)
    h = x @ g_fc_w + g_fc_b
    h = _bn_eval(h, g_bn_w[0], g_bn_b[0])
    h = jax.nn.relu(h)
    last_g = h
    for l in range(GNN_LAYERS):
        c = _gcn(h, src, dst, dinv, g_conv_w[l], g_conv_b[l])
        c = _bn_eval(c, g_bn_w[l + 1], g_bn_b[l + 1])
        c = jax.nn.relu(c)
        h = c + last_g
        last_g = h
    out = 0.5 * h + 0.5 * x1
    out = out @ fc_w + fc_b
    return jax.nn.log_softmax(out, axis=-1)


def reference(x, edge_index, batch, g_fc_w, g_fc_b, g_bn_w, g_bn_b, g_conv_w, g_conv_b, t_fc_w, t_fc_b, t_ln_w, t_ln_b, t_qkv_w, fc_w, fc_b):
    return _forward(x, edge_index, batch, g_fc_w, g_fc_b, g_bn_w, g_bn_b, g_conv_w, g_conv_b, t_fc_w, t_fc_b, t_ln_w, t_ln_b, t_qkv_w, fc_w, fc_b)

if __name__ == "__main__":
    import jax
    _d = setup_inputs()
    print(jax.jit(kernel)(*tuple(_d.values())))

</pallas_src>

<mosaic_0001>
#map = affine_map<(d0, d1) -> (0, 0)>
#map1 = affine_map<(d0, d1) -> (0, 0, 0)>
module attributes {stable_mosaic.version = 14 : i64} {
  func.func @sc_spmm(%arg0: i32, %arg1: i32, %arg2: memref<10000x128xf32, #tpu.memory_space<hbm>>, %arg3: memref<2560x128xi32, #tpu.memory_space<hbm>>, %arg4: memref<2560x128xi32, #tpu.memory_space<hbm>>, %arg5: memref<128x128xf32, #tpu.memory_space<hbm>>, %arg6: memref<2x10112x128xf32, #tpu.memory_space<hbm>>, %arg7: memref<40x128xi32, #tpu.memory_space<vmem>>, %arg8: memref<40x128xi32, #tpu.memory_space<vmem>>, %arg9: memref<128x128xf32, #tpu.memory_space<vmem>>, %arg10: memref<128x128xf32, #tpu.memory_space<vmem>>, %arg11: memref<10112x128xf32, #tpu.memory_space<vmem_shared>>, %arg12: memref<!tpu.dma_semaphore, #tpu.memory_space<semaphore_mem>>, %arg13: memref<!tpu.dma_semaphore, #tpu.memory_space<semaphore_mem>>) attributes {dimension_semantics = [#tpu.dimension_semantics<core_parallel>, #tpu.dimension_semantics<subcore_parallel>], iteration_bounds = array<i64: 2, 16>, scalar_prefetch = 0 : i64, scratch_operands = 7 : i64, tpu.core_type = #tpu.core_type<sc_vector_subcore>, window_params = [{transform_indices = #map}, {transform_indices = #map}, {transform_indices = #map}, {transform_indices = #map}, {transform_indices = #map1}]} {
    %mul3A = arith.constant 2 : i32
    %mul3A_0 = arith.muli %arg1, %mul3A : i32
    %add3A = arith.addi %mul3A_0, %arg0 : i32
    %mul3A_1 = arith.constant 632 : i32
    %mul3A_2 = arith.muli %arg1, %mul3A_1 : i32
    "tpu.region"() ({
      %run_scoped3A = tpu.sem_alloc : memref<!tpu.dma_semaphore, #tpu.memory_space<semaphore_mem>>
      tpu.enqueue_dma source(%arg5 : memref<128x128xf32, #tpu.memory_space<hbm>>) target(%arg9 : memref<128x128xf32, #tpu.memory_space<vmem>>) target_semaphore(%run_scoped3A : memref<!tpu.dma_semaphore, #tpu.memory_space<semaphore_mem>>)
      tpu.wait_dma2 semaphore(%run_scoped3A : memref<!tpu.dma_semaphore, #tpu.memory_space<semaphore_mem>>) src(%arg5 : memref<128x128xf32, #tpu.memory_space<hbm>>) dst(%arg9 : memref<128x128xf32, #tpu.memory_space<vmem>>)
      tpu.yield
    }) : () -> ()
    %add3A_3 = arith.constant 0 : i32
    %add3A_4 = arith.addi %mul3A_2, %add3A_3 : i32
    "tpu.region"() ({
      %run_scoped3A = tpu.sem_alloc : memref<!tpu.dma_semaphore, #tpu.memory_space<semaphore_mem>>
      %dma_start3A = arith.constant 0 : i32
      %dma_start3A_41 = arith.constant 0 : i32
      %dma_start3A_42 = tpu.memref_slice %arg9[%dma_start3A, %dma_start3A_41] : memref<128x128xf32, #tpu.memory_space<vmem>> -> memref<128x128xf32, #tpu.memory_space<vmem>>
      %dma_start3A_43 = arith.constant 0 : i32
      %dma_start3A_44 = tpu.memref_slice %arg11[%add3A_4, %dma_start3A_43] : memref<10112x128xf32, #tpu.memory_space<vmem_shared>> -> memref<128x128xf32, #tpu.memory_space<vmem_shared>>
      %dma_start3A_45 = arith.constant 0 : i32
      %dma_start3A_46 = tpu.memref_slice %arg11[%add3A_4, %dma_start3A_45] : memref<10112x128xf32, #tpu.memory_space<vmem_shared>> -> memref<128x128xf32, #tpu.memory_space<vmem_shared>>
      %dma_start3A_47 = arith.constant 0 : i32
      %dma_start3A_48 = arith.constant 0 : i32
      %dma_start3A_49 = tpu.memref_slice %arg9[%dma_start3A_47, %dma_start3A_48] : memref<128x128xf32, #tpu.memory_space<vmem>> -> memref<128x128xf32, #tpu.memory_space<vmem>>
      tpu.enqueue_dma source(%dma_start3A_49 : memref<128x128xf32, #tpu.memory_space<vmem>>) target(%dma_start3A_46 : memref<128x128xf32, #tpu.memory_space<vmem_shared>>) target_semaphore(%run_scoped3A : memref<!tpu.dma_semaphore, #tpu.memory_space<semaphore_mem>>)
      %dma_wait3A = arith.constant 0 : i32
      %dma_wait3A_50 = arith.constant 0 : i32
      %dma_wait3A_51 = tpu.memref_slice %arg9[%dma_wait3A, %dma_wait3A_50] : memref<128x128xf32, #tpu.memory_space<vmem>> -> memref<128x128xf32, #tpu.memory_space<vmem>>
      %dma_wait3A_52 = arith.constant 0 : i32
      %dma_wait3A_53 = tpu.memref_slice %arg11[%add3A_4, %dma_wait3A_52] : memref<10112x128xf32, #tpu.memory_space<vmem_shared>> -> memref<128x128xf32, #tpu.memory_space<vmem_shared>>
      %dma_wait3A_54 = arith.constant 0 : i32
      %dma_wait3A_55 = tpu.memref_slice %arg11[%add3A_4, %dma_wait3A_54] : memref<10112x128xf32, #tpu.memory_space<vmem_shared>> -> memref<128x128xf32, #tpu.memory_space<vmem_shared>>
      %dma_wait3A_56 = arith.constant 0 : i32
      %dma_wait3A_57 = arith.constant 0 : i32
      %dma_wait3A_58 = tpu.memref_slice %arg9[%dma_wait3A_56, %dma_wait3A_57] : memref<128x128xf32, #tpu.memory_space<vmem>> -> memref<128x128xf32, #tpu.memory_space<vmem>>
      tpu.wait_dma2 semaphore(%run_scoped3A : memref<!tpu.dma_semaphore, #tpu.memory_space<semaphore_mem>>) src(%dma_wait3A_58 : memref<128x128xf32, #tpu.memory_space<vmem>>) dst(%dma_wait3A_55 : memref<128x128xf32, #tpu.memory_space<vmem_shared>>)
      tpu.yield
    }) : () -> ()
    %add3A_5 = arith.constant 128 : i32
    %add3A_6 = arith.addi %mul3A_2, %add3A_5 : i32
    "tpu.region"() ({
      %run_scoped3A = tpu.sem_alloc : memref<!tpu.dma_semaphore, #tpu.memory_space<semaphore_mem>>
      %dma_start3A = arith.constant 0 : i32
      %dma_start3A_41 = arith.constant 0 : i32
      %dma_start3A_42 = tpu.memref_slice %arg9[%dma_start3A, %dma_start3A_41] : memref<128x128xf32, #tpu.memory_space<vmem>> -> memref<128x128xf32, #tpu.memory_space<vmem>>
      %dma_start3A_43 = arith.constant 0 : i32
      %dma_start3A_44 = tpu.memref_slice %arg11[%add3A_6, %dma_start3A_43] : memref<10112x128xf32, #tpu.memory_space<vmem_shared>> -> memref<128x128xf32, #tpu.memory_space<vmem_shared>>
      %dma_start3A_45 = arith.constant 0 : i32
      %dma_start3A_46 = tpu.memref_slice %arg11[%add3A_6, %dma_start3A_45] : memref<10112x128xf32, #tpu.memory_space<vmem_shared>> -> memref<128x128xf32, #tpu.memory_space<vmem_shared>>
      %dma_start3A_47 = arith.constant 0 : i32
      %dma_start3A_48 = arith.constant 0 : i32
      %dma_start3A_49 = tpu.memref_slice %arg9[%dma_start3A_47, %dma_start3A_48] : memref<128x128xf32, #tpu.memory_space<vmem>> -> memref<128x128xf32, #tpu.memory_space<vmem>>
      tpu.enqueue_dma source(%dma_start3A_49 : memref<128x128xf32, #tpu.memory_space<vmem>>) target(%dma_start3A_46 : memref<128x128xf32, #tpu.memory_space<vmem_shared>>) target_semaphore(%run_scoped3A : memref<!tpu.dma_semaphore, #tpu.memory_space<semaphore_mem>>)
      %dma_wait3A = arith.constant 0 : i32
      %dma_wait3A_50 = arith.constant 0 : i32
      %dma_wait3A_51 = tpu.memref_slice %arg9[%dma_wait3A, %dma_wait3A_50] : memref<128x128xf32, #tpu.memory_space<vmem>> -> memref<128x128xf32, #tpu.memory_space<vmem>>
      %dma_wait3A_52 = arith.constant 0 : i32
      %dma_wait3A_53 = tpu.memref_slice %arg11[%add3A_6, %dma_wait3A_52] : memref<10112x128xf32, #tpu.memory_space<vmem_shared>> -> memref<128x128xf32, #tpu.memory_space<vmem_shared>>
      %dma_wait3A_54 = arith.constant 0 : i32
      %dma_wait3A_55 = tpu.memref_slice %arg11[%add3A_6, %dma_wait3A_54] : memref<10112x128xf32, #tpu.memory_space<vmem_shared>> -> memref<128x128xf32, #tpu.memory_space<vmem_shared>>
      %dma_wait3A_56 = arith.constant 0 : i32
      %dma_wait3A_57 = arith.constant 0 : i32
      %dma_wait3A_58 = tpu.memref_slice %arg9[%dma_wait3A_56, %dma_wait3A_57] : memref<128x128xf32, #tpu.memory_space<vmem>> -> memref<128x128xf32, #tpu.memory_space<vmem>>
      tpu.wait_dma2 semaphore(%run_scoped3A : memref<!tpu.dma_semaphore, #tpu.memory_space<semaphore_mem>>) src(%dma_wait3A_58 : memref<128x128xf32, #tpu.memory_space<vmem>>) dst(%dma_wait3A_55 : memref<128x128xf32, #tpu.memory_space<vmem_shared>>)
      tpu.yield
    }) : () -> ()
    %add3A_7 = arith.constant 256 : i32
    %add3A_8 = arith.addi %mul3A_2, %add3A_7 : i32
    "tpu.region"() ({
      %run_scoped3A = tpu.sem_alloc : memref<!tpu.dma_semaphore, #tpu.memory_space<semaphore_mem>>
      %dma_start3A = arith.constant 0 : i32
      %dma_start3A_41 = arith.constant 0 : i32
      %dma_start3A_42 = tpu.memref_slice %arg9[%dma_start3A, %dma_start3A_41] : memref<128x128xf32, #tpu.memory_space<vmem>> -> memref<128x128xf32, #tpu.memory_space<vmem>>
      %dma_start3A_43 = arith.constant 0 : i32
      %dma_start3A_44 = tpu.memref_slice %arg11[%add3A_8, %dma_start3A_43] : memref<10112x128xf32, #tpu.memory_space<vmem_shared>> -> memref<128x128xf32, #tpu.memory_space<vmem_shared>>
      %dma_start3A_45 = arith.constant 0 : i32
      %dma_start3A_46 = tpu.memref_slice %arg11[%add3A_8, %dma_start3A_45] : memref<10112x128xf32, #tpu.memory_space<vmem_shared>> -> memref<128x128xf32, #tpu.memory_space<vmem_shared>>
      %dma_start3A_47 = arith.constant 0 : i32
      %dma_start3A_48 = arith.constant 0 : i32
      %dma_start3A_49 = tpu.memref_slice %arg9[%dma_start3A_47, %dma_start3A_48] : memref<128x128xf32, #tpu.memory_space<vmem>> -> memref<128x128xf32, #tpu.memory_space<vmem>>
      tpu.enqueue_dma source(%dma_start3A_49 : memref<128x128xf32, #tpu.memory_space<vmem>>) target(%dma_start3A_46 : memref<128x128xf32, #tpu.memory_space<vmem_shared>>) target_semaphore(%run_scoped3A : memref<!tpu.dma_semaphore, #tpu.memory_space<semaphore_mem>>)
      %dma_wait3A = arith.constant 0 : i32
      %dma_wait3A_50 = arith.constant 0 : i32
      %dma_wait3A_51 = tpu.memref_slice %arg9[%dma_wait3A, %dma_wait3A_50] : memref<128x128xf32, #tpu.memory_space<vmem>> -> memref<128x128xf32, #tpu.memory_space<vmem>>
      %dma_wait3A_52 = arith.constant 0 : i32
      %dma_wait3A_53 = tpu.memref_slice %arg11[%add3A_8, %dma_wait3A_52] : memref<10112x128xf32, #tpu.memory_space<vmem_shared>> -> memref<128x128xf32, #tpu.memory_space<vmem_shared>>
      %dma_wait3A_54 = arith.constant 0 : i32
      %dma_wait3A_55 = tpu.memref_slice %arg11[%add3A_8, %dma_wait3A_54] : memref<10112x128xf32, #tpu.memory_space<vmem_shared>> -> memref<128x128xf32, #tpu.memory_space<vmem_shared>>
      %dma_wait3A_56 = arith.constant 0 : i32
      %dma_wait3A_57 = arith.constant 0 : i32
      %dma_wait3A_58 = tpu.memref_slice %arg9[%dma_wait3A_56, %dma_wait3A_57] : memref<128x128xf32, #tpu.memory_space<vmem>> -> memref<128x128xf32, #tpu.memory_space<vmem>>
      tpu.wait_dma2 semaphore(%run_scoped3A : memref<!tpu.dma_semaphore, #tpu.memory_space<semaphore_mem>>) src(%dma_wait3A_58 : memref<128x128xf32, #tpu.memory_space<vmem>>) dst(%dma_wait3A_55 : memref<128x128xf32, #tpu.memory_space<vmem_shared>>)
      tpu.yield
    }) : () -> ()
    %add3A_9 = arith.constant 384 : i32
    %add3A_10 = arith.addi %mul3A_2, %add3A_9 : i32
    "tpu.region"() ({
      %run_scoped3A = tpu.sem_alloc : memref<!tpu.dma_semaphore, #tpu.memory_space<semaphore_mem>>
      %dma_start3A = arith.constant 0 : i32
      %dma_start3A_41 = arith.constant 0 : i32
      %dma_start3A_42 = tpu.memref_slice %arg9[%dma_start3A, %dma_start3A_41] : memref<128x128xf32, #tpu.memory_space<vmem>> -> memref<128x128xf32, #tpu.memory_space<vmem>>
      %dma_start3A_43 = arith.constant 0 : i32
      %dma_start3A_44 = tpu.memref_slice %arg11[%add3A_10, %dma_start3A_43] : memref<10112x128xf32, #tpu.memory_space<vmem_shared>> -> memref<128x128xf32, #tpu.memory_space<vmem_shared>>
      %dma_start3A_45 = arith.constant 0 : i32
      %dma_start3A_46 = tpu.memref_slice %arg11[%add3A_10, %dma_start3A_45] : memref<10112x128xf32, #tpu.memory_space<vmem_shared>> -> memref<128x128xf32, #tpu.memory_space<vmem_shared>>
      %dma_start3A_47 = arith.constant 0 : i32
      %dma_start3A_48 = arith.constant 0 : i32
      %dma_start3A_49 = tpu.memref_slice %arg9[%dma_start3A_47, %dma_start3A_48] : memref<128x128xf32, #tpu.memory_space<vmem>> -> memref<128x128xf32, #tpu.memory_space<vmem>>
      tpu.enqueue_dma source(%dma_start3A_49 : memref<128x128xf32, #tpu.memory_space<vmem>>) target(%dma_start3A_46 : memref<128x128xf32, #tpu.memory_space<vmem_shared>>) target_semaphore(%run_scoped3A : memref<!tpu.dma_semaphore, #tpu.memory_space<semaphore_mem>>)
      %dma_wait3A = arith.constant 0 : i32
      %dma_wait3A_50 = arith.constant 0 : i32
      %dma_wait3A_51 = tpu.memref_slice %arg9[%dma_wait3A, %dma_wait3A_50] : memref<128x128xf32, #tpu.memory_space<vmem>> -> memref<128x128xf32, #tpu.memory_space<vmem>>
      %dma_wait3A_52 = arith.constant 0 : i32
      %dma_wait3A_53 = tpu.memref_slice %arg11[%add3A_10, %dma_wait3A_52] : memref<10112x128xf32, #tpu.memory_space<vmem_shared>> -> memref<128x128xf32, #tpu.memory_space<vmem_shared>>
      %dma_wait3A_54 = arith.constant 0 : i32
      %dma_wait3A_55 = tpu.memref_slice %arg11[%add3A_10, %dma_wait3A_54] : memref<10112x128xf32, #tpu.memory_space<vmem_shared>> -> memref<128x128xf32, #tpu.memory_space<vmem_shared>>
      %dma_wait3A_56 = arith.constant 0 : i32
      %dma_wait3A_57 = arith.constant 0 : i32
      %dma_wait3A_58 = tpu.memref_slice %arg9[%dma_wait3A_56, %dma_wait3A_57] : memref<128x128xf32, #tpu.memory_space<vmem>> -> memref<128x128xf32, #tpu.memory_space<vmem>>
      tpu.wait_dma2 semaphore(%run_scoped3A : memref<!tpu.dma_semaphore, #tpu.memory_space<semaphore_mem>>) src(%dma_wait3A_58 : memref<128x128xf32, #tpu.memory_space<vmem>>) dst(%dma_wait3A_55 : memref<128x128xf32, #tpu.memory_space<vmem_shared>>)
      tpu.yield
    }) : () -> ()
    %add3A_11 = arith.constant 512 : i32
    %add3A_12 = arith.addi %mul3A_2, %add3A_11 : i32
    "tpu.region"() ({
      %run_scoped3A = tpu.sem_alloc : memref<!tpu.dma_semaphore, #tpu.memory_space<semaphore_mem>>
      %dma_start3A = arith.constant 0 : i32
      %dma_start3A_41 = arith.constant 0 : i32
      %dma_start3A_42 = tpu.memref_slice %arg9[%dma_start3A, %dma_start3A_41] : memref<128x128xf32, #tpu.memory_space<vmem>> -> memref<120x128xf32, #tpu.memory_space<vmem>>
      %dma_start3A_43 = arith.constant 0 : i32
      %dma_start3A_44 = tpu.memref_slice %arg11[%add3A_12, %dma_start3A_43] : memref<10112x128xf32, #tpu.memory_space<vmem_shared>> -> memref<120x128xf32, #tpu.memory_space<vmem_shared>>
      %dma_start3A_45 = arith.constant 0 : i32
      %dma_start3A_46 = tpu.memref_slice %arg11[%add3A_12, %dma_start3A_45] : memref<10112x128xf32, #tpu.memory_space<vmem_shared>> -> memref<120x128xf32, #tpu.memory_space<vmem_shared>>
      %dma_start3A_47 = arith.constant 0 : i32
      %dma_start3A_48 = arith.constant 0 : i32
      %dma_start3A_49 = tpu.memref_slice %arg9[%dma_start3A_47, %dma_start3A_48] : memref<128x128xf32, #tpu.memory_space<vmem>> -> memref<120x128xf32, #tpu.memory_space<vmem>>
      tpu.enqueue_dma source(%dma_start3A_49 : memref<120x128xf32, #tpu.memory_space<vmem>>) target(%dma_start3A_46 : memref<120x128xf32, #tpu.memory_space<vmem_shared>>) target_semaphore(%run_scoped3A : memref<!tpu.dma_semaphore, #tpu.memory_space<semaphore_mem>>)
      %dma_wait3A = arith.constant 0 : i32
      %dma_wait3A_50 = arith.constant 0 : i32
      %dma_wait3A_51 = tpu.memref_slice %arg9[%dma_wait3A, %dma_wait3A_50] : memref<128x128xf32, #tpu.memory_space<vmem>> -> memref<120x128xf32, #tpu.memory_space<vmem>>
      %dma_wait3A_52 = arith.constant 0 : i32
      %dma_wait3A_53 = tpu.memref_slice %arg11[%add3A_12, %dma_wait3A_52] : memref<10112x128xf32, #tpu.memory_space<vmem_shared>> -> memref<120x128xf32, #tpu.memory_space<vmem_shared>>
      %dma_wait3A_54 = arith.constant 0 : i32
      %dma_wait3A_55 = tpu.memref_slice %arg11[%add3A_12, %dma_wait3A_54] : memref<10112x128xf32, #tpu.memory_space<vmem_shared>> -> memref<120x128xf32, #tpu.memory_space<vmem_shared>>
      %dma_wait3A_56 = arith.constant 0 : i32
      %dma_wait3A_57 = arith.constant 0 : i32
      %dma_wait3A_58 = tpu.memref_slice %arg9[%dma_wait3A_56, %dma_wait3A_57] : memref<128x128xf32, #tpu.memory_space<vmem>> -> memref<120x128xf32, #tpu.memory_space<vmem>>
      tpu.wait_dma2 semaphore(%run_scoped3A : memref<!tpu.dma_semaphore, #tpu.memory_space<semaphore_mem>>) src(%dma_wait3A_58 : memref<120x128xf32, #tpu.memory_space<vmem>>) dst(%dma_wait3A_55 : memref<120x128xf32, #tpu.memory_space<vmem_shared>>)
      tpu.yield
    }) : () -> ()
    %mul3A_13 = arith.constant 80 : i32
    %mul3A_14 = arith.muli %add3A, %mul3A_13 : i32
    %barrier3A = arith.constant 0 : index
    tpu.barrier barrier_id(%barrier3A)
    %scan3A = arith.constant 0 : i32
    %scan3A_15 = arith.constant 0 : i32
    %scan3A_16 = arith.constant 2 : i32
    %scan3A_17 = arith.addi %scan3A_15, %scan3A_16 : i32
    %scan3A_18 = arith.constant 1 : i32
    scf.for %scan3A_41 = %scan3A_15 to %scan3A_17 step %scan3A_18  : i32 {
      %mul3A_42 = arith.constant 40 : i32
      %mul3A_43 = arith.muli %scan3A_41, %mul3A_42 : i32
      %add3A_44 = arith.addi %mul3A_14, %mul3A_43 : i32
      "tpu.region"() ({
        %run_scoped3A = tpu.sem_alloc : memref<!tpu.dma_semaphore, #tpu.memory_space<semaphore_mem>>
        %dma_start3A = arith.constant 0 : i32
        %dma_start3A_51 = tpu.memref_slice %arg3[%add3A_44, %dma_start3A] : memref<2560x128xi32, #tpu.memory_space<hbm>> -> memref<40x128xi32, #tpu.memory_space<hbm>>
        %dma_start3A_52 = arith.constant 0 : i32
        %dma_start3A_53 = tpu.memref_slice %arg3[%add3A_44, %dma_start3A_52] : memref<2560x128xi32, #tpu.memory_space<hbm>> -> memref<40x128xi32, #tpu.memory_space<hbm>>
        tpu.enqueue_dma source(%dma_start3A_53 : memref<40x128xi32, #tpu.memory_space<hbm>>) target(%arg7 : memref<40x128xi32, #tpu.memory_space<vmem>>) target_semaphore(%run_scoped3A : memref<!tpu.dma_semaphore, #tpu.memory_space<semaphore_mem>>)
        %dma_wait3A = arith.constant 0 : i32
        %dma_wait3A_54 = tpu.memref_slice %arg3[%add3A_44, %dma_wait3A] : memref<2560x128xi32, #tpu.memory_space<hbm>> -> memref<40x128xi32, #tpu.memory_space<hbm>>
        %dma_wait3A_55 = arith.constant 0 : i32
        %dma_wait3A_56 = tpu.memref_slice %arg3[%add3A_44, %dma_wait3A_55] : memref<2560x128xi32, #tpu.memory_space<hbm>> -> memref<40x128xi32, #tpu.memory_space<hbm>>
        tpu.wait_dma2 semaphore(%run_scoped3A : memref<!tpu.dma_semaphore, #tpu.memory_space<semaphore_mem>>) src(%dma_wait3A_56 : memref<40x128xi32, #tpu.memory_space<hbm>>) dst(%arg7 : memref<40x128xi32, #tpu.memory_space<vmem>>)
        tpu.yield
      }) : () -> ()
      "tpu.region"() ({
        %run_scoped3A = tpu.sem_alloc : memref<!tpu.dma_semaphore, #tpu.memory_space<semaphore_mem>>
        %dma_start3A = arith.constant 0 : i32
        %dma_start3A_51 = tpu.memref_slice %arg4[%add3A_44, %dma_start3A] : memref<2560x128xi32, #tpu.memory_space<hbm>> -> memref<40x128xi32, #tpu.memory_space<hbm>>
        %dma_start3A_52 = arith.constant 0 : i32
        %dma_start3A_53 = tpu.memref_slice %arg4[%add3A_44, %dma_start3A_52] : memref<2560x128xi32, #tpu.memory_space<hbm>> -> memref<40x128xi32, #tpu.memory_space<hbm>>
        tpu.enqueue_dma source(%dma_start3A_53 : memref<40x128xi32, #tpu.memory_space<hbm>>) target(%arg8 : memref<40x128xi32, #tpu.memory_space<vmem>>) target_semaphore(%run_scoped3A : memref<!tpu.dma_semaphore, #tpu.memory_space<semaphore_mem>>)
        %dma_wait3A = arith.constant 0 : i32
        %dma_wait3A_54 = tpu.memref_slice %arg4[%add3A_44, %dma_wait3A] : memref<2560x128xi32, #tpu.memory_space<hbm>> -> memref<40x128xi32, #tpu.memory_space<hbm>>
        %dma_wait3A_55 = arith.constant 0 : i32
        %dma_wait3A_56 = tpu.memref_slice %arg4[%add3A_44, %dma_wait3A_55] : memref<2560x128xi32, #tpu.memory_space<hbm>> -> memref<40x128xi32, #tpu.memory_space<hbm>>
        tpu.wait_dma2 semaphore(%run_scoped3A : memref<!tpu.dma_semaphore, #tpu.memory_space<semaphore_mem>>) src(%dma_wait3A_56 : memref<40x128xi32, #tpu.memory_space<hbm>>) dst(%arg8 : memref<40x128xi32, #tpu.memory_space<vmem>>)
        tpu.yield
      }) : () -> ()
      %scan3A_45 = arith.constant 0 : i32
      %scan3A_46 = arith.constant 0 : i32
      %scan3A_47 = arith.constant 40 : i32
      %scan3A_48 = arith.addi %scan3A_46, %scan3A_47 : i32
      %scan3A_49 = arith.constant 1 : i32
      scf.for %scan3A_51 = %scan3A_46 to %scan3A_48 step %scan3A_49  : i32 {
        %dma_start3A = arith.constant 0 : i32
        %dma_start3A_52 = tpu.memref_slice %arg7[%scan3A_51, %dma_start3A] : memref<40x128xi32, #tpu.memory_space<vmem>> -> memref<1x128xi32, #tpu.memory_space<vmem>>
        %dma_start3A_53 = tpu.memref_squeeze %dma_start3A_52 : memref<1x128xi32, #tpu.memory_space<vmem>> -> memref<128xi32, #tpu.memory_space<vmem>>
        %dma_start3A_54 = arith.constant 0 : i32
        %dma_start3A_55 = arith.constant 0 : i32
        %dma_start3A_56 = tpu.memref_slice %arg2[%dma_start3A_54, %dma_start3A_55] : memref<10000x128xf32, #tpu.memory_space<hbm>> -> memref<10000x128xf32, #tpu.memory_space<hbm>>
        tpu.enqueue_indirect_dma source(%dma_start3A_56 : memref<10000x128xf32, #tpu.memory_space<hbm>>) target(%arg9 : memref<128x128xf32, #tpu.memory_space<vmem>>) offsets(%dma_start3A_53 : memref<128xi32, #tpu.memory_space<vmem>>) semaphore(%arg12 : memref<!tpu.dma_semaphore, #tpu.memory_space<semaphore_mem>>)
        %dma_wait3A = arith.constant 0 : i32
        %dma_wait3A_57 = tpu.memref_slice %arg7[%scan3A_51, %dma_wait3A] : memref<40x128xi32, #tpu.memory_space<vmem>> -> memref<1x128xi32, #tpu.memory_space<vmem>>
        %dma_wait3A_58 = tpu.memref_squeeze %dma_wait3A_57 : memref<1x128xi32, #tpu.memory_space<vmem>> -> memref<128xi32, #tpu.memory_space<vmem>>
        %dma_wait3A_59 = arith.constant 0 : i32
        %dma_wait3A_60 = arith.constant 0 : i32
        %dma_wait3A_61 = tpu.memref_slice %arg2[%dma_wait3A_59, %dma_wait3A_60] : memref<10000x128xf32, #tpu.memory_space<hbm>> -> memref<10000x128xf32, #tpu.memory_space<hbm>>
        tpu.wait_indirect_dma semaphore(%arg12 : memref<!tpu.dma_semaphore, #tpu.memory_space<semaphore_mem>>) src(%dma_wait3A_61 : memref<10000x128xf32, #tpu.memory_space<hbm>>) dst(%arg9 : memref<128x128xf32, #tpu.memory_space<vmem>>)
        "tpu.region"() ({
          %run_scoped3A = tpu.sem_alloc : memref<!tpu.dma_semaphore, #tpu.memory_space<semaphore_mem>>
          %dma_start3A_62 = arith.constant 0 : i32
          %dma_start3A_63 = tpu.memref_slice %arg8[%scan3A_51, %dma_start3A_62] : memref<40x128xi32, #tpu.memory_space<vmem>> -> memref<1x128xi32, #tpu.memory_space<vmem>>
          %dma_start3A_64 = tpu.memref_squeeze %dma_start3A_63 : memref<1x128xi32, #tpu.memory_space<vmem>> -> memref<128xi32, #tpu.memory_space<vmem>>
          %dma_start3A_65 = arith.constant 0 : i32
          %dma_start3A_66 = arith.constant 0 : i32
          %dma_start3A_67 = tpu.memref_slice %arg11[%dma_start3A_65, %dma_start3A_66] : memref<10112x128xf32, #tpu.memory_space<vmem_shared>> -> memref<10112x128xf32, #tpu.memory_space<vmem_shared>>
          tpu.enqueue_indirect_dma source(%arg9 : memref<128x128xf32, #tpu.memory_space<vmem>>) target(%dma_start3A_67 : memref<10112x128xf32, #tpu.memory_space<vmem_shared>>) offsets(%dma_start3A_64 : memref<128xi32, #tpu.memory_space<vmem>>) semaphore(%run_scoped3A : memref<!tpu.dma_semaphore, #tpu.memory_space<semaphore_mem>>) {add = true}
          %dma_wait3A_68 = arith.constant 0 : i32
          %dma_wait3A_69 = tpu.memref_slice %arg8[%scan3A_51, %dma_wait3A_68] : memref<40x128xi32, #tpu.memory_space<vmem>> -> memref<1x128xi32, #tpu.memory_space<vmem>>
          %dma_wait3A_70 = tpu.memref_squeeze %dma_wait3A_69 : memref<1x128xi32, #tpu.memory_space<vmem>> -> memref<128xi32, #tpu.memory_space<vmem>>
          %dma_wait3A_71 = arith.constant 0 : i32
          %dma_wait3A_72 = arith.constant 0 : i32
          %dma_wait3A_73 = tpu.memref_slice %arg11[%dma_wait3A_71, %dma_wait3A_72] : memref<10112x128xf32, #tpu.memory_space<vmem_shared>> -> memref<10112x128xf32, #tpu.memory_space<vmem_shared>>
          tpu.wait_indirect_dma semaphore(%run_scoped3A : memref<!tpu.dma_semaphore, #tpu.memory_space<semaphore_mem>>) src(%arg9 : memref<128x128xf32, #tpu.memory_space<vmem>>) dst(%dma_wait3A_73 : memref<10112x128xf32, #tpu.memory_space<vmem_shared>>)
          tpu.yield
        }) : () -> ()
      }
      %scan3A_50 = arith.constant 40 : i32
    }
    %scan3A_19 = arith.constant 2 : i32
    %barrier3A_20 = arith.constant 0 : index
    tpu.barrier barrier_id(%barrier3A_20)
    %add3A_21 = arith.constant 0 : i32
    %add3A_22 = arith.addi %mul3A_2, %add3A_21 : i32
    "tpu.region"() ({
      %run_scoped3A = tpu.sem_alloc : memref<!tpu.dma_semaphore, #tpu.memory_space<semaphore_mem>>
      %dma_start3A = arith.constant 0 : i32
      %dma_start3A_41 = arith.constant 0 : i32
      %dma_start3A_42 = tpu.memref_slice %arg9[%dma_start3A, %dma_start3A_41] : memref<128x128xf32, #tpu.memory_space<vmem>> -> memref<128x128xf32, #tpu.memory_space<vmem>>
      %dma_start3A_43 = arith.constant 0 : i32
      %dma_start3A_44 = tpu.memref_slice %arg11[%add3A_22, %dma_start3A_43] : memref<10112x128xf32, #tpu.memory_space<vmem_shared>> -> memref<128x128xf32, #tpu.memory_space<vmem_shared>>
      %dma_start3A_45 = arith.constant 0 : i32
      %dma_start3A_46 = arith.constant 0 : i32
      %dma_start3A_47 = tpu.memref_slice %arg9[%dma_start3A_45, %dma_start3A_46] : memref<128x128xf32, #tpu.memory_space<vmem>> -> memref<128x128xf32, #tpu.memory_space<vmem>>
      %dma_start3A_48 = arith.constant 0 : i32
      %dma_start3A_49 = tpu.memref_slice %arg11[%add3A_22, %dma_start3A_48] : memref<10112x128xf32, #tpu.memory_space<vmem_shared>> -> memref<128x128xf32, #tpu.memory_space<vmem_shared>>
      tpu.enqueue_dma source(%dma_start3A_49 : memref<128x128xf32, #tpu.memory_space<vmem_shared>>) target(%dma_start3A_47 : memref<128x128xf32, #tpu.memory_space<vmem>>) target_semaphore(%run_scoped3A : memref<!tpu.dma_semaphore, #tpu.memory_space<semaphore_mem>>)
      %dma_wait3A = arith.constant 0 : i32
      %dma_wait3A_50 = arith.constant 0 : i32
      %dma_wait3A_51 = tpu.memref_slice %arg9[%dma_wait3A, %dma_wait3A_50] : memref<128x128xf32, #tpu.memory_space<vmem>> -> memref<128x128xf32, #tpu.memory_space<vmem>>
      %dma_wait3A_52 = arith.constant 0 : i32
      %dma_wait3A_53 = tpu.memref_slice %arg11[%add3A_22, %dma_wait3A_52] : memref<10112x128xf32, #tpu.memory_space<vmem_shared>> -> memref<128x128xf32, #tpu.memory_space<vmem_shared>>
      %dma_wait3A_54 = arith.constant 0 : i32
      %dma_wait3A_55 = arith.constant 0 : i32
      %dma_wait3A_56 = tpu.memref_slice %arg9[%dma_wait3A_54, %dma_wait3A_55] : memref<128x128xf32, #tpu.memory_space<vmem>> -> memref<128x128xf32, #tpu.memory_space<vmem>>
      %dma_wait3A_57 = arith.constant 0 : i32
      %dma_wait3A_58 = tpu.memref_slice %arg11[%add3A_22, %dma_wait3A_57] : memref<10112x128xf32, #tpu.memory_space<vmem_shared>> -> memref<128x128xf32, #tpu.memory_space<vmem_shared>>
      tpu.wait_dma2 semaphore(%run_scoped3A : memref<!tpu.dma_semaphore, #tpu.memory_space<semaphore_mem>>) src(%dma_wait3A_58 : memref<128x128xf32, #tpu.memory_space<vmem_shared>>) dst(%dma_wait3A_56 : memref<128x128xf32, #tpu.memory_space<vmem>>)
      tpu.yield
    }) : () -> ()
    %add3A_23 = arith.constant 0 : i32
    %add3A_24 = arith.addi %mul3A_2, %add3A_23 : i32
    "tpu.region"() ({
      %run_scoped3A = tpu.sem_alloc : memref<!tpu.dma_semaphore, #tpu.memory_space<semaphore_mem>>
      %dma_start3A = arith.constant 0 : i32
      %dma_start3A_41 = arith.constant 0 : i32
      %dma_start3A_42 = tpu.memref_slice %arg9[%dma_start3A, %dma_start3A_41] : memref<128x128xf32, #tpu.memory_space<vmem>> -> memref<128x128xf32, #tpu.memory_space<vmem>>
      %dma_start3A_43 = arith.constant 0 : i32
      %dma_start3A_44 = tpu.memref_slice %arg6[%arg0, %add3A_24, %dma_start3A_43] : memref<2x10112x128xf32, #tpu.memory_space<hbm>> -> memref<1x128x128xf32, #tpu.memory_space<hbm>>
      %dma_start3A_45 = tpu.memref_squeeze %dma_start3A_44 : memref<1x128x128xf32, #tpu.memory_space<hbm>> -> memref<128x128xf32, #tpu.memory_space<hbm>>
      %dma_start3A_46 = arith.constant 0 : i32
      %dma_start3A_47 = tpu.memref_slice %arg6[%arg0, %add3A_24, %dma_start3A_46] : memref<2x10112x128xf32, #tpu.memory_space<hbm>> -> memref<1x128x128xf32, #tpu.memory_space<hbm>>
      %dma_start3A_48 = tpu.memref_squeeze %dma_start3A_47 : memref<1x128x128xf32, #tpu.memory_space<hbm>> -> memref<128x128xf32, #tpu.memory_space<hbm>>
      %dma_start3A_49 = arith.constant 0 : i32
      %dma_start3A_50 = arith.constant 0 : i32
      %dma_start3A_51 = tpu.memref_slice %arg9[%dma_start3A_49, %dma_start3A_50] : memref<128x128xf32, #tpu.memory_space<vmem>> -> memref<128x128xf32, #tpu.memory_space<vmem>>
      tpu.enqueue_dma source(%dma_start3A_51 : memref<128x128xf32, #tpu.memory_space<vmem>>) target(%dma_start3A_48 : memref<128x128xf32, #tpu.memory_space<hbm>>) target_semaphore(%run_scoped3A : memref<!tpu.dma_semaphore, #tpu.memory_space<semaphore_mem>>)
      %dma_wait3A = arith.constant 0 : i32
      %dma_wait3A_52 = arith.constant 0 : i32
      %dma_wait3A_53 = tpu.memref_slice %arg9[%dma_wait3A, %dma_wait3A_52] : memref<128x128xf32, #tpu.memory_space<vmem>> -> memref<128x128xf32, #tpu.memory_space<vmem>>
      %dma_wait3A_54 = arith.constant 0 : i32
      %dma_wait3A_55 = tpu.memref_slice %arg6[%arg0, %add3A_24, %dma_wait3A_54] : memref<2x10112x128xf32, #tpu.memory_space<hbm>> -> memref<1x128x128xf32, #tpu.memory_space<hbm>>
      %dma_wait3A_56 = tpu.memref_squeeze %dma_wait3A_55 : memref<1x128x128xf32, #tpu.memory_space<hbm>> -> memref<128x128xf32, #tpu.memory_space<hbm>>
      %dma_wait3A_57 = arith.constant 0 : i32
      %dma_wait3A_58 = tpu.memref_slice %arg6[%arg0, %add3A_24, %dma_wait3A_57] : memref<2x10112x128xf32, #tpu.memory_space<hbm>> -> memref<1x128x128xf32, #tpu.memory_space<hbm>>
      %dma_wait3A_59 = tpu.memref_squeeze %dma_wait3A_58 : memref<1x128x128xf32, #tpu.memory_space<hbm>> -> memref<128x128xf32, #tpu.memory_space<hbm>>
      %dma_wait3A_60 = arith.constant 0 : i32
      %dma_wait3A_61 = arith.constant 0 : i32
      %dma_wait3A_62 = tpu.memref_slice %arg9[%dma_wait3A_60, %dma_wait3A_61] : memref<128x128xf32, #tpu.memory_space<vmem>> -> memref<128x128xf32, #tpu.memory_space<vmem>>
      tpu.wait_dma2 semaphore(%run_scoped3A : memref<!tpu.dma_semaphore, #tpu.memory_space<semaphore_mem>>) src(%dma_wait3A_62 : memref<128x128xf32, #tpu.memory_space<vmem>>) dst(%dma_wait3A_59 : memref<128x128xf32, #tpu.memory_space<hbm>>)
      tpu.yield
    }) : () -> ()
    %add3A_25 = arith.constant 128 : i32
    %add3A_26 = arith.addi %mul3A_2, %add3A_25 : i32
    "tpu.region"() ({
      %run_scoped3A = tpu.sem_alloc : memref<!tpu.dma_semaphore, #tpu.memory_space<semaphore_mem>>
      %dma_start3A = arith.constant 0 : i32
      %dma_start3A_41 = arith.constant 0 : i32
      %dma_start3A_42 = tpu.memref_slice %arg9[%dma_start3A, %dma_start3A_41] : memref<128x128xf32, #tpu.memory_space<vmem>> -> memref<128x128xf32, #tpu.memory_space<vmem>>
      %dma_start3A_43 = arith.constant 0 : i32
      %dma_start3A_44 = tpu.memref_slice %arg11[%add3A_26, %dma_start3A_43] : memref<10112x128xf32, #tpu.memory_space<vmem_shared>> -> memref<128x128xf32, #tpu.memory_space<vmem_shared>>
      %dma_start3A_45 = arith.constant 0 : i32
      %dma_start3A_46 = arith.constant 0 : i32
      %dma_start3A_47 = tpu.memref_slice %arg9[%dma_start3A_45, %dma_start3A_46] : memref<128x128xf32, #tpu.memory_space<vmem>> -> memref<128x128xf32, #tpu.memory_space<vmem>>
      %dma_start3A_48 = arith.constant 0 : i32
      %dma_start3A_49 = tpu.memref_slice %arg11[%add3A_26, %dma_start3A_48] : memref<10112x128xf32, #tpu.memory_space<vmem_shared>> -> memref<128x128xf32, #tpu.memory_space<vmem_shared>>
      tpu.enqueue_dma source(%dma_start3A_49 : memref<128x128xf32, #tpu.memory_space<vmem_shared>>) target(%dma_start3A_47 : memref<128x128xf32, #tpu.memory_space<vmem>>) target_semaphore(%run_scoped3A : memref<!tpu.dma_semaphore, #tpu.memory_space<semaphore_mem>>)
      %dma_wait3A = arith.constant 0 : i32
      %dma_wait3A_50 = arith.constant 0 : i32
      %dma_wait3A_51 = tpu.memref_slice %arg9[%dma_wait3A, %dma_wait3A_50] : memref<128x128xf32, #tpu.memory_space<vmem>> -> memref<128x128xf32, #tpu.memory_space<vmem>>
      %dma_wait3A_52 = arith.constant 0 : i32
      %dma_wait3A_53 = tpu.memref_slice %arg11[%add3A_26, %dma_wait3A_52] : memref<10112x128xf32, #tpu.memory_space<vmem_shared>> -> memref<128x128xf32, #tpu.memory_space<vmem_shared>>
      %dma_wait3A_54 = arith.constant 0 : i32
      %dma_wait3A_55 = arith.constant 0 : i32
      %dma_wait3A_56 = tpu.memref_slice %arg9[%dma_wait3A_54, %dma_wait3A_55] : memref<128x128xf32, #tpu.memory_space<vmem>> -> memref<128x128xf32, #tpu.memory_space<vmem>>
      %dma_wait3A_57 = arith.constant 0 : i32
      %dma_wait3A_58 = tpu.memref_slice %arg11[%add3A_26, %dma_wait3A_57] : memref<10112x128xf32, #tpu.memory_space<vmem_shared>> -> memref<128x128xf32, #tpu.memory_space<vmem_shared>>
      tpu.wait_dma2 semaphore(%run_scoped3A : memref<!tpu.dma_semaphore, #tpu.memory_space<semaphore_mem>>) src(%dma_wait3A_58 : memref<128x128xf32, #tpu.memory_space<vmem_shared>>) dst(%dma_wait3A_56 : memref<128x128xf32, #tpu.memory_space<vmem>>)
      tpu.yield
    }) : () -> ()
    %add3A_27 = arith.constant 128 : i32
    %add3A_28 = arith.addi %mul3A_2, %add3A_27 : i32
    "tpu.region"() ({
      %run_scoped3A = tpu.sem_alloc : memref<!tpu.dma_semaphore, #tpu.memory_space<semaphore_mem>>
      %dma_start3A = arith.constant 0 : i32
      %dma_start3A_41 = arith.constant 0 : i32
      %dma_start3A_42 = tpu.memref_slice %arg9[%dma_start3A, %dma_start3A_41] : memref<128x128xf32, #tpu.memory_space<vmem>> -> memref<128x128xf32, #tpu.memory_space<vmem>>
      %dma_start3A_43 = arith.constant 0 : i32
      %dma_start3A_44 = tpu.memref_slice %arg6[%arg0, %add3A_28, %dma_start3A_43] : memref<2x10112x128xf32, #tpu.memory_space<hbm>> -> memref<1x128x128xf32, #tpu.memory_space<hbm>>
      %dma_start3A_45 = tpu.memref_squeeze %dma_start3A_44 : memref<1x128x128xf32, #tpu.memory_space<hbm>> -> memref<128x128xf32, #tpu.memory_space<hbm>>
      %dma_start3A_46 = arith.constant 0 : i32
      %dma_start3A_47 = tpu.memref_slice %arg6[%arg0, %add3A_28, %dma_start3A_46] : memref<2x10112x128xf32, #tpu.memory_space<hbm>> -> memref<1x128x128xf32, #tpu.memory_space<hbm>>
      %dma_start3A_48 = tpu.memref_squeeze %dma_start3A_47 : memref<1x128x128xf32, #tpu.memory_space<hbm>> -> memref<128x128xf32, #tpu.memory_space<hbm>>
      %dma_start3A_49 = arith.constant 0 : i32
      %dma_start3A_50 = arith.constant 0 : i32
      %dma_start3A_51 = tpu.memref_slice %arg9[%dma_start3A_49, %dma_start3A_50] : memref<128x128xf32, #tpu.memory_space<vmem>> -> memref<128x128xf32, #tpu.memory_space<vmem>>
      tpu.enqueue_dma source(%dma_start3A_51 : memref<128x128xf32, #tpu.memory_space<vmem>>) target(%dma_start3A_48 : memref<128x128xf32, #tpu.memory_space<hbm>>) target_semaphore(%run_scoped3A : memref<!tpu.dma_semaphore, #tpu.memory_space<semaphore_mem>>)
      %dma_wait3A = arith.constant 0 : i32
      %dma_wait3A_52 = arith.constant 0 : i32
      %dma_wait3A_53 = tpu.memref_slice %arg9[%dma_wait3A, %dma_wait3A_52] : memref<128x128xf32, #tpu.memory_space<vmem>> -> memref<128x128xf32, #tpu.memory_space<vmem>>
      %dma_wait3A_54 = arith.constant 0 : i32
      %dma_wait3A_55 = tpu.memref_slice %arg6[%arg0, %add3A_28, %dma_wait3A_54] : memref<2x10112x128xf32, #tpu.memory_space<hbm>> -> memref<1x128x128xf32, #tpu.memory_space<hbm>>
      %dma_wait3A_56 = tpu.memref_squeeze %dma_wait3A_55 : memref<1x128x128xf32, #tpu.memory_space<hbm>> -> memref<128x128xf32, #tpu.memory_space<hbm>>
      %dma_wait3A_57 = arith.constant 0 : i32
      %dma_wait3A_58 = tpu.memref_slice %arg6[%arg0, %add3A_28, %dma_wait3A_57] : memref<2x10112x128xf32, #tpu.memory_space<hbm>> -> memref<1x128x128xf32, #tpu.memory_space<hbm>>
      %dma_wait3A_59 = tpu.memref_squeeze %dma_wait3A_58 : memref<1x128x128xf32, #tpu.memory_space<hbm>> -> memref<128x128xf32, #tpu.memory_space<hbm>>
      %dma_wait3A_60 = arith.constant 0 : i32
      %dma_wait3A_61 = arith.constant 0 : i32
      %dma_wait3A_62 = tpu.memref_slice %arg9[%dma_wait3A_60, %dma_wait3A_61] : memref<128x128xf32, #tpu.memory_space<vmem>> -> memref<128x128xf32, #tpu.memory_space<vmem>>
      tpu.wait_dma2 semaphore(%run_scoped3A : memref<!tpu.dma_semaphore, #tpu.memory_space<semaphore_mem>>) src(%dma_wait3A_62 : memref<128x128xf32, #tpu.memory_space<vmem>>) dst(%dma_wait3A_59 : memref<128x128xf32, #tpu.memory_space<hbm>>)
      tpu.yield
    }) : () -> ()
    %add3A_29 = arith.constant 256 : i32
    %add3A_30 = arith.addi %mul3A_2, %add3A_29 : i32
    "tpu.region"() ({
      %run_scoped3A = tpu.sem_alloc : memref<!tpu.dma_semaphore, #tpu.memory_space<semaphore_mem>>
      %dma_start3A = arith.constant 0 : i32
      %dma_start3A_41 = arith.constant 0 : i32
      %dma_start3A_42 = tpu.memref_slice %arg9[%dma_start3A, %dma_start3A_41] : memref<128x128xf32, #tpu.memory_space<vmem>> -> memref<128x128xf32, #tpu.memory_space<vmem>>
      %dma_start3A_43 = arith.constant 0 : i32
      %dma_start3A_44 = tpu.memref_slice %arg11[%add3A_30, %dma_start3A_43] : memref<10112x128xf32, #tpu.memory_space<vmem_shared>> -> memref<128x128xf32, #tpu.memory_space<vmem_shared>>
      %dma_start3A_45 = arith.constant 0 : i32
      %dma_start3A_46 = arith.constant 0 : i32
      %dma_start3A_47 = tpu.memref_slice %arg9[%dma_start3A_45, %dma_start3A_46] : memref<128x128xf32, #tpu.memory_space<vmem>> -> memref<128x128xf32, #tpu.memory_space<vmem>>
      %dma_start3A_48 = arith.constant 0 : i32
      %dma_start3A_49 = tpu.memref_slice %arg11[%add3A_30, %dma_start3A_48] : memref<10112x128xf32, #tpu.memory_space<vmem_shared>> -> memref<128x128xf32, #tpu.memory_space<vmem_shared>>
      tpu.enqueue_dma source(%dma_start3A_49 : memref<128x128xf32, #tpu.memory_space<vmem_shared>>) target(%dma_start3A_47 : memref<128x128xf32, #tpu.memory_space<vmem>>) target_semaphore(%run_scoped3A : memref<!tpu.dma_semaphore, #tpu.memory_space<semaphore_mem>>)
      %dma_wait3A = arith.constant 0 : i32
      %dma_wait3A_50 = arith.constant 0 : i32
      %dma_wait3A_51 = tpu.memref_slice %arg9[%dma_wait3A, %dma_wait3A_50] : memref<128x128xf32, #tpu.memory_space<vmem>> -> memref<128x128xf32, #tpu.memory_space<vmem>>
      %dma_wait3A_52 = arith.constant 0 : i32
      %dma_wait3A_53 = tpu.memref_slice %arg11[%add3A_30, %dma_wait3A_52] : memref<10112x128xf32, #tpu.memory_space<vmem_shared>> -> memref<128x128xf32, #tpu.memory_space<vmem_shared>>
      %dma_wait3A_54 = arith.constant 0 : i32
      %dma_wait3A_55 = arith.constant 0 : i32
      %dma_wait3A_56 = tpu.memref_slice %arg9[%dma_wait3A_54, %dma_wait3A_55] : memref<128x128xf32, #tpu.memory_space<vmem>> -> memref<128x128xf32, #tpu.memory_space<vmem>>
      %dma_wait3A_57 = arith.constant 0 : i32
      %dma_wait3A_58 = tpu.memref_slice %arg11[%add3A_30, %dma_wait3A_57] : memref<10112x128xf32, #tpu.memory_space<vmem_shared>> -> memref<128x128xf32, #tpu.memory_space<vmem_shared>>
      tpu.wait_dma2 semaphore(%run_scoped3A : memref<!tpu.dma_semaphore, #tpu.memory_space<semaphore_mem>>) src(%dma_wait3A_58 : memref<128x128xf32, #tpu.memory_space<vmem_shared>>) dst(%dma_wait3A_56 : memref<128x128xf32, #tpu.memory_space<vmem>>)
      tpu.yield
    }) : () -> ()
    %add3A_31 = arith.constant 256 : i32
    %add3A_32 = arith.addi %mul3A_2, %add3A_31 : i32
    "tpu.region"() ({
      %run_scoped3A = tpu.sem_alloc : memref<!tpu.dma_semaphore, #tpu.memory_space<semaphore_mem>>
      %dma_start3A = arith.constant 0 : i32
      %dma_start3A_41 = arith.constant 0 : i32
      %dma_start3A_42 = tpu.memref_slice %arg9[%dma_start3A, %dma_start3A_41] : memref<128x128xf32, #tpu.memory_space<vmem>> -> memref<128x128xf32, #tpu.memory_space<vmem>>
      %dma_start3A_43 = arith.constant 0 : i32
      %dma_start3A_44 = tpu.memref_slice %arg6[%arg0, %add3A_32, %dma_start3A_43] : memref<2x10112x128xf32, #tpu.memory_space<hbm>> -> memref<1x128x128xf32, #tpu.memory_space<hbm>>
      %dma_start3A_45 = tpu.memref_squeeze %dma_start3A_44 : memref<1x128x128xf32, #tpu.memory_space<hbm>> -> memref<128x128xf32, #tpu.memory_space<hbm>>
      %dma_start3A_46 = arith.constant 0 : i32
      %dma_start3A_47 = tpu.memref_slice %arg6[%arg0, %add3A_32, %dma_start3A_46] : memref<2x10112x128xf32, #tpu.memory_space<hbm>> -> memref<1x128x128xf32, #tpu.memory_space<hbm>>
      %dma_start3A_48 = tpu.memref_squeeze %dma_start3A_47 : memref<1x128x128xf32, #tpu.memory_space<hbm>> -> memref<128x128xf32, #tpu.memory_space<hbm>>
      %dma_start3A_49 = arith.constant 0 : i32
      %dma_start3A_50 = arith.constant 0 : i32
      %dma_start3A_51 = tpu.memref_slice %arg9[%dma_start3A_49, %dma_start3A_50] : memref<128x128xf32, #tpu.memory_space<vmem>> -> memref<128x128xf32, #tpu.memory_space<vmem>>
      tpu.enqueue_dma source(%dma_start3A_51 : memref<128x128xf32, #tpu.memory_space<vmem>>) target(%dma_start3A_48 : memref<128x128xf32, #tpu.memory_space<hbm>>) target_semaphore(%run_scoped3A : memref<!tpu.dma_semaphore, #tpu.memory_space<semaphore_mem>>)
      %dma_wait3A = arith.constant 0 : i32
      %dma_wait3A_52 = arith.constant 0 : i32
      %dma_wait3A_53 = tpu.memref_slice %arg9[%dma_wait3A, %dma_wait3A_52] : memref<128x128xf32, #tpu.memory_space<vmem>> -> memref<128x128xf32, #tpu.memory_space<vmem>>
      %dma_wait3A_54 = arith.constant 0 : i32
      %dma_wait3A_55 = tpu.memref_slice %arg6[%arg0, %add3A_32, %dma_wait3A_54] : memref<2x10112x128xf32, #tpu.memory_space<hbm>> -> memref<1x128x128xf32, #tpu.memory_space<hbm>>
      %dma_wait3A_56 = tpu.memref_squeeze %dma_wait3A_55 : memref<1x128x128xf32, #tpu.memory_space<hbm>> -> memref<128x128xf32, #tpu.memory_space<hbm>>
      %dma_wait3A_57 = arith.constant 0 : i32
      %dma_wait3A_58 = tpu.memref_slice %arg6[%arg0, %add3A_32, %dma_wait3A_57] : memref<2x10112x128xf32, #tpu.memory_space<hbm>> -> memref<1x128x128xf32, #tpu.memory_space<hbm>>
      %dma_wait3A_59 = tpu.memref_squeeze %dma_wait3A_58 : memref<1x128x128xf32, #tpu.memory_space<hbm>> -> memref<128x128xf32, #tpu.memory_space<hbm>>
      %dma_wait3A_60 = arith.constant 0 : i32
      %dma_wait3A_61 = arith.constant 0 : i32
      %dma_wait3A_62 = tpu.memref_slice %arg9[%dma_wait3A_60, %dma_wait3A_61] : memref<128x128xf32, #tpu.memory_space<vmem>> -> memref<128x128xf32, #tpu.memory_space<vmem>>
      tpu.wait_dma2 semaphore(%run_scoped3A : memref<!tpu.dma_semaphore, #tpu.memory_space<semaphore_mem>>) src(%dma_wait3A_62 : memref<128x128xf32, #tpu.memory_space<vmem>>) dst(%dma_wait3A_59 : memref<128x128xf32, #tpu.memory_space<hbm>>)
      tpu.yield
    }) : () -> ()
    %add3A_33 = arith.constant 384 : i32
    %add3A_34 = arith.addi %mul3A_2, %add3A_33 : i32
    "tpu.region"() ({
      %run_scoped3A = tpu.sem_alloc : memref<!tpu.dma_semaphore, #tpu.memory_space<semaphore_mem>>
      %dma_start3A = arith.constant 0 : i32
      %dma_start3A_41 = arith.constant 0 : i32
      %dma_start3A_42 = tpu.memref_slice %arg9[%dma_start3A, %dma_start3A_41] : memref<128x128xf32, #tpu.memory_space<vmem>> -> memref<128x128xf32, #tpu.memory_space<vmem>>
      %dma_start3A_43 = arith.constant 0 : i32
      %dma_start3A_44 = tpu.memref_slice %arg11[%add3A_34, %dma_start3A_43] : memref<10112x128xf32, #tpu.memory_space<vmem_shared>> -> memref<128x128xf32, #tpu.memory_space<vmem_shared>>
      %dma_start3A_45 = arith.constant 0 : i32
      %dma_start3A_46 = arith.constant 0 : i32
      %dma_start3A_47 = tpu.memref_slice %arg9[%dma_start3A_45, %dma_start3A_46] : memref<128x128xf32, #tpu.memory_space<vmem>> -> memref<128x128xf32, #tpu.memory_space<vmem>>
      %dma_start3A_48 = arith.constant 0 : i32
      %dma_start3A_49 = tpu.memref_slice %arg11[%add3A_34, %dma_start3A_48] : memref<10112x128xf32, #tpu.memory_space<vmem_shared>> -> memref<128x128xf32, #tpu.memory_space<vmem_shared>>
      tpu.enqueue_dma source(%dma_start3A_49 : memref<128x128xf32, #tpu.memory_space<vmem_shared>>) target(%dma_start3A_47 : memref<128x128xf32, #tpu.memory_space<vmem>>) target_semaphore(%run_scoped3A : memref<!tpu.dma_semaphore, #tpu.memory_space<semaphore_mem>>)
      %dma_wait3A = arith.constant 0 : i32
      %dma_wait3A_50 = arith.constant 0 : i32
      %dma_wait3A_51 = tpu.memref_slice %arg9[%dma_wait3A, %dma_wait3A_50] : memref<128x128xf32, #tpu.memory_space<vmem>> -> memref<128x128xf32, #tpu.memory_space<vmem>>
      %dma_wait3A_52 = arith.constant 0 : i32
      %dma_wait3A_53 = tpu.memref_slice %arg11[%add3A_34, %dma_wait3A_52] : memref<10112x128xf32, #tpu.memory_space<vmem_shared>> -> memref<128x128xf32, #tpu.memory_space<vmem_shared>>
      %dma_wait3A_54 = arith.constant 0 : i32
      %dma_wait3A_55 = arith.constant 0 : i32
      %dma_wait3A_56 = tpu.memref_slice %arg9[%dma_wait3A_54, %dma_wait3A_55] : memref<128x128xf32, #tpu.memory_space<vmem>> -> memref<128x128xf32, #tpu.memory_space<vmem>>
      %dma_wait3A_57 = arith.constant 0 : i32
      %dma_wait3A_58 = tpu.memref_slice %arg11[%add3A_34, %dma_wait3A_57] : memref<10112x128xf32, #tpu.memory_space<vmem_shared>> -> memref<128x128xf32, #tpu.memory_space<vmem_shared>>
      tpu.wait_dma2 semaphore(%run_scoped3A : memref<!tpu.dma_semaphore, #tpu.memory_space<semaphore_mem>>) src(%dma_wait3A_58 : memref<128x128xf32, #tpu.memory_space<vmem_shared>>) dst(%dma_wait3A_56 : memref<128x128xf32, #tpu.memory_space<vmem>>)
      tpu.yield
    }) : () -> ()
    %add3A_35 = arith.constant 384 : i32
    %add3A_36 = arith.addi %mul3A_2, %add3A_35 : i32
    "tpu.region"() ({
      %run_scoped3A = tpu.sem_alloc : memref<!tpu.dma_semaphore, #tpu.memory_space<semaphore_mem>>
      %dma_start3A = arith.constant 0 : i32
      %dma_start3A_41 = arith.constant 0 : i32
      %dma_start3A_42 = tpu.memref_slice %arg9[%dma_start3A, %dma_start3A_41] : memref<128x128xf32, #tpu.memory_space<vmem>> -> memref<128x128xf32, #tpu.memory_space<vmem>>
      %dma_start3A_43 = arith.constant 0 : i32
      %dma_start3A_44 = tpu.memref_slice %arg6[%arg0, %add3A_36, %dma_start3A_43] : memref<2x10112x128xf32, #tpu.memory_space<hbm>> -> memref<1x128x128xf32, #tpu.memory_space<hbm>>
      %dma_start3A_45 = tpu.memref_squeeze %dma_start3A_44 : memref<1x128x128xf32, #tpu.memory_space<hbm>> -> memref<128x128xf32, #tpu.memory_space<hbm>>
      %dma_start3A_46 = arith.constant 0 : i32
      %dma_start3A_47 = tpu.memref_slice %arg6[%arg0, %add3A_36, %dma_start3A_46] : memref<2x10112x128xf32, #tpu.memory_space<hbm>> -> memref<1x128x128xf32, #tpu.memory_space<hbm>>
      %dma_start3A_48 = tpu.memref_squeeze %dma_start3A_47 : memref<1x128x128xf32, #tpu.memory_space<hbm>> -> memref<128x128xf32, #tpu.memory_space<hbm>>
      %dma_start3A_49 = arith.constant 0 : i32
      %dma_start3A_50 = arith.constant 0 : i32
      %dma_start3A_51 = tpu.memref_slice %arg9[%dma_start3A_49, %dma_start3A_50] : memref<128x128xf32, #tpu.memory_space<vmem>> -> memref<128x128xf32, #tpu.memory_space<vmem>>
      tpu.enqueue_dma source(%dma_start3A_51 : memref<128x128xf32, #tpu.memory_space<vmem>>) target(%dma_start3A_48 : memref<128x128xf32, #tpu.memory_space<hbm>>) target_semaphore(%run_scoped3A : memref<!tpu.dma_semaphore, #tpu.memory_space<semaphore_mem>>)
      %dma_wait3A = arith.constant 0 : i32
      %dma_wait3A_52 = arith.constant 0 : i32
      %dma_wait3A_53 = tpu.memref_slice %arg9[%dma_wait3A, %dma_wait3A_52] : memref<128x128xf32, #tpu.memory_space<vmem>> -> memref<128x128xf32, #tpu.memory_space<vmem>>
      %dma_wait3A_54 = arith.constant 0 : i32
      %dma_wait3A_55 = tpu.memref_slice %arg6[%arg0, %add3A_36, %dma_wait3A_54] : memref<2x10112x128xf32, #tpu.memory_space<hbm>> -> memref<1x128x128xf32, #tpu.memory_space<hbm>>
      %dma_wait3A_56 = tpu.memref_squeeze %dma_wait3A_55 : memref<1x128x128xf32, #tpu.memory_space<hbm>> -> memref<128x128xf32, #tpu.memory_space<hbm>>
      %dma_wait3A_57 = arith.constant 0 : i32
      %dma_wait3A_58 = tpu.memref_slice %arg6[%arg0, %add3A_36, %dma_wait3A_57] : memref<2x10112x128xf32, #tpu.memory_space<hbm>> -> memref<1x128x128xf32, #tpu.memory_space<hbm>>
      %dma_wait3A_59 = tpu.memref_squeeze %dma_wait3A_58 : memref<1x128x128xf32, #tpu.memory_space<hbm>> -> memref<128x128xf32, #tpu.memory_space<hbm>>
      %dma_wait3A_60 = arith.constant 0 : i32
      %dma_wait3A_61 = arith.constant 0 : i32
      %dma_wait3A_62 = tpu.memref_slice %arg9[%dma_wait3A_60, %dma_wait3A_61] : memref<128x128xf32, #tpu.memory_space<vmem>> -> memref<128x128xf32, #tpu.memory_space<vmem>>
      tpu.wait_dma2 semaphore(%run_scoped3A : memref<!tpu.dma_semaphore, #tpu.memory_space<semaphore_mem>>) src(%dma_wait3A_62 : memref<128x128xf32, #tpu.memory_space<vmem>>) dst(%dma_wait3A_59 : memref<128x128xf32, #tpu.memory_space<hbm>>)
      tpu.yield
    }) : () -> ()
    %add3A_37 = arith.constant 512 : i32
    %add3A_38 = arith.addi %mul3A_2, %add3A_37 : i32
    "tpu.region"() ({
      %run_scoped3A = tpu.sem_alloc : memref<!tpu.dma_semaphore, #tpu.memory_space<semaphore_mem>>
      %dma_start3A = arith.constant 0 : i32
      %dma_start3A_41 = arith.constant 0 : i32
      %dma_start3A_42 = tpu.memref_slice %arg9[%dma_start3A, %dma_start3A_41] : memref<128x128xf32, #tpu.memory_space<vmem>> -> memref<120x128xf32, #tpu.memory_space<vmem>>
      %dma_start3A_43 = arith.constant 0 : i32
      %dma_start3A_44 = tpu.memref_slice %arg11[%add3A_38, %dma_start3A_43] : memref<10112x128xf32, #tpu.memory_space<vmem_shared>> -> memref<120x128xf32, #tpu.memory_space<vmem_shared>>
      %dma_start3A_45 = arith.constant 0 : i32
      %dma_start3A_46 = arith.constant 0 : i32
      %dma_start3A_47 = tpu.memref_slice %arg9[%dma_start3A_45, %dma_start3A_46] : memref<128x128xf32, #tpu.memory_space<vmem>> -> memref<120x128xf32, #tpu.memory_space<vmem>>
      %dma_start3A_48 = arith.constant 0 : i32
      %dma_start3A_49 = tpu.memref_slice %arg11[%add3A_38, %dma_start3A_48] : memref<10112x128xf32, #tpu.memory_space<vmem_shared>> -> memref<120x128xf32, #tpu.memory_space<vmem_shared>>
      tpu.enqueue_dma source(%dma_start3A_49 : memref<120x128xf32, #tpu.memory_space<vmem_shared>>) target(%dma_start3A_47 : memref<120x128xf32, #tpu.memory_space<vmem>>) target_semaphore(%run_scoped3A : memref<!tpu.dma_semaphore, #tpu.memory_space<semaphore_mem>>)
      %dma_wait3A = arith.constant 0 : i32
      %dma_wait3A_50 = arith.constant 0 : i32
      %dma_wait3A_51 = tpu.memref_slice %arg9[%dma_wait3A, %dma_wait3A_50] : memref<128x128xf32, #tpu.memory_space<vmem>> -> memref<120x128xf32, #tpu.memory_space<vmem>>
      %dma_wait3A_52 = arith.constant 0 : i32
      %dma_wait3A_53 = tpu.memref_slice %arg11[%add3A_38, %dma_wait3A_52] : memref<10112x128xf32, #tpu.memory_space<vmem_shared>> -> memref<120x128xf32, #tpu.memory_space<vmem_shared>>
      %dma_wait3A_54 = arith.constant 0 : i32
      %dma_wait3A_55 = arith.constant 0 : i32
      %dma_wait3A_56 = tpu.memref_slice %arg9[%dma_wait3A_54, %dma_wait3A_55] : memref<128x128xf32, #tpu.memory_space<vmem>> -> memref<120x128xf32, #tpu.memory_space<vmem>>
      %dma_wait3A_57 = arith.constant 0 : i32
      %dma_wait3A_58 = tpu.memref_slice %arg11[%add3A_38, %dma_wait3A_57] : memref<10112x128xf32, #tpu.memory_space<vmem_shared>> -> memref<120x128xf32, #tpu.memory_space<vmem_shared>>
      tpu.wait_dma2 semaphore(%run_scoped3A : memref<!tpu.dma_semaphore, #tpu.memory_space<semaphore_mem>>) src(%dma_wait3A_58 : memref<120x128xf32, #tpu.memory_space<vmem_shared>>) dst(%dma_wait3A_56 : memref<120x128xf32, #tpu.memory_space<vmem>>)
      tpu.yield
    }) : () -> ()
    %add3A_39 = arith.constant 512 : i32
    %add3A_40 = arith.addi %mul3A_2, %add3A_39 : i32
    "tpu.region"() ({
      %run_scoped3A = tpu.sem_alloc : memref<!tpu.dma_semaphore, #tpu.memory_space<semaphore_mem>>
      %dma_start3A = arith.constant 0 : i32
      %dma_start3A_41 = arith.constant 0 : i32
      %dma_start3A_42 = tpu.memref_slice %arg9[%dma_start3A, %dma_start3A_41] : memref<128x128xf32, #tpu.memory_space<vmem>> -> memref<120x128xf32, #tpu.memory_space<vmem>>
      %dma_start3A_43 = arith.constant 0 : i32
      %dma_start3A_44 = tpu.memref_slice %arg6[%arg0, %add3A_40, %dma_start3A_43] : memref<2x10112x128xf32, #tpu.memory_space<hbm>> -> memref<1x120x128xf32, #tpu.memory_space<hbm>>
      %dma_start3A_45 = tpu.memref_squeeze %dma_start3A_44 : memref<1x120x128xf32, #tpu.memory_space<hbm>> -> memref<120x128xf32, #tpu.memory_space<hbm>>
      %dma_start3A_46 = arith.constant 0 : i32
      %dma_start3A_47 = tpu.memref_slice %arg6[%arg0, %add3A_40, %dma_start3A_46] : memref<2x10112x128xf32, #tpu.memory_space<hbm>> -> memref<1x120x128xf32, #tpu.memory_space<hbm>>
      %dma_start3A_48 = tpu.memref_squeeze %dma_start3A_47 : memref<1x120x128xf32, #tpu.memory_space<hbm>> -> memref<120x128xf32, #tpu.memory_space<hbm>>
      %dma_start3A_49 = arith.constant 0 : i32
      %dma_start3A_50 = arith.constant 0 : i32
      %dma_start3A_51 = tpu.memref_slice %arg9[%dma_start3A_49, %dma_start3A_50] : memref<128x128xf32, #tpu.memory_space<vmem>> -> memref<120x128xf32, #tpu.memory_space<vmem>>
      tpu.enqueue_dma source(%dma_start3A_51 : memref<120x128xf32, #tpu.memory_space<vmem>>) target(%dma_start3A_48 : memref<120x128xf32, #tpu.memory_space<hbm>>) target_semaphore(%run_scoped3A : memref<!tpu.dma_semaphore, #tpu.memory_space<semaphore_mem>>)
      %dma_wait3A = arith.constant 0 : i32
      %dma_wait3A_52 = arith.constant 0 : i32
      %dma_wait3A_53 = tpu.memref_slice %arg9[%dma_wait3A, %dma_wait3A_52] : memref<128x128xf32, #tpu.memory_space<vmem>> -> memref<120x128xf32, #tpu.memory_space<vmem>>
      %dma_wait3A_54 = arith.constant 0 : i32
      %dma_wait3A_55 = tpu.memref_slice %arg6[%arg0, %add3A_40, %dma_wait3A_54] : memref<2x10112x128xf32, #tpu.memory_space<hbm>> -> memref<1x120x128xf32, #tpu.memory_space<hbm>>
      %dma_wait3A_56 = tpu.memref_squeeze %dma_wait3A_55 : memref<1x120x128xf32, #tpu.memory_space<hbm>> -> memref<120x128xf32, #tpu.memory_space<hbm>>
      %dma_wait3A_57 = arith.constant 0 : i32
      %dma_wait3A_58 = tpu.memref_slice %arg6[%arg0, %add3A_40, %dma_wait3A_57] : memref<2x10112x128xf32, #tpu.memory_space<hbm>> -> memref<1x120x128xf32, #tpu.memory_space<hbm>>
      %dma_wait3A_59 = tpu.memref_squeeze %dma_wait3A_58 : memref<1x120x128xf32, #tpu.memory_space<hbm>> -> memref<120x128xf32, #tpu.memory_space<hbm>>
      %dma_wait3A_60 = arith.constant 0 : i32
      %dma_wait3A_61 = arith.constant 0 : i32
      %dma_wait3A_62 = tpu.memref_slice %arg9[%dma_wait3A_60, %dma_wait3A_61] : memref<128x128xf32, #tpu.memory_space<vmem>> -> memref<120x128xf32, #tpu.memory_space<vmem>>
      tpu.wait_dma2 semaphore(%run_scoped3A : memref<!tpu.dma_semaphore, #tpu.memory_space<semaphore_mem>>) src(%dma_wait3A_62 : memref<120x128xf32, #tpu.memory_space<vmem>>) dst(%dma_wait3A_59 : memref<120x128xf32, #tpu.memory_space<hbm>>)
      tpu.yield
    }) : () -> ()
    return
  }
}

#map = affine_map<(d0, d1) -> (0, 0)>
#map1 = affine_map<(d0, d1) -> (0, 0, 0)>
module attributes {stable_mosaic.version = 14 : i64} {
  func.func @sc_spmm(%arg0: i32, %arg1: i32, %arg2: memref<128x128xf32, #tpu.memory_space<hbm>>, %arg3: memref<2560x128xi32, #tpu.memory_space<hbm>>, %arg4: memref<2560x128xi32, #tpu.memory_space<hbm>>, %arg5: memref<128x128xf32, #tpu.memory_space<hbm>>, %arg6: memref<2x10112x128xf32, #tpu.memory_space<hbm>>, %arg7: memref<40x128xi32, #tpu.memory_space<vmem>>, %arg8: memref<40x128xi32, #tpu.memory_space<vmem>>, %arg9: memref<128x128xf32, #tpu.memory_space<vmem>>, %arg10: memref<128x128xf32, #tpu.memory_space<vmem>>, %arg11: memref<10112x128xf32, #tpu.memory_space<vmem_shared>>, %arg12: memref<!tpu.dma_semaphore, #tpu.memory_space<semaphore_mem>>, %arg13: memref<!tpu.dma_semaphore, #tpu.memory_space<semaphore_mem>>) attributes {dimension_semantics = [#tpu.dimension_semantics<core_parallel>, #tpu.dimension_semantics<subcore_parallel>], iteration_bounds = array<i64: 2, 16>, scalar_prefetch = 0 : i64, scratch_operands = 7 : i64, tpu.core_type = #tpu.core_type<sc_vector_subcore>, window_params = [{transform_indices = #map}, {transform_indices = #map}, {transform_indices = #map}, {transform_indices = #map}, {transform_indices = #map1}]} {
    %mul3A = arith.constant 2 : i32
    %mul3A_0 = arith.muli %arg1, %mul3A : i32
    %add3A = arith.addi %mul3A_0, %arg0 : i32
    %mul3A_1 = arith.constant 632 : i32
    %mul3A_2 = arith.muli %arg1, %mul3A_1 : i32
    "tpu.region"() ({
      %run_scoped3A = tpu.sem_alloc : memref<!tpu.dma_semaphore, #tpu.memory_space<semaphore_mem>>
      tpu.enqueue_dma source(%arg5 : memref<128x128xf32, #tpu.memory_space<hbm>>) target(%arg9 : memref<128x128xf32, #tpu.memory_space<vmem>>) target_semaphore(%run_scoped3A : memref<!tpu.dma_semaphore, #tpu.memory_space<semaphore_mem>>)
      tpu.wait_dma2 semaphore(%run_scoped3A : memref<!tpu.dma_semaphore, #tpu.memory_space<semaphore_mem>>) src(%arg5 : memref<128x128xf32, #tpu.memory_space<hbm>>) dst(%arg9 : memref<128x128xf32, #tpu.memory_space<vmem>>)
      tpu.yield
    }) : () -> ()
    %add3A_3 = arith.constant 0 : i32
    %add3A_4 = arith.addi %mul3A_2, %add3A_3 : i32
    "tpu.region"() ({
      %run_scoped3A = tpu.sem_alloc : memref<!tpu.dma_semaphore, #tpu.memory_space<semaphore_mem>>
      %dma_start3A = arith.constant 0 : i32
      %dma_start3A_41 = arith.constant 0 : i32
      %dma_start3A_42 = tpu.memref_slice %arg9[%dma_start3A, %dma_start3A_41] : memref<128x128xf32, #tpu.memory_space<vmem>> -> memref<128x128xf32, #tpu.memory_space<vmem>>
      %dma_start3A_43 = arith.constant 0 : i32
      %dma_start3A_44 = tpu.memref_slice %arg11[%add3A_4, %dma_start3A_43] : memref<10112x128xf32, #tpu.memory_space<vmem_shared>> -> memref<128x128xf32, #tpu.memory_space<vmem_shared>>
      %dma_start3A_45 = arith.constant 0 : i32
      %dma_start3A_46 = tpu.memref_slice %arg11[%add3A_4, %dma_start3A_45] : memref<10112x128xf32, #tpu.memory_space<vmem_shared>> -> memref<128x128xf32, #tpu.memory_space<vmem_shared>>
      %dma_start3A_47 = arith.constant 0 : i32
      %dma_start3A_48 = arith.constant 0 : i32
      %dma_start3A_49 = tpu.memref_slice %arg9[%dma_start3A_47, %dma_start3A_48] : memref<128x128xf32, #tpu.memory_space<vmem>> -> memref<128x128xf32, #tpu.memory_space<vmem>>
      tpu.enqueue_dma source(%dma_start3A_49 : memref<128x128xf32, #tpu.memory_space<vmem>>) target(%dma_start3A_46 : memref<128x128xf32, #tpu.memory_space<vmem_shared>>) target_semaphore(%run_scoped3A : memref<!tpu.dma_semaphore, #tpu.memory_space<semaphore_mem>>)
      %dma_wait3A = arith.constant 0 : i32
      %dma_wait3A_50 = arith.constant 0 : i32
      %dma_wait3A_51 = tpu.memref_slice %arg9[%dma_wait3A, %dma_wait3A_50] : memref<128x128xf32, #tpu.memory_space<vmem>> -> memref<128x128xf32, #tpu.memory_space<vmem>>
      %dma_wait3A_52 = arith.constant 0 : i32
      %dma_wait3A_53 = tpu.memref_slice %arg11[%add3A_4, %dma_wait3A_52] : memref<10112x128xf32, #tpu.memory_space<vmem_shared>> -> memref<128x128xf32, #tpu.memory_space<vmem_shared>>
      %dma_wait3A_54 = arith.constant 0 : i32
      %dma_wait3A_55 = tpu.memref_slice %arg11[%add3A_4, %dma_wait3A_54] : memref<10112x128xf32, #tpu.memory_space<vmem_shared>> -> memref<128x128xf32, #tpu.memory_space<vmem_shared>>
      %dma_wait3A_56 = arith.constant 0 : i32
      %dma_wait3A_57 = arith.constant 0 : i32
      %dma_wait3A_58 = tpu.memref_slice %arg9[%dma_wait3A_56, %dma_wait3A_57] : memref<128x128xf32, #tpu.memory_space<vmem>> -> memref<128x128xf32, #tpu.memory_space<vmem>>
      tpu.wait_dma2 semaphore(%run_scoped3A : memref<!tpu.dma_semaphore, #tpu.memory_space<semaphore_mem>>) src(%dma_wait3A_58 : memref<128x128xf32, #tpu.memory_space<vmem>>) dst(%dma_wait3A_55 : memref<128x128xf32, #tpu.memory_space<vmem_shared>>)
      tpu.yield
    }) : () -> ()
    %add3A_5 = arith.constant 128 : i32
    %add3A_6 = arith.addi %mul3A_2, %add3A_5 : i32
    "tpu.region"() ({
      %run_scoped3A = tpu.sem_alloc : memref<!tpu.dma_semaphore, #tpu.memory_space<semaphore_mem>>
      %dma_start3A = arith.constant 0 : i32
      %dma_start3A_41 = arith.constant 0 : i32
      %dma_start3A_42 = tpu.memref_slice %arg9[%dma_start3A, %dma_start3A_41] : memref<128x128xf32, #tpu.memory_space<vmem>> -> memref<128x128xf32, #tpu.memory_space<vmem>>
      %dma_start3A_43 = arith.constant 0 : i32
      %dma_start3A_44 = tpu.memref_slice %arg11[%add3A_6, %dma_start3A_43] : memref<10112x128xf32, #tpu.memory_space<vmem_shared>> -> memref<128x128xf32, #tpu.memory_space<vmem_shared>>
      %dma_start3A_45 = arith.constant 0 : i32
      %dma_start3A_46 = tpu.memref_slice %arg11[%add3A_6, %dma_start3A_45] : memref<10112x128xf32, #tpu.memory_space<vmem_shared>> -> memref<128x128xf32, #tpu.memory_space<vmem_shared>>
      %dma_start3A_47 = arith.constant 0 : i32
      %dma_start3A_48 = arith.constant 0 : i32
      %dma_start3A_49 = tpu.memref_slice %arg9[%dma_start3A_47, %dma_start3A_48] : memref<128x128xf32, #tpu.memory_space<vmem>> -> memref<128x128xf32, #tpu.memory_space<vmem>>
      tpu.enqueue_dma source(%dma_start3A_49 : memref<128x128xf32, #tpu.memory_space<vmem>>) target(%dma_start3A_46 : memref<128x128xf32, #tpu.memory_space<vmem_shared>>) target_semaphore(%run_scoped3A : memref<!tpu.dma_semaphore, #tpu.memory_space<semaphore_mem>>)
      %dma_wait3A = arith.constant 0 : i32
      %dma_wait3A_50 = arith.constant 0 : i32
      %dma_wait3A_51 = tpu.memref_slice %arg9[%dma_wait3A, %dma_wait3A_50] : memref<128x128xf32, #tpu.memory_space<vmem>> -> memref<128x128xf32, #tpu.memory_space<vmem>>
      %dma_wait3A_52 = arith.constant 0 : i32
      %dma_wait3A_53 = tpu.memref_slice %arg11[%add3A_6, %dma_wait3A_52] : memref<10112x128xf32, #tpu.memory_space<vmem_shared>> -> memref<128x128xf32, #tpu.memory_space<vmem_shared>>
      %dma_wait3A_54 = arith.constant 0 : i32
      %dma_wait3A_55 = tpu.memref_slice %arg11[%add3A_6, %dma_wait3A_54] : memref<10112x128xf32, #tpu.memory_space<vmem_shared>> -> memref<128x128xf32, #tpu.memory_space<vmem_shared>>
      %dma_wait3A_56 = arith.constant 0 : i32
      %dma_wait3A_57 = arith.constant 0 : i32
      %dma_wait3A_58 = tpu.memref_slice %arg9[%dma_wait3A_56, %dma_wait3A_57] : memref<128x128xf32, #tpu.memory_space<vmem>> -> memref<128x128xf32, #tpu.memory_space<vmem>>
      tpu.wait_dma2 semaphore(%run_scoped3A : memref<!tpu.dma_semaphore, #tpu.memory_space<semaphore_mem>>) src(%dma_wait3A_58 : memref<128x128xf32, #tpu.memory_space<vmem>>) dst(%dma_wait3A_55 : memref<128x128xf32, #tpu.memory_space<vmem_shared>>)
      tpu.yield
    }) : () -> ()
    %add3A_7 = arith.constant 256 : i32
    %add3A_8 = arith.addi %mul3A_2, %add3A_7 : i32
    "tpu.region"() ({
      %run_scoped3A = tpu.sem_alloc : memref<!tpu.dma_semaphore, #tpu.memory_space<semaphore_mem>>
      %dma_start3A = arith.constant 0 : i32
      %dma_start3A_41 = arith.constant 0 : i32
      %dma_start3A_42 = tpu.memref_slice %arg9[%dma_start3A, %dma_start3A_41] : memref<128x128xf32, #tpu.memory_space<vmem>> -> memref<128x128xf32, #tpu.memory_space<vmem>>
      %dma_start3A_43 = arith.constant 0 : i32
      %dma_start3A_44 = tpu.memref_slice %arg11[%add3A_8, %dma_start3A_43] : memref<10112x128xf32, #tpu.memory_space<vmem_shared>> -> memref<128x128xf32, #tpu.memory_space<vmem_shared>>
      %dma_start3A_45 = arith.constant 0 : i32
      %dma_start3A_46 = tpu.memref_slice %arg11[%add3A_8, %dma_start3A_45] : memref<10112x128xf32, #tpu.memory_space<vmem_shared>> -> memref<128x128xf32, #tpu.memory_space<vmem_shared>>
      %dma_start3A_47 = arith.constant 0 : i32
      %dma_start3A_48 = arith.constant 0 : i32
      %dma_start3A_49 = tpu.memref_slice %arg9[%dma_start3A_47, %dma_start3A_48] : memref<128x128xf32, #tpu.memory_space<vmem>> -> memref<128x128xf32, #tpu.memory_space<vmem>>
      tpu.enqueue_dma source(%dma_start3A_49 : memref<128x128xf32, #tpu.memory_space<vmem>>) target(%dma_start3A_46 : memref<128x128xf32, #tpu.memory_space<vmem_shared>>) target_semaphore(%run_scoped3A : memref<!tpu.dma_semaphore, #tpu.memory_space<semaphore_mem>>)
      %dma_wait3A = arith.constant 0 : i32
      %dma_wait3A_50 = arith.constant 0 : i32
      %dma_wait3A_51 = tpu.memref_slice %arg9[%dma_wait3A, %dma_wait3A_50] : memref<128x128xf32, #tpu.memory_space<vmem>> -> memref<128x128xf32, #tpu.memory_space<vmem>>
      %dma_wait3A_52 = arith.constant 0 : i32
      %dma_wait3A_53 = tpu.memref_slice %arg11[%add3A_8, %dma_wait3A_52] : memref<10112x128xf32, #tpu.memory_space<vmem_shared>> -> memref<128x128xf32, #tpu.memory_space<vmem_shared>>
      %dma_wait3A_54 = arith.constant 0 : i32
      %dma_wait3A_55 = tpu.memref_slice %arg11[%add3A_8, %dma_wait3A_54] : memref<10112x128xf32, #tpu.memory_space<vmem_shared>> -> memref<128x128xf32, #tpu.memory_space<vmem_shared>>
      %dma_wait3A_56 = arith.constant 0 : i32
      %dma_wait3A_57 = arith.constant 0 : i32
      %dma_wait3A_58 = tpu.memref_slice %arg9[%dma_wait3A_56, %dma_wait3A_57] : memref<128x128xf32, #tpu.memory_space<vmem>> -> memref<128x128xf32, #tpu.memory_space<vmem>>
      tpu.wait_dma2 semaphore(%run_scoped3A : memref<!tpu.dma_semaphore, #tpu.memory_space<semaphore_mem>>) src(%dma_wait3A_58 : memref<128x128xf32, #tpu.memory_space<vmem>>) dst(%dma_wait3A_55 : memref<128x128xf32, #tpu.memory_space<vmem_shared>>)
      tpu.yield
    }) : () -> ()
    %add3A_9 = arith.constant 384 : i32
    %add3A_10 = arith.addi %mul3A_2, %add3A_9 : i32
    "tpu.region"() ({
      %run_scoped3A = tpu.sem_alloc : memref<!tpu.dma_semaphore, #tpu.memory_space<semaphore_mem>>
      %dma_start3A = arith.constant 0 : i32
      %dma_start3A_41 = arith.constant 0 : i32
      %dma_start3A_42 = tpu.memref_slice %arg9[%dma_start3A, %dma_start3A_41] : memref<128x128xf32, #tpu.memory_space<vmem>> -> memref<128x128xf32, #tpu.memory_space<vmem>>
      %dma_start3A_43 = arith.constant 0 : i32
      %dma_start3A_44 = tpu.memref_slice %arg11[%add3A_10, %dma_start3A_43] : memref<10112x128xf32, #tpu.memory_space<vmem_shared>> -> memref<128x128xf32, #tpu.memory_space<vmem_shared>>
      %dma_start3A_45 = arith.constant 0 : i32
      %dma_start3A_46 = tpu.memref_slice %arg11[%add3A_10, %dma_start3A_45] : memref<10112x128xf32, #tpu.memory_space<vmem_shared>> -> memref<128x128xf32, #tpu.memory_space<vmem_shared>>
      %dma_start3A_47 = arith.constant 0 : i32
      %dma_start3A_48 = arith.constant 0 : i32
      %dma_start3A_49 = tpu.memref_slice %arg9[%dma_start3A_47, %dma_start3A_48] : memref<128x128xf32, #tpu.memory_space<vmem>> -> memref<128x128xf32, #tpu.memory_space<vmem>>
      tpu.enqueue_dma source(%dma_start3A_49 : memref<128x128xf32, #tpu.memory_space<vmem>>) target(%dma_start3A_46 : memref<128x128xf32, #tpu.memory_space<vmem_shared>>) target_semaphore(%run_scoped3A : memref<!tpu.dma_semaphore, #tpu.memory_space<semaphore_mem>>)
      %dma_wait3A = arith.constant 0 : i32
      %dma_wait3A_50 = arith.constant 0 : i32
      %dma_wait3A_51 = tpu.memref_slice %arg9[%dma_wait3A, %dma_wait3A_50] : memref<128x128xf32, #tpu.memory_space<vmem>> -> memref<128x128xf32, #tpu.memory_space<vmem>>
      %dma_wait3A_52 = arith.constant 0 : i32
      %dma_wait3A_53 = tpu.memref_slice %arg11[%add3A_10, %dma_wait3A_52] : memref<10112x128xf32, #tpu.memory_space<vmem_shared>> -> memref<128x128xf32, #tpu.memory_space<vmem_shared>>
      %dma_wait3A_54 = arith.constant 0 : i32
      %dma_wait3A_55 = tpu.memref_slice %arg11[%add3A_10, %dma_wait3A_54] : memref<10112x128xf32, #tpu.memory_space<vmem_shared>> -> memref<128x128xf32, #tpu.memory_space<vmem_shared>>
      %dma_wait3A_56 = arith.constant 0 : i32
      %dma_wait3A_57 = arith.constant 0 : i32
      %dma_wait3A_58 = tpu.memref_slice %arg9[%dma_wait3A_56, %dma_wait3A_57] : memref<128x128xf32, #tpu.memory_space<vmem>> -> memref<128x128xf32, #tpu.memory_space<vmem>>
      tpu.wait_dma2 semaphore(%run_scoped3A : memref<!tpu.dma_semaphore, #tpu.memory_space<semaphore_mem>>) src(%dma_wait3A_58 : memref<128x128xf32, #tpu.memory_space<vmem>>) dst(%dma_wait3A_55 : memref<128x128xf32, #tpu.memory_space<vmem_shared>>)
      tpu.yield
    }) : () -> ()
    %add3A_11 = arith.constant 512 : i32
    %add3A_12 = arith.addi %mul3A_2, %add3A_11 : i32
    "tpu.region"() ({
      %run_scoped3A = tpu.sem_alloc : memref<!tpu.dma_semaphore, #tpu.memory_space<semaphore_mem>>
      %dma_start3A = arith.constant 0 : i32
      %dma_start3A_41 = arith.constant 0 : i32
      %dma_start3A_42 = tpu.memref_slice %arg9[%dma_start3A, %dma_start3A_41] : memref<128x128xf32, #tpu.memory_space<vmem>> -> memref<120x128xf32, #tpu.memory_space<vmem>>
      %dma_start3A_43 = arith.constant 0 : i32
      %dma_start3A_44 = tpu.memref_slice %arg11[%add3A_12, %dma_start3A_43] : memref<10112x128xf32, #tpu.memory_space<vmem_shared>> -> memref<120x128xf32, #tpu.memory_space<vmem_shared>>
      %dma_start3A_45 = arith.constant 0 : i32
      %dma_start3A_46 = tpu.memref_slice %arg11[%add3A_12, %dma_start3A_45] : memref<10112x128xf32, #tpu.memory_space<vmem_shared>> -> memref<120x128xf32, #tpu.memory_space<vmem_shared>>
      %dma_start3A_47 = arith.constant 0 : i32
      %dma_start3A_48 = arith.constant 0 : i32
      %dma_start3A_49 = tpu.memref_slice %arg9[%dma_start3A_47, %dma_start3A_48] : memref<128x128xf32, #tpu.memory_space<vmem>> -> memref<120x128xf32, #tpu.memory_space<vmem>>
      tpu.enqueue_dma source(%dma_start3A_49 : memref<120x128xf32, #tpu.memory_space<vmem>>) target(%dma_start3A_46 : memref<120x128xf32, #tpu.memory_space<vmem_shared>>) target_semaphore(%run_scoped3A : memref<!tpu.dma_semaphore, #tpu.memory_space<semaphore_mem>>)
      %dma_wait3A = arith.constant 0 : i32
      %dma_wait3A_50 = arith.constant 0 : i32
      %dma_wait3A_51 = tpu.memref_slice %arg9[%dma_wait3A, %dma_wait3A_50] : memref<128x128xf32, #tpu.memory_space<vmem>> -> memref<120x128xf32, #tpu.memory_space<vmem>>
      %dma_wait3A_52 = arith.constant 0 : i32
      %dma_wait3A_53 = tpu.memref_slice %arg11[%add3A_12, %dma_wait3A_52] : memref<10112x128xf32, #tpu.memory_space<vmem_shared>> -> memref<120x128xf32, #tpu.memory_space<vmem_shared>>
      %dma_wait3A_54 = arith.constant 0 : i32
      %dma_wait3A_55 = tpu.memref_slice %arg11[%add3A_12, %dma_wait3A_54] : memref<10112x128xf32, #tpu.memory_space<vmem_shared>> -> memref<120x128xf32, #tpu.memory_space<vmem_shared>>
      %dma_wait3A_56 = arith.constant 0 : i32
      %dma_wait3A_57 = arith.constant 0 : i32
      %dma_wait3A_58 = tpu.memref_slice %arg9[%dma_wait3A_56, %dma_wait3A_57] : memref<128x128xf32, #tpu.memory_space<vmem>> -> memref<120x128xf32, #tpu.memory_space<vmem>>
      tpu.wait_dma2 semaphore(%run_scoped3A : memref<!tpu.dma_semaphore, #tpu.memory_space<semaphore_mem>>) src(%dma_wait3A_58 : memref<120x128xf32, #tpu.memory_space<vmem>>) dst(%dma_wait3A_55 : memref<120x128xf32, #tpu.memory_space<vmem_shared>>)
      tpu.yield
    }) : () -> ()
    %mul3A_13 = arith.constant 80 : i32
    %mul3A_14 = arith.muli %add3A, %mul3A_13 : i32
    "tpu.region"() ({
      %run_scoped3A = tpu.sem_alloc : memref<!tpu.dma_semaphore, #tpu.memory_space<semaphore_mem>>
      tpu.enqueue_dma source(%arg2 : memref<128x128xf32, #tpu.memory_space<hbm>>) target(%arg9 : memref<128x128xf32, #tpu.memory_space<vmem>>) target_semaphore(%run_scoped3A : memref<!tpu.dma_semaphore, #tpu.memory_space<semaphore_mem>>)
      tpu.wait_dma2 semaphore(%run_scoped3A : memref<!tpu.dma_semaphore, #tpu.memory_space<semaphore_mem>>) src(%arg2 : memref<128x128xf32, #tpu.memory_space<hbm>>) dst(%arg9 : memref<128x128xf32, #tpu.memory_space<vmem>>)
      tpu.yield
    }) : () -> ()
    %barrier3A = arith.constant 0 : index
    tpu.barrier barrier_id(%barrier3A)
    %scan3A = arith.constant 0 : i32
    %scan3A_15 = arith.constant 0 : i32
    %scan3A_16 = arith.constant 2 : i32
    %scan3A_17 = arith.addi %scan3A_15, %scan3A_16 : i32
    %scan3A_18 = arith.constant 1 : i32
    scf.for %scan3A_41 = %scan3A_15 to %scan3A_17 step %scan3A_18  : i32 {
      %mul3A_42 = arith.constant 40 : i32
      %mul3A_43 = arith.muli %scan3A_41, %mul3A_42 : i32
      %add3A_44 = arith.addi %mul3A_14, %mul3A_43 : i32
      "tpu.region"() ({
        %run_scoped3A = tpu.sem_alloc : memref<!tpu.dma_semaphore, #tpu.memory_space<semaphore_mem>>
        %dma_start3A = arith.constant 0 : i32
        %dma_start3A_51 = tpu.memref_slice %arg4[%add3A_44, %dma_start3A] : memref<2560x128xi32, #tpu.memory_space<hbm>> -> memref<40x128xi32, #tpu.memory_space<hbm>>
        %dma_start3A_52 = arith.constant 0 : i32
        %dma_start3A_53 = tpu.memref_slice %arg4[%add3A_44, %dma_start3A_52] : memref<2560x128xi32, #tpu.memory_space<hbm>> -> memref<40x128xi32, #tpu.memory_space<hbm>>
        tpu.enqueue_dma source(%dma_start3A_53 : memref<40x128xi32, #tpu.memory_space<hbm>>) target(%arg8 : memref<40x128xi32, #tpu.memory_space<vmem>>) target_semaphore(%run_scoped3A : memref<!tpu.dma_semaphore, #tpu.memory_space<semaphore_mem>>)
        %dma_wait3A = arith.constant 0 : i32
        %dma_wait3A_54 = tpu.memref_slice %arg4[%add3A_44, %dma_wait3A] : memref<2560x128xi32, #tpu.memory_space<hbm>> -> memref<40x128xi32, #tpu.memory_space<hbm>>
        %dma_wait3A_55 = arith.constant 0 : i32
        %dma_wait3A_56 = tpu.memref_slice %arg4[%add3A_44, %dma_wait3A_55] : memref<2560x128xi32, #tpu.memory_space<hbm>> -> memref<40x128xi32, #tpu.memory_space<hbm>>
        tpu.wait_dma2 semaphore(%run_scoped3A : memref<!tpu.dma_semaphore, #tpu.memory_space<semaphore_mem>>) src(%dma_wait3A_56 : memref<40x128xi32, #tpu.memory_space<hbm>>) dst(%arg8 : memref<40x128xi32, #tpu.memory_space<vmem>>)
        tpu.yield
      }) : () -> ()
      %scan3A_45 = arith.constant 0 : i32
      %scan3A_46 = arith.constant 0 : i32
      %scan3A_47 = arith.constant 40 : i32
      %scan3A_48 = arith.addi %scan3A_46, %scan3A_47 : i32
      %scan3A_49 = arith.constant 1 : i32
      scf.for %scan3A_51 = %scan3A_46 to %scan3A_48 step %scan3A_49  : i32 {
        "tpu.region"() ({
          %run_scoped3A = tpu.sem_alloc : memref<!tpu.dma_semaphore, #tpu.memory_space<semaphore_mem>>
          %dma_start3A = arith.constant 0 : i32
          %dma_start3A_52 = tpu.memref_slice %arg8[%scan3A_51, %dma_start3A] : memref<40x128xi32, #tpu.memory_space<vmem>> -> memref<1x128xi32, #tpu.memory_space<vmem>>
          %dma_start3A_53 = tpu.memref_squeeze %dma_start3A_52 : memref<1x128xi32, #tpu.memory_space<vmem>> -> memref<128xi32, #tpu.memory_space<vmem>>
          %dma_start3A_54 = arith.constant 0 : i32
          %dma_start3A_55 = arith.constant 0 : i32
          %dma_start3A_56 = tpu.memref_slice %arg11[%dma_start3A_54, %dma_start3A_55] : memref<10112x128xf32, #tpu.memory_space<vmem_shared>> -> memref<10112x128xf32, #tpu.memory_space<vmem_shared>>
          tpu.enqueue_indirect_dma source(%arg9 : memref<128x128xf32, #tpu.memory_space<vmem>>) target(%dma_start3A_56 : memref<10112x128xf32, #tpu.memory_space<vmem_shared>>) offsets(%dma_start3A_53 : memref<128xi32, #tpu.memory_space<vmem>>) semaphore(%run_scoped3A : memref<!tpu.dma_semaphore, #tpu.memory_space<semaphore_mem>>) {add = true}
          %dma_wait3A = arith.constant 0 : i32
          %dma_wait3A_57 = tpu.memref_slice %arg8[%scan3A_51, %dma_wait3A] : memref<40x128xi32, #tpu.memory_space<vmem>> -> memref<1x128xi32, #tpu.memory_space<vmem>>
          %dma_wait3A_58 = tpu.memref_squeeze %dma_wait3A_57 : memref<1x128xi32, #tpu.memory_space<vmem>> -> memref<128xi32, #tpu.memory_space<vmem>>
          %dma_wait3A_59 = arith.constant 0 : i32
          %dma_wait3A_60 = arith.constant 0 : i32
          %dma_wait3A_61 = tpu.memref_slice %arg11[%dma_wait3A_59, %dma_wait3A_60] : memref<10112x128xf32, #tpu.memory_space<vmem_shared>> -> memref<10112x128xf32, #tpu.memory_space<vmem_shared>>
          tpu.wait_indirect_dma semaphore(%run_scoped3A : memref<!tpu.dma_semaphore, #tpu.memory_space<semaphore_mem>>) src(%arg9 : memref<128x128xf32, #tpu.memory_space<vmem>>) dst(%dma_wait3A_61 : memref<10112x128xf32, #tpu.memory_space<vmem_shared>>)
          tpu.yield
        }) : () -> ()
      }
      %scan3A_50 = arith.constant 40 : i32
    }
    %scan3A_19 = arith.constant 2 : i32
    %barrier3A_20 = arith.constant 0 : index
    tpu.barrier barrier_id(%barrier3A_20)
    %add3A_21 = arith.constant 0 : i32
    %add3A_22 = arith.addi %mul3A_2, %add3A_21 : i32
    "tpu.region"() ({
      %run_scoped3A = tpu.sem_alloc : memref<!tpu.dma_semaphore, #tpu.memory_space<semaphore_mem>>
      %dma_start3A = arith.constant 0 : i32
      %dma_start3A_41 = arith.constant 0 : i32
      %dma_start3A_42 = tpu.memref_slice %arg9[%dma_start3A, %dma_start3A_41] : memref<128x128xf32, #tpu.memory_space<vmem>> -> memref<128x128xf32, #tpu.memory_space<vmem>>
      %dma_start3A_43 = arith.constant 0 : i32
      %dma_start3A_44 = tpu.memref_slice %arg11[%add3A_22, %dma_start3A_43] : memref<10112x128xf32, #tpu.memory_space<vmem_shared>> -> memref<128x128xf32, #tpu.memory_space<vmem_shared>>
      %dma_start3A_45 = arith.constant 0 : i32
      %dma_start3A_46 = arith.constant 0 : i32
      %dma_start3A_47 = tpu.memref_slice %arg9[%dma_start3A_45, %dma_start3A_46] : memref<128x128xf32, #tpu.memory_space<vmem>> -> memref<128x128xf32, #tpu.memory_space<vmem>>
      %dma_start3A_48 = arith.constant 0 : i32
      %dma_start3A_49 = tpu.memref_slice %arg11[%add3A_22, %dma_start3A_48] : memref<10112x128xf32, #tpu.memory_space<vmem_shared>> -> memref<128x128xf32, #tpu.memory_space<vmem_shared>>
      tpu.enqueue_dma source(%dma_start3A_49 : memref<128x128xf32, #tpu.memory_space<vmem_shared>>) target(%dma_start3A_47 : memref<128x128xf32, #tpu.memory_space<vmem>>) target_semaphore(%run_scoped3A : memref<!tpu.dma_semaphore, #tpu.memory_space<semaphore_mem>>)
      %dma_wait3A = arith.constant 0 : i32
      %dma_wait3A_50 = arith.constant 0 : i32
      %dma_wait3A_51 = tpu.memref_slice %arg9[%dma_wait3A, %dma_wait3A_50] : memref<128x128xf32, #tpu.memory_space<vmem>> -> memref<128x128xf32, #tpu.memory_space<vmem>>
      %dma_wait3A_52 = arith.constant 0 : i32
      %dma_wait3A_53 = tpu.memref_slice %arg11[%add3A_22, %dma_wait3A_52] : memref<10112x128xf32, #tpu.memory_space<vmem_shared>> -> memref<128x128xf32, #tpu.memory_space<vmem_shared>>
      %dma_wait3A_54 = arith.constant 0 : i32
      %dma_wait3A_55 = arith.constant 0 : i32
      %dma_wait3A_56 = tpu.memref_slice %arg9[%dma_wait3A_54, %dma_wait3A_55] : memref<128x128xf32, #tpu.memory_space<vmem>> -> memref<128x128xf32, #tpu.memory_space<vmem>>
      %dma_wait3A_57 = arith.constant 0 : i32
      %dma_wait3A_58 = tpu.memref_slice %arg11[%add3A_22, %dma_wait3A_57] : memref<10112x128xf32, #tpu.memory_space<vmem_shared>> -> memref<128x128xf32, #tpu.memory_space<vmem_shared>>
      tpu.wait_dma2 semaphore(%run_scoped3A : memref<!tpu.dma_semaphore, #tpu.memory_space<semaphore_mem>>) src(%dma_wait3A_58 : memref<128x128xf32, #tpu.memory_space<vmem_shared>>) dst(%dma_wait3A_56 : memref<128x128xf32, #tpu.memory_space<vmem>>)
      tpu.yield
    }) : () -> ()
    %add3A_23 = arith.constant 0 : i32
    %add3A_24 = arith.addi %mul3A_2, %add3A_23 : i32
    "tpu.region"() ({
      %run_scoped3A = tpu.sem_alloc : memref<!tpu.dma_semaphore, #tpu.memory_space<semaphore_mem>>
      %dma_start3A = arith.constant 0 : i32
      %dma_start3A_41 = arith.constant 0 : i32
      %dma_start3A_42 = tpu.memref_slice %arg9[%dma_start3A, %dma_start3A_41] : memref<128x128xf32, #tpu.memory_space<vmem>> -> memref<128x128xf32, #tpu.memory_space<vmem>>
      %dma_start3A_43 = arith.constant 0 : i32
      %dma_start3A_44 = tpu.memref_slice %arg6[%arg0, %add3A_24, %dma_start3A_43] : memref<2x10112x128xf32, #tpu.memory_space<hbm>> -> memref<1x128x128xf32, #tpu.memory_space<hbm>>
      %dma_start3A_45 = tpu.memref_squeeze %dma_start3A_44 : memref<1x128x128xf32, #tpu.memory_space<hbm>> -> memref<128x128xf32, #tpu.memory_space<hbm>>
      %dma_start3A_46 = arith.constant 0 : i32
      %dma_start3A_47 = tpu.memref_slice %arg6[%arg0, %add3A_24, %dma_start3A_46] : memref<2x10112x128xf32, #tpu.memory_space<hbm>> -> memref<1x128x128xf32, #tpu.memory_space<hbm>>
      %dma_start3A_48 = tpu.memref_squeeze %dma_start3A_47 : memref<1x128x128xf32, #tpu.memory_space<hbm>> -> memref<128x128xf32, #tpu.memory_space<hbm>>
      %dma_start3A_49 = arith.constant 0 : i32
      %dma_start3A_50 = arith.constant 0 : i32
      %dma_start3A_51 = tpu.memref_slice %arg9[%dma_start3A_49, %dma_start3A_50] : memref<128x128xf32, #tpu.memory_space<vmem>> -> memref<128x128xf32, #tpu.memory_space<vmem>>
      tpu.enqueue_dma source(%dma_start3A_51 : memref<128x128xf32, #tpu.memory_space<vmem>>) target(%dma_start3A_48 : memref<128x128xf32, #tpu.memory_space<hbm>>) target_semaphore(%run_scoped3A : memref<!tpu.dma_semaphore, #tpu.memory_space<semaphore_mem>>)
      %dma_wait3A = arith.constant 0 : i32
      %dma_wait3A_52 = arith.constant 0 : i32
      %dma_wait3A_53 = tpu.memref_slice %arg9[%dma_wait3A, %dma_wait3A_52] : memref<128x128xf32, #tpu.memory_space<vmem>> -> memref<128x128xf32, #tpu.memory_space<vmem>>
      %dma_wait3A_54 = arith.constant 0 : i32
      %dma_wait3A_55 = tpu.memref_slice %arg6[%arg0, %add3A_24, %dma_wait3A_54] : memref<2x10112x128xf32, #tpu.memory_space<hbm>> -> memref<1x128x128xf32, #tpu.memory_space<hbm>>
      %dma_wait3A_56 = tpu.memref_squeeze %dma_wait3A_55 : memref<1x128x128xf32, #tpu.memory_space<hbm>> -> memref<128x128xf32, #tpu.memory_space<hbm>>
      %dma_wait3A_57 = arith.constant 0 : i32
      %dma_wait3A_58 = tpu.memref_slice %arg6[%arg0, %add3A_24, %dma_wait3A_57] : memref<2x10112x128xf32, #tpu.memory_space<hbm>> -> memref<1x128x128xf32, #tpu.memory_space<hbm>>
      %dma_wait3A_59 = tpu.memref_squeeze %dma_wait3A_58 : memref<1x128x128xf32, #tpu.memory_space<hbm>> -> memref<128x128xf32, #tpu.memory_space<hbm>>
      %dma_wait3A_60 = arith.constant 0 : i32
      %dma_wait3A_61 = arith.constant 0 : i32
      %dma_wait3A_62 = tpu.memref_slice %arg9[%dma_wait3A_60, %dma_wait3A_61] : memref<128x128xf32, #tpu.memory_space<vmem>> -> memref<128x128xf32, #tpu.memory_space<vmem>>
      tpu.wait_dma2 semaphore(%run_scoped3A : memref<!tpu.dma_semaphore, #tpu.memory_space<semaphore_mem>>) src(%dma_wait3A_62 : memref<128x128xf32, #tpu.memory_space<vmem>>) dst(%dma_wait3A_59 : memref<128x128xf32, #tpu.memory_space<hbm>>)
      tpu.yield
    }) : () -> ()
    %add3A_25 = arith.constant 128 : i32
    %add3A_26 = arith.addi %mul3A_2, %add3A_25 : i32
    "tpu.region"() ({
      %run_scoped3A = tpu.sem_alloc : memref<!tpu.dma_semaphore, #tpu.memory_space<semaphore_mem>>
      %dma_start3A = arith.constant 0 : i32
      %dma_start3A_41 = arith.constant 0 : i32
      %dma_start3A_42 = tpu.memref_slice %arg9[%dma_start3A, %dma_start3A_41] : memref<128x128xf32, #tpu.memory_space<vmem>> -> memref<128x128xf32, #tpu.memory_space<vmem>>
      %dma_start3A_43 = arith.constant 0 : i32
      %dma_start3A_44 = tpu.memref_slice %arg11[%add3A_26, %dma_start3A_43] : memref<10112x128xf32, #tpu.memory_space<vmem_shared>> -> memref<128x128xf32, #tpu.memory_space<vmem_shared>>
      %dma_start3A_45 = arith.constant 0 : i32
      %dma_start3A_46 = arith.constant 0 : i32
      %dma_start3A_47 = tpu.memref_slice %arg9[%dma_start3A_45, %dma_start3A_46] : memref<128x128xf32, #tpu.memory_space<vmem>> -> memref<128x128xf32, #tpu.memory_space<vmem>>
      %dma_start3A_48 = arith.constant 0 : i32
      %dma_start3A_49 = tpu.memref_slice %arg11[%add3A_26, %dma_start3A_48] : memref<10112x128xf32, #tpu.memory_space<vmem_shared>> -> memref<128x128xf32, #tpu.memory_space<vmem_shared>>
      tpu.enqueue_dma source(%dma_start3A_49 : memref<128x128xf32, #tpu.memory_space<vmem_shared>>) target(%dma_start3A_47 : memref<128x128xf32, #tpu.memory_space<vmem>>) target_semaphore(%run_scoped3A : memref<!tpu.dma_semaphore, #tpu.memory_space<semaphore_mem>>)
      %dma_wait3A = arith.constant 0 : i32
      %dma_wait3A_50 = arith.constant 0 : i32
      %dma_wait3A_51 = tpu.memref_slice %arg9[%dma_wait3A, %dma_wait3A_50] : memref<128x128xf32, #tpu.memory_space<vmem>> -> memref<128x128xf32, #tpu.memory_space<vmem>>
      %dma_wait3A_52 = arith.constant 0 : i32
      %dma_wait3A_53 = tpu.memref_slice %arg11[%add3A_26, %dma_wait3A_52] : memref<10112x128xf32, #tpu.memory_space<vmem_shared>> -> memref<128x128xf32, #tpu.memory_space<vmem_shared>>
      %dma_wait3A_54 = arith.constant 0 : i32
      %dma_wait3A_55 = arith.constant 0 : i32
      %dma_wait3A_56 = tpu.memref_slice %arg9[%dma_wait3A_54, %dma_wait3A_55] : memref<128x128xf32, #tpu.memory_space<vmem>> -> memref<128x128xf32, #tpu.memory_space<vmem>>
      %dma_wait3A_57 = arith.constant 0 : i32
      %dma_wait3A_58 = tpu.memref_slice %arg11[%add3A_26, %dma_wait3A_57] : memref<10112x128xf32, #tpu.memory_space<vmem_shared>> -> memref<128x128xf32, #tpu.memory_space<vmem_shared>>
      tpu.wait_dma2 semaphore(%run_scoped3A : memref<!tpu.dma_semaphore, #tpu.memory_space<semaphore_mem>>) src(%dma_wait3A_58 : memref<128x128xf32, #tpu.memory_space<vmem_shared>>) dst(%dma_wait3A_56 : memref<128x128xf32, #tpu.memory_space<vmem>>)
      tpu.yield
    }) : () -> ()
    %add3A_27 = arith.constant 128 : i32
    %add3A_28 = arith.addi %mul3A_2, %add3A_27 : i32
    "tpu.region"() ({
      %run_scoped3A = tpu.sem_alloc : memref<!tpu.dma_semaphore, #tpu.memory_space<semaphore_mem>>
      %dma_start3A = arith.constant 0 : i32
      %dma_start3A_41 = arith.constant 0 : i32
      %dma_start3A_42 = tpu.memref_slice %arg9[%dma_start3A, %dma_start3A_41] : memref<128x128xf32, #tpu.memory_space<vmem>> -> memref<128x128xf32, #tpu.memory_space<vmem>>
      %dma_start3A_43 = arith.constant 0 : i32
      %dma_start3A_44 = tpu.memref_slice %arg6[%arg0, %add3A_28, %dma_start3A_43] : memref<2x10112x128xf32, #tpu.memory_space<hbm>> -> memref<1x128x128xf32, #tpu.memory_space<hbm>>
      %dma_start3A_45 = tpu.memref_squeeze %dma_start3A_44 : memref<1x128x128xf32, #tpu.memory_space<hbm>> -> memref<128x128xf32, #tpu.memory_space<hbm>>
      %dma_start3A_46 = arith.constant 0 : i32
      %dma_start3A_47 = tpu.memref_slice %arg6[%arg0, %add3A_28, %dma_start3A_46] : memref<2x10112x128xf32, #tpu.memory_space<hbm>> -> memref<1x128x128xf32, #tpu.memory_space<hbm>>
      %dma_start3A_48 = tpu.memref_squeeze %dma_start3A_47 : memref<1x128x128xf32, #tpu.memory_space<hbm>> -> memref<128x128xf32, #tpu.memory_space<hbm>>
      %dma_start3A_49 = arith.constant 0 : i32
      %dma_start3A_50 = arith.constant 0 : i32
      %dma_start3A_51 = tpu.memref_slice %arg9[%dma_start3A_49, %dma_start3A_50] : memref<128x128xf32, #tpu.memory_space<vmem>> -> memref<128x128xf32, #tpu.memory_space<vmem>>
      tpu.enqueue_dma source(%dma_start3A_51 : memref<128x128xf32, #tpu.memory_space<vmem>>) target(%dma_start3A_48 : memref<128x128xf32, #tpu.memory_space<hbm>>) target_semaphore(%run_scoped3A : memref<!tpu.dma_semaphore, #tpu.memory_space<semaphore_mem>>)
      %dma_wait3A = arith.constant 0 : i32
      %dma_wait3A_52 = arith.constant 0 : i32
      %dma_wait3A_53 = tpu.memref_slice %arg9[%dma_wait3A, %dma_wait3A_52] : memref<128x128xf32, #tpu.memory_space<vmem>> -> memref<128x128xf32, #tpu.memory_space<vmem>>
      %dma_wait3A_54 = arith.constant 0 : i32
      %dma_wait3A_55 = tpu.memref_slice %arg6[%arg0, %add3A_28, %dma_wait3A_54] : memref<2x10112x128xf32, #tpu.memory_space<hbm>> -> memref<1x128x128xf32, #tpu.memory_space<hbm>>
      %dma_wait3A_56 = tpu.memref_squeeze %dma_wait3A_55 : memref<1x128x128xf32, #tpu.memory_space<hbm>> -> memref<128x128xf32, #tpu.memory_space<hbm>>
      %dma_wait3A_57 = arith.constant 0 : i32
      %dma_wait3A_58 = tpu.memref_slice %arg6[%arg0, %add3A_28, %dma_wait3A_57] : memref<2x10112x128xf32, #tpu.memory_space<hbm>> -> memref<1x128x128xf32, #tpu.memory_space<hbm>>
      %dma_wait3A_59 = tpu.memref_squeeze %dma_wait3A_58 : memref<1x128x128xf32, #tpu.memory_space<hbm>> -> memref<128x128xf32, #tpu.memory_space<hbm>>
      %dma_wait3A_60 = arith.constant 0 : i32
      %dma_wait3A_61 = arith.constant 0 : i32
      %dma_wait3A_62 = tpu.memref_slice %arg9[%dma_wait3A_60, %dma_wait3A_61] : memref<128x128xf32, #tpu.memory_space<vmem>> -> memref<128x128xf32, #tpu.memory_space<vmem>>
      tpu.wait_dma2 semaphore(%run_scoped3A : memref<!tpu.dma_semaphore, #tpu.memory_space<semaphore_mem>>) src(%dma_wait3A_62 : memref<128x128xf32, #tpu.memory_space<vmem>>) dst(%dma_wait3A_59 : memref<128x128xf32, #tpu.memory_space<hbm>>)
      tpu.yield
    }) : () -> ()
    %add3A_29 = arith.constant 256 : i32
    %add3A_30 = arith.addi %mul3A_2, %add3A_29 : i32
    "tpu.region"() ({
      %run_scoped3A = tpu.sem_alloc : memref<!tpu.dma_semaphore, #tpu.memory_space<semaphore_mem>>
      %dma_start3A = arith.constant 0 : i32
      %dma_start3A_41 = arith.constant 0 : i32
      %dma_start3A_42 = tpu.memref_slice %arg9[%dma_start3A, %dma_start3A_41] : memref<128x128xf32, #tpu.memory_space<vmem>> -> memref<128x128xf32, #tpu.memory_space<vmem>>
      %dma_start3A_43 = arith.constant 0 : i32
      %dma_start3A_44 = tpu.memref_slice %arg11[%add3A_30, %dma_start3A_43] : memref<10112x128xf32, #tpu.memory_space<vmem_shared>> -> memref<128x128xf32, #tpu.memory_space<vmem_shared>>
      %dma_start3A_45 = arith.constant 0 : i32
      %dma_start3A_46 = arith.constant 0 : i32
      %dma_start3A_47 = tpu.memref_slice %arg9[%dma_start3A_45, %dma_start3A_46] : memref<128x128xf32, #tpu.memory_space<vmem>> -> memref<128x128xf32, #tpu.memory_space<vmem>>
      %dma_start3A_48 = arith.constant 0 : i32
      %dma_start3A_49 = tpu.memref_slice %arg11[%add3A_30, %dma_start3A_48] : memref<10112x128xf32, #tpu.memory_space<vmem_shared>> -> memref<128x128xf32, #tpu.memory_space<vmem_shared>>
      tpu.enqueue_dma source(%dma_start3A_49 : memref<128x128xf32, #tpu.memory_space<vmem_shared>>) target(%dma_start3A_47 : memref<128x128xf32, #tpu.memory_space<vmem>>) target_semaphore(%run_scoped3A : memref<!tpu.dma_semaphore, #tpu.memory_space<semaphore_mem>>)
      %dma_wait3A = arith.constant 0 : i32
      %dma_wait3A_50 = arith.constant 0 : i32
      %dma_wait3A_51 = tpu.memref_slice %arg9[%dma_wait3A, %dma_wait3A_50] : memref<128x128xf32, #tpu.memory_space<vmem>> -> memref<128x128xf32, #tpu.memory_space<vmem>>
      %dma_wait3A_52 = arith.constant 0 : i32
      %dma_wait3A_53 = tpu.memref_slice %arg11[%add3A_30, %dma_wait3A_52] : memref<10112x128xf32, #tpu.memory_space<vmem_shared>> -> memref<128x128xf32, #tpu.memory_space<vmem_shared>>
      %dma_wait3A_54 = arith.constant 0 : i32
      %dma_wait3A_55 = arith.constant 0 : i32
      %dma_wait3A_56 = tpu.memref_slice %arg9[%dma_wait3A_54, %dma_wait3A_55] : memref<128x128xf32, #tpu.memory_space<vmem>> -> memref<128x128xf32, #tpu.memory_space<vmem>>
      %dma_wait3A_57 = arith.constant 0 : i32
      %dma_wait3A_58 = tpu.memref_slice %arg11[%add3A_30, %dma_wait3A_57] : memref<10112x128xf32, #tpu.memory_space<vmem_shared>> -> memref<128x128xf32, #tpu.memory_space<vmem_shared>>
      tpu.wait_dma2 semaphore(%run_scoped3A : memref<!tpu.dma_semaphore, #tpu.memory_space<semaphore_mem>>) src(%dma_wait3A_58 : memref<128x128xf32, #tpu.memory_space<vmem_shared>>) dst(%dma_wait3A_56 : memref<128x128xf32, #tpu.memory_space<vmem>>)
      tpu.yield
    }) : () -> ()
    %add3A_31 = arith.constant 256 : i32
    %add3A_32 = arith.addi %mul3A_2, %add3A_31 : i32
    "tpu.region"() ({
      %run_scoped3A = tpu.sem_alloc : memref<!tpu.dma_semaphore, #tpu.memory_space<semaphore_mem>>
      %dma_start3A = arith.constant 0 : i32
      %dma_start3A_41 = arith.constant 0 : i32
      %dma_start3A_42 = tpu.memref_slice %arg9[%dma_start3A, %dma_start3A_41] : memref<128x128xf32, #tpu.memory_space<vmem>> -> memref<128x128xf32, #tpu.memory_space<vmem>>
      %dma_start3A_43 = arith.constant 0 : i32
      %dma_start3A_44 = tpu.memref_slice %arg6[%arg0, %add3A_32, %dma_start3A_43] : memref<2x10112x128xf32, #tpu.memory_space<hbm>> -> memref<1x128x128xf32, #tpu.memory_space<hbm>>
      %dma_start3A_45 = tpu.memref_squeeze %dma_start3A_44 : memref<1x128x128xf32, #tpu.memory_space<hbm>> -> memref<128x128xf32, #tpu.memory_space<hbm>>
      %dma_start3A_46 = arith.constant 0 : i32
      %dma_start3A_47 = tpu.memref_slice %arg6[%arg0, %add3A_32, %dma_start3A_46] : memref<2x10112x128xf32, #tpu.memory_space<hbm>> -> memref<1x128x128xf32, #tpu.memory_space<hbm>>
      %dma_start3A_48 = tpu.memref_squeeze %dma_start3A_47 : memref<1x128x128xf32, #tpu.memory_space<hbm>> -> memref<128x128xf32, #tpu.memory_space<hbm>>
      %dma_start3A_49 = arith.constant 0 : i32
      %dma_start3A_50 = arith.constant 0 : i32
      %dma_start3A_51 = tpu.memref_slice %arg9[%dma_start3A_49, %dma_start3A_50] : memref<128x128xf32, #tpu.memory_space<vmem>> -> memref<128x128xf32, #tpu.memory_space<vmem>>
      tpu.enqueue_dma source(%dma_start3A_51 : memref<128x128xf32, #tpu.memory_space<vmem>>) target(%dma_start3A_48 : memref<128x128xf32, #tpu.memory_space<hbm>>) target_semaphore(%run_scoped3A : memref<!tpu.dma_semaphore, #tpu.memory_space<semaphore_mem>>)
      %dma_wait3A = arith.constant 0 : i32
      %dma_wait3A_52 = arith.constant 0 : i32
      %dma_wait3A_53 = tpu.memref_slice %arg9[%dma_wait3A, %dma_wait3A_52] : memref<128x128xf32, #tpu.memory_space<vmem>> -> memref<128x128xf32, #tpu.memory_space<vmem>>
      %dma_wait3A_54 = arith.constant 0 : i32
      %dma_wait3A_55 = tpu.memref_slice %arg6[%arg0, %add3A_32, %dma_wait3A_54] : memref<2x10112x128xf32, #tpu.memory_space<hbm>> -> memref<1x128x128xf32, #tpu.memory_space<hbm>>
      %dma_wait3A_56 = tpu.memref_squeeze %dma_wait3A_55 : memref<1x128x128xf32, #tpu.memory_space<hbm>> -> memref<128x128xf32, #tpu.memory_space<hbm>>
      %dma_wait3A_57 = arith.constant 0 : i32
      %dma_wait3A_58 = tpu.memref_slice %arg6[%arg0, %add3A_32, %dma_wait3A_57] : memref<2x10112x128xf32, #tpu.memory_space<hbm>> -> memref<1x128x128xf32, #tpu.memory_space<hbm>>
      %dma_wait3A_59 = tpu.memref_squeeze %dma_wait3A_58 : memref<1x128x128xf32, #tpu.memory_space<hbm>> -> memref<128x128xf32, #tpu.memory_space<hbm>>
      %dma_wait3A_60 = arith.constant 0 : i32
      %dma_wait3A_61 = arith.constant 0 : i32
      %dma_wait3A_62 = tpu.memref_slice %arg9[%dma_wait3A_60, %dma_wait3A_61] : memref<128x128xf32, #tpu.memory_space<vmem>> -> memref<128x128xf32, #tpu.memory_space<vmem>>
      tpu.wait_dma2 semaphore(%run_scoped3A : memref<!tpu.dma_semaphore, #tpu.memory_space<semaphore_mem>>) src(%dma_wait3A_62 : memref<128x128xf32, #tpu.memory_space<vmem>>) dst(%dma_wait3A_59 : memref<128x128xf32, #tpu.memory_space<hbm>>)
      tpu.yield
    }) : () -> ()
    %add3A_33 = arith.constant 384 : i32
    %add3A_34 = arith.addi %mul3A_2, %add3A_33 : i32
    "tpu.region"() ({
      %run_scoped3A = tpu.sem_alloc : memref<!tpu.dma_semaphore, #tpu.memory_space<semaphore_mem>>
      %dma_start3A = arith.constant 0 : i32
      %dma_start3A_41 = arith.constant 0 : i32
      %dma_start3A_42 = tpu.memref_slice %arg9[%dma_start3A, %dma_start3A_41] : memref<128x128xf32, #tpu.memory_space<vmem>> -> memref<128x128xf32, #tpu.memory_space<vmem>>
      %dma_start3A_43 = arith.constant 0 : i32
      %dma_start3A_44 = tpu.memref_slice %arg11[%add3A_34, %dma_start3A_43] : memref<10112x128xf32, #tpu.memory_space<vmem_shared>> -> memref<128x128xf32, #tpu.memory_space<vmem_shared>>
      %dma_start3A_45 = arith.constant 0 : i32
      %dma_start3A_46 = arith.constant 0 : i32
      %dma_start3A_47 = tpu.memref_slice %arg9[%dma_start3A_45, %dma_start3A_46] : memref<128x128xf32, #tpu.memory_space<vmem>> -> memref<128x128xf32, #tpu.memory_space<vmem>>
      %dma_start3A_48 = arith.constant 0 : i32
      %dma_start3A_49 = tpu.memref_slice %arg11[%add3A_34, %dma_start3A_48] : memref<10112x128xf32, #tpu.memory_space<vmem_shared>> -> memref<128x128xf32, #tpu.memory_space<vmem_shared>>
      tpu.enqueue_dma source(%dma_start3A_49 : memref<128x128xf32, #tpu.memory_space<vmem_shared>>) target(%dma_start3A_47 : memref<128x128xf32, #tpu.memory_space<vmem>>) target_semaphore(%run_scoped3A : memref<!tpu.dma_semaphore, #tpu.memory_space<semaphore_mem>>)
      %dma_wait3A = arith.constant 0 : i32
      %dma_wait3A_50 = arith.constant 0 : i32
      %dma_wait3A_51 = tpu.memref_slice %arg9[%dma_wait3A, %dma_wait3A_50] : memref<128x128xf32, #tpu.memory_space<vmem>> -> memref<128x128xf32, #tpu.memory_space<vmem>>
      %dma_wait3A_52 = arith.constant 0 : i32
      %dma_wait3A_53 = tpu.memref_slice %arg11[%add3A_34, %dma_wait3A_52] : memref<10112x128xf32, #tpu.memory_space<vmem_shared>> -> memref<128x128xf32, #tpu.memory_space<vmem_shared>>
      %dma_wait3A_54 = arith.constant 0 : i32
      %dma_wait3A_55 = arith.constant 0 : i32
      %dma_wait3A_56 = tpu.memref_slice %arg9[%dma_wait3A_54, %dma_wait3A_55] : memref<128x128xf32, #tpu.memory_space<vmem>> -> memref<128x128xf32, #tpu.memory_space<vmem>>
      %dma_wait3A_57 = arith.constant 0 : i32
      %dma_wait3A_58 = tpu.memref_slice %arg11[%add3A_34, %dma_wait3A_57] : memref<10112x128xf32, #tpu.memory_space<vmem_shared>> -> memref<128x128xf32, #tpu.memory_space<vmem_shared>>
      tpu.wait_dma2 semaphore(%run_scoped3A : memref<!tpu.dma_semaphore, #tpu.memory_space<semaphore_mem>>) src(%dma_wait3A_58 : memref<128x128xf32, #tpu.memory_space<vmem_shared>>) dst(%dma_wait3A_56 : memref<128x128xf32, #tpu.memory_space<vmem>>)
      tpu.yield
    }) : () -> ()
    %add3A_35 = arith.constant 384 : i32
    %add3A_36 = arith.addi %mul3A_2, %add3A_35 : i32
    "tpu.region"() ({
      %run_scoped3A = tpu.sem_alloc : memref<!tpu.dma_semaphore, #tpu.memory_space<semaphore_mem>>
      %dma_start3A = arith.constant 0 : i32
      %dma_start3A_41 = arith.constant 0 : i32
      %dma_start3A_42 = tpu.memref_slice %arg9[%dma_start3A, %dma_start3A_41] : memref<128x128xf32, #tpu.memory_space<vmem>> -> memref<128x128xf32, #tpu.memory_space<vmem>>
      %dma_start3A_43 = arith.constant 0 : i32
      %dma_start3A_44 = tpu.memref_slice %arg6[%arg0, %add3A_36, %dma_start3A_43] : memref<2x10112x128xf32, #tpu.memory_space<hbm>> -> memref<1x128x128xf32, #tpu.memory_space<hbm>>
      %dma_start3A_45 = tpu.memref_squeeze %dma_start3A_44 : memref<1x128x128xf32, #tpu.memory_space<hbm>> -> memref<128x128xf32, #tpu.memory_space<hbm>>
      %dma_start3A_46 = arith.constant 0 : i32
      %dma_start3A_47 = tpu.memref_slice %arg6[%arg0, %add3A_36, %dma_start3A_46] : memref<2x10112x128xf32, #tpu.memory_space<hbm>> -> memref<1x128x128xf32, #tpu.memory_space<hbm>>
      %dma_start3A_48 = tpu.memref_squeeze %dma_start3A_47 : memref<1x128x128xf32, #tpu.memory_space<hbm>> -> memref<128x128xf32, #tpu.memory_space<hbm>>
      %dma_start3A_49 = arith.constant 0 : i32
      %dma_start3A_50 = arith.constant 0 : i32
      %dma_start3A_51 = tpu.memref_slice %arg9[%dma_start3A_49, %dma_start3A_50] : memref<128x128xf32, #tpu.memory_space<vmem>> -> memref<128x128xf32, #tpu.memory_space<vmem>>
      tpu.enqueue_dma source(%dma_start3A_51 : memref<128x128xf32, #tpu.memory_space<vmem>>) target(%dma_start3A_48 : memref<128x128xf32, #tpu.memory_space<hbm>>) target_semaphore(%run_scoped3A : memref<!tpu.dma_semaphore, #tpu.memory_space<semaphore_mem>>)
      %dma_wait3A = arith.constant 0 : i32
      %dma_wait3A_52 = arith.constant 0 : i32
      %dma_wait3A_53 = tpu.memref_slice %arg9[%dma_wait3A, %dma_wait3A_52] : memref<128x128xf32, #tpu.memory_space<vmem>> -> memref<128x128xf32, #tpu.memory_space<vmem>>
      %dma_wait3A_54 = arith.constant 0 : i32
      %dma_wait3A_55 = tpu.memref_slice %arg6[%arg0, %add3A_36, %dma_wait3A_54] : memref<2x10112x128xf32, #tpu.memory_space<hbm>> -> memref<1x128x128xf32, #tpu.memory_space<hbm>>
      %dma_wait3A_56 = tpu.memref_squeeze %dma_wait3A_55 : memref<1x128x128xf32, #tpu.memory_space<hbm>> -> memref<128x128xf32, #tpu.memory_space<hbm>>
      %dma_wait3A_57 = arith.constant 0 : i32
      %dma_wait3A_58 = tpu.memref_slice %arg6[%arg0, %add3A_36, %dma_wait3A_57] : memref<2x10112x128xf32, #tpu.memory_space<hbm>> -> memref<1x128x128xf32, #tpu.memory_space<hbm>>
      %dma_wait3A_59 = tpu.memref_squeeze %dma_wait3A_58 : memref<1x128x128xf32, #tpu.memory_space<hbm>> -> memref<128x128xf32, #tpu.memory_space<hbm>>
      %dma_wait3A_60 = arith.constant 0 : i32
      %dma_wait3A_61 = arith.constant 0 : i32
      %dma_wait3A_62 = tpu.memref_slice %arg9[%dma_wait3A_60, %dma_wait3A_61] : memref<128x128xf32, #tpu.memory_space<vmem>> -> memref<128x128xf32, #tpu.memory_space<vmem>>
      tpu.wait_dma2 semaphore(%run_scoped3A : memref<!tpu.dma_semaphore, #tpu.memory_space<semaphore_mem>>) src(%dma_wait3A_62 : memref<128x128xf32, #tpu.memory_space<vmem>>) dst(%dma_wait3A_59 : memref<128x128xf32, #tpu.memory_space<hbm>>)
      tpu.yield
    }) : () -> ()
    %add3A_37 = arith.constant 512 : i32
    %add3A_38 = arith.addi %mul3A_2, %add3A_37 : i32
    "tpu.region"() ({
      %run_scoped3A = tpu.sem_alloc : memref<!tpu.dma_semaphore, #tpu.memory_space<semaphore_mem>>
      %dma_start3A = arith.constant 0 : i32
      %dma_start3A_41 = arith.constant 0 : i32
      %dma_start3A_42 = tpu.memref_slice %arg9[%dma_start3A, %dma_start3A_41] : memref<128x128xf32, #tpu.memory_space<vmem>> -> memref<120x128xf32, #tpu.memory_space<vmem>>
      %dma_start3A_43 = arith.constant 0 : i32
      %dma_start3A_44 = tpu.memref_slice %arg11[%add3A_38, %dma_start3A_43] : memref<10112x128xf32, #tpu.memory_space<vmem_shared>> -> memref<120x128xf32, #tpu.memory_space<vmem_shared>>
      %dma_start3A_45 = arith.constant 0 : i32
      %dma_start3A_46 = arith.constant 0 : i32
      %dma_start3A_47 = tpu.memref_slice %arg9[%dma_start3A_45, %dma_start3A_46] : memref<128x128xf32, #tpu.memory_space<vmem>> -> memref<120x128xf32, #tpu.memory_space<vmem>>
      %dma_start3A_48 = arith.constant 0 : i32
      %dma_start3A_49 = tpu.memref_slice %arg11[%add3A_38, %dma_start3A_48] : memref<10112x128xf32, #tpu.memory_space<vmem_shared>> -> memref<120x128xf32, #tpu.memory_space<vmem_shared>>
      tpu.enqueue_dma source(%dma_start3A_49 : memref<120x128xf32, #tpu.memory_space<vmem_shared>>) target(%dma_start3A_47 : memref<120x128xf32, #tpu.memory_space<vmem>>) target_semaphore(%run_scoped3A : memref<!tpu.dma_semaphore, #tpu.memory_space<semaphore_mem>>)
      %dma_wait3A = arith.constant 0 : i32
      %dma_wait3A_50 = arith.constant 0 : i32
      %dma_wait3A_51 = tpu.memref_slice %arg9[%dma_wait3A, %dma_wait3A_50] : memref<128x128xf32, #tpu.memory_space<vmem>> -> memref<120x128xf32, #tpu.memory_space<vmem>>
      %dma_wait3A_52 = arith.constant 0 : i32
      %dma_wait3A_53 = tpu.memref_slice %arg11[%add3A_38, %dma_wait3A_52] : memref<10112x128xf32, #tpu.memory_space<vmem_shared>> -> memref<120x128xf32, #tpu.memory_space<vmem_shared>>
      %dma_wait3A_54 = arith.constant 0 : i32
      %dma_wait3A_55 = arith.constant 0 : i32
      %dma_wait3A_56 = tpu.memref_slice %arg9[%dma_wait3A_54, %dma_wait3A_55] : memref<128x128xf32, #tpu.memory_space<vmem>> -> memref<120x128xf32, #tpu.memory_space<vmem>>
      %dma_wait3A_57 = arith.constant 0 : i32
      %dma_wait3A_58 = tpu.memref_slice %arg11[%add3A_38, %dma_wait3A_57] : memref<10112x128xf32, #tpu.memory_space<vmem_shared>> -> memref<120x128xf32, #tpu.memory_space<vmem_shared>>
      tpu.wait_dma2 semaphore(%run_scoped3A : memref<!tpu.dma_semaphore, #tpu.memory_space<semaphore_mem>>) src(%dma_wait3A_58 : memref<120x128xf32, #tpu.memory_space<vmem_shared>>) dst(%dma_wait3A_56 : memref<120x128xf32, #tpu.memory_space<vmem>>)
      tpu.yield
    }) : () -> ()
    %add3A_39 = arith.constant 512 : i32
    %add3A_40 = arith.addi %mul3A_2, %add3A_39 : i32
    "tpu.region"() ({
      %run_scoped3A = tpu.sem_alloc : memref<!tpu.dma_semaphore, #tpu.memory_space<semaphore_mem>>
      %dma_start3A = arith.constant 0 : i32
      %dma_start3A_41 = arith.constant 0 : i32
      %dma_start3A_42 = tpu.memref_slice %arg9[%dma_start3A, %dma_start3A_41] : memref<128x128xf32, #tpu.memory_space<vmem>> -> memref<120x128xf32, #tpu.memory_space<vmem>>
      %dma_start3A_43 = arith.constant 0 : i32
      %dma_start3A_44 = tpu.memref_slice %arg6[%arg0, %add3A_40, %dma_start3A_43] : memref<2x10112x128xf32, #tpu.memory_space<hbm>> -> memref<1x120x128xf32, #tpu.memory_space<hbm>>
      %dma_start3A_45 = tpu.memref_squeeze %dma_start3A_44 : memref<1x120x128xf32, #tpu.memory_space<hbm>> -> memref<120x128xf32, #tpu.memory_space<hbm>>
      %dma_start3A_46 = arith.constant 0 : i32
      %dma_start3A_47 = tpu.memref_slice %arg6[%arg0, %add3A_40, %dma_start3A_46] : memref<2x10112x128xf32, #tpu.memory_space<hbm>> -> memref<1x120x128xf32, #tpu.memory_space<hbm>>
      %dma_start3A_48 = tpu.memref_squeeze %dma_start3A_47 : memref<1x120x128xf32, #tpu.memory_space<hbm>> -> memref<120x128xf32, #tpu.memory_space<hbm>>
      %dma_start3A_49 = arith.constant 0 : i32
      %dma_start3A_50 = arith.constant 0 : i32
      %dma_start3A_51 = tpu.memref_slice %arg9[%dma_start3A_49, %dma_start3A_50] : memref<128x128xf32, #tpu.memory_space<vmem>> -> memref<120x128xf32, #tpu.memory_space<vmem>>
      tpu.enqueue_dma source(%dma_start3A_51 : memref<120x128xf32, #tpu.memory_space<vmem>>) target(%dma_start3A_48 : memref<120x128xf32, #tpu.memory_space<hbm>>) target_semaphore(%run_scoped3A : memref<!tpu.dma_semaphore, #tpu.memory_space<semaphore_mem>>)
      %dma_wait3A = arith.constant 0 : i32
      %dma_wait3A_52 = arith.constant 0 : i32
      %dma_wait3A_53 = tpu.memref_slice %arg9[%dma_wait3A, %dma_wait3A_52] : memref<128x128xf32, #tpu.memory_space<vmem>> -> memref<120x128xf32, #tpu.memory_space<vmem>>
      %dma_wait3A_54 = arith.constant 0 : i32
      %dma_wait3A_55 = tpu.memref_slice %arg6[%arg0, %add3A_40, %dma_wait3A_54] : memref<2x10112x128xf32, #tpu.memory_space<hbm>> -> memref<1x120x128xf32, #tpu.memory_space<hbm>>
      %dma_wait3A_56 = tpu.memref_squeeze %dma_wait3A_55 : memref<1x120x128xf32, #tpu.memory_space<hbm>> -> memref<120x128xf32, #tpu.memory_space<hbm>>
      %dma_wait3A_57 = arith.constant 0 : i32
      %dma_wait3A_58 = tpu.memref_slice %arg6[%arg0, %add3A_40, %dma_wait3A_57] : memref<2x10112x128xf32, #tpu.memory_space<hbm>> -> memref<1x120x128xf32, #tpu.memory_space<hbm>>
      %dma_wait3A_59 = tpu.memref_squeeze %dma_wait3A_58 : memref<1x120x128xf32, #tpu.memory_space<hbm>> -> memref<120x128xf32, #tpu.memory_space<hbm>>
      %dma_wait3A_60 = arith.constant 0 : i32
      %dma_wait3A_61 = arith.constant 0 : i32
      %dma_wait3A_62 = tpu.memref_slice %arg9[%dma_wait3A_60, %dma_wait3A_61] : memref<128x128xf32, #tpu.memory_space<vmem>> -> memref<120x128xf32, #tpu.memory_space<vmem>>
      tpu.wait_dma2 semaphore(%run_scoped3A : memref<!tpu.dma_semaphore, #tpu.memory_space<semaphore_mem>>) src(%dma_wait3A_62 : memref<120x128xf32, #tpu.memory_space<vmem>>) dst(%dma_wait3A_59 : memref<120x128xf32, #tpu.memory_space<hbm>>)
      tpu.yield
    }) : () -> ()
    return
  }
}

#map = affine_map<(d0, d1) -> (0, 0)>
#map1 = affine_map<(d0, d1) -> (0, 0, 0)>
module attributes {stable_mosaic.version = 14 : i64} {
  func.func @sc_spmm(%arg0: i32, %arg1: i32, %arg2: memref<10000x128xf32, #tpu.memory_space<hbm>>, %arg3: memref<2560x128xi32, #tpu.memory_space<hbm>>, %arg4: memref<2560x128xi32, #tpu.memory_space<hbm>>, %arg5: memref<128x128xf32, #tpu.memory_space<hbm>>, %arg6: memref<2x10112x128xf32, #tpu.memory_space<hbm>>, %arg7: memref<40x128xi32, #tpu.memory_space<vmem>>, %arg8: memref<40x128xi32, #tpu.memory_space<vmem>>, %arg9: memref<128x128xf32, #tpu.memory_space<vmem>>, %arg10: memref<128x128xf32, #tpu.memory_space<vmem>>, %arg11: memref<10112x128xf32, #tpu.memory_space<vmem_shared>>, %arg12: memref<!tpu.dma_semaphore, #tpu.memory_space<semaphore_mem>>, %arg13: memref<!tpu.dma_semaphore, #tpu.memory_space<semaphore_mem>>) attributes {dimension_semantics = [#tpu.dimension_semantics<core_parallel>, #tpu.dimension_semantics<subcore_parallel>], iteration_bounds = array<i64: 2, 16>, scalar_prefetch = 0 : i64, scratch_operands = 7 : i64, tpu.core_type = #tpu.core_type<sc_vector_subcore>, window_params = [{transform_indices = #map}, {transform_indices = #map}, {transform_indices = #map}, {transform_indices = #map}, {transform_indices = #map1}]} {
    %mul3A = arith.constant 2 : i32
    %mul3A_0 = arith.muli %arg1, %mul3A : i32
    %add3A = arith.addi %mul3A_0, %arg0 : i32
    %mul3A_1 = arith.constant 632 : i32
    %mul3A_2 = arith.muli %arg1, %mul3A_1 : i32
    "tpu.region"() ({
      %run_scoped3A = tpu.sem_alloc : memref<!tpu.dma_semaphore, #tpu.memory_space<semaphore_mem>>
      tpu.enqueue_dma source(%arg5 : memref<128x128xf32, #tpu.memory_space<hbm>>) target(%arg9 : memref<128x128xf32, #tpu.memory_space<vmem>>) target_semaphore(%run_scoped3A : memref<!tpu.dma_semaphore, #tpu.memory_space<semaphore_mem>>)
      tpu.wait_dma2 semaphore(%run_scoped3A : memref<!tpu.dma_semaphore, #tpu.memory_space<semaphore_mem>>) src(%arg5 : memref<128x128xf32, #tpu.memory_space<hbm>>) dst(%arg9 : memref<128x128xf32, #tpu.memory_space<vmem>>)
      tpu.yield
    }) : () -> ()
    %add3A_3 = arith.constant 0 : i32
    %add3A_4 = arith.addi %mul3A_2, %add3A_3 : i32
    "tpu.region"() ({
      %run_scoped3A = tpu.sem_alloc : memref<!tpu.dma_semaphore, #tpu.memory_space<semaphore_mem>>
      %dma_start3A = arith.constant 0 : i32
      %dma_start3A_41 = arith.constant 0 : i32
      %dma_start3A_42 = tpu.memref_slice %arg9[%dma_start3A, %dma_start3A_41] : memref<128x128xf32, #tpu.memory_space<vmem>> -> memref<128x128xf32, #tpu.memory_space<vmem>>
      %dma_start3A_43 = arith.constant 0 : i32
      %dma_start3A_44 = tpu.memref_slice %arg11[%add3A_4, %dma_start3A_43] : memref<10112x128xf32, #tpu.memory_space<vmem_shared>> -> memref<128x128xf32, #tpu.memory_space<vmem_shared>>
      %dma_start3A_45 = arith.constant 0 : i32
      %dma_start3A_46 = tpu.memref_slice %arg11[%add3A_4, %dma_start3A_45] : memref<10112x128xf32, #tpu.memory_space<vmem_shared>> -> memref<128x128xf32, #tpu.memory_space<vmem_shared>>
      %dma_start3A_47 = arith.constant 0 : i32
      %dma_start3A_48 = arith.constant 0 : i32
      %dma_start3A_49 = tpu.memref_slice %arg9[%dma_start3A_47, %dma_start3A_48] : memref<128x128xf32, #tpu.memory_space<vmem>> -> memref<128x128xf32, #tpu.memory_space<vmem>>
      tpu.enqueue_dma source(%dma_start3A_49 : memref<128x128xf32, #tpu.memory_space<vmem>>) target(%dma_start3A_46 : memref<128x128xf32, #tpu.memory_space<vmem_shared>>) target_semaphore(%run_scoped3A : memref<!tpu.dma_semaphore, #tpu.memory_space<semaphore_mem>>)
      %dma_wait3A = arith.constant 0 : i32
      %dma_wait3A_50 = arith.constant 0 : i32
      %dma_wait3A_51 = tpu.memref_slice %arg9[%dma_wait3A, %dma_wait3A_50] : memref<128x128xf32, #tpu.memory_space<vmem>> -> memref<128x128xf32, #tpu.memory_space<vmem>>
      %dma_wait3A_52 = arith.constant 0 : i32
      %dma_wait3A_53 = tpu.memref_slice %arg11[%add3A_4, %dma_wait3A_52] : memref<10112x128xf32, #tpu.memory_space<vmem_shared>> -> memref<128x128xf32, #tpu.memory_space<vmem_shared>>
      %dma_wait3A_54 = arith.constant 0 : i32
      %dma_wait3A_55 = tpu.memref_slice %arg11[%add3A_4, %dma_wait3A_54] : memref<10112x128xf32, #tpu.memory_space<vmem_shared>> -> memref<128x128xf32, #tpu.memory_space<vmem_shared>>
      %dma_wait3A_56 = arith.constant 0 : i32
      %dma_wait3A_57 = arith.constant 0 : i32
      %dma_wait3A_58 = tpu.memref_slice %arg9[%dma_wait3A_56, %dma_wait3A_57] : memref<128x128xf32, #tpu.memory_space<vmem>> -> memref<128x128xf32, #tpu.memory_space<vmem>>
      tpu.wait_dma2 semaphore(%run_scoped3A : memref<!tpu.dma_semaphore, #tpu.memory_space<semaphore_mem>>) src(%dma_wait3A_58 : memref<128x128xf32, #tpu.memory_space<vmem>>) dst(%dma_wait3A_55 : memref<128x128xf32, #tpu.memory_space<vmem_shared>>)
      tpu.yield
    }) : () -> ()
    %add3A_5 = arith.constant 128 : i32
    %add3A_6 = arith.addi %mul3A_2, %add3A_5 : i32
    "tpu.region"() ({
      %run_scoped3A = tpu.sem_alloc : memref<!tpu.dma_semaphore, #tpu.memory_space<semaphore_mem>>
      %dma_start3A = arith.constant 0 : i32
      %dma_start3A_41 = arith.constant 0 : i32
      %dma_start3A_42 = tpu.memref_slice %arg9[%dma_start3A, %dma_start3A_41] : memref<128x128xf32, #tpu.memory_space<vmem>> -> memref<128x128xf32, #tpu.memory_space<vmem>>
      %dma_start3A_43 = arith.constant 0 : i32
      %dma_start3A_44 = tpu.memref_slice %arg11[%add3A_6, %dma_start3A_43] : memref<10112x128xf32, #tpu.memory_space<vmem_shared>> -> memref<128x128xf32, #tpu.memory_space<vmem_shared>>
      %dma_start3A_45 = arith.constant 0 : i32
      %dma_start3A_46 = tpu.memref_slice %arg11[%add3A_6, %dma_start3A_45] : memref<10112x128xf32, #tpu.memory_space<vmem_shared>> -> memref<128x128xf32, #tpu.memory_space<vmem_shared>>
      %dma_start3A_47 = arith.constant 0 : i32
      %dma_start3A_48 = arith.constant 0 : i32
      %dma_start3A_49 = tpu.memref_slice %arg9[%dma_start3A_47, %dma_start3A_48] : memref<128x128xf32, #tpu.memory_space<vmem>> -> memref<128x128xf32, #tpu.memory_space<vmem>>
      tpu.enqueue_dma source(%dma_start3A_49 : memref<128x128xf32, #tpu.memory_space<vmem>>) target(%dma_start3A_46 : memref<128x128xf32, #tpu.memory_space<vmem_shared>>) target_semaphore(%run_scoped3A : memref<!tpu.dma_semaphore, #tpu.memory_space<semaphore_mem>>)
      %dma_wait3A = arith.constant 0 : i32
      %dma_wait3A_50 = arith.constant 0 : i32
      %dma_wait3A_51 = tpu.memref_slice %arg9[%dma_wait3A, %dma_wait3A_50] : memref<128x128xf32, #tpu.memory_space<vmem>> -> memref<128x128xf32, #tpu.memory_space<vmem>>
      %dma_wait3A_52 = arith.constant 0 : i32
      %dma_wait3A_53 = tpu.memref_slice %arg11[%add3A_6, %dma_wait3A_52] : memref<10112x128xf32, #tpu.memory_space<vmem_shared>> -> memref<128x128xf32, #tpu.memory_space<vmem_shared>>
      %dma_wait3A_54 = arith.constant 0 : i32
      %dma_wait3A_55 = tpu.memref_slice %arg11[%add3A_6, %dma_wait3A_54] : memref<10112x128xf32, #tpu.memory_space<vmem_shared>> -> memref<128x128xf32, #tpu.memory_space<vmem_shared>>
      %dma_wait3A_56 = arith.constant 0 : i32
      %dma_wait3A_57 = arith.constant 0 : i32
      %dma_wait3A_58 = tpu.memref_slice %arg9[%dma_wait3A_56, %dma_wait3A_57] : memref<128x128xf32, #tpu.memory_space<vmem>> -> memref<128x128xf32, #tpu.memory_space<vmem>>
      tpu.wait_dma2 semaphore(%run_scoped3A : memref<!tpu.dma_semaphore, #tpu.memory_space<semaphore_mem>>) src(%dma_wait3A_58 : memref<128x128xf32, #tpu.memory_space<vmem>>) dst(%dma_wait3A_55 : memref<128x128xf32, #tpu.memory_space<vmem_shared>>)
      tpu.yield
    }) : () -> ()
    %add3A_7 = arith.constant 256 : i32
    %add3A_8 = arith.addi %mul3A_2, %add3A_7 : i32
    "tpu.region"() ({
      %run_scoped3A = tpu.sem_alloc : memref<!tpu.dma_semaphore, #tpu.memory_space<semaphore_mem>>
      %dma_start3A = arith.constant 0 : i32
      %dma_start3A_41 = arith.constant 0 : i32
      %dma_start3A_42 = tpu.memref_slice %arg9[%dma_start3A, %dma_start3A_41] : memref<128x128xf32, #tpu.memory_space<vmem>> -> memref<128x128xf32, #tpu.memory_space<vmem>>
      %dma_start3A_43 = arith.constant 0 : i32
      %dma_start3A_44 = tpu.memref_slice %arg11[%add3A_8, %dma_start3A_43] : memref<10112x128xf32, #tpu.memory_space<vmem_shared>> -> memref<128x128xf32, #tpu.memory_space<vmem_shared>>
      %dma_start3A_45 = arith.constant 0 : i32
      %dma_start3A_46 = tpu.memref_slice %arg11[%add3A_8, %dma_start3A_45] : memref<10112x128xf32, #tpu.memory_space<vmem_shared>> -> memref<128x128xf32, #tpu.memory_space<vmem_shared>>
      %dma_start3A_47 = arith.constant 0 : i32
      %dma_start3A_48 = arith.constant 0 : i32
      %dma_start3A_49 = tpu.memref_slice %arg9[%dma_start3A_47, %dma_start3A_48] : memref<128x128xf32, #tpu.memory_space<vmem>> -> memref<128x128xf32, #tpu.memory_space<vmem>>
      tpu.enqueue_dma source(%dma_start3A_49 : memref<128x128xf32, #tpu.memory_space<vmem>>) target(%dma_start3A_46 : memref<128x128xf32, #tpu.memory_space<vmem_shared>>) target_semaphore(%run_scoped3A : memref<!tpu.dma_semaphore, #tpu.memory_space<semaphore_mem>>)
      %dma_wait3A = arith.constant 0 : i32
      %dma_wait3A_50 = arith.constant 0 : i32
      %dma_wait3A_51 = tpu.memref_slice %arg9[%dma_wait3A, %dma_wait3A_50] : memref<128x128xf32, #tpu.memory_space<vmem>> -> memref<128x128xf32, #tpu.memory_space<vmem>>
      %dma_wait3A_52 = arith.constant 0 : i32
      %dma_wait3A_53 = tpu.memref_slice %arg11[%add3A_8, %dma_wait3A_52] : memref<10112x128xf32, #tpu.memory_space<vmem_shared>> -> memref<128x128xf32, #tpu.memory_space<vmem_shared>>
      %dma_wait3A_54 = arith.constant 0 : i32
      %dma_wait3A_55 = tpu.memref_slice %arg11[%add3A_8, %dma_wait3A_54] : memref<10112x128xf32, #tpu.memory_space<vmem_shared>> -> memref<128x128xf32, #tpu.memory_space<vmem_shared>>
      %dma_wait3A_56 = arith.constant 0 : i32
      %dma_wait3A_57 = arith.constant 0 : i32
      %dma_wait3A_58 = tpu.memref_slice %arg9[%dma_wait3A_56, %dma_wait3A_57] : memref<128x128xf32, #tpu.memory_space<vmem>> -> memref<128x128xf32, #tpu.memory_space<vmem>>
      tpu.wait_dma2 semaphore(%run_scoped3A : memref<!tpu.dma_semaphore, #tpu.memory_space<semaphore_mem>>) src(%dma_wait3A_58 : memref<128x128xf32, #tpu.memory_space<vmem>>) dst(%dma_wait3A_55 : memref<128x128xf32, #tpu.memory_space<vmem_shared>>)
      tpu.yield
    }) : () -> ()
    %add3A_9 = arith.constant 384 : i32
    %add3A_10 = arith.addi %mul3A_2, %add3A_9 : i32
    "tpu.region"() ({
      %run_scoped3A = tpu.sem_alloc : memref<!tpu.dma_semaphore, #tpu.memory_space<semaphore_mem>>
      %dma_start3A = arith.constant 0 : i32
      %dma_start3A_41 = arith.constant 0 : i32
      %dma_start3A_42 = tpu.memref_slice %arg9[%dma_start3A, %dma_start3A_41] : memref<128x128xf32, #tpu.memory_space<vmem>> -> memref<128x128xf32, #tpu.memory_space<vmem>>
      %dma_start3A_43 = arith.constant 0 : i32
      %dma_start3A_44 = tpu.memref_slice %arg11[%add3A_10, %dma_start3A_43] : memref<10112x128xf32, #tpu.memory_space<vmem_shared>> -> memref<128x128xf32, #tpu.memory_space<vmem_shared>>
      %dma_start3A_45 = arith.constant 0 : i32
      %dma_start3A_46 = tpu.memref_slice %arg11[%add3A_10, %dma_start3A_45] : memref<10112x128xf32, #tpu.memory_space<vmem_shared>> -> memref<128x128xf32, #tpu.memory_space<vmem_shared>>
      %dma_start3A_47 = arith.constant 0 : i32
      %dma_start3A_48 = arith.constant 0 : i32
      %dma_start3A_49 = tpu.memref_slice %arg9[%dma_start3A_47, %dma_start3A_48] : memref<128x128xf32, #tpu.memory_space<vmem>> -> memref<128x128xf32, #tpu.memory_space<vmem>>
      tpu.enqueue_dma source(%dma_start3A_49 : memref<128x128xf32, #tpu.memory_space<vmem>>) target(%dma_start3A_46 : memref<128x128xf32, #tpu.memory_space<vmem_shared>>) target_semaphore(%run_scoped3A : memref<!tpu.dma_semaphore, #tpu.memory_space<semaphore_mem>>)
      %dma_wait3A = arith.constant 0 : i32
      %dma_wait3A_50 = arith.constant 0 : i32
      %dma_wait3A_51 = tpu.memref_slice %arg9[%dma_wait3A, %dma_wait3A_50] : memref<128x128xf32, #tpu.memory_space<vmem>> -> memref<128x128xf32, #tpu.memory_space<vmem>>
      %dma_wait3A_52 = arith.constant 0 : i32
      %dma_wait3A_53 = tpu.memref_slice %arg11[%add3A_10, %dma_wait3A_52] : memref<10112x128xf32, #tpu.memory_space<vmem_shared>> -> memref<128x128xf32, #tpu.memory_space<vmem_shared>>
      %dma_wait3A_54 = arith.constant 0 : i32
      %dma_wait3A_55 = tpu.memref_slice %arg11[%add3A_10, %dma_wait3A_54] : memref<10112x128xf32, #tpu.memory_space<vmem_shared>> -> memref<128x128xf32, #tpu.memory_space<vmem_shared>>
      %dma_wait3A_56 = arith.constant 0 : i32
      %dma_wait3A_57 = arith.constant 0 : i32
      %dma_wait3A_58 = tpu.memref_slice %arg9[%dma_wait3A_56, %dma_wait3A_57] : memref<128x128xf32, #tpu.memory_space<vmem>> -> memref<128x128xf32, #tpu.memory_space<vmem>>
      tpu.wait_dma2 semaphore(%run_scoped3A : memref<!tpu.dma_semaphore, #tpu.memory_space<semaphore_mem>>) src(%dma_wait3A_58 : memref<128x128xf32, #tpu.memory_space<vmem>>) dst(%dma_wait3A_55 : memref<128x128xf32, #tpu.memory_space<vmem_shared>>)
      tpu.yield
    }) : () -> ()
    %add3A_11 = arith.constant 512 : i32
    %add3A_12 = arith.addi %mul3A_2, %add3A_11 : i32
    "tpu.region"() ({
      %run_scoped3A = tpu.sem_alloc : memref<!tpu.dma_semaphore, #tpu.memory_space<semaphore_mem>>
      %dma_start3A = arith.constant 0 : i32
      %dma_start3A_41 = arith.constant 0 : i32
      %dma_start3A_42 = tpu.memref_slice %arg9[%dma_start3A, %dma_start3A_41] : memref<128x128xf32, #tpu.memory_space<vmem>> -> memref<120x128xf32, #tpu.memory_space<vmem>>
      %dma_start3A_43 = arith.constant 0 : i32
      %dma_start3A_44 = tpu.memref_slice %arg11[%add3A_12, %dma_start3A_43] : memref<10112x128xf32, #tpu.memory_space<vmem_shared>> -> memref<120x128xf32, #tpu.memory_space<vmem_shared>>
      %dma_start3A_45 = arith.constant 0 : i32
      %dma_start3A_46 = tpu.memref_slice %arg11[%add3A_12, %dma_start3A_45] : memref<10112x128xf32, #tpu.memory_space<vmem_shared>> -> memref<120x128xf32, #tpu.memory_space<vmem_shared>>
      %dma_start3A_47 = arith.constant 0 : i32
      %dma_start3A_48 = arith.constant 0 : i32
      %dma_start3A_49 = tpu.memref_slice %arg9[%dma_start3A_47, %dma_start3A_48] : memref<128x128xf32, #tpu.memory_space<vmem>> -> memref<120x128xf32, #tpu.memory_space<vmem>>
      tpu.enqueue_dma source(%dma_start3A_49 : memref<120x128xf32, #tpu.memory_space<vmem>>) target(%dma_start3A_46 : memref<120x128xf32, #tpu.memory_space<vmem_shared>>) target_semaphore(%run_scoped3A : memref<!tpu.dma_semaphore, #tpu.memory_space<semaphore_mem>>)
      %dma_wait3A = arith.constant 0 : i32
      %dma_wait3A_50 = arith.constant 0 : i32
      %dma_wait3A_51 = tpu.memref_slice %arg9[%dma_wait3A, %dma_wait3A_50] : memref<128x128xf32, #tpu.memory_space<vmem>> -> memref<120x128xf32, #tpu.memory_space<vmem>>
      %dma_wait3A_52 = arith.constant 0 : i32
      %dma_wait3A_53 = tpu.memref_slice %arg11[%add3A_12, %dma_wait3A_52] : memref<10112x128xf32, #tpu.memory_space<vmem_shared>> -> memref<120x128xf32, #tpu.memory_space<vmem_shared>>
      %dma_wait3A_54 = arith.constant 0 : i32
      %dma_wait3A_55 = tpu.memref_slice %arg11[%add3A_12, %dma_wait3A_54] : memref<10112x128xf32, #tpu.memory_space<vmem_shared>> -> memref<120x128xf32, #tpu.memory_space<vmem_shared>>
      %dma_wait3A_56 = arith.constant 0 : i32
      %dma_wait3A_57 = arith.constant 0 : i32
      %dma_wait3A_58 = tpu.memref_slice %arg9[%dma_wait3A_56, %dma_wait3A_57] : memref<128x128xf32, #tpu.memory_space<vmem>> -> memref<120x128xf32, #tpu.memory_space<vmem>>
      tpu.wait_dma2 semaphore(%run_scoped3A : memref<!tpu.dma_semaphore, #tpu.memory_space<semaphore_mem>>) src(%dma_wait3A_58 : memref<120x128xf32, #tpu.memory_space<vmem>>) dst(%dma_wait3A_55 : memref<120x128xf32, #tpu.memory_space<vmem_shared>>)
      tpu.yield
    }) : () -> ()
    %mul3A_13 = arith.constant 80 : i32
    %mul3A_14 = arith.muli %add3A, %mul3A_13 : i32
    %barrier3A = arith.constant 0 : index
    tpu.barrier barrier_id(%barrier3A)
    %scan3A = arith.constant 0 : i32
    %scan3A_15 = arith.constant 0 : i32
    %scan3A_16 = arith.constant 2 : i32
    %scan3A_17 = arith.addi %scan3A_15, %scan3A_16 : i32
    %scan3A_18 = arith.constant 1 : i32
    scf.for %scan3A_41 = %scan3A_15 to %scan3A_17 step %scan3A_18  : i32 {
      %mul3A_42 = arith.constant 40 : i32
      %mul3A_43 = arith.muli %scan3A_41, %mul3A_42 : i32
      %add3A_44 = arith.addi %mul3A_14, %mul3A_43 : i32
      "tpu.region"() ({
        %run_scoped3A = tpu.sem_alloc : memref<!tpu.dma_semaphore, #tpu.memory_space<semaphore_mem>>
        %dma_start3A = arith.constant 0 : i32
        %dma_start3A_51 = tpu.memref_slice %arg3[%add3A_44, %dma_start3A] : memref<2560x128xi32, #tpu.memory_space<hbm>> -> memref<40x128xi32, #tpu.memory_space<hbm>>
        %dma_start3A_52 = arith.constant 0 : i32
        %dma_start3A_53 = tpu.memref_slice %arg3[%add3A_44, %dma_start3A_52] : memref<2560x128xi32, #tpu.memory_space<hbm>> -> memref<40x128xi32, #tpu.memory_space<hbm>>
        tpu.enqueue_dma source(%dma_start3A_53 : memref<40x128xi32, #tpu.memory_space<hbm>>) target(%arg7 : memref<40x128xi32, #tpu.memory_space<vmem>>) target_semaphore(%run_scoped3A : memref<!tpu.dma_semaphore, #tpu.memory_space<semaphore_mem>>)
        %dma_wait3A = arith.constant 0 : i32
        %dma_wait3A_54 = tpu.memref_slice %arg3[%add3A_44, %dma_wait3A] : memref<2560x128xi32, #tpu.memory_space<hbm>> -> memref<40x128xi32, #tpu.memory_space<hbm>>
        %dma_wait3A_55 = arith.constant 0 : i32
        %dma_wait3A_56 = tpu.memref_slice %arg3[%add3A_44, %dma_wait3A_55] : memref<2560x128xi32, #tpu.memory_space<hbm>> -> memref<40x128xi32, #tpu.memory_space<hbm>>
        tpu.wait_dma2 semaphore(%run_scoped3A : memref<!tpu.dma_semaphore, #tpu.memory_space<semaphore_mem>>) src(%dma_wait3A_56 : memref<40x128xi32, #tpu.memory_space<hbm>>) dst(%arg7 : memref<40x128xi32, #tpu.memory_space<vmem>>)
        tpu.yield
      }) : () -> ()
      "tpu.region"() ({
        %run_scoped3A = tpu.sem_alloc : memref<!tpu.dma_semaphore, #tpu.memory_space<semaphore_mem>>
        %dma_start3A = arith.constant 0 : i32
        %dma_start3A_51 = tpu.memref_slice %arg4[%add3A_44, %dma_start3A] : memref<2560x128xi32, #tpu.memory_space<hbm>> -> memref<40x128xi32, #tpu.memory_space<hbm>>
        %dma_start3A_52 = arith.constant 0 : i32
        %dma_start3A_53 = tpu.memref_slice %arg4[%add3A_44, %dma_start3A_52] : memref<2560x128xi32, #tpu.memory_space<hbm>> -> memref<40x128xi32, #tpu.memory_space<hbm>>
        tpu.enqueue_dma source(%dma_start3A_53 : memref<40x128xi32, #tpu.memory_space<hbm>>) target(%arg8 : memref<40x128xi32, #tpu.memory_space<vmem>>) target_semaphore(%run_scoped3A : memref<!tpu.dma_semaphore, #tpu.memory_space<semaphore_mem>>)
        %dma_wait3A = arith.constant 0 : i32
        %dma_wait3A_54 = tpu.memref_slice %arg4[%add3A_44, %dma_wait3A] : memref<2560x128xi32, #tpu.memory_space<hbm>> -> memref<40x128xi32, #tpu.memory_space<hbm>>
        %dma_wait3A_55 = arith.constant 0 : i32
        %dma_wait3A_56 = tpu.memref_slice %arg4[%add3A_44, %dma_wait3A_55] : memref<2560x128xi32, #tpu.memory_space<hbm>> -> memref<40x128xi32, #tpu.memory_space<hbm>>
        tpu.wait_dma2 semaphore(%run_scoped3A : memref<!tpu.dma_semaphore, #tpu.memory_space<semaphore_mem>>) src(%dma_wait3A_56 : memref<40x128xi32, #tpu.memory_space<hbm>>) dst(%arg8 : memref<40x128xi32, #tpu.memory_space<vmem>>)
        tpu.yield
      }) : () -> ()
      %scan3A_45 = arith.constant 0 : i32
      %scan3A_46 = arith.constant 0 : i32
      %scan3A_47 = arith.constant 40 : i32
      %scan3A_48 = arith.addi %scan3A_46, %scan3A_47 : i32
      %scan3A_49 = arith.constant 1 : i32
      scf.for %scan3A_51 = %scan3A_46 to %scan3A_48 step %scan3A_49  : i32 {
        %dma_start3A = arith.constant 0 : i32
        %dma_start3A_52 = tpu.memref_slice %arg7[%scan3A_51, %dma_start3A] : memref<40x128xi32, #tpu.memory_space<vmem>> -> memref<1x128xi32, #tpu.memory_space<vmem>>
        %dma_start3A_53 = tpu.memref_squeeze %dma_start3A_52 : memref<1x128xi32, #tpu.memory_space<vmem>> -> memref<128xi32, #tpu.memory_space<vmem>>
        %dma_start3A_54 = arith.constant 0 : i32
        %dma_start3A_55 = arith.constant 0 : i32
        %dma_start3A_56 = tpu.memref_slice %arg2[%dma_start3A_54, %dma_start3A_55] : memref<10000x128xf32, #tpu.memory_space<hbm>> -> memref<10000x128xf32, #tpu.memory_space<hbm>>
        tpu.enqueue_indirect_dma source(%dma_start3A_56 : memref<10000x128xf32, #tpu.memory_space<hbm>>) target(%arg9 : memref<128x128xf32, #tpu.memory_space<vmem>>) offsets(%dma_start3A_53 : memref<128xi32, #tpu.memory_space<vmem>>) semaphore(%arg12 : memref<!tpu.dma_semaphore, #tpu.memory_space<semaphore_mem>>)
        %dma_wait3A = arith.constant 0 : i32
        %dma_wait3A_57 = tpu.memref_slice %arg7[%scan3A_51, %dma_wait3A] : memref<40x128xi32, #tpu.memory_space<vmem>> -> memref<1x128xi32, #tpu.memory_space<vmem>>
        %dma_wait3A_58 = tpu.memref_squeeze %dma_wait3A_57 : memref<1x128xi32, #tpu.memory_space<vmem>> -> memref<128xi32, #tpu.memory_space<vmem>>
        %dma_wait3A_59 = arith.constant 0 : i32
        %dma_wait3A_60 = arith.constant 0 : i32
        %dma_wait3A_61 = tpu.memref_slice %arg2[%dma_wait3A_59, %dma_wait3A_60] : memref<10000x128xf32, #tpu.memory_space<hbm>> -> memref<10000x128xf32, #tpu.memory_space<hbm>>
        tpu.wait_indirect_dma semaphore(%arg12 : memref<!tpu.dma_semaphore, #tpu.memory_space<semaphore_mem>>) src(%dma_wait3A_61 : memref<10000x128xf32, #tpu.memory_space<hbm>>) dst(%arg9 : memref<128x128xf32, #tpu.memory_space<vmem>>)
        "tpu.region"() ({
          %run_scoped3A = tpu.sem_alloc : memref<!tpu.dma_semaphore, #tpu.memory_space<semaphore_mem>>
          %dma_start3A_62 = arith.constant 0 : i32
          %dma_start3A_63 = tpu.memref_slice %arg8[%scan3A_51, %dma_start3A_62] : memref<40x128xi32, #tpu.memory_space<vmem>> -> memref<1x128xi32, #tpu.memory_space<vmem>>
          %dma_start3A_64 = tpu.memref_squeeze %dma_start3A_63 : memref<1x128xi32, #tpu.memory_space<vmem>> -> memref<128xi32, #tpu.memory_space<vmem>>
          %dma_start3A_65 = arith.constant 0 : i32
          %dma_start3A_66 = arith.constant 0 : i32
          %dma_start3A_67 = tpu.memref_slice %arg11[%dma_start3A_65, %dma_start3A_66] : memref<10112x128xf32, #tpu.memory_space<vmem_shared>> -> memref<10112x128xf32, #tpu.memory_space<vmem_shared>>
          tpu.enqueue_indirect_dma source(%arg9 : memref<128x128xf32, #tpu.memory_space<vmem>>) target(%dma_start3A_67 : memref<10112x128xf32, #tpu.memory_space<vmem_shared>>) offsets(%dma_start3A_64 : memref<128xi32, #tpu.memory_space<vmem>>) semaphore(%run_scoped3A : memref<!tpu.dma_semaphore, #tpu.memory_space<semaphore_mem>>) {add = true}
          %dma_wait3A_68 = arith.constant 0 : i32
          %dma_wait3A_69 = tpu.memref_slice %arg8[%scan3A_51, %dma_wait3A_68] : memref<40x128xi32, #tpu.memory_space<vmem>> -> memref<1x128xi32, #tpu.memory_space<vmem>>
          %dma_wait3A_70 = tpu.memref_squeeze %dma_wait3A_69 : memref<1x128xi32, #tpu.memory_space<vmem>> -> memref<128xi32, #tpu.memory_space<vmem>>
          %dma_wait3A_71 = arith.constant 0 : i32
          %dma_wait3A_72 = arith.constant 0 : i32
          %dma_wait3A_73 = tpu.memref_slice %arg11[%dma_wait3A_71, %dma_wait3A_72] : memref<10112x128xf32, #tpu.memory_space<vmem_shared>> -> memref<10112x128xf32, #tpu.memory_space<vmem_shared>>
          tpu.wait_indirect_dma semaphore(%run_scoped3A : memref<!tpu.dma_semaphore, #tpu.memory_space<semaphore_mem>>) src(%arg9 : memref<128x128xf32, #tpu.memory_space<vmem>>) dst(%dma_wait3A_73 : memref<10112x128xf32, #tpu.memory_space<vmem_shared>>)
          tpu.yield
        }) : () -> ()
      }
      %scan3A_50 = arith.constant 40 : i32
    }
    %scan3A_19 = arith.constant 2 : i32
    %barrier3A_20 = arith.constant 0 : index
    tpu.barrier barrier_id(%barrier3A_20)
    %add3A_21 = arith.constant 0 : i32
    %add3A_22 = arith.addi %mul3A_2, %add3A_21 : i32
    "tpu.region"() ({
      %run_scoped3A = tpu.sem_alloc : memref<!tpu.dma_semaphore, #tpu.memory_space<semaphore_mem>>
      %dma_start3A = arith.constant 0 : i32
      %dma_start3A_41 = arith.constant 0 : i32
      %dma_start3A_42 = tpu.memref_slice %arg9[%dma_start3A, %dma_start3A_41] : memref<128x128xf32, #tpu.memory_space<vmem>> -> memref<128x128xf32, #tpu.memory_space<vmem>>
      %dma_start3A_43 = arith.constant 0 : i32
      %dma_start3A_44 = tpu.memref_slice %arg11[%add3A_22, %dma_start3A_43] : memref<10112x128xf32, #tpu.memory_space<vmem_shared>> -> memref<128x128xf32, #tpu.memory_space<vmem_shared>>
      %dma_start3A_45 = arith.constant 0 : i32
      %dma_start3A_46 = arith.constant 0 : i32
      %dma_start3A_47 = tpu.memref_slice %arg9[%dma_start3A_45, %dma_start3A_46] : memref<128x128xf32, #tpu.memory_space<vmem>> -> memref<128x128xf32, #tpu.memory_space<vmem>>
      %dma_start3A_48 = arith.constant 0 : i32
      %dma_start3A_49 = tpu.memref_slice %arg11[%add3A_22, %dma_start3A_48] : memref<10112x128xf32, #tpu.memory_space<vmem_shared>> -> memref<128x128xf32, #tpu.memory_space<vmem_shared>>
      tpu.enqueue_dma source(%dma_start3A_49 : memref<128x128xf32, #tpu.memory_space<vmem_shared>>) target(%dma_start3A_47 : memref<128x128xf32, #tpu.memory_space<vmem>>) target_semaphore(%run_scoped3A : memref<!tpu.dma_semaphore, #tpu.memory_space<semaphore_mem>>)
      %dma_wait3A = arith.constant 0 : i32
      %dma_wait3A_50 = arith.constant 0 : i32
      %dma_wait3A_51 = tpu.memref_slice %arg9[%dma_wait3A, %dma_wait3A_50] : memref<128x128xf32, #tpu.memory_space<vmem>> -> memref<128x128xf32, #tpu.memory_space<vmem>>
      %dma_wait3A_52 = arith.constant 0 : i32
      %dma_wait3A_53 = tpu.memref_slice %arg11[%add3A_22, %dma_wait3A_52] : memref<10112x128xf32, #tpu.memory_space<vmem_shared>> -> memref<128x128xf32, #tpu.memory_space<vmem_shared>>
      %dma_wait3A_54 = arith.constant 0 : i32
      %dma_wait3A_55 = arith.constant 0 : i32
      %dma_wait3A_56 = tpu.memref_slice %arg9[%dma_wait3A_54, %dma_wait3A_55] : memref<128x128xf32, #tpu.memory_space<vmem>> -> memref<128x128xf32, #tpu.memory_space<vmem>>
      %dma_wait3A_57 = arith.constant 0 : i32
      %dma_wait3A_58 = tpu.memref_slice %arg11[%add3A_22, %dma_wait3A_57] : memref<10112x128xf32, #tpu.memory_space<vmem_shared>> -> memref<128x128xf32, #tpu.memory_space<vmem_shared>>
      tpu.wait_dma2 semaphore(%run_scoped3A : memref<!tpu.dma_semaphore, #tpu.memory_space<semaphore_mem>>) src(%dma_wait3A_58 : memref<128x128xf32, #tpu.memory_space<vmem_shared>>) dst(%dma_wait3A_56 : memref<128x128xf32, #tpu.memory_space<vmem>>)
      tpu.yield
    }) : () -> ()
    %add3A_23 = arith.constant 0 : i32
    %add3A_24 = arith.addi %mul3A_2, %add3A_23 : i32
    "tpu.region"() ({
      %run_scoped3A = tpu.sem_alloc : memref<!tpu.dma_semaphore, #tpu.memory_space<semaphore_mem>>
      %dma_start3A = arith.constant 0 : i32
      %dma_start3A_41 = arith.constant 0 : i32
      %dma_start3A_42 = tpu.memref_slice %arg9[%dma_start3A, %dma_start3A_41] : memref<128x128xf32, #tpu.memory_space<vmem>> -> memref<128x128xf32, #tpu.memory_space<vmem>>
      %dma_start3A_43 = arith.constant 0 : i32
      %dma_start3A_44 = tpu.memref_slice %arg6[%arg0, %add3A_24, %dma_start3A_43] : memref<2x10112x128xf32, #tpu.memory_space<hbm>> -> memref<1x128x128xf32, #tpu.memory_space<hbm>>
      %dma_start3A_45 = tpu.memref_squeeze %dma_start3A_44 : memref<1x128x128xf32, #tpu.memory_space<hbm>> -> memref<128x128xf32, #tpu.memory_space<hbm>>
      %dma_start3A_46 = arith.constant 0 : i32
      %dma_start3A_47 = tpu.memref_slice %arg6[%arg0, %add3A_24, %dma_start3A_46] : memref<2x10112x128xf32, #tpu.memory_space<hbm>> -> memref<1x128x128xf32, #tpu.memory_space<hbm>>
      %dma_start3A_48 = tpu.memref_squeeze %dma_start3A_47 : memref<1x128x128xf32, #tpu.memory_space<hbm>> -> memref<128x128xf32, #tpu.memory_space<hbm>>
      %dma_start3A_49 = arith.constant 0 : i32
      %dma_start3A_50 = arith.constant 0 : i32
      %dma_start3A_51 = tpu.memref_slice %arg9[%dma_start3A_49, %dma_start3A_50] : memref<128x128xf32, #tpu.memory_space<vmem>> -> memref<128x128xf32, #tpu.memory_space<vmem>>
      tpu.enqueue_dma source(%dma_start3A_51 : memref<128x128xf32, #tpu.memory_space<vmem>>) target(%dma_start3A_48 : memref<128x128xf32, #tpu.memory_space<hbm>>) target_semaphore(%run_scoped3A : memref<!tpu.dma_semaphore, #tpu.memory_space<semaphore_mem>>)
      %dma_wait3A = arith.constant 0 : i32
      %dma_wait3A_52 = arith.constant 0 : i32
      %dma_wait3A_53 = tpu.memref_slice %arg9[%dma_wait3A, %dma_wait3A_52] : memref<128x128xf32, #tpu.memory_space<vmem>> -> memref<128x128xf32, #tpu.memory_space<vmem>>
      %dma_wait3A_54 = arith.constant 0 : i32
      %dma_wait3A_55 = tpu.memref_slice %arg6[%arg0, %add3A_24, %dma_wait3A_54] : memref<2x10112x128xf32, #tpu.memory_space<hbm>> -> memref<1x128x128xf32, #tpu.memory_space<hbm>>
      %dma_wait3A_56 = tpu.memref_squeeze %dma_wait3A_55 : memref<1x128x128xf32, #tpu.memory_space<hbm>> -> memref<128x128xf32, #tpu.memory_space<hbm>>
      %dma_wait3A_57 = arith.constant 0 : i32
      %dma_wait3A_58 = tpu.memref_slice %arg6[%arg0, %add3A_24, %dma_wait3A_57] : memref<2x10112x128xf32, #tpu.memory_space<hbm>> -> memref<1x128x128xf32, #tpu.memory_space<hbm>>
      %dma_wait3A_59 = tpu.memref_squeeze %dma_wait3A_58 : memref<1x128x128xf32, #tpu.memory_space<hbm>> -> memref<128x128xf32, #tpu.memory_space<hbm>>
      %dma_wait3A_60 = arith.constant 0 : i32
      %dma_wait3A_61 = arith.constant 0 : i32
      %dma_wait3A_62 = tpu.memref_slice %arg9[%dma_wait3A_60, %dma_wait3A_61] : memref<128x128xf32, #tpu.memory_space<vmem>> -> memref<128x128xf32, #tpu.memory_space<vmem>>
      tpu.wait_dma2 semaphore(%run_scoped3A : memref<!tpu.dma_semaphore, #tpu.memory_space<semaphore_mem>>) src(%dma_wait3A_62 : memref<128x128xf32, #tpu.memory_space<vmem>>) dst(%dma_wait3A_59 : memref<128x128xf32, #tpu.memory_space<hbm>>)
      tpu.yield
    }) : () -> ()
    %add3A_25 = arith.constant 128 : i32
    %add3A_26 = arith.addi %mul3A_2, %add3A_25 : i32
    "tpu.region"() ({
      %run_scoped3A = tpu.sem_alloc : memref<!tpu.dma_semaphore, #tpu.memory_space<semaphore_mem>>
      %dma_start3A = arith.constant 0 : i32
      %dma_start3A_41 = arith.constant 0 : i32
      %dma_start3A_42 = tpu.memref_slice %arg9[%dma_start3A, %dma_start3A_41] : memref<128x128xf32, #tpu.memory_space<vmem>> -> memref<128x128xf32, #tpu.memory_space<vmem>>
      %dma_start3A_43 = arith.constant 0 : i32
      %dma_start3A_44 = tpu.memref_slice %arg11[%add3A_26, %dma_start3A_43] : memref<10112x128xf32, #tpu.memory_space<vmem_shared>> -> memref<128x128xf32, #tpu.memory_space<vmem_shared>>
      %dma_start3A_45 = arith.constant 0 : i32
      %dma_start3A_46 = arith.constant 0 : i32
      %dma_start3A_47 = tpu.memref_slice %arg9[%dma_start3A_45, %dma_start3A_46] : memref<128x128xf32, #tpu.memory_space<vmem>> -> memref<128x128xf32, #tpu.memory_space<vmem>>
      %dma_start3A_48 = arith.constant 0 : i32
      %dma_start3A_49 = tpu.memref_slice %arg11[%add3A_26, %dma_start3A_48] : memref<10112x128xf32, #tpu.memory_space<vmem_shared>> -> memref<128x128xf32, #tpu.memory_space<vmem_shared>>
      tpu.enqueue_dma source(%dma_start3A_49 : memref<128x128xf32, #tpu.memory_space<vmem_shared>>) target(%dma_start3A_47 : memref<128x128xf32, #tpu.memory_space<vmem>>) target_semaphore(%run_scoped3A : memref<!tpu.dma_semaphore, #tpu.memory_space<semaphore_mem>>)
      %dma_wait3A = arith.constant 0 : i32
      %dma_wait3A_50 = arith.constant 0 : i32
      %dma_wait3A_51 = tpu.memref_slice %arg9[%dma_wait3A, %dma_wait3A_50] : memref<128x128xf32, #tpu.memory_space<vmem>> -> memref<128x128xf32, #tpu.memory_space<vmem>>
      %dma_wait3A_52 = arith.constant 0 : i32
      %dma_wait3A_53 = tpu.memref_slice %arg11[%add3A_26, %dma_wait3A_52] : memref<10112x128xf32, #tpu.memory_space<vmem_shared>> -> memref<128x128xf32, #tpu.memory_space<vmem_shared>>
      %dma_wait3A_54 = arith.constant 0 : i32
      %dma_wait3A_55 = arith.constant 0 : i32
      %dma_wait3A_56 = tpu.memref_slice %arg9[%dma_wait3A_54, %dma_wait3A_55] : memref<128x128xf32, #tpu.memory_space<vmem>> -> memref<128x128xf32, #tpu.memory_space<vmem>>
      %dma_wait3A_57 = arith.constant 0 : i32
      %dma_wait3A_58 = tpu.memref_slice %arg11[%add3A_26, %dma_wait3A_57] : memref<10112x128xf32, #tpu.memory_space<vmem_shared>> -> memref<128x128xf32, #tpu.memory_space<vmem_shared>>
      tpu.wait_dma2 semaphore(%run_scoped3A : memref<!tpu.dma_semaphore, #tpu.memory_space<semaphore_mem>>) src(%dma_wait3A_58 : memref<128x128xf32, #tpu.memory_space<vmem_shared>>) dst(%dma_wait3A_56 : memref<128x128xf32, #tpu.memory_space<vmem>>)
      tpu.yield
    }) : () -> ()
    %add3A_27 = arith.constant 128 : i32
    %add3A_28 = arith.addi %mul3A_2, %add3A_27 : i32
    "tpu.region"() ({
      %run_scoped3A = tpu.sem_alloc : memref<!tpu.dma_semaphore, #tpu.memory_space<semaphore_mem>>
      %dma_start3A = arith.constant 0 : i32
      %dma_start3A_41 = arith.constant 0 : i32
      %dma_start3A_42 = tpu.memref_slice %arg9[%dma_start3A, %dma_start3A_41] : memref<128x128xf32, #tpu.memory_space<vmem>> -> memref<128x128xf32, #tpu.memory_space<vmem>>
      %dma_start3A_43 = arith.constant 0 : i32
      %dma_start3A_44 = tpu.memref_slice %arg6[%arg0, %add3A_28, %dma_start3A_43] : memref<2x10112x128xf32, #tpu.memory_space<hbm>> -> memref<1x128x128xf32, #tpu.memory_space<hbm>>
      %dma_start3A_45 = tpu.memref_squeeze %dma_start3A_44 : memref<1x128x128xf32, #tpu.memory_space<hbm>> -> memref<128x128xf32, #tpu.memory_space<hbm>>
      %dma_start3A_46 = arith.constant 0 : i32
      %dma_start3A_47 = tpu.memref_slice %arg6[%arg0, %add3A_28, %dma_start3A_46] : memref<2x10112x128xf32, #tpu.memory_space<hbm>> -> memref<1x128x128xf32, #tpu.memory_space<hbm>>
      %dma_start3A_48 = tpu.memref_squeeze %dma_start3A_47 : memref<1x128x128xf32, #tpu.memory_space<hbm>> -> memref<128x128xf32, #tpu.memory_space<hbm>>
      %dma_start3A_49 = arith.constant 0 : i32
      %dma_start3A_50 = arith.constant 0 : i32
      %dma_start3A_51 = tpu.memref_slice %arg9[%dma_start3A_49, %dma_start3A_50] : memref<128x128xf32, #tpu.memory_space<vmem>> -> memref<128x128xf32, #tpu.memory_space<vmem>>
      tpu.enqueue_dma source(%dma_start3A_51 : memref<128x128xf32, #tpu.memory_space<vmem>>) target(%dma_start3A_48 : memref<128x128xf32, #tpu.memory_space<hbm>>) target_semaphore(%run_scoped3A : memref<!tpu.dma_semaphore, #tpu.memory_space<semaphore_mem>>)
      %dma_wait3A = arith.constant 0 : i32
      %dma_wait3A_52 = arith.constant 0 : i32
      %dma_wait3A_53 = tpu.memref_slice %arg9[%dma_wait3A, %dma_wait3A_52] : memref<128x128xf32, #tpu.memory_space<vmem>> -> memref<128x128xf32, #tpu.memory_space<vmem>>
      %dma_wait3A_54 = arith.constant 0 : i32
      %dma_wait3A_55 = tpu.memref_slice %arg6[%arg0, %add3A_28, %dma_wait3A_54] : memref<2x10112x128xf32, #tpu.memory_space<hbm>> -> memref<1x128x128xf32, #tpu.memory_space<hbm>>
      %dma_wait3A_56 = tpu.memref_squeeze %dma_wait3A_55 : memref<1x128x128xf32, #tpu.memory_space<hbm>> -> memref<128x128xf32, #tpu.memory_space<hbm>>
      %dma_wait3A_57 = arith.constant 0 : i32
      %dma_wait3A_58 = tpu.memref_slice %arg6[%arg0, %add3A_28, %dma_wait3A_57] : memref<2x10112x128xf32, #tpu.memory_space<hbm>> -> memref<1x128x128xf32, #tpu.memory_space<hbm>>
      %dma_wait3A_59 = tpu.memref_squeeze %dma_wait3A_58 : memref<1x128x128xf32, #tpu.memory_space<hbm>> -> memref<128x128xf32, #tpu.memory_space<hbm>>
      %dma_wait3A_60 = arith.constant 0 : i32
      %dma_wait3A_61 = arith.constant 0 : i32
      %dma_wait3A_62 = tpu.memref_slice %arg9[%dma_wait3A_60, %dma_wait3A_61] : memref<128x128xf32, #tpu.memory_space<vmem>> -> memref<128x128xf32, #tpu.memory_space<vmem>>
      tpu.wait_dma2 semaphore(%run_scoped3A : memref<!tpu.dma_semaphore, #tpu.memory_space<semaphore_mem>>) src(%dma_wait3A_62 : memref<128x128xf32, #tpu.memory_space<vmem>>) dst(%dma_wait3A_59 : memref<128x128xf32, #tpu.memory_space<hbm>>)
      tpu.yield
    }) : () -> ()
    %add3A_29 = arith.constant 256 : i32
    %add3A_30 = arith.addi %mul3A_2, %add3A_29 : i32
    "tpu.region"() ({
      %run_scoped3A = tpu.sem_alloc : memref<!tpu.dma_semaphore, #tpu.memory_space<semaphore_mem>>
      %dma_start3A = arith.constant 0 : i32
      %dma_start3A_41 = arith.constant 0 : i32
      %dma_start3A_42 = tpu.memref_slice %arg9[%dma_start3A, %dma_start3A_41] : memref<128x128xf32, #tpu.memory_space<vmem>> -> memref<128x128xf32, #tpu.memory_space<vmem>>
      %dma_start3A_43 = arith.constant 0 : i32
      %dma_start3A_44 = tpu.memref_slice %arg11[%add3A_30, %dma_start3A_43] : memref<10112x128xf32, #tpu.memory_space<vmem_shared>> -> memref<128x128xf32, #tpu.memory_space<vmem_shared>>
      %dma_start3A_45 = arith.constant 0 : i32
      %dma_start3A_46 = arith.constant 0 : i32
      %dma_start3A_47 = tpu.memref_slice %arg9[%dma_start3A_45, %dma_start3A_46] : memref<128x128xf32, #tpu.memory_space<vmem>> -> memref<128x128xf32, #tpu.memory_space<vmem>>
      %dma_start3A_48 = arith.constant 0 : i32
      %dma_start3A_49 = tpu.memref_slice %arg11[%add3A_30, %dma_start3A_48] : memref<10112x128xf32, #tpu.memory_space<vmem_shared>> -> memref<128x128xf32, #tpu.memory_space<vmem_shared>>
      tpu.enqueue_dma source(%dma_start3A_49 : memref<128x128xf32, #tpu.memory_space<vmem_shared>>) target(%dma_start3A_47 : memref<128x128xf32, #tpu.memory_space<vmem>>) target_semaphore(%run_scoped3A : memref<!tpu.dma_semaphore, #tpu.memory_space<semaphore_mem>>)
      %dma_wait3A = arith.constant 0 : i32
      %dma_wait3A_50 = arith.constant 0 : i32
      %dma_wait3A_51 = tpu.memref_slice %arg9[%dma_wait3A, %dma_wait3A_50] : memref<128x128xf32, #tpu.memory_space<vmem>> -> memref<128x128xf32, #tpu.memory_space<vmem>>
      %dma_wait3A_52 = arith.constant 0 : i32
      %dma_wait3A_53 = tpu.memref_slice %arg11[%add3A_30, %dma_wait3A_52] : memref<10112x128xf32, #tpu.memory_space<vmem_shared>> -> memref<128x128xf32, #tpu.memory_space<vmem_shared>>
      %dma_wait3A_54 = arith.constant 0 : i32
      %dma_wait3A_55 = arith.constant 0 : i32
      %dma_wait3A_56 = tpu.memref_slice %arg9[%dma_wait3A_54, %dma_wait3A_55] : memref<128x128xf32, #tpu.memory_space<vmem>> -> memref<128x128xf32, #tpu.memory_space<vmem>>
      %dma_wait3A_57 = arith.constant 0 : i32
      %dma_wait3A_58 = tpu.memref_slice %arg11[%add3A_30, %dma_wait3A_57] : memref<10112x128xf32, #tpu.memory_space<vmem_shared>> -> memref<128x128xf32, #tpu.memory_space<vmem_shared>>
      tpu.wait_dma2 semaphore(%run_scoped3A : memref<!tpu.dma_semaphore, #tpu.memory_space<semaphore_mem>>) src(%dma_wait3A_58 : memref<128x128xf32, #tpu.memory_space<vmem_shared>>) dst(%dma_wait3A_56 : memref<128x128xf32, #tpu.memory_space<vmem>>)
      tpu.yield
    }) : () -> ()
    %add3A_31 = arith.constant 256 : i32
    %add3A_32 = arith.addi %mul3A_2, %add3A_31 : i32
    "tpu.region"() ({
      %run_scoped3A = tpu.sem_alloc : memref<!tpu.dma_semaphore, #tpu.memory_space<semaphore_mem>>
      %dma_start3A = arith.constant 0 : i32
      %dma_start3A_41 = arith.constant 0 : i32
      %dma_start3A_42 = tpu.memref_slice %arg9[%dma_start3A, %dma_start3A_41] : memref<128x128xf32, #tpu.memory_space<vmem>> -> memref<128x128xf32, #tpu.memory_space<vmem>>
      %dma_start3A_43 = arith.constant 0 : i32
      %dma_start3A_44 = tpu.memref_slice %arg6[%arg0, %add3A_32, %dma_start3A_43] : memref<2x10112x128xf32, #tpu.memory_space<hbm>> -> memref<1x128x128xf32, #tpu.memory_space<hbm>>
      %dma_start3A_45 = tpu.memref_squeeze %dma_start3A_44 : memref<1x128x128xf32, #tpu.memory_space<hbm>> -> memref<128x128xf32, #tpu.memory_space<hbm>>
      %dma_start3A_46 = arith.constant 0 : i32
      %dma_start3A_47 = tpu.memref_slice %arg6[%arg0, %add3A_32, %dma_start3A_46] : memref<2x10112x128xf32, #tpu.memory_space<hbm>> -> memref<1x128x128xf32, #tpu.memory_space<hbm>>
      %dma_start3A_48 = tpu.memref_squeeze %dma_start3A_47 : memref<1x128x128xf32, #tpu.memory_space<hbm>> -> memref<128x128xf32, #tpu.memory_space<hbm>>
      %dma_start3A_49 = arith.constant 0 : i32
      %dma_start3A_50 = arith.constant 0 : i32
      %dma_start3A_51 = tpu.memref_slice %arg9[%dma_start3A_49, %dma_start3A_50] : memref<128x128xf32, #tpu.memory_space<vmem>> -> memref<128x128xf32, #tpu.memory_space<vmem>>
      tpu.enqueue_dma source(%dma_start3A_51 : memref<128x128xf32, #tpu.memory_space<vmem>>) target(%dma_start3A_48 : memref<128x128xf32, #tpu.memory_space<hbm>>) target_semaphore(%run_scoped3A : memref<!tpu.dma_semaphore, #tpu.memory_space<semaphore_mem>>)
      %dma_wait3A = arith.constant 0 : i32
      %dma_wait3A_52 = arith.constant 0 : i32
      %dma_wait3A_53 = tpu.memref_slice %arg9[%dma_wait3A, %dma_wait3A_52] : memref<128x128xf32, #tpu.memory_space<vmem>> -> memref<128x128xf32, #tpu.memory_space<vmem>>
      %dma_wait3A_54 = arith.constant 0 : i32
      %dma_wait3A_55 = tpu.memref_slice %arg6[%arg0, %add3A_32, %dma_wait3A_54] : memref<2x10112x128xf32, #tpu.memory_space<hbm>> -> memref<1x128x128xf32, #tpu.memory_space<hbm>>
      %dma_wait3A_56 = tpu.memref_squeeze %dma_wait3A_55 : memref<1x128x128xf32, #tpu.memory_space<hbm>> -> memref<128x128xf32, #tpu.memory_space<hbm>>
      %dma_wait3A_57 = arith.constant 0 : i32
      %dma_wait3A_58 = tpu.memref_slice %arg6[%arg0, %add3A_32, %dma_wait3A_57] : memref<2x10112x128xf32, #tpu.memory_space<hbm>> -> memref<1x128x128xf32, #tpu.memory_space<hbm>>
      %dma_wait3A_59 = tpu.memref_squeeze %dma_wait3A_58 : memref<1x128x128xf32, #tpu.memory_space<hbm>> -> memref<128x128xf32, #tpu.memory_space<hbm>>
      %dma_wait3A_60 = arith.constant 0 : i32
      %dma_wait3A_61 = arith.constant 0 : i32
      %dma_wait3A_62 = tpu.memref_slice %arg9[%dma_wait3A_60, %dma_wait3A_61] : memref<128x128xf32, #tpu.memory_space<vmem>> -> memref<128x128xf32, #tpu.memory_space<vmem>>
      tpu.wait_dma2 semaphore(%run_scoped3A : memref<!tpu.dma_semaphore, #tpu.memory_space<semaphore_mem>>) src(%dma_wait3A_62 : memref<128x128xf32, #tpu.memory_space<vmem>>) dst(%dma_wait3A_59 : memref<128x128xf32, #tpu.memory_space<hbm>>)
      tpu.yield
    }) : () -> ()
    %add3A_33 = arith.constant 384 : i32
    %add3A_34 = arith.addi %mul3A_2, %add3A_33 : i32
    "tpu.region"() ({
      %run_scoped3A = tpu.sem_alloc : memref<!tpu.dma_semaphore, #tpu.memory_space<semaphore_mem>>
      %dma_start3A = arith.constant 0 : i32
      %dma_start3A_41 = arith.constant 0 : i32
      %dma_start3A_42 = tpu.memref_slice %arg9[%dma_start3A, %dma_start3A_41] : memref<128x128xf32, #tpu.memory_space<vmem>> -> memref<128x128xf32, #tpu.memory_space<vmem>>
      %dma_start3A_43 = arith.constant 0 : i32
      %dma_start3A_44 = tpu.memref_slice %arg11[%add3A_34, %dma_start3A_43] : memref<10112x128xf32, #tpu.memory_space<vmem_shared>> -> memref<128x128xf32, #tpu.memory_space<vmem_shared>>
      %dma_start3A_45 = arith.constant 0 : i32
      %dma_start3A_46 = arith.constant 0 : i32
      %dma_start3A_47 = tpu.memref_slice %arg9[%dma_start3A_45, %dma_start3A_46] : memref<128x128xf32, #tpu.memory_space<vmem>> -> memref<128x128xf32, #tpu.memory_space<vmem>>
      %dma_start3A_48 = arith.constant 0 : i32
      %dma_start3A_49 = tpu.memref_slice %arg11[%add3A_34, %dma_start3A_48] : memref<10112x128xf32, #tpu.memory_space<vmem_shared>> -> memref<128x128xf32, #tpu.memory_space<vmem_shared>>
      tpu.enqueue_dma source(%dma_start3A_49 : memref<128x128xf32, #tpu.memory_space<vmem_shared>>) target(%dma_start3A_47 : memref<128x128xf32, #tpu.memory_space<vmem>>) target_semaphore(%run_scoped3A : memref<!tpu.dma_semaphore, #tpu.memory_space<semaphore_mem>>)
      %dma_wait3A = arith.constant 0 : i32
      %dma_wait3A_50 = arith.constant 0 : i32
      %dma_wait3A_51 = tpu.memref_slice %arg9[%dma_wait3A, %dma_wait3A_50] : memref<128x128xf32, #tpu.memory_space<vmem>> -> memref<128x128xf32, #tpu.memory_space<vmem>>
      %dma_wait3A_52 = arith.constant 0 : i32
      %dma_wait3A_53 = tpu.memref_slice %arg11[%add3A_34, %dma_wait3A_52] : memref<10112x128xf32, #tpu.memory_space<vmem_shared>> -> memref<128x128xf32, #tpu.memory_space<vmem_shared>>
      %dma_wait3A_54 = arith.constant 0 : i32
      %dma_wait3A_55 = arith.constant 0 : i32
      %dma_wait3A_56 = tpu.memref_slice %arg9[%dma_wait3A_54, %dma_wait3A_55] : memref<128x128xf32, #tpu.memory_space<vmem>> -> memref<128x128xf32, #tpu.memory_space<vmem>>
      %dma_wait3A_57 = arith.constant 0 : i32
      %dma_wait3A_58 = tpu.memref_slice %arg11[%add3A_34, %dma_wait3A_57] : memref<10112x128xf32, #tpu.memory_space<vmem_shared>> -> memref<128x128xf32, #tpu.memory_space<vmem_shared>>
      tpu.wait_dma2 semaphore(%run_scoped3A : memref<!tpu.dma_semaphore, #tpu.memory_space<semaphore_mem>>) src(%dma_wait3A_58 : memref<128x128xf32, #tpu.memory_space<vmem_shared>>) dst(%dma_wait3A_56 : memref<128x128xf32, #tpu.memory_space<vmem>>)
      tpu.yield
    }) : () -> ()
    %add3A_35 = arith.constant 384 : i32
    %add3A_36 = arith.addi %mul3A_2, %add3A_35 : i32
    "tpu.region"() ({
      %run_scoped3A = tpu.sem_alloc : memref<!tpu.dma_semaphore, #tpu.memory_space<semaphore_mem>>
      %dma_start3A = arith.constant 0 : i32
      %dma_start3A_41 = arith.constant 0 : i32
      %dma_start3A_42 = tpu.memref_slice %arg9[%dma_start3A, %dma_start3A_41] : memref<128x128xf32, #tpu.memory_space<vmem>> -> memref<128x128xf32, #tpu.memory_space<vmem>>
      %dma_start3A_43 = arith.constant 0 : i32
      %dma_start3A_44 = tpu.memref_slice %arg6[%arg0, %add3A_36, %dma_start3A_43] : memref<2x10112x128xf32, #tpu.memory_space<hbm>> -> memref<1x128x128xf32, #tpu.memory_space<hbm>>
      %dma_start3A_45 = tpu.memref_squeeze %dma_start3A_44 : memref<1x128x128xf32, #tpu.memory_space<hbm>> -> memref<128x128xf32, #tpu.memory_space<hbm>>
      %dma_start3A_46 = arith.constant 0 : i32
      %dma_start3A_47 = tpu.memref_slice %arg6[%arg0, %add3A_36, %dma_start3A_46] : memref<2x10112x128xf32, #tpu.memory_space<hbm>> -> memref<1x128x128xf32, #tpu.memory_space<hbm>>
      %dma_start3A_48 = tpu.memref_squeeze %dma_start3A_47 : memref<1x128x128xf32, #tpu.memory_space<hbm>> -> memref<128x128xf32, #tpu.memory_space<hbm>>
      %dma_start3A_49 = arith.constant 0 : i32
      %dma_start3A_50 = arith.constant 0 : i32
      %dma_start3A_51 = tpu.memref_slice %arg9[%dma_start3A_49, %dma_start3A_50] : memref<128x128xf32, #tpu.memory_space<vmem>> -> memref<128x128xf32, #tpu.memory_space<vmem>>
      tpu.enqueue_dma source(%dma_start3A_51 : memref<128x128xf32, #tpu.memory_space<vmem>>) target(%dma_start3A_48 : memref<128x128xf32, #tpu.memory_space<hbm>>) target_semaphore(%run_scoped3A : memref<!tpu.dma_semaphore, #tpu.memory_space<semaphore_mem>>)
      %dma_wait3A = arith.constant 0 : i32
      %dma_wait3A_52 = arith.constant 0 : i32
      %dma_wait3A_53 = tpu.memref_slice %arg9[%dma_wait3A, %dma_wait3A_52] : memref<128x128xf32, #tpu.memory_space<vmem>> -> memref<128x128xf32, #tpu.memory_space<vmem>>
      %dma_wait3A_54 = arith.constant 0 : i32
      %dma_wait3A_55 = tpu.memref_slice %arg6[%arg0, %add3A_36, %dma_wait3A_54] : memref<2x10112x128xf32, #tpu.memory_space<hbm>> -> memref<1x128x128xf32, #tpu.memory_space<hbm>>
      %dma_wait3A_56 = tpu.memref_squeeze %dma_wait3A_55 : memref<1x128x128xf32, #tpu.memory_space<hbm>> -> memref<128x128xf32, #tpu.memory_space<hbm>>
      %dma_wait3A_57 = arith.constant 0 : i32
      %dma_wait3A_58 = tpu.memref_slice %arg6[%arg0, %add3A_36, %dma_wait3A_57] : memref<2x10112x128xf32, #tpu.memory_space<hbm>> -> memref<1x128x128xf32, #tpu.memory_space<hbm>>
      %dma_wait3A_59 = tpu.memref_squeeze %dma_wait3A_58 : memref<1x128x128xf32, #tpu.memory_space<hbm>> -> memref<128x128xf32, #tpu.memory_space<hbm>>
      %dma_wait3A_60 = arith.constant 0 : i32
      %dma_wait3A_61 = arith.constant 0 : i32
      %dma_wait3A_62 = tpu.memref_slice %arg9[%dma_wait3A_60, %dma_wait3A_61] : memref<128x128xf32, #tpu.memory_space<vmem>> -> memref<128x128xf32, #tpu.memory_space<vmem>>
      tpu.wait_dma2 semaphore(%run_scoped3A : memref<!tpu.dma_semaphore, #tpu.memory_space<semaphore_mem>>) src(%dma_wait3A_62 : memref<128x128xf32, #tpu.memory_space<vmem>>) dst(%dma_wait3A_59 : memref<128x128xf32, #tpu.memory_space<hbm>>)
      tpu.yield
    }) : () -> ()
    %add3A_37 = arith.constant 512 : i32
    %add3A_38 = arith.addi %mul3A_2, %add3A_37 : i32
    "tpu.region"() ({
      %run_scoped3A = tpu.sem_alloc : memref<!tpu.dma_semaphore, #tpu.memory_space<semaphore_mem>>
      %dma_start3A = arith.constant 0 : i32
      %dma_start3A_41 = arith.constant 0 : i32
      %dma_start3A_42 = tpu.memref_slice %arg9[%dma_start3A, %dma_start3A_41] : memref<128x128xf32, #tpu.memory_space<vmem>> -> memref<120x128xf32, #tpu.memory_space<vmem>>
      %dma_start3A_43 = arith.constant 0 : i32
      %dma_start3A_44 = tpu.memref_slice %arg11[%add3A_38, %dma_start3A_43] : memref<10112x128xf32, #tpu.memory_space<vmem_shared>> -> memref<120x128xf32, #tpu.memory_space<vmem_shared>>
      %dma_start3A_45 = arith.constant 0 : i32
      %dma_start3A_46 = arith.constant 0 : i32
      %dma_start3A_47 = tpu.memref_slice %arg9[%dma_start3A_45, %dma_start3A_46] : memref<128x128xf32, #tpu.memory_space<vmem>> -> memref<120x128xf32, #tpu.memory_space<vmem>>
      %dma_start3A_48 = arith.constant 0 : i32
      %dma_start3A_49 = tpu.memref_slice %arg11[%add3A_38, %dma_start3A_48] : memref<10112x128xf32, #tpu.memory_space<vmem_shared>> -> memref<120x128xf32, #tpu.memory_space<vmem_shared>>
      tpu.enqueue_dma source(%dma_start3A_49 : memref<120x128xf32, #tpu.memory_space<vmem_shared>>) target(%dma_start3A_47 : memref<120x128xf32, #tpu.memory_space<vmem>>) target_semaphore(%run_scoped3A : memref<!tpu.dma_semaphore, #tpu.memory_space<semaphore_mem>>)
      %dma_wait3A = arith.constant 0 : i32
      %dma_wait3A_50 = arith.constant 0 : i32
      %dma_wait3A_51 = tpu.memref_slice %arg9[%dma_wait3A, %dma_wait3A_50] : memref<128x128xf32, #tpu.memory_space<vmem>> -> memref<120x128xf32, #tpu.memory_space<vmem>>
      %dma_wait3A_52 = arith.constant 0 : i32
      %dma_wait3A_53 = tpu.memref_slice %arg11[%add3A_38, %dma_wait3A_52] : memref<10112x128xf32, #tpu.memory_space<vmem_shared>> -> memref<120x128xf32, #tpu.memory_space<vmem_shared>>
      %dma_wait3A_54 = arith.constant 0 : i32
      %dma_wait3A_55 = arith.constant 0 : i32
      %dma_wait3A_56 = tpu.memref_slice %arg9[%dma_wait3A_54, %dma_wait3A_55] : memref<128x128xf32, #tpu.memory_space<vmem>> -> memref<120x128xf32, #tpu.memory_space<vmem>>
      %dma_wait3A_57 = arith.constant 0 : i32
      %dma_wait3A_58 = tpu.memref_slice %arg11[%add3A_38, %dma_wait3A_57] : memref<10112x128xf32, #tpu.memory_space<vmem_shared>> -> memref<120x128xf32, #tpu.memory_space<vmem_shared>>
      tpu.wait_dma2 semaphore(%run_scoped3A : memref<!tpu.dma_semaphore, #tpu.memory_space<semaphore_mem>>) src(%dma_wait3A_58 : memref<120x128xf32, #tpu.memory_space<vmem_shared>>) dst(%dma_wait3A_56 : memref<120x128xf32, #tpu.memory_space<vmem>>)
      tpu.yield
    }) : () -> ()
    %add3A_39 = arith.constant 512 : i32
    %add3A_40 = arith.addi %mul3A_2, %add3A_39 : i32
    "tpu.region"() ({
      %run_scoped3A = tpu.sem_alloc : memref<!tpu.dma_semaphore, #tpu.memory_space<semaphore_mem>>
      %dma_start3A = arith.constant 0 : i32
      %dma_start3A_41 = arith.constant 0 : i32
      %dma_start3A_42 = tpu.memref_slice %arg9[%dma_start3A, %dma_start3A_41] : memref<128x128xf32, #tpu.memory_space<vmem>> -> memref<120x128xf32, #tpu.memory_space<vmem>>
      %dma_start3A_43 = arith.constant 0 : i32
      %dma_start3A_44 = tpu.memref_slice %arg6[%arg0, %add3A_40, %dma_start3A_43] : memref<2x10112x128xf32, #tpu.memory_space<hbm>> -> memref<1x120x128xf32, #tpu.memory_space<hbm>>
      %dma_start3A_45 = tpu.memref_squeeze %dma_start3A_44 : memref<1x120x128xf32, #tpu.memory_space<hbm>> -> memref<120x128xf32, #tpu.memory_space<hbm>>
      %dma_start3A_46 = arith.constant 0 : i32
      %dma_start3A_47 = tpu.memref_slice %arg6[%arg0, %add3A_40, %dma_start3A_46] : memref<2x10112x128xf32, #tpu.memory_space<hbm>> -> memref<1x120x128xf32, #tpu.memory_space<hbm>>
      %dma_start3A_48 = tpu.memref_squeeze %dma_start3A_47 : memref<1x120x128xf32, #tpu.memory_space<hbm>> -> memref<120x128xf32, #tpu.memory_space<hbm>>
      %dma_start3A_49 = arith.constant 0 : i32
      %dma_start3A_50 = arith.constant 0 : i32
      %dma_start3A_51 = tpu.memref_slice %arg9[%dma_start3A_49, %dma_start3A_50] : memref<128x128xf32, #tpu.memory_space<vmem>> -> memref<120x128xf32, #tpu.memory_space<vmem>>
      tpu.enqueue_dma source(%dma_start3A_51 : memref<120x128xf32, #tpu.memory_space<vmem>>) target(%dma_start3A_48 : memref<120x128xf32, #tpu.memory_space<hbm>>) target_semaphore(%run_scoped3A : memref<!tpu.dma_semaphore, #tpu.memory_space<semaphore_mem>>)
      %dma_wait3A = arith.constant 0 : i32
      %dma_wait3A_52 = arith.constant 0 : i32
      %dma_wait3A_53 = tpu.memref_slice %arg9[%dma_wait3A, %dma_wait3A_52] : memref<128x128xf32, #tpu.memory_space<vmem>> -> memref<120x128xf32, #tpu.memory_space<vmem>>
      %dma_wait3A_54 = arith.constant 0 : i32
      %dma_wait3A_55 = tpu.memref_slice %arg6[%arg0, %add3A_40, %dma_wait3A_54] : memref<2x10112x128xf32, #tpu.memory_space<hbm>> -> memref<1x120x128xf32, #tpu.memory_space<hbm>>
      %dma_wait3A_56 = tpu.memref_squeeze %dma_wait3A_55 : memref<1x120x128xf32, #tpu.memory_space<hbm>> -> memref<120x128xf32, #tpu.memory_space<hbm>>
      %dma_wait3A_57 = arith.constant 0 : i32
      %dma_wait3A_58 = tpu.memref_slice %arg6[%arg0, %add3A_40, %dma_wait3A_57] : memref<2x10112x128xf32, #tpu.memory_space<hbm>> -> memref<1x120x128xf32, #tpu.memory_space<hbm>>
      %dma_wait3A_59 = tpu.memref_squeeze %dma_wait3A_58 : memref<1x120x128xf32, #tpu.memory_space<hbm>> -> memref<120x128xf32, #tpu.memory_space<hbm>>
      %dma_wait3A_60 = arith.constant 0 : i32
      %dma_wait3A_61 = arith.constant 0 : i32
      %dma_wait3A_62 = tpu.memref_slice %arg9[%dma_wait3A_60, %dma_wait3A_61] : memref<128x128xf32, #tpu.memory_space<vmem>> -> memref<120x128xf32, #tpu.memory_space<vmem>>
      tpu.wait_dma2 semaphore(%run_scoped3A : memref<!tpu.dma_semaphore, #tpu.memory_space<semaphore_mem>>) src(%dma_wait3A_62 : memref<120x128xf32, #tpu.memory_space<vmem>>) dst(%dma_wait3A_59 : memref<120x128xf32, #tpu.memory_space<hbm>>)
      tpu.yield
    }) : () -> ()
    return
  }
}

#map = affine_map<(d0, d1) -> (0, 0)>
#map1 = affine_map<(d0, d1) -> (0, 0, 0)>
module attributes {stable_mosaic.version = 14 : i64} {
  func.func @sc_spmm(%arg0: i32, %arg1: i32, %arg2: memref<10000x128xf32, #tpu.memory_space<hbm>>, %arg3: memref<2560x128xi32, #tpu.memory_space<hbm>>, %arg4: memref<2560x128xi32, #tpu.memory_space<hbm>>, %arg5: memref<128x128xf32, #tpu.memory_space<hbm>>, %arg6: memref<2x10112x128xf32, #tpu.memory_space<hbm>>, %arg7: memref<40x128xi32, #tpu.memory_space<vmem>>, %arg8: memref<40x128xi32, #tpu.memory_space<vmem>>, %arg9: memref<128x128xf32, #tpu.memory_space<vmem>>, %arg10: memref<128x128xf32, #tpu.memory_space<vmem>>, %arg11: memref<10112x128xf32, #tpu.memory_space<vmem_shared>>, %arg12: memref<!tpu.dma_semaphore, #tpu.memory_space<semaphore_mem>>, %arg13: memref<!tpu.dma_semaphore, #tpu.memory_space<semaphore_mem>>) attributes {dimension_semantics = [#tpu.dimension_semantics<core_parallel>, #tpu.dimension_semantics<subcore_parallel>], iteration_bounds = array<i64: 2, 16>, scalar_prefetch = 0 : i64, scratch_operands = 7 : i64, tpu.core_type = #tpu.core_type<sc_vector_subcore>, window_params = [{transform_indices = #map}, {transform_indices = #map}, {transform_indices = #map}, {transform_indices = #map}, {transform_indices = #map1}]} {
    %mul3A = arith.constant 2 : i32
    %mul3A_0 = arith.muli %arg1, %mul3A : i32
    %add3A = arith.addi %mul3A_0, %arg0 : i32
    %mul3A_1 = arith.constant 632 : i32
    %mul3A_2 = arith.muli %arg1, %mul3A_1 : i32
    "tpu.region"() ({
      %run_scoped3A = tpu.sem_alloc : memref<!tpu.dma_semaphore, #tpu.memory_space<semaphore_mem>>
      tpu.enqueue_dma source(%arg5 : memref<128x128xf32, #tpu.memory_space<hbm>>) target(%arg9 : memref<128x128xf32, #tpu.memory_space<vmem>>) target_semaphore(%run_scoped3A : memref<!tpu.dma_semaphore, #tpu.memory_space<semaphore_mem>>)
      tpu.wait_dma2 semaphore(%run_scoped3A : memref<!tpu.dma_semaphore, #tpu.memory_space<semaphore_mem>>) src(%arg5 : memref<128x128xf32, #tpu.memory_space<hbm>>) dst(%arg9 : memref<128x128xf32, #tpu.memory_space<vmem>>)
      tpu.yield
    }) : () -> ()
    %add3A_3 = arith.constant 0 : i32
    %add3A_4 = arith.addi %mul3A_2, %add3A_3 : i32
    "tpu.region"() ({
      %run_scoped3A = tpu.sem_alloc : memref<!tpu.dma_semaphore, #tpu.memory_space<semaphore_mem>>
      %dma_start3A = arith.constant 0 : i32
      %dma_start3A_41 = arith.constant 0 : i32
      %dma_start3A_42 = tpu.memref_slice %arg9[%dma_start3A, %dma_start3A_41] : memref<128x128xf32, #tpu.memory_space<vmem>> -> memref<128x128xf32, #tpu.memory_space<vmem>>
      %dma_start3A_43 = arith.constant 0 : i32
      %dma_start3A_44 = tpu.memref_slice %arg11[%add3A_4, %dma_start3A_43] : memref<10112x128xf32, #tpu.memory_space<vmem_shared>> -> memref<128x128xf32, #tpu.memory_space<vmem_shared>>
      %dma_start3A_45 = arith.constant 0 : i32
      %dma_start3A_46 = tpu.memref_slice %arg11[%add3A_4, %dma_start3A_45] : memref<10112x128xf32, #tpu.memory_space<vmem_shared>> -> memref<128x128xf32, #tpu.memory_space<vmem_shared>>
      %dma_start3A_47 = arith.constant 0 : i32
      %dma_start3A_48 = arith.constant 0 : i32
      %dma_start3A_49 = tpu.memref_slice %arg9[%dma_start3A_47, %dma_start3A_48] : memref<128x128xf32, #tpu.memory_space<vmem>> -> memref<128x128xf32, #tpu.memory_space<vmem>>
      tpu.enqueue_dma source(%dma_start3A_49 : memref<128x128xf32, #tpu.memory_space<vmem>>) target(%dma_start3A_46 : memref<128x128xf32, #tpu.memory_space<vmem_shared>>) target_semaphore(%run_scoped3A : memref<!tpu.dma_semaphore, #tpu.memory_space<semaphore_mem>>)
      %dma_wait3A = arith.constant 0 : i32
      %dma_wait3A_50 = arith.constant 0 : i32
      %dma_wait3A_51 = tpu.memref_slice %arg9[%dma_wait3A, %dma_wait3A_50] : memref<128x128xf32, #tpu.memory_space<vmem>> -> memref<128x128xf32, #tpu.memory_space<vmem>>
      %dma_wait3A_52 = arith.constant 0 : i32
      %dma_wait3A_53 = tpu.memref_slice %arg11[%add3A_4, %dma_wait3A_52] : memref<10112x128xf32, #tpu.memory_space<vmem_shared>> -> memref<128x128xf32, #tpu.memory_space<vmem_shared>>
      %dma_wait3A_54 = arith.constant 0 : i32
      %dma_wait3A_55 = tpu.memref_slice %arg11[%add3A_4, %dma_wait3A_54] : memref<10112x128xf32, #tpu.memory_space<vmem_shared>> -> memref<128x128xf32, #tpu.memory_space<vmem_shared>>
      %dma_wait3A_56 = arith.constant 0 : i32
      %dma_wait3A_57 = arith.constant 0 : i32
      %dma_wait3A_58 = tpu.memref_slice %arg9[%dma_wait3A_56, %dma_wait3A_57] : memref<128x128xf32, #tpu.memory_space<vmem>> -> memref<128x128xf32, #tpu.memory_space<vmem>>
      tpu.wait_dma2 semaphore(%run_scoped3A : memref<!tpu.dma_semaphore, #tpu.memory_space<semaphore_mem>>) src(%dma_wait3A_58 : memref<128x128xf32, #tpu.memory_space<vmem>>) dst(%dma_wait3A_55 : memref<128x128xf32, #tpu.memory_space<vmem_shared>>)
      tpu.yield
    }) : () -> ()
    %add3A_5 = arith.constant 128 : i32
    %add3A_6 = arith.addi %mul3A_2, %add3A_5 : i32
    "tpu.region"() ({
      %run_scoped3A = tpu.sem_alloc : memref<!tpu.dma_semaphore, #tpu.memory_space<semaphore_mem>>
      %dma_start3A = arith.constant 0 : i32
      %dma_start3A_41 = arith.constant 0 : i32
      %dma_start3A_42 = tpu.memref_slice %arg9[%dma_start3A, %dma_start3A_41] : memref<128x128xf32, #tpu.memory_space<vmem>> -> memref<128x128xf32, #tpu.memory_space<vmem>>
      %dma_start3A_43 = arith.constant 0 : i32
      %dma_start3A_44 = tpu.memref_slice %arg11[%add3A_6, %dma_start3A_43] : memref<10112x128xf32, #tpu.memory_space<vmem_shared>> -> memref<128x128xf32, #tpu.memory_space<vmem_shared>>
      %dma_start3A_45 = arith.constant 0 : i32
      %dma_start3A_46 = tpu.memref_slice %arg11[%add3A_6, %dma_start3A_45] : memref<10112x128xf32, #tpu.memory_space<vmem_shared>> -> memref<128x128xf32, #tpu.memory_space<vmem_shared>>
      %dma_start3A_47 = arith.constant 0 : i32
      %dma_start3A_48 = arith.constant 0 : i32
      %dma_start3A_49 = tpu.memref_slice %arg9[%dma_start3A_47, %dma_start3A_48] : memref<128x128xf32, #tpu.memory_space<vmem>> -> memref<128x128xf32, #tpu.memory_space<vmem>>
      tpu.enqueue_dma source(%dma_start3A_49 : memref<128x128xf32, #tpu.memory_space<vmem>>) target(%dma_start3A_46 : memref<128x128xf32, #tpu.memory_space<vmem_shared>>) target_semaphore(%run_scoped3A : memref<!tpu.dma_semaphore, #tpu.memory_space<semaphore_mem>>)
      %dma_wait3A = arith.constant 0 : i32
      %dma_wait3A_50 = arith.constant 0 : i32
      %dma_wait3A_51 = tpu.memref_slice %arg9[%dma_wait3A, %dma_wait3A_50] : memref<128x128xf32, #tpu.memory_space<vmem>> -> memref<128x128xf32, #tpu.memory_space<vmem>>
      %dma_wait3A_52 = arith.constant 0 : i32
      %dma_wait3A_53 = tpu.memref_slice %arg11[%add3A_6, %dma_wait3A_52] : memref<10112x128xf32, #tpu.memory_space<vmem_shared>> -> memref<128x128xf32, #tpu.memory_space<vmem_shared>>
      %dma_wait3A_54 = arith.constant 0 : i32
      %dma_wait3A_55 = tpu.memref_slice %arg11[%add3A_6, %dma_wait3A_54] : memref<10112x128xf32, #tpu.memory_space<vmem_shared>> -> memref<128x128xf32, #tpu.memory_space<vmem_shared>>
      %dma_wait3A_56 = arith.constant 0 : i32
      %dma_wait3A_57 = arith.constant 0 : i32
      %dma_wait3A_58 = tpu.memref_slice %arg9[%dma_wait3A_56, %dma_wait3A_57] : memref<128x128xf32, #tpu.memory_space<vmem>> -> memref<128x128xf32, #tpu.memory_space<vmem>>
      tpu.wait_dma2 semaphore(%run_scoped3A : memref<!tpu.dma_semaphore, #tpu.memory_space<semaphore_mem>>) src(%dma_wait3A_58 : memref<128x128xf32, #tpu.memory_space<vmem>>) dst(%dma_wait3A_55 : memref<128x128xf32, #tpu.memory_space<vmem_shared>>)
      tpu.yield
    }) : () -> ()
    %add3A_7 = arith.constant 256 : i32
    %add3A_8 = arith.addi %mul3A_2, %add3A_7 : i32
    "tpu.region"() ({
      %run_scoped3A = tpu.sem_alloc : memref<!tpu.dma_semaphore, #tpu.memory_space<semaphore_mem>>
      %dma_start3A = arith.constant 0 : i32
      %dma_start3A_41 = arith.constant 0 : i32
      %dma_start3A_42 = tpu.memref_slice %arg9[%dma_start3A, %dma_start3A_41] : memref<128x128xf32, #tpu.memory_space<vmem>> -> memref<128x128xf32, #tpu.memory_space<vmem>>
      %dma_start3A_43 = arith.constant 0 : i32
      %dma_start3A_44 = tpu.memref_slice %arg11[%add3A_8, %dma_start3A_43] : memref<10112x128xf32, #tpu.memory_space<vmem_shared>> -> memref<128x128xf32, #tpu.memory_space<vmem_shared>>
      %dma_start3A_45 = arith.constant 0 : i32
      %dma_start3A_46 = tpu.memref_slice %arg11[%add3A_8, %dma_start3A_45] : memref<10112x128xf32, #tpu.memory_space<vmem_shared>> -> memref<128x128xf32, #tpu.memory_space<vmem_shared>>
      %dma_start3A_47 = arith.constant 0 : i32
      %dma_start3A_48 = arith.constant 0 : i32
      %dma_start3A_49 = tpu.memref_slice %arg9[%dma_start3A_47, %dma_start3A_48] : memref<128x128xf32, #tpu.memory_space<vmem>> -> memref<128x128xf32, #tpu.memory_space<vmem>>
      tpu.enqueue_dma source(%dma_start3A_49 : memref<128x128xf32, #tpu.memory_space<vmem>>) target(%dma_start3A_46 : memref<128x128xf32, #tpu.memory_space<vmem_shared>>) target_semaphore(%run_scoped3A : memref<!tpu.dma_semaphore, #tpu.memory_space<semaphore_mem>>)
      %dma_wait3A = arith.constant 0 : i32
      %dma_wait3A_50 = arith.constant 0 : i32
      %dma_wait3A_51 = tpu.memref_slice %arg9[%dma_wait3A, %dma_wait3A_50] : memref<128x128xf32, #tpu.memory_space<vmem>> -> memref<128x128xf32, #tpu.memory_space<vmem>>
      %dma_wait3A_52 = arith.constant 0 : i32
      %dma_wait3A_53 = tpu.memref_slice %arg11[%add3A_8, %dma_wait3A_52] : memref<10112x128xf32, #tpu.memory_space<vmem_shared>> -> memref<128x128xf32, #tpu.memory_space<vmem_shared>>
      %dma_wait3A_54 = arith.constant 0 : i32
      %dma_wait3A_55 = tpu.memref_slice %arg11[%add3A_8, %dma_wait3A_54] : memref<10112x128xf32, #tpu.memory_space<vmem_shared>> -> memref<128x128xf32, #tpu.memory_space<vmem_shared>>
      %dma_wait3A_56 = arith.constant 0 : i32
      %dma_wait3A_57 = arith.constant 0 : i32
      %dma_wait3A_58 = tpu.memref_slice %arg9[%dma_wait3A_56, %dma_wait3A_57] : memref<128x128xf32, #tpu.memory_space<vmem>> -> memref<128x128xf32, #tpu.memory_space<vmem>>
      tpu.wait_dma2 semaphore(%run_scoped3A : memref<!tpu.dma_semaphore, #tpu.memory_space<semaphore_mem>>) src(%dma_wait3A_58 : memref<128x128xf32, #tpu.memory_space<vmem>>) dst(%dma_wait3A_55 : memref<128x128xf32, #tpu.memory_space<vmem_shared>>)
      tpu.yield
    }) : () -> ()
    %add3A_9 = arith.constant 384 : i32
    %add3A_10 = arith.addi %mul3A_2, %add3A_9 : i32
    "tpu.region"() ({
      %run_scoped3A = tpu.sem_alloc : memref<!tpu.dma_semaphore, #tpu.memory_space<semaphore_mem>>
      %dma_start3A = arith.constant 0 : i32
      %dma_start3A_41 = arith.constant 0 : i32
      %dma_start3A_42 = tpu.memref_slice %arg9[%dma_start3A, %dma_start3A_41] : memref<128x128xf32, #tpu.memory_space<vmem>> -> memref<128x128xf32, #tpu.memory_space<vmem>>
      %dma_start3A_43 = arith.constant 0 : i32
      %dma_start3A_44 = tpu.memref_slice %arg11[%add3A_10, %dma_start3A_43] : memref<10112x128xf32, #tpu.memory_space<vmem_shared>> -> memref<128x128xf32, #tpu.memory_space<vmem_shared>>
      %dma_start3A_45 = arith.constant 0 : i32
      %dma_start3A_46 = tpu.memref_slice %arg11[%add3A_10, %dma_start3A_45] : memref<10112x128xf32, #tpu.memory_space<vmem_shared>> -> memref<128x128xf32, #tpu.memory_space<vmem_shared>>
      %dma_start3A_47 = arith.constant 0 : i32
      %dma_start3A_48 = arith.constant 0 : i32
      %dma_start3A_49 = tpu.memref_slice %arg9[%dma_start3A_47, %dma_start3A_48] : memref<128x128xf32, #tpu.memory_space<vmem>> -> memref<128x128xf32, #tpu.memory_space<vmem>>
      tpu.enqueue_dma source(%dma_start3A_49 : memref<128x128xf32, #tpu.memory_space<vmem>>) target(%dma_start3A_46 : memref<128x128xf32, #tpu.memory_space<vmem_shared>>) target_semaphore(%run_scoped3A : memref<!tpu.dma_semaphore, #tpu.memory_space<semaphore_mem>>)
      %dma_wait3A = arith.constant 0 : i32
      %dma_wait3A_50 = arith.constant 0 : i32
      %dma_wait3A_51 = tpu.memref_slice %arg9[%dma_wait3A, %dma_wait3A_50] : memref<128x128xf32, #tpu.memory_space<vmem>> -> memref<128x128xf32, #tpu.memory_space<vmem>>
      %dma_wait3A_52 = arith.constant 0 : i32
      %dma_wait3A_53 = tpu.memref_slice %arg11[%add3A_10, %dma_wait3A_52] : memref<10112x128xf32, #tpu.memory_space<vmem_shared>> -> memref<128x128xf32, #tpu.memory_space<vmem_shared>>
      %dma_wait3A_54 = arith.constant 0 : i32
      %dma_wait3A_55 = tpu.memref_slice %arg11[%add3A_10, %dma_wait3A_54] : memref<10112x128xf32, #tpu.memory_space<vmem_shared>> -> memref<128x128xf32, #tpu.memory_space<vmem_shared>>
      %dma_wait3A_56 = arith.constant 0 : i32
      %dma_wait3A_57 = arith.constant 0 : i32
      %dma_wait3A_58 = tpu.memref_slice %arg9[%dma_wait3A_56, %dma_wait3A_57] : memref<128x128xf32, #tpu.memory_space<vmem>> -> memref<128x128xf32, #tpu.memory_space<vmem>>
      tpu.wait_dma2 semaphore(%run_scoped3A : memref<!tpu.dma_semaphore, #tpu.memory_space<semaphore_mem>>) src(%dma_wait3A_58 : memref<128x128xf32, #tpu.memory_space<vmem>>) dst(%dma_wait3A_55 : memref<128x128xf32, #tpu.memory_space<vmem_shared>>)
      tpu.yield
    }) : () -> ()
    %add3A_11 = arith.constant 512 : i32
    %add3A_12 = arith.addi %mul3A_2, %add3A_11 : i32
    "tpu.region"() ({
      %run_scoped3A = tpu.sem_alloc : memref<!tpu.dma_semaphore, #tpu.memory_space<semaphore_mem>>
      %dma_start3A = arith.constant 0 : i32
      %dma_start3A_41 = arith.constant 0 : i32
      %dma_start3A_42 = tpu.memref_slice %arg9[%dma_start3A, %dma_start3A_41] : memref<128x128xf32, #tpu.memory_space<vmem>> -> memref<120x128xf32, #tpu.memory_space<vmem>>
      %dma_start3A_43 = arith.constant 0 : i32
      %dma_start3A_44 = tpu.memref_slice %arg11[%add3A_12, %dma_start3A_43] : memref<10112x128xf32, #tpu.memory_space<vmem_shared>> -> memref<120x128xf32, #tpu.memory_space<vmem_shared>>
      %dma_start3A_45 = arith.constant 0 : i32
      %dma_start3A_46 = tpu.memref_slice %arg11[%add3A_12, %dma_start3A_45] : memref<10112x128xf32, #tpu.memory_space<vmem_shared>> -> memref<120x128xf32, #tpu.memory_space<vmem_shared>>
      %dma_start3A_47 = arith.constant 0 : i32
      %dma_start3A_48 = arith.constant 0 : i32
      %dma_start3A_49 = tpu.memref_slice %arg9[%dma_start3A_47, %dma_start3A_48] : memref<128x128xf32, #tpu.memory_space<vmem>> -> memref<120x128xf32, #tpu.memory_space<vmem>>
      tpu.enqueue_dma source(%dma_start3A_49 : memref<120x128xf32, #tpu.memory_space<vmem>>) target(%dma_start3A_46 : memref<120x128xf32, #tpu.memory_space<vmem_shared>>) target_semaphore(%run_scoped3A : memref<!tpu.dma_semaphore, #tpu.memory_space<semaphore_mem>>)
      %dma_wait3A = arith.constant 0 : i32
      %dma_wait3A_50 = arith.constant 0 : i32
      %dma_wait3A_51 = tpu.memref_slice %arg9[%dma_wait3A, %dma_wait3A_50] : memref<128x128xf32, #tpu.memory_space<vmem>> -> memref<120x128xf32, #tpu.memory_space<vmem>>
      %dma_wait3A_52 = arith.constant 0 : i32
      %dma_wait3A_53 = tpu.memref_slice %arg11[%add3A_12, %dma_wait3A_52] : memref<10112x128xf32, #tpu.memory_space<vmem_shared>> -> memref<120x128xf32, #tpu.memory_space<vmem_shared>>
      %dma_wait3A_54 = arith.constant 0 : i32
      %dma_wait3A_55 = tpu.memref_slice %arg11[%add3A_12, %dma_wait3A_54] : memref<10112x128xf32, #tpu.memory_space<vmem_shared>> -> memref<120x128xf32, #tpu.memory_space<vmem_shared>>
      %dma_wait3A_56 = arith.constant 0 : i32
      %dma_wait3A_57 = arith.constant 0 : i32
      %dma_wait3A_58 = tpu.memref_slice %arg9[%dma_wait3A_56, %dma_wait3A_57] : memref<128x128xf32, #tpu.memory_space<vmem>> -> memref<120x128xf32, #tpu.memory_space<vmem>>
      tpu.wait_dma2 semaphore(%run_scoped3A : memref<!tpu.dma_semaphore, #tpu.memory_space<semaphore_mem>>) src(%dma_wait3A_58 : memref<120x128xf32, #tpu.memory_space<vmem>>) dst(%dma_wait3A_55 : memref<120x128xf32, #tpu.memory_space<vmem_shared>>)
      tpu.yield
    }) : () -> ()
    %mul3A_13 = arith.constant 80 : i32
    %mul3A_14 = arith.muli %add3A, %mul3A_13 : i32
    %barrier3A = arith.constant 0 : index
    tpu.barrier barrier_id(%barrier3A)
    %scan3A = arith.constant 0 : i32
    %scan3A_15 = arith.constant 0 : i32
    %scan3A_16 = arith.constant 2 : i32
    %scan3A_17 = arith.addi %scan3A_15, %scan3A_16 : i32
    %scan3A_18 = arith.constant 1 : i32
    scf.for %scan3A_41 = %scan3A_15 to %scan3A_17 step %scan3A_18  : i32 {
      %mul3A_42 = arith.constant 40 : i32
      %mul3A_43 = arith.muli %scan3A_41, %mul3A_42 : i32
      %add3A_44 = arith.addi %mul3A_14, %mul3A_43 : i32
      "tpu.region"() ({
        %run_scoped3A = tpu.sem_alloc : memref<!tpu.dma_semaphore, #tpu.memory_space<semaphore_mem>>
        %dma_start3A = arith.constant 0 : i32
        %dma_start3A_51 = tpu.memref_slice %arg3[%add3A_44, %dma_start3A] : memref<2560x128xi32, #tpu.memory_space<hbm>> -> memref<40x128xi32, #tpu.memory_space<hbm>>
        %dma_start3A_52 = arith.constant 0 : i32
        %dma_start3A_53 = tpu.memref_slice %arg3[%add3A_44, %dma_start3A_52] : memref<2560x128xi32, #tpu.memory_space<hbm>> -> memref<40x128xi32, #tpu.memory_space<hbm>>
        tpu.enqueue_dma source(%dma_start3A_53 : memref<40x128xi32, #tpu.memory_space<hbm>>) target(%arg7 : memref<40x128xi32, #tpu.memory_space<vmem>>) target_semaphore(%run_scoped3A : memref<!tpu.dma_semaphore, #tpu.memory_space<semaphore_mem>>)
        %dma_wait3A = arith.constant 0 : i32
        %dma_wait3A_54 = tpu.memref_slice %arg3[%add3A_44, %dma_wait3A] : memref<2560x128xi32, #tpu.memory_space<hbm>> -> memref<40x128xi32, #tpu.memory_space<hbm>>
        %dma_wait3A_55 = arith.constant 0 : i32
        %dma_wait3A_56 = tpu.memref_slice %arg3[%add3A_44, %dma_wait3A_55] : memref<2560x128xi32, #tpu.memory_space<hbm>> -> memref<40x128xi32, #tpu.memory_space<hbm>>
        tpu.wait_dma2 semaphore(%run_scoped3A : memref<!tpu.dma_semaphore, #tpu.memory_space<semaphore_mem>>) src(%dma_wait3A_56 : memref<40x128xi32, #tpu.memory_space<hbm>>) dst(%arg7 : memref<40x128xi32, #tpu.memory_space<vmem>>)
        tpu.yield
      }) : () -> ()
      "tpu.region"() ({
        %run_scoped3A = tpu.sem_alloc : memref<!tpu.dma_semaphore, #tpu.memory_space<semaphore_mem>>
        %dma_start3A = arith.constant 0 : i32
        %dma_start3A_51 = tpu.memref_slice %arg4[%add3A_44, %dma_start3A] : memref<2560x128xi32, #tpu.memory_space<hbm>> -> memref<40x128xi32, #tpu.memory_space<hbm>>
        %dma_start3A_52 = arith.constant 0 : i32
        %dma_start3A_53 = tpu.memref_slice %arg4[%add3A_44, %dma_start3A_52] : memref<2560x128xi32, #tpu.memory_space<hbm>> -> memref<40x128xi32, #tpu.memory_space<hbm>>
        tpu.enqueue_dma source(%dma_start3A_53 : memref<40x128xi32, #tpu.memory_space<hbm>>) target(%arg8 : memref<40x128xi32, #tpu.memory_space<vmem>>) target_semaphore(%run_scoped3A : memref<!tpu.dma_semaphore, #tpu.memory_space<semaphore_mem>>)
        %dma_wait3A = arith.constant 0 : i32
        %dma_wait3A_54 = tpu.memref_slice %arg4[%add3A_44, %dma_wait3A] : memref<2560x128xi32, #tpu.memory_space<hbm>> -> memref<40x128xi32, #tpu.memory_space<hbm>>
        %dma_wait3A_55 = arith.constant 0 : i32
        %dma_wait3A_56 = tpu.memref_slice %arg4[%add3A_44, %dma_wait3A_55] : memref<2560x128xi32, #tpu.memory_space<hbm>> -> memref<40x128xi32, #tpu.memory_space<hbm>>
        tpu.wait_dma2 semaphore(%run_scoped3A : memref<!tpu.dma_semaphore, #tpu.memory_space<semaphore_mem>>) src(%dma_wait3A_56 : memref<40x128xi32, #tpu.memory_space<hbm>>) dst(%arg8 : memref<40x128xi32, #tpu.memory_space<vmem>>)
        tpu.yield
      }) : () -> ()
      %scan3A_45 = arith.constant 0 : i32
      %scan3A_46 = arith.constant 0 : i32
      %scan3A_47 = arith.constant 40 : i32
      %scan3A_48 = arith.addi %scan3A_46, %scan3A_47 : i32
      %scan3A_49 = arith.constant 1 : i32
      scf.for %scan3A_51 = %scan3A_46 to %scan3A_48 step %scan3A_49  : i32 {
        %dma_start3A = arith.constant 0 : i32
        %dma_start3A_52 = tpu.memref_slice %arg7[%scan3A_51, %dma_start3A] : memref<40x128xi32, #tpu.memory_space<vmem>> -> memref<1x128xi32, #tpu.memory_space<vmem>>
        %dma_start3A_53 = tpu.memref_squeeze %dma_start3A_52 : memref<1x128xi32, #tpu.memory_space<vmem>> -> memref<128xi32, #tpu.memory_space<vmem>>
        %dma_start3A_54 = arith.constant 0 : i32
        %dma_start3A_55 = arith.constant 0 : i32
        %dma_start3A_56 = tpu.memref_slice %arg2[%dma_start3A_54, %dma_start3A_55] : memref<10000x128xf32, #tpu.memory_space<hbm>> -> memref<10000x128xf32, #tpu.memory_space<hbm>>
        tpu.enqueue_indirect_dma source(%dma_start3A_56 : memref<10000x128xf32, #tpu.memory_space<hbm>>) target(%arg9 : memref<128x128xf32, #tpu.memory_space<vmem>>) offsets(%dma_start3A_53 : memref<128xi32, #tpu.memory_space<vmem>>) semaphore(%arg12 : memref<!tpu.dma_semaphore, #tpu.memory_space<semaphore_mem>>)
        %dma_wait3A = arith.constant 0 : i32
        %dma_wait3A_57 = tpu.memref_slice %arg7[%scan3A_51, %dma_wait3A] : memref<40x128xi32, #tpu.memory_space<vmem>> -> memref<1x128xi32, #tpu.memory_space<vmem>>
        %dma_wait3A_58 = tpu.memref_squeeze %dma_wait3A_57 : memref<1x128xi32, #tpu.memory_space<vmem>> -> memref<128xi32, #tpu.memory_space<vmem>>
        %dma_wait3A_59 = arith.constant 0 : i32
        %dma_wait3A_60 = arith.constant 0 : i32
        %dma_wait3A_61 = tpu.memref_slice %arg2[%dma_wait3A_59, %dma_wait3A_60] : memref<10000x128xf32, #tpu.memory_space<hbm>> -> memref<10000x128xf32, #tpu.memory_space<hbm>>
        tpu.wait_indirect_dma semaphore(%arg12 : memref<!tpu.dma_semaphore, #tpu.memory_space<semaphore_mem>>) src(%dma_wait3A_61 : memref<10000x128xf32, #tpu.memory_space<hbm>>) dst(%arg9 : memref<128x128xf32, #tpu.memory_space<vmem>>)
        "tpu.region"() ({
          %run_scoped3A = tpu.sem_alloc : memref<!tpu.dma_semaphore, #tpu.memory_space<semaphore_mem>>
          %dma_start3A_62 = arith.constant 0 : i32
          %dma_start3A_63 = tpu.memref_slice %arg8[%scan3A_51, %dma_start3A_62] : memref<40x128xi32, #tpu.memory_space<vmem>> -> memref<1x128xi32, #tpu.memory_space<vmem>>
          %dma_start3A_64 = tpu.memref_squeeze %dma_start3A_63 : memref<1x128xi32, #tpu.memory_space<vmem>> -> memref<128xi32, #tpu.memory_space<vmem>>
          %dma_start3A_65 = arith.constant 0 : i32
          %dma_start3A_66 = arith.constant 0 : i32
          %dma_start3A_67 = tpu.memref_slice %arg11[%dma_start3A_65, %dma_start3A_66] : memref<10112x128xf32, #tpu.memory_space<vmem_shared>> -> memref<10112x128xf32, #tpu.memory_space<vmem_shared>>
          tpu.enqueue_indirect_dma source(%arg9 : memref<128x128xf32, #tpu.memory_space<vmem>>) target(%dma_start3A_67 : memref<10112x128xf32, #tpu.memory_space<vmem_shared>>) offsets(%dma_start3A_64 : memref<128xi32, #tpu.memory_space<vmem>>) semaphore(%run_scoped3A : memref<!tpu.dma_semaphore, #tpu.memory_space<semaphore_mem>>) {add = true}
          %dma_wait3A_68 = arith.constant 0 : i32
          %dma_wait3A_69 = tpu.memref_slice %arg8[%scan3A_51, %dma_wait3A_68] : memref<40x128xi32, #tpu.memory_space<vmem>> -> memref<1x128xi32, #tpu.memory_space<vmem>>
          %dma_wait3A_70 = tpu.memref_squeeze %dma_wait3A_69 : memref<1x128xi32, #tpu.memory_space<vmem>> -> memref<128xi32, #tpu.memory_space<vmem>>
          %dma_wait3A_71 = arith.constant 0 : i32
          %dma_wait3A_72 = arith.constant 0 : i32
          %dma_wait3A_73 = tpu.memref_slice %arg11[%dma_wait3A_71, %dma_wait3A_72] : memref<10112x128xf32, #tpu.memory_space<vmem_shared>> -> memref<10112x128xf32, #tpu.memory_space<vmem_shared>>
          tpu.wait_indirect_dma semaphore(%run_scoped3A : memref<!tpu.dma_semaphore, #tpu.memory_space<semaphore_mem>>) src(%arg9 : memref<128x128xf32, #tpu.memory_space<vmem>>) dst(%dma_wait3A_73 : memref<10112x128xf32, #tpu.memory_space<vmem_shared>>)
          tpu.yield
        }) : () -> ()
      }
      %scan3A_50 = arith.constant 40 : i32
    }
    %scan3A_19 = arith.constant 2 : i32
    %barrier3A_20 = arith.constant 0 : index
    tpu.barrier barrier_id(%barrier3A_20)
    %add3A_21 = arith.constant 0 : i32
    %add3A_22 = arith.addi %mul3A_2, %add3A_21 : i32
    "tpu.region"() ({
      %run_scoped3A = tpu.sem_alloc : memref<!tpu.dma_semaphore, #tpu.memory_space<semaphore_mem>>
      %dma_start3A = arith.constant 0 : i32
      %dma_start3A_41 = arith.constant 0 : i32
      %dma_start3A_42 = tpu.memref_slice %arg9[%dma_start3A, %dma_start3A_41] : memref<128x128xf32, #tpu.memory_space<vmem>> -> memref<128x128xf32, #tpu.memory_space<vmem>>
      %dma_start3A_43 = arith.constant 0 : i32
      %dma_start3A_44 = tpu.memref_slice %arg11[%add3A_22, %dma_start3A_43] : memref<10112x128xf32, #tpu.memory_space<vmem_shared>> -> memref<128x128xf32, #tpu.memory_space<vmem_shared>>
      %dma_start3A_45 = arith.constant 0 : i32
      %dma_start3A_46 = arith.constant 0 : i32
      %dma_start3A_47 = tpu.memref_slice %arg9[%dma_start3A_45, %dma_start3A_46] : memref<128x128xf32, #tpu.memory_space<vmem>> -> memref<128x128xf32, #tpu.memory_space<vmem>>
      %dma_start3A_48 = arith.constant 0 : i32
      %dma_start3A_49 = tpu.memref_slice %arg11[%add3A_22, %dma_start3A_48] : memref<10112x128xf32, #tpu.memory_space<vmem_shared>> -> memref<128x128xf32, #tpu.memory_space<vmem_shared>>
      tpu.enqueue_dma source(%dma_start3A_49 : memref<128x128xf32, #tpu.memory_space<vmem_shared>>) target(%dma_start3A_47 : memref<128x128xf32, #tpu.memory_space<vmem>>) target_semaphore(%run_scoped3A : memref<!tpu.dma_semaphore, #tpu.memory_space<semaphore_mem>>)
      %dma_wait3A = arith.constant 0 : i32
      %dma_wait3A_50 = arith.constant 0 : i32
      %dma_wait3A_51 = tpu.memref_slice %arg9[%dma_wait3A, %dma_wait3A_50] : memref<128x128xf32, #tpu.memory_space<vmem>> -> memref<128x128xf32, #tpu.memory_space<vmem>>
      %dma_wait3A_52 = arith.constant 0 : i32
      %dma_wait3A_53 = tpu.memref_slice %arg11[%add3A_22, %dma_wait3A_52] : memref<10112x128xf32, #tpu.memory_space<vmem_shared>> -> memref<128x128xf32, #tpu.memory_space<vmem_shared>>
      %dma_wait3A_54 = arith.constant 0 : i32
      %dma_wait3A_55 = arith.constant 0 : i32
      %dma_wait3A_56 = tpu.memref_slice %arg9[%dma_wait3A_54, %dma_wait3A_55] : memref<128x128xf32, #tpu.memory_space<vmem>> -> memref<128x128xf32, #tpu.memory_space<vmem>>
      %dma_wait3A_57 = arith.constant 0 : i32
      %dma_wait3A_58 = tpu.memref_slice %arg11[%add3A_22, %dma_wait3A_57] : memref<10112x128xf32, #tpu.memory_space<vmem_shared>> -> memref<128x128xf32, #tpu.memory_space<vmem_shared>>
      tpu.wait_dma2 semaphore(%run_scoped3A : memref<!tpu.dma_semaphore, #tpu.memory_space<semaphore_mem>>) src(%dma_wait3A_58 : memref<128x128xf32, #tpu.memory_space<vmem_shared>>) dst(%dma_wait3A_56 : memref<128x128xf32, #tpu.memory_space<vmem>>)
      tpu.yield
    }) : () -> ()
    %add3A_23 = arith.constant 0 : i32
    %add3A_24 = arith.addi %mul3A_2, %add3A_23 : i32
    "tpu.region"() ({
      %run_scoped3A = tpu.sem_alloc : memref<!tpu.dma_semaphore, #tpu.memory_space<semaphore_mem>>
      %dma_start3A = arith.constant 0 : i32
      %dma_start3A_41 = arith.constant 0 : i32
      %dma_start3A_42 = tpu.memref_slice %arg9[%dma_start3A, %dma_start3A_41] : memref<128x128xf32, #tpu.memory_space<vmem>> -> memref<128x128xf32, #tpu.memory_space<vmem>>
      %dma_start3A_43 = arith.constant 0 : i32
      %dma_start3A_44 = tpu.memref_slice %arg6[%arg0, %add3A_24, %dma_start3A_43] : memref<2x10112x128xf32, #tpu.memory_space<hbm>> -> memref<1x128x128xf32, #tpu.memory_space<hbm>>
      %dma_start3A_45 = tpu.memref_squeeze %dma_start3A_44 : memref<1x128x128xf32, #tpu.memory_space<hbm>> -> memref<128x128xf32, #tpu.memory_space<hbm>>
      %dma_start3A_46 = arith.constant 0 : i32
      %dma_start3A_47 = tpu.memref_slice %arg6[%arg0, %add3A_24, %dma_start3A_46] : memref<2x10112x128xf32, #tpu.memory_space<hbm>> -> memref<1x128x128xf32, #tpu.memory_space<hbm>>
      %dma_start3A_48 = tpu.memref_squeeze %dma_start3A_47 : memref<1x128x128xf32, #tpu.memory_space<hbm>> -> memref<128x128xf32, #tpu.memory_space<hbm>>
      %dma_start3A_49 = arith.constant 0 : i32
      %dma_start3A_50 = arith.constant 0 : i32
      %dma_start3A_51 = tpu.memref_slice %arg9[%dma_start3A_49, %dma_start3A_50] : memref<128x128xf32, #tpu.memory_space<vmem>> -> memref<128x128xf32, #tpu.memory_space<vmem>>
      tpu.enqueue_dma source(%dma_start3A_51 : memref<128x128xf32, #tpu.memory_space<vmem>>) target(%dma_start3A_48 : memref<128x128xf32, #tpu.memory_space<hbm>>) target_semaphore(%run_scoped3A : memref<!tpu.dma_semaphore, #tpu.memory_space<semaphore_mem>>)
      %dma_wait3A = arith.constant 0 : i32
      %dma_wait3A_52 = arith.constant 0 : i32
      %dma_wait3A_53 = tpu.memref_slice %arg9[%dma_wait3A, %dma_wait3A_52] : memref<128x128xf32, #tpu.memory_space<vmem>> -> memref<128x128xf32, #tpu.memory_space<vmem>>
      %dma_wait3A_54 = arith.constant 0 : i32
      %dma_wait3A_55 = tpu.memref_slice %arg6[%arg0, %add3A_24, %dma_wait3A_54] : memref<2x10112x128xf32, #tpu.memory_space<hbm>> -> memref<1x128x128xf32, #tpu.memory_space<hbm>>
      %dma_wait3A_56 = tpu.memref_squeeze %dma_wait3A_55 : memref<1x128x128xf32, #tpu.memory_space<hbm>> -> memref<128x128xf32, #tpu.memory_space<hbm>>
      %dma_wait3A_57 = arith.constant 0 : i32
      %dma_wait3A_58 = tpu.memref_slice %arg6[%arg0, %add3A_24, %dma_wait3A_57] : memref<2x10112x128xf32, #tpu.memory_space<hbm>> -> memref<1x128x128xf32, #tpu.memory_space<hbm>>
      %dma_wait3A_59 = tpu.memref_squeeze %dma_wait3A_58 : memref<1x128x128xf32, #tpu.memory_space<hbm>> -> memref<128x128xf32, #tpu.memory_space<hbm>>
      %dma_wait3A_60 = arith.constant 0 : i32
      %dma_wait3A_61 = arith.constant 0 : i32
      %dma_wait3A_62 = tpu.memref_slice %arg9[%dma_wait3A_60, %dma_wait3A_61] : memref<128x128xf32, #tpu.memory_space<vmem>> -> memref<128x128xf32, #tpu.memory_space<vmem>>
      tpu.wait_dma2 semaphore(%run_scoped3A : memref<!tpu.dma_semaphore, #tpu.memory_space<semaphore_mem>>) src(%dma_wait3A_62 : memref<128x128xf32, #tpu.memory_space<vmem>>) dst(%dma_wait3A_59 : memref<128x128xf32, #tpu.memory_space<hbm>>)
      tpu.yield
    }) : () -> ()
    %add3A_25 = arith.constant 128 : i32
    %add3A_26 = arith.addi %mul3A_2, %add3A_25 : i32
    "tpu.region"() ({
      %run_scoped3A = tpu.sem_alloc : memref<!tpu.dma_semaphore, #tpu.memory_space<semaphore_mem>>
      %dma_start3A = arith.constant 0 : i32
      %dma_start3A_41 = arith.constant 0 : i32
      %dma_start3A_42 = tpu.memref_slice %arg9[%dma_start3A, %dma_start3A_41] : memref<128x128xf32, #tpu.memory_space<vmem>> -> memref<128x128xf32, #tpu.memory_space<vmem>>
      %dma_start3A_43 = arith.constant 0 : i32
      %dma_start3A_44 = tpu.memref_slice %arg11[%add3A_26, %dma_start3A_43] : memref<10112x128xf32, #tpu.memory_space<vmem_shared>> -> memref<128x128xf32, #tpu.memory_space<vmem_shared>>
      %dma_start3A_45 = arith.constant 0 : i32
      %dma_start3A_46 = arith.constant 0 : i32
      %dma_start3A_47 = tpu.memref_slice %arg9[%dma_start3A_45, %dma_start3A_46] : memref<128x128xf32, #tpu.memory_space<vmem>> -> memref<128x128xf32, #tpu.memory_space<vmem>>
      %dma_start3A_48 = arith.constant 0 : i32
      %dma_start3A_49 = tpu.memref_slice %arg11[%add3A_26, %dma_start3A_48] : memref<10112x128xf32, #tpu.memory_space<vmem_shared>> -> memref<128x128xf32, #tpu.memory_space<vmem_shared>>
      tpu.enqueue_dma source(%dma_start3A_49 : memref<128x128xf32, #tpu.memory_space<vmem_shared>>) target(%dma_start3A_47 : memref<128x128xf32, #tpu.memory_space<vmem>>) target_semaphore(%run_scoped3A : memref<!tpu.dma_semaphore, #tpu.memory_space<semaphore_mem>>)
      %dma_wait3A = arith.constant 0 : i32
      %dma_wait3A_50 = arith.constant 0 : i32
      %dma_wait3A_51 = tpu.memref_slice %arg9[%dma_wait3A, %dma_wait3A_50] : memref<128x128xf32, #tpu.memory_space<vmem>> -> memref<128x128xf32, #tpu.memory_space<vmem>>
      %dma_wait3A_52 = arith.constant 0 : i32
      %dma_wait3A_53 = tpu.memref_slice %arg11[%add3A_26, %dma_wait3A_52] : memref<10112x128xf32, #tpu.memory_space<vmem_shared>> -> memref<128x128xf32, #tpu.memory_space<vmem_shared>>
      %dma_wait3A_54 = arith.constant 0 : i32
      %dma_wait3A_55 = arith.constant 0 : i32
      %dma_wait3A_56 = tpu.memref_slice %arg9[%dma_wait3A_54, %dma_wait3A_55] : memref<128x128xf32, #tpu.memory_space<vmem>> -> memref<128x128xf32, #tpu.memory_space<vmem>>
      %dma_wait3A_57 = arith.constant 0 : i32
      %dma_wait3A_58 = tpu.memref_slice %arg11[%add3A_26, %dma_wait3A_57] : memref<10112x128xf32, #tpu.memory_space<vmem_shared>> -> memref<128x128xf32, #tpu.memory_space<vmem_shared>>
      tpu.wait_dma2 semaphore(%run_scoped3A : memref<!tpu.dma_semaphore, #tpu.memory_space<semaphore_mem>>) src(%dma_wait3A_58 : memref<128x128xf32, #tpu.memory_space<vmem_shared>>) dst(%dma_wait3A_56 : memref<128x128xf32, #tpu.memory_space<vmem>>)
      tpu.yield
    }) : () -> ()
    %add3A_27 = arith.constant 128 : i32
    %add3A_28 = arith.addi %mul3A_2, %add3A_27 : i32
    "tpu.region"() ({
      %run_scoped3A = tpu.sem_alloc : memref<!tpu.dma_semaphore, #tpu.memory_space<semaphore_mem>>
      %dma_start3A = arith.constant 0 : i32
      %dma_start3A_41 = arith.constant 0 : i32
      %dma_start3A_42 = tpu.memref_slice %arg9[%dma_start3A, %dma_start3A_41] : memref<128x128xf32, #tpu.memory_space<vmem>> -> memref<128x128xf32, #tpu.memory_space<vmem>>
      %dma_start3A_43 = arith.constant 0 : i32
      %dma_start3A_44 = tpu.memref_slice %arg6[%arg0, %add3A_28, %dma_start3A_43] : memref<2x10112x128xf32, #tpu.memory_space<hbm>> -> memref<1x128x128xf32, #tpu.memory_space<hbm>>
      %dma_start3A_45 = tpu.memref_squeeze %dma_start3A_44 : memref<1x128x128xf32, #tpu.memory_space<hbm>> -> memref<128x128xf32, #tpu.memory_space<hbm>>
      %dma_start3A_46 = arith.constant 0 : i32
      %dma_start3A_47 = tpu.memref_slice %arg6[%arg0, %add3A_28, %dma_start3A_46] : memref<2x10112x128xf32, #tpu.memory_space<hbm>> -> memref<1x128x128xf32, #tpu.memory_space<hbm>>
      %dma_start3A_48 = tpu.memref_squeeze %dma_start3A_47 : memref<1x128x128xf32, #tpu.memory_space<hbm>> -> memref<128x128xf32, #tpu.memory_space<hbm>>
      %dma_start3A_49 = arith.constant 0 : i32
      %dma_start3A_50 = arith.constant 0 : i32
      %dma_start3A_51 = tpu.memref_slice %arg9[%dma_start3A_49, %dma_start3A_50] : memref<128x128xf32, #tpu.memory_space<vmem>> -> memref<128x128xf32, #tpu.memory_space<vmem>>
      tpu.enqueue_dma source(%dma_start3A_51 : memref<128x128xf32, #tpu.memory_space<vmem>>) target(%dma_start3A_48 : memref<128x128xf32, #tpu.memory_space<hbm>>) target_semaphore(%run_scoped3A : memref<!tpu.dma_semaphore, #tpu.memory_space<semaphore_mem>>)
      %dma_wait3A = arith.constant 0 : i32
      %dma_wait3A_52 = arith.constant 0 : i32
      %dma_wait3A_53 = tpu.memref_slice %arg9[%dma_wait3A, %dma_wait3A_52] : memref<128x128xf32, #tpu.memory_space<vmem>> -> memref<128x128xf32, #tpu.memory_space<vmem>>
      %dma_wait3A_54 = arith.constant 0 : i32
      %dma_wait3A_55 = tpu.memref_slice %arg6[%arg0, %add3A_28, %dma_wait3A_54] : memref<2x10112x128xf32, #tpu.memory_space<hbm>> -> memref<1x128x128xf32, #tpu.memory_space<hbm>>
      %dma_wait3A_56 = tpu.memref_squeeze %dma_wait3A_55 : memref<1x128x128xf32, #tpu.memory_space<hbm>> -> memref<128x128xf32, #tpu.memory_space<hbm>>
      %dma_wait3A_57 = arith.constant 0 : i32
      %dma_wait3A_58 = tpu.memref_slice %arg6[%arg0, %add3A_28, %dma_wait3A_57] : memref<2x10112x128xf32, #tpu.memory_space<hbm>> -> memref<1x128x128xf32, #tpu.memory_space<hbm>>
      %dma_wait3A_59 = tpu.memref_squeeze %dma_wait3A_58 : memref<1x128x128xf32, #tpu.memory_space<hbm>> -> memref<128x128xf32, #tpu.memory_space<hbm>>
      %dma_wait3A_60 = arith.constant 0 : i32
      %dma_wait3A_61 = arith.constant 0 : i32
      %dma_wait3A_62 = tpu.memref_slice %arg9[%dma_wait3A_60, %dma_wait3A_61] : memref<128x128xf32, #tpu.memory_space<vmem>> -> memref<128x128xf32, #tpu.memory_space<vmem>>
      tpu.wait_dma2 semaphore(%run_scoped3A : memref<!tpu.dma_semaphore, #tpu.memory_space<semaphore_mem>>) src(%dma_wait3A_62 : memref<128x128xf32, #tpu.memory_space<vmem>>) dst(%dma_wait3A_59 : memref<128x128xf32, #tpu.memory_space<hbm>>)
      tpu.yield
    }) : () -> ()
    %add3A_29 = arith.constant 256 : i32
    %add3A_30 = arith.addi %mul3A_2, %add3A_29 : i32
    "tpu.region"() ({
      %run_scoped3A = tpu.sem_alloc : memref<!tpu.dma_semaphore, #tpu.memory_space<semaphore_mem>>
      %dma_start3A = arith.constant 0 : i32
      %dma_start3A_41 = arith.constant 0 : i32
      %dma_start3A_42 = tpu.memref_slice %arg9[%dma_start3A, %dma_start3A_41] : memref<128x128xf32, #tpu.memory_space<vmem>> -> memref<128x128xf32, #tpu.memory_space<vmem>>
      %dma_start3A_43 = arith.constant 0 : i32
      %dma_start3A_44 = tpu.memref_slice %arg11[%add3A_30, %dma_start3A_43] : memref<10112x128xf32, #tpu.memory_space<vmem_shared>> -> memref<128x128xf32, #tpu.memory_space<vmem_shared>>
      %dma_start3A_45 = arith.constant 0 : i32
      %dma_start3A_46 = arith.constant 0 : i32
      %dma_start3A_47 = tpu.memref_slice %arg9[%dma_start3A_45, %dma_start3A_46] : memref<128x128xf32, #tpu.memory_space<vmem>> -> memref<128x128xf32, #tpu.memory_space<vmem>>
      %dma_start3A_48 = arith.constant 0 : i32
      %dma_start3A_49 = tpu.memref_slice %arg11[%add3A_30, %dma_start3A_48] : memref<10112x128xf32, #tpu.memory_space<vmem_shared>> -> memref<128x128xf32, #tpu.memory_space<vmem_shared>>
      tpu.enqueue_dma source(%dma_start3A_49 : memref<128x128xf32, #tpu.memory_space<vmem_shared>>) target(%dma_start3A_47 : memref<128x128xf32, #tpu.memory_space<vmem>>) target_semaphore(%run_scoped3A : memref<!tpu.dma_semaphore, #tpu.memory_space<semaphore_mem>>)
      %dma_wait3A = arith.constant 0 : i32
      %dma_wait3A_50 = arith.constant 0 : i32
      %dma_wait3A_51 = tpu.memref_slice %arg9[%dma_wait3A, %dma_wait3A_50] : memref<128x128xf32, #tpu.memory_space<vmem>> -> memref<128x128xf32, #tpu.memory_space<vmem>>
      %dma_wait3A_52 = arith.constant 0 : i32
      %dma_wait3A_53 = tpu.memref_slice %arg11[%add3A_30, %dma_wait3A_52] : memref<10112x128xf32, #tpu.memory_space<vmem_shared>> -> memref<128x128xf32, #tpu.memory_space<vmem_shared>>
      %dma_wait3A_54 = arith.constant 0 : i32
      %dma_wait3A_55 = arith.constant 0 : i32
      %dma_wait3A_56 = tpu.memref_slice %arg9[%dma_wait3A_54, %dma_wait3A_55] : memref<128x128xf32, #tpu.memory_space<vmem>> -> memref<128x128xf32, #tpu.memory_space<vmem>>
      %dma_wait3A_57 = arith.constant 0 : i32
      %dma_wait3A_58 = tpu.memref_slice %arg11[%add3A_30, %dma_wait3A_57] : memref<10112x128xf32, #tpu.memory_space<vmem_shared>> -> memref<128x128xf32, #tpu.memory_space<vmem_shared>>
      tpu.wait_dma2 semaphore(%run_scoped3A : memref<!tpu.dma_semaphore, #tpu.memory_space<semaphore_mem>>) src(%dma_wait3A_58 : memref<128x128xf32, #tpu.memory_space<vmem_shared>>) dst(%dma_wait3A_56 : memref<128x128xf32, #tpu.memory_space<vmem>>)
      tpu.yield
    }) : () -> ()
    %add3A_31 = arith.constant 256 : i32
    %add3A_32 = arith.addi %mul3A_2, %add3A_31 : i32
    "tpu.region"() ({
      %run_scoped3A = tpu.sem_alloc : memref<!tpu.dma_semaphore, #tpu.memory_space<semaphore_mem>>
      %dma_start3A = arith.constant 0 : i32
      %dma_start3A_41 = arith.constant 0 : i32
      %dma_start3A_42 = tpu.memref_slice %arg9[%dma_start3A, %dma_start3A_41] : memref<128x128xf32, #tpu.memory_space<vmem>> -> memref<128x128xf32, #tpu.memory_space<vmem>>
      %dma_start3A_43 = arith.constant 0 : i32
      %dma_start3A_44 = tpu.memref_slice %arg6[%arg0, %add3A_32, %dma_start3A_43] : memref<2x10112x128xf32, #tpu.memory_space<hbm>> -> memref<1x128x128xf32, #tpu.memory_space<hbm>>
      %dma_start3A_45 = tpu.memref_squeeze %dma_start3A_44 : memref<1x128x128xf32, #tpu.memory_space<hbm>> -> memref<128x128xf32, #tpu.memory_space<hbm>>
      %dma_start3A_46 = arith.constant 0 : i32
      %dma_start3A_47 = tpu.memref_slice %arg6[%arg0, %add3A_32, %dma_start3A_46] : memref<2x10112x128xf32, #tpu.memory_space<hbm>> -> memref<1x128x128xf32, #tpu.memory_space<hbm>>
      %dma_start3A_48 = tpu.memref_squeeze %dma_start3A_47 : memref<1x128x128xf32, #tpu.memory_space<hbm>> -> memref<128x128xf32, #tpu.memory_space<hbm>>
      %dma_start3A_49 = arith.constant 0 : i32
      %dma_start3A_50 = arith.constant 0 : i32
      %dma_start3A_51 = tpu.memref_slice %arg9[%dma_start3A_49, %dma_start3A_50] : memref<128x128xf32, #tpu.memory_space<vmem>> -> memref<128x128xf32, #tpu.memory_space<vmem>>
      tpu.enqueue_dma source(%dma_start3A_51 : memref<128x128xf32, #tpu.memory_space<vmem>>) target(%dma_start3A_48 : memref<128x128xf32, #tpu.memory_space<hbm>>) target_semaphore(%run_scoped3A : memref<!tpu.dma_semaphore, #tpu.memory_space<semaphore_mem>>)
      %dma_wait3A = arith.constant 0 : i32
      %dma_wait3A_52 = arith.constant 0 : i32
      %dma_wait3A_53 = tpu.memref_slice %arg9[%dma_wait3A, %dma_wait3A_52] : memref<128x128xf32, #tpu.memory_space<vmem>> -> memref<128x128xf32, #tpu.memory_space<vmem>>
      %dma_wait3A_54 = arith.constant 0 : i32
      %dma_wait3A_55 = tpu.memref_slice %arg6[%arg0, %add3A_32, %dma_wait3A_54] : memref<2x10112x128xf32, #tpu.memory_space<hbm>> -> memref<1x128x128xf32, #tpu.memory_space<hbm>>
      %dma_wait3A_56 = tpu.memref_squeeze %dma_wait3A_55 : memref<1x128x128xf32, #tpu.memory_space<hbm>> -> memref<128x128xf32, #tpu.memory_space<hbm>>
      %dma_wait3A_57 = arith.constant 0 : i32
      %dma_wait3A_58 = tpu.memref_slice %arg6[%arg0, %add3A_32, %dma_wait3A_57] : memref<2x10112x128xf32, #tpu.memory_space<hbm>> -> memref<1x128x128xf32, #tpu.memory_space<hbm>>
      %dma_wait3A_59 = tpu.memref_squeeze %dma_wait3A_58 : memref<1x128x128xf32, #tpu.memory_space<hbm>> -> memref<128x128xf32, #tpu.memory_space<hbm>>
      %dma_wait3A_60 = arith.constant 0 : i32
      %dma_wait3A_61 = arith.constant 0 : i32
      %dma_wait3A_62 = tpu.memref_slice %arg9[%dma_wait3A_60, %dma_wait3A_61] : memref<128x128xf32, #tpu.memory_space<vmem>> -> memref<128x128xf32, #tpu.memory_space<vmem>>
      tpu.wait_dma2 semaphore(%run_scoped3A : memref<!tpu.dma_semaphore, #tpu.memory_space<semaphore_mem>>) src(%dma_wait3A_62 : memref<128x128xf32, #tpu.memory_space<vmem>>) dst(%dma_wait3A_59 : memref<128x128xf32, #tpu.memory_space<hbm>>)
      tpu.yield
    }) : () -> ()
    %add3A_33 = arith.constant 384 : i32
    %add3A_34 = arith.addi %mul3A_2, %add3A_33 : i32
    "tpu.region"() ({
      %run_scoped3A = tpu.sem_alloc : memref<!tpu.dma_semaphore, #tpu.memory_space<semaphore_mem>>
      %dma_start3A = arith.constant 0 : i32
      %dma_start3A_41 = arith.constant 0 : i32
      %dma_start3A_42 = tpu.memref_slice %arg9[%dma_start3A, %dma_start3A_41] : memref<128x128xf32, #tpu.memory_space<vmem>> -> memref<128x128xf32, #tpu.memory_space<vmem>>
      %dma_start3A_43 = arith.constant 0 : i32
      %dma_start3A_44 = tpu.memref_slice %arg11[%add3A_34, %dma_start3A_43] : memref<10112x128xf32, #tpu.memory_space<vmem_shared>> -> memref<128x128xf32, #tpu.memory_space<vmem_shared>>
      %dma_start3A_45 = arith.constant 0 : i32
      %dma_start3A_46 = arith.constant 0 : i32
      %dma_start3A_47 = tpu.memref_slice %arg9[%dma_start3A_45, %dma_start3A_46] : memref<128x128xf32, #tpu.memory_space<vmem>> -> memref<128x128xf32, #tpu.memory_space<vmem>>
      %dma_start3A_48 = arith.constant 0 : i32
      %dma_start3A_49 = tpu.memref_slice %arg11[%add3A_34, %dma_start3A_48] : memref<10112x128xf32, #tpu.memory_space<vmem_shared>> -> memref<128x128xf32, #tpu.memory_space<vmem_shared>>
      tpu.enqueue_dma source(%dma_start3A_49 : memref<128x128xf32, #tpu.memory_space<vmem_shared>>) target(%dma_start3A_47 : memref<128x128xf32, #tpu.memory_space<vmem>>) target_semaphore(%run_scoped3A : memref<!tpu.dma_semaphore, #tpu.memory_space<semaphore_mem>>)
      %dma_wait3A = arith.constant 0 : i32
      %dma_wait3A_50 = arith.constant 0 : i32
      %dma_wait3A_51 = tpu.memref_slice %arg9[%dma_wait3A, %dma_wait3A_50] : memref<128x128xf32, #tpu.memory_space<vmem>> -> memref<128x128xf32, #tpu.memory_space<vmem>>
      %dma_wait3A_52 = arith.constant 0 : i32
      %dma_wait3A_53 = tpu.memref_slice %arg11[%add3A_34, %dma_wait3A_52] : memref<10112x128xf32, #tpu.memory_space<vmem_shared>> -> memref<128x128xf32, #tpu.memory_space<vmem_shared>>
      %dma_wait3A_54 = arith.constant 0 : i32
      %dma_wait3A_55 = arith.constant 0 : i32
      %dma_wait3A_56 = tpu.memref_slice %arg9[%dma_wait3A_54, %dma_wait3A_55] : memref<128x128xf32, #tpu.memory_space<vmem>> -> memref<128x128xf32, #tpu.memory_space<vmem>>
      %dma_wait3A_57 = arith.constant 0 : i32
      %dma_wait3A_58 = tpu.memref_slice %arg11[%add3A_34, %dma_wait3A_57] : memref<10112x128xf32, #tpu.memory_space<vmem_shared>> -> memref<128x128xf32, #tpu.memory_space<vmem_shared>>
      tpu.wait_dma2 semaphore(%run_scoped3A : memref<!tpu.dma_semaphore, #tpu.memory_space<semaphore_mem>>) src(%dma_wait3A_58 : memref<128x128xf32, #tpu.memory_space<vmem_shared>>) dst(%dma_wait3A_56 : memref<128x128xf32, #tpu.memory_space<vmem>>)
      tpu.yield
    }) : () -> ()
    %add3A_35 = arith.constant 384 : i32
    %add3A_36 = arith.addi %mul3A_2, %add3A_35 : i32
    "tpu.region"() ({
      %run_scoped3A = tpu.sem_alloc : memref<!tpu.dma_semaphore, #tpu.memory_space<semaphore_mem>>
      %dma_start3A = arith.constant 0 : i32
      %dma_start3A_41 = arith.constant 0 : i32
      %dma_start3A_42 = tpu.memref_slice %arg9[%dma_start3A, %dma_start3A_41] : memref<128x128xf32, #tpu.memory_space<vmem>> -> memref<128x128xf32, #tpu.memory_space<vmem>>
      %dma_start3A_43 = arith.constant 0 : i32
      %dma_start3A_44 = tpu.memref_slice %arg6[%arg0, %add3A_36, %dma_start3A_43] : memref<2x10112x128xf32, #tpu.memory_space<hbm>> -> memref<1x128x128xf32, #tpu.memory_space<hbm>>
      %dma_start3A_45 = tpu.memref_squeeze %dma_start3A_44 : memref<1x128x128xf32, #tpu.memory_space<hbm>> -> memref<128x128xf32, #tpu.memory_space<hbm>>
      %dma_start3A_46 = arith.constant 0 : i32
      %dma_start3A_47 = tpu.memref_slice %arg6[%arg0, %add3A_36, %dma_start3A_46] : memref<2x10112x128xf32, #tpu.memory_space<hbm>> -> memref<1x128x128xf32, #tpu.memory_space<hbm>>
      %dma_start3A_48 = tpu.memref_squeeze %dma_start3A_47 : memref<1x128x128xf32, #tpu.memory_space<hbm>> -> memref<128x128xf32, #tpu.memory_space<hbm>>
      %dma_start3A_49 = arith.constant 0 : i32
      %dma_start3A_50 = arith.constant 0 : i32
      %dma_start3A_51 = tpu.memref_slice %arg9[%dma_start3A_49, %dma_start3A_50] : memref<128x128xf32, #tpu.memory_space<vmem>> -> memref<128x128xf32, #tpu.memory_space<vmem>>
      tpu.enqueue_dma source(%dma_start3A_51 : memref<128x128xf32, #tpu.memory_space<vmem>>) target(%dma_start3A_48 : memref<128x128xf32, #tpu.memory_space<hbm>>) target_semaphore(%run_scoped3A : memref<!tpu.dma_semaphore, #tpu.memory_space<semaphore_mem>>)
      %dma_wait3A = arith.constant 0 : i32
      %dma_wait3A_52 = arith.constant 0 : i32
      %dma_wait3A_53 = tpu.memref_slice %arg9[%dma_wait3A, %dma_wait3A_52] : memref<128x128xf32, #tpu.memory_space<vmem>> -> memref<128x128xf32, #tpu.memory_space<vmem>>
      %dma_wait3A_54 = arith.constant 0 : i32
      %dma_wait3A_55 = tpu.memref_slice %arg6[%arg0, %add3A_36, %dma_wait3A_54] : memref<2x10112x128xf32, #tpu.memory_space<hbm>> -> memref<1x128x128xf32, #tpu.memory_space<hbm>>
      %dma_wait3A_56 = tpu.memref_squeeze %dma_wait3A_55 : memref<1x128x128xf32, #tpu.memory_space<hbm>> -> memref<128x128xf32, #tpu.memory_space<hbm>>
      %dma_wait3A_57 = arith.constant 0 : i32
      %dma_wait3A_58 = tpu.memref_slice %arg6[%arg0, %add3A_36, %dma_wait3A_57] : memref<2x10112x128xf32, #tpu.memory_space<hbm>> -> memref<1x128x128xf32, #tpu.memory_space<hbm>>
      %dma_wait3A_59 = tpu.memref_squeeze %dma_wait3A_58 : memref<1x128x128xf32, #tpu.memory_space<hbm>> -> memref<128x128xf32, #tpu.memory_space<hbm>>
      %dma_wait3A_60 = arith.constant 0 : i32
      %dma_wait3A_61 = arith.constant 0 : i32
      %dma_wait3A_62 = tpu.memref_slice %arg9[%dma_wait3A_60, %dma_wait3A_61] : memref<128x128xf32, #tpu.memory_space<vmem>> -> memref<128x128xf32, #tpu.memory_space<vmem>>
      tpu.wait_dma2 semaphore(%run_scoped3A : memref<!tpu.dma_semaphore, #tpu.memory_space<semaphore_mem>>) src(%dma_wait3A_62 : memref<128x128xf32, #tpu.memory_space<vmem>>) dst(%dma_wait3A_59 : memref<128x128xf32, #tpu.memory_space<hbm>>)
      tpu.yield
    }) : () -> ()
    %add3A_37 = arith.constant 512 : i32
    %add3A_38 = arith.addi %mul3A_2, %add3A_37 : i32
    "tpu.region"() ({
      %run_scoped3A = tpu.sem_alloc : memref<!tpu.dma_semaphore, #tpu.memory_space<semaphore_mem>>
      %dma_start3A = arith.constant 0 : i32
      %dma_start3A_41 = arith.constant 0 : i32
      %dma_start3A_42 = tpu.memref_slice %arg9[%dma_start3A, %dma_start3A_41] : memref<128x128xf32, #tpu.memory_space<vmem>> -> memref<120x128xf32, #tpu.memory_space<vmem>>
      %dma_start3A_43 = arith.constant 0 : i32
      %dma_start3A_44 = tpu.memref_slice %arg11[%add3A_38, %dma_start3A_43] : memref<10112x128xf32, #tpu.memory_space<vmem_shared>> -> memref<120x128xf32, #tpu.memory_space<vmem_shared>>
      %dma_start3A_45 = arith.constant 0 : i32
      %dma_start3A_46 = arith.constant 0 : i32
      %dma_start3A_47 = tpu.memref_slice %arg9[%dma_start3A_45, %dma_start3A_46] : memref<128x128xf32, #tpu.memory_space<vmem>> -> memref<120x128xf32, #tpu.memory_space<vmem>>
      %dma_start3A_48 = arith.constant 0 : i32
      %dma_start3A_49 = tpu.memref_slice %arg11[%add3A_38, %dma_start3A_48] : memref<10112x128xf32, #tpu.memory_space<vmem_shared>> -> memref<120x128xf32, #tpu.memory_space<vmem_shared>>
      tpu.enqueue_dma source(%dma_start3A_49 : memref<120x128xf32, #tpu.memory_space<vmem_shared>>) target(%dma_start3A_47 : memref<120x128xf32, #tpu.memory_space<vmem>>) target_semaphore(%run_scoped3A : memref<!tpu.dma_semaphore, #tpu.memory_space<semaphore_mem>>)
      %dma_wait3A = arith.constant 0 : i32
      %dma_wait3A_50 = arith.constant 0 : i32
      %dma_wait3A_51 = tpu.memref_slice %arg9[%dma_wait3A, %dma_wait3A_50] : memref<128x128xf32, #tpu.memory_space<vmem>> -> memref<120x128xf32, #tpu.memory_space<vmem>>
      %dma_wait3A_52 = arith.constant 0 : i32
      %dma_wait3A_53 = tpu.memref_slice %arg11[%add3A_38, %dma_wait3A_52] : memref<10112x128xf32, #tpu.memory_space<vmem_shared>> -> memref<120x128xf32, #tpu.memory_space<vmem_shared>>
      %dma_wait3A_54 = arith.constant 0 : i32
      %dma_wait3A_55 = arith.constant 0 : i32
      %dma_wait3A_56 = tpu.memref_slice %arg9[%dma_wait3A_54, %dma_wait3A_55] : memref<128x128xf32, #tpu.memory_space<vmem>> -> memref<120x128xf32, #tpu.memory_space<vmem>>
      %dma_wait3A_57 = arith.constant 0 : i32
      %dma_wait3A_58 = tpu.memref_slice %arg11[%add3A_38, %dma_wait3A_57] : memref<10112x128xf32, #tpu.memory_space<vmem_shared>> -> memref<120x128xf32, #tpu.memory_space<vmem_shared>>
      tpu.wait_dma2 semaphore(%run_scoped3A : memref<!tpu.dma_semaphore, #tpu.memory_space<semaphore_mem>>) src(%dma_wait3A_58 : memref<120x128xf32, #tpu.memory_space<vmem_shared>>) dst(%dma_wait3A_56 : memref<120x128xf32, #tpu.memory_space<vmem>>)
      tpu.yield
    }) : () -> ()
    %add3A_39 = arith.constant 512 : i32
    %add3A_40 = arith.addi %mul3A_2, %add3A_39 : i32
    "tpu.region"() ({
      %run_scoped3A = tpu.sem_alloc : memref<!tpu.dma_semaphore, #tpu.memory_space<semaphore_mem>>
      %dma_start3A = arith.constant 0 : i32
      %dma_start3A_41 = arith.constant 0 : i32
      %dma_start3A_42 = tpu.memref_slice %arg9[%dma_start3A, %dma_start3A_41] : memref<128x128xf32, #tpu.memory_space<vmem>> -> memref<120x128xf32, #tpu.memory_space<vmem>>
      %dma_start3A_43 = arith.constant 0 : i32
      %dma_start3A_44 = tpu.memref_slice %arg6[%arg0, %add3A_40, %dma_start3A_43] : memref<2x10112x128xf32, #tpu.memory_space<hbm>> -> memref<1x120x128xf32, #tpu.memory_space<hbm>>
      %dma_start3A_45 = tpu.memref_squeeze %dma_start3A_44 : memref<1x120x128xf32, #tpu.memory_space<hbm>> -> memref<120x128xf32, #tpu.memory_space<hbm>>
      %dma_start3A_46 = arith.constant 0 : i32
      %dma_start3A_47 = tpu.memref_slice %arg6[%arg0, %add3A_40, %dma_start3A_46] : memref<2x10112x128xf32, #tpu.memory_space<hbm>> -> memref<1x120x128xf32, #tpu.memory_space<hbm>>
      %dma_start3A_48 = tpu.memref_squeeze %dma_start3A_47 : memref<1x120x128xf32, #tpu.memory_space<hbm>> -> memref<120x128xf32, #tpu.memory_space<hbm>>
      %dma_start3A_49 = arith.constant 0 : i32
      %dma_start3A_50 = arith.constant 0 : i32
      %dma_start3A_51 = tpu.memref_slice %arg9[%dma_start3A_49, %dma_start3A_50] : memref<128x128xf32, #tpu.memory_space<vmem>> -> memref<120x128xf32, #tpu.memory_space<vmem>>
      tpu.enqueue_dma source(%dma_start3A_51 : memref<120x128xf32, #tpu.memory_space<vmem>>) target(%dma_start3A_48 : memref<120x128xf32, #tpu.memory_space<hbm>>) target_semaphore(%run_scoped3A : memref<!tpu.dma_semaphore, #tpu.memory_space<semaphore_mem>>)
      %dma_wait3A = arith.constant 0 : i32
      %dma_wait3A_52 = arith.constant 0 : i32
      %dma_wait3A_53 = tpu.memref_slice %arg9[%dma_wait3A, %dma_wait3A_52] : memref<128x128xf32, #tpu.memory_space<vmem>> -> memref<120x128xf32, #tpu.memory_space<vmem>>
      %dma_wait3A_54 = arith.constant 0 : i32
      %dma_wait3A_55 = tpu.memref_slice %arg6[%arg0, %add3A_40, %dma_wait3A_54] : memref<2x10112x128xf32, #tpu.memory_space<hbm>> -> memref<1x120x128xf32, #tpu.memory_space<hbm>>
      %dma_wait3A_56 = tpu.memref_squeeze %dma_wait3A_55 : memref<1x120x128xf32, #tpu.memory_space<hbm>> -> memref<120x128xf32, #tpu.memory_space<hbm>>
      %dma_wait3A_57 = arith.constant 0 : i32
      %dma_wait3A_58 = tpu.memref_slice %arg6[%arg0, %add3A_40, %dma_wait3A_57] : memref<2x10112x128xf32, #tpu.memory_space<hbm>> -> memref<1x120x128xf32, #tpu.memory_space<hbm>>
      %dma_wait3A_59 = tpu.memref_squeeze %dma_wait3A_58 : memref<1x120x128xf32, #tpu.memory_space<hbm>> -> memref<120x128xf32, #tpu.memory_space<hbm>>
      %dma_wait3A_60 = arith.constant 0 : i32
      %dma_wait3A_61 = arith.constant 0 : i32
      %dma_wait3A_62 = tpu.memref_slice %arg9[%dma_wait3A_60, %dma_wait3A_61] : memref<128x128xf32, #tpu.memory_space<vmem>> -> memref<120x128xf32, #tpu.memory_space<vmem>>
      tpu.wait_dma2 semaphore(%run_scoped3A : memref<!tpu.dma_semaphore, #tpu.memory_space<semaphore_mem>>) src(%dma_wait3A_62 : memref<120x128xf32, #tpu.memory_space<vmem>>) dst(%dma_wait3A_59 : memref<120x128xf32, #tpu.memory_space<hbm>>)
      tpu.yield
    }) : () -> ()
    return
  }
}

module attributes {stable_mosaic.version = 14 : i64} {
  func.func @_tc_init_trans_body(%arg0: memref<10000x128xf32, #tpu.memory_space<vmem>>, %arg1: memref<128x128xf32, #tpu.memory_space<vmem>>, %arg2: memref<128xf32, #tpu.memory_space<vmem>>, %arg3: memref<128xf32, #tpu.memory_space<vmem>>, %arg4: memref<128xf32, #tpu.memory_space<vmem>>, %arg5: memref<128x128xf32, #tpu.memory_space<vmem>>, %arg6: memref<128xf32, #tpu.memory_space<vmem>>, %arg7: memref<2x3x128x128xf32, #tpu.memory_space<vmem>>, %arg8: memref<3x128xf32, #tpu.memory_space<vmem>>, %arg9: memref<3x128xf32, #tpu.memory_space<vmem>>, %arg10: memref<10000x128xf32, #tpu.memory_space<vmem>>, %arg11: memref<10000x128xf32, #tpu.memory_space<vmem>>) attributes {dimension_semantics = [], scalar_prefetch = 0 : i64, scratch_operands = 0 : i64, tpu.core_type = #tpu.core_type<tc>} {
    %get3A = arith.constant 0 : index
    %get3A_0 = arith.constant 0 : index
    %get3A_1 = vector.load %arg0[%get3A, %get3A_0] : memref<10000x128xf32, #tpu.memory_space<vmem>>, vector<10000x128xf32>
    %get3A_2 = arith.constant 0 : index
    %get3A_3 = arith.constant 0 : index
    %get3A_4 = vector.load %arg1[%get3A_2, %get3A_3] : memref<128x128xf32, #tpu.memory_space<vmem>>, vector<128x128xf32>
    %dot_general3A = arith.constant dense<0.000000e+00> : vector<10000x128xf32>
    %dot_general3A_5 = tpu.matmul %get3A_1, %get3A_4, %dot_general3A {dimension_numbers = #tpu.dot_dimension_numbers<[1], [0], [0], [1], [0, 0, 1, 1], [], []>, transpose_lhs_hint = false} : vector<10000x128xf32>, vector<128x128xf32>, vector<10000x128xf32> -> vector<10000x128xf32>
    %get3A_6 = arith.constant 0 : index
    %get3A_7 = vector.load %arg2[%get3A_6] : memref<128xf32, #tpu.memory_space<vmem>>, vector<128xf32>
    %broadcast_in_dim3A = vector.shape_cast %get3A_7 : vector<128xf32> to vector<1x128xf32>
    %add3A = vector.broadcast %broadcast_in_dim3A : vector<1x128xf32> to vector<10000x128xf32>
    %add3A_8 = arith.addf %dot_general3A_5, %add3A : vector<10000x128xf32>
    %get3A_9 = arith.constant 0 : index
    %get3A_10 = vector.load %arg3[%get3A_9] : memref<128xf32, #tpu.memory_space<vmem>>, vector<128xf32>
    %mul3A = arith.constant 0.999994993 : f32
    %mul3A_11 = vector.broadcast %mul3A : f32 to vector<128xf32>
    %mul3A_12 = arith.mulf %mul3A_11, %get3A_10 : vector<128xf32>
    %broadcast_in_dim3A_13 = vector.shape_cast %mul3A_12 : vector<128xf32> to vector<1x128xf32>
    %mul3A_14 = vector.broadcast %broadcast_in_dim3A_13 : vector<1x128xf32> to vector<10000x128xf32>
    %mul3A_15 = arith.mulf %add3A_8, %mul3A_14 : vector<10000x128xf32>
    %get3A_16 = arith.constant 0 : index
    %get3A_17 = vector.load %arg4[%get3A_16] : memref<128xf32, #tpu.memory_space<vmem>>, vector<128xf32>
    %broadcast_in_dim3A_18 = vector.shape_cast %get3A_17 : vector<128xf32> to vector<1x128xf32>
    %add3A_19 = vector.broadcast %broadcast_in_dim3A_18 : vector<1x128xf32> to vector<10000x128xf32>
    %add3A_20 = arith.addf %mul3A_15, %add3A_19 : vector<10000x128xf32>
    %max3A = arith.constant 0.000000e+00 : f32
    %max3A_21 = vector.broadcast %max3A : f32 to vector<10000x128xf32>
    %max3A_22 = arith.maximumf %add3A_20, %max3A_21 : vector<10000x128xf32>
    %swap3A = arith.constant 0 : index
    %swap3A_23 = arith.constant 0 : index
    %swap3A_24 = vector.load %arg10[%swap3A, %swap3A_23] : memref<10000x128xf32, #tpu.memory_space<vmem>>, vector<10000x128xf32>
    tpu.vector_store %arg10[%swap3A, %swap3A_23], %max3A_22 {strides = array<i32>} : memref<10000x128xf32, #tpu.memory_space<vmem>>, vector<10000x128xf32>,
    %get3A_25 = arith.constant 0 : index
    %get3A_26 = arith.constant 0 : index
    %get3A_27 = vector.load %arg5[%get3A_25, %get3A_26] : memref<128x128xf32, #tpu.memory_space<vmem>>, vector<128x128xf32>
    %dot_general3A_28 = arith.constant dense<0.000000e+00> : vector<10000x128xf32>
    %dot_general3A_29 = tpu.matmul %get3A_1, %get3A_27, %dot_general3A_28 {dimension_numbers = #tpu.dot_dimension_numbers<[1], [0], [0], [1], [0, 0, 1, 1], [], []>, transpose_lhs_hint = false} : vector<10000x128xf32>, vector<128x128xf32>, vector<10000x128xf32> -> vector<10000x128xf32>
    %get3A_30 = arith.constant 0 : index
    %get3A_31 = vector.load %arg6[%get3A_30] : memref<128xf32, #tpu.memory_space<vmem>>, vector<128xf32>
    %broadcast_in_dim3A_32 = vector.shape_cast %get3A_31 : vector<128xf32> to vector<1x128xf32>
    %add3A_33 = vector.broadcast %broadcast_in_dim3A_32 : vector<1x128xf32> to vector<10000x128xf32>
    %add3A_34 = arith.addf %dot_general3A_29, %add3A_33 : vector<10000x128xf32>
    %get3A_35 = arith.constant 0 : index
    %get3A_36 = arith.constant 0 : index
    %get3A_37 = vector.load %arg8[%get3A_35, %get3A_36] : memref<3x128xf32, #tpu.memory_space<vmem>>, vector<1x128xf32>
    %get3A_38 = vector.shape_cast %get3A_37 : vector<1x128xf32> to vector<128xf32>
    %get3A_39 = arith.constant 0 : index
    %get3A_40 = arith.constant 0 : index
    %get3A_41 = vector.load %arg9[%get3A_39, %get3A_40] : memref<3x128xf32, #tpu.memory_space<vmem>>, vector<1x128xf32>
    %get3A_42 = vector.shape_cast %get3A_41 : vector<1x128xf32> to vector<128xf32>
    %reduce_sum3A = arith.constant dense<0.000000e+00> : vector<10000xf32>
    %reduce_sum3A_43 = vector.multi_reduction <add>, %add3A_34, %reduce_sum3A [1] : vector<10000x128xf32> to vector<10000xf32>
    %broadcast_in_dim3A_44 = vector.shape_cast %reduce_sum3A_43 : vector<10000xf32> to vector<10000x1xf32>
    %div3A = arith.constant 1.280000e+02 : f32
    %div3A_45 = vector.broadcast %div3A : f32 to vector<10000x1xf32>
    %div3A_46 = arith.divf %broadcast_in_dim3A_44, %div3A_45 : vector<10000x1xf32>
    %sub3A = vector.broadcast %div3A_46 : vector<10000x1xf32> to vector<10000x128xf32>
    %sub3A_47 = arith.subf %add3A_34, %sub3A : vector<10000x128xf32>
    %integer_pow3A = arith.mulf %sub3A_47, %sub3A_47 : vector<10000x128xf32>
    %reduce_sum3A_48 = arith.constant dense<0.000000e+00> : vector<10000xf32>
    %reduce_sum3A_49 = vector.multi_reduction <add>, %integer_pow3A, %reduce_sum3A_48 [1] : vector<10000x128xf32> to vector<10000xf32>
    %broadcast_in_dim3A_50 = vector.shape_cast %reduce_sum3A_49 : vector<10000xf32> to vector<10000x1xf32>
    %div3A_51 = arith.constant 1.280000e+02 : f32
    %div3A_52 = vector.broadcast %div3A_51 : f32 to vector<10000x1xf32>
    %div3A_53 = arith.divf %broadcast_in_dim3A_50, %div3A_52 : vector<10000x1xf32>
    %sub3A_54 = vector.broadcast %div3A_46 : vector<10000x1xf32> to vector<10000x128xf32>
    %sub3A_55 = arith.subf %add3A_34, %sub3A_54 : vector<10000x128xf32>
    %add3A_56 = arith.constant 9.99999974E-6 : f32
    %add3A_57 = vector.broadcast %add3A_56 : f32 to vector<10000x1xf32>
    %add3A_58 = arith.addf %div3A_53, %add3A_57 : vector<10000x1xf32>
    %rsqrt3A = math.rsqrt %add3A_58 : vector<10000x1xf32>
    %mul3A_59 = vector.broadcast %rsqrt3A : vector<10000x1xf32> to vector<10000x128xf32>
    %mul3A_60 = arith.mulf %sub3A_55, %mul3A_59 : vector<10000x128xf32>
    %broadcast_in_dim3A_61 = vector.shape_cast %get3A_38 : vector<128xf32> to vector<1x128xf32>
    %mul3A_62 = vector.broadcast %broadcast_in_dim3A_61 : vector<1x128xf32> to vector<10000x128xf32>
    %mul3A_63 = arith.mulf %mul3A_60, %mul3A_62 : vector<10000x128xf32>
    %broadcast_in_dim3A_64 = vector.shape_cast %get3A_42 : vector<128xf32> to vector<1x128xf32>
    %add3A_65 = vector.broadcast %broadcast_in_dim3A_64 : vector<1x128xf32> to vector<10000x128xf32>
    %add3A_66 = arith.addf %mul3A_63, %add3A_65 : vector<10000x128xf32>
    %max3A_67 = arith.constant 0.000000e+00 : f32
    %max3A_68 = vector.broadcast %max3A_67 : f32 to vector<10000x128xf32>
    %max3A_69 = arith.maximumf %add3A_66, %max3A_68 : vector<10000x128xf32>
    %get3A_70 = arith.constant 0 : index
    %get3A_71 = arith.constant 0 : index
    %get3A_72 = arith.constant 0 : index
    %get3A_73 = arith.constant 0 : index
    %get3A_74 = vector.load %arg7[%get3A_70, %get3A_71, %get3A_72, %get3A_73] : memref<2x3x128x128xf32, #tpu.memory_space<vmem>>, vector<1x1x128x128xf32>
    %get3A_75 = vector.shape_cast %get3A_74 : vector<1x1x128x128xf32> to vector<128x128xf32>
    %dot_general3A_76 = arith.constant dense<0.000000e+00> : vector<10000x128xf32>
    %dot_general3A_77 = tpu.matmul %max3A_69, %get3A_75, %dot_general3A_76 {dimension_numbers = #tpu.dot_dimension_numbers<[1], [0], [0], [1], [0, 0, 1, 1], [], []>, transpose_lhs_hint = false} : vector<10000x128xf32>, vector<128x128xf32>, vector<10000x128xf32> -> vector<10000x128xf32>
    %get3A_78 = arith.constant 0 : index
    %get3A_79 = arith.constant 1 : index
    %get3A_80 = arith.constant 0 : index
    %get3A_81 = arith.constant 0 : index
    %get3A_82 = vector.load %arg7[%get3A_78, %get3A_79, %get3A_80, %get3A_81] : memref<2x3x128x128xf32, #tpu.memory_space<vmem>>, vector<1x1x128x128xf32>
    %get3A_83 = vector.shape_cast %get3A_82 : vector<1x1x128x128xf32> to vector<128x128xf32>
    %dot_general3A_84 = arith.constant dense<0.000000e+00> : vector<10000x128xf32>
    %dot_general3A_85 = tpu.matmul %max3A_69, %get3A_83, %dot_general3A_84 {dimension_numbers = #tpu.dot_dimension_numbers<[1], [0], [0], [1], [0, 0, 1, 1], [], []>, transpose_lhs_hint = false} : vector<10000x128xf32>, vector<128x128xf32>, vector<10000x128xf32> -> vector<10000x128xf32>
    %get3A_86 = arith.constant 0 : index
    %get3A_87 = arith.constant 2 : index
    %get3A_88 = arith.constant 0 : index
    %get3A_89 = arith.constant 0 : index
    %get3A_90 = vector.load %arg7[%get3A_86, %get3A_87, %get3A_88, %get3A_89] : memref<2x3x128x128xf32, #tpu.memory_space<vmem>>, vector<1x1x128x128xf32>
    %get3A_91 = vector.shape_cast %get3A_90 : vector<1x1x128x128xf32> to vector<128x128xf32>
    %dot_general3A_92 = arith.constant dense<0.000000e+00> : vector<10000x128xf32>
    %dot_general3A_93 = tpu.matmul %max3A_69, %get3A_91, %dot_general3A_92 {dimension_numbers = #tpu.dot_dimension_numbers<[1], [0], [0], [1], [0, 0, 1, 1], [], []>, transpose_lhs_hint = false} : vector<10000x128xf32>, vector<128x128xf32>, vector<10000x128xf32> -> vector<10000x128xf32>
    %mul3A_94 = arith.mulf %dot_general3A_77, %dot_general3A_77 : vector<10000x128xf32>
    %reduce_sum3A_95 = vector.shape_cast %mul3A_94 : vector<10000x128xf32> to vector<1x10000x128xf32>
    %reduce_sum3A_96 = arith.constant dense<0.000000e+00> : vector<1xf32>
    %reduce_sum3A_97 = vector.multi_reduction <add>, %reduce_sum3A_95, %reduce_sum3A_96 [1, 2] : vector<1x10000x128xf32> to vector<1xf32>
    %reduce_sum3A_98 = vector.shape_cast %reduce_sum3A_97 : vector<1xf32> to vector<1x1x1xf32>
    %reduce_sum3A_99 = vector.extract %reduce_sum3A_98[0, 0, 0] : f32 from vector<1x1x1xf32>
    %mul3A_100 = arith.mulf %dot_general3A_85, %dot_general3A_85 : vector<10000x128xf32>
    %reduce_sum3A_101 = vector.shape_cast %mul3A_100 : vector<10000x128xf32> to vector<1x10000x128xf32>
    %reduce_sum3A_102 = arith.constant dense<0.000000e+00> : vector<1xf32>
    %reduce_sum3A_103 = vector.multi_reduction <add>, %reduce_sum3A_101, %reduce_sum3A_102 [1, 2] : vector<1x10000x128xf32> to vector<1xf32>
    %reduce_sum3A_104 = vector.shape_cast %reduce_sum3A_103 : vector<1xf32> to vector<1x1x1xf32>
    %reduce_sum3A_105 = vector.extract %reduce_sum3A_104[0, 0, 0] : f32 from vector<1x1x1xf32>
    %mul3A_106 = arith.mulf %reduce_sum3A_99, %reduce_sum3A_105 : f32
    %rsqrt3A_107 = math.rsqrt %mul3A_106 : f32
    %dot_general3A_108 = arith.constant dense<0.000000e+00> : vector<128x128xf32>
    %dot_general3A_109 = tpu.matmul %dot_general3A_85, %dot_general3A_93, %dot_general3A_108 {dimension_numbers = #tpu.dot_dimension_numbers<[0], [0], [1], [1], [0, 1, 1, 1], [], []>, transpose_lhs_hint = false} : vector<10000x128xf32>, vector<10000x128xf32>, vector<128x128xf32> -> vector<128x128xf32>
    %reduce_sum3A_110 = arith.constant dense<0.000000e+00> : vector<128xf32>
    %reduce_sum3A_111 = vector.multi_reduction <add>, %dot_general3A_85, %reduce_sum3A_110 [0] : vector<10000x128xf32> to vector<128xf32>
    %dot_general3A_112 = arith.constant dense<0.000000e+00> : vector<10000x128xf32>
    %dot_general3A_113 = tpu.matmul %dot_general3A_77, %dot_general3A_109, %dot_general3A_112 {dimension_numbers = #tpu.dot_dimension_numbers<[1], [0], [0], [1], [0, 0, 1, 1], [], []>, transpose_lhs_hint = false} : vector<10000x128xf32>, vector<128x128xf32>, vector<10000x128xf32> -> vector<10000x128xf32>
    %mul3A_114 = vector.broadcast %rsqrt3A_107 : f32 to vector<10000x128xf32>
    %mul3A_115 = arith.mulf %dot_general3A_113, %mul3A_114 : vector<10000x128xf32>
    %mul3A_116 = arith.constant 1.000000e+04 : f32
    %mul3A_117 = vector.broadcast %mul3A_116 : f32 to vector<10000x128xf32>
    %mul3A_118 = arith.mulf %mul3A_117, %dot_general3A_93 : vector<10000x128xf32>
    %add3A_119 = arith.addf %mul3A_115, %mul3A_118 : vector<10000x128xf32>
    %broadcast_in_dim3A_120 = vector.shape_cast %reduce_sum3A_111 : vector<128xf32> to vector<1x128xf32>
    %mul3A_121 = vector.broadcast %broadcast_in_dim3A_120 : vector<1x128xf32> to vector<10000x128xf32>
    %mul3A_122 = arith.mulf %dot_general3A_77, %mul3A_121 : vector<10000x128xf32>
    %reduce_sum3A_123 = arith.constant dense<0.000000e+00> : vector<10000xf32>
    %reduce_sum3A_124 = vector.multi_reduction <add>, %mul3A_122, %reduce_sum3A_123 [1] : vector<10000x128xf32> to vector<10000xf32>
    %broadcast_in_dim3A_125 = vector.shape_cast %reduce_sum3A_124 : vector<10000xf32> to vector<10000x1xf32>
    %mul3A_126 = vector.broadcast %rsqrt3A_107 : f32 to vector<10000x1xf32>
    %mul3A_127 = arith.mulf %broadcast_in_dim3A_125, %mul3A_126 : vector<10000x1xf32>
    %add3A_128 = arith.constant 1.000000e+04 : f32
    %add3A_129 = vector.broadcast %add3A_128 : f32 to vector<10000x1xf32>
    %add3A_130 = arith.addf %mul3A_127, %add3A_129 : vector<10000x1xf32>
    %div3A_131 = vector.broadcast %add3A_130 : vector<10000x1xf32> to vector<10000x128xf32>
    %div3A_132 = arith.divf %add3A_119, %div3A_131 : vector<10000x128xf32>
    %add3A_133 = arith.addf %div3A_132, %max3A_69 : vector<10000x128xf32>
    %mul3A_134 = arith.constant 5.000000e-01 : f32
    %mul3A_135 = vector.broadcast %mul3A_134 : f32 to vector<10000x128xf32>
    %mul3A_136 = arith.mulf %add3A_133, %mul3A_135 : vector<10000x128xf32>
    %get3A_137 = arith.constant 1 : index
    %get3A_138 = arith.constant 0 : index
    %get3A_139 = vector.load %arg8[%get3A_137, %get3A_138] : memref<3x128xf32, #tpu.memory_space<vmem>>, vector<1x128xf32>
    %get3A_140 = vector.shape_cast %get3A_139 : vector<1x128xf32> to vector<128xf32>
    %get3A_141 = arith.constant 1 : index
    %get3A_142 = arith.constant 0 : index
    %get3A_143 = vector.load %arg9[%get3A_141, %get3A_142] : memref<3x128xf32, #tpu.memory_space<vmem>>, vector<1x128xf32>
    %get3A_144 = vector.shape_cast %get3A_143 : vector<1x128xf32> to vector<128xf32>
    %reduce_sum3A_145 = arith.constant dense<0.000000e+00> : vector<10000xf32>
    %reduce_sum3A_146 = vector.multi_reduction <add>, %mul3A_136, %reduce_sum3A_145 [1] : vector<10000x128xf32> to vector<10000xf32>
    %broadcast_in_dim3A_147 = vector.shape_cast %reduce_sum3A_146 : vector<10000xf32> to vector<10000x1xf32>
    %div3A_148 = arith.constant 1.280000e+02 : f32
    %div3A_149 = vector.broadcast %div3A_148 : f32 to vector<10000x1xf32>
    %div3A_150 = arith.divf %broadcast_in_dim3A_147, %div3A_149 : vector<10000x1xf32>
    %sub3A_151 = vector.broadcast %div3A_150 : vector<10000x1xf32> to vector<10000x128xf32>
    %sub3A_152 = arith.subf %mul3A_136, %sub3A_151 : vector<10000x128xf32>
    %integer_pow3A_153 = arith.mulf %sub3A_152, %sub3A_152 : vector<10000x128xf32>
    %reduce_sum3A_154 = arith.constant dense<0.000000e+00> : vector<10000xf32>
    %reduce_sum3A_155 = vector.multi_reduction <add>, %integer_pow3A_153, %reduce_sum3A_154 [1] : vector<10000x128xf32> to vector<10000xf32>
    %broadcast_in_dim3A_156 = vector.shape_cast %reduce_sum3A_155 : vector<10000xf32> to vector<10000x1xf32>
    %div3A_157 = arith.constant 1.280000e+02 : f32
    %div3A_158 = vector.broadcast %div3A_157 : f32 to vector<10000x1xf32>
    %div3A_159 = arith.divf %broadcast_in_dim3A_156, %div3A_158 : vector<10000x1xf32>
    %sub3A_160 = vector.broadcast %div3A_150 : vector<10000x1xf32> to vector<10000x128xf32>
    %sub3A_161 = arith.subf %mul3A_136, %sub3A_160 : vector<10000x128xf32>
    %add3A_162 = arith.constant 9.99999974E-6 : f32
    %add3A_163 = vector.broadcast %add3A_162 : f32 to vector<10000x1xf32>
    %add3A_164 = arith.addf %div3A_159, %add3A_163 : vector<10000x1xf32>
    %rsqrt3A_165 = math.rsqrt %add3A_164 : vector<10000x1xf32>
    %mul3A_166 = vector.broadcast %rsqrt3A_165 : vector<10000x1xf32> to vector<10000x128xf32>
    %mul3A_167 = arith.mulf %sub3A_161, %mul3A_166 : vector<10000x128xf32>
    %broadcast_in_dim3A_168 = vector.shape_cast %get3A_140 : vector<128xf32> to vector<1x128xf32>
    %mul3A_169 = vector.broadcast %broadcast_in_dim3A_168 : vector<1x128xf32> to vector<10000x128xf32>
    %mul3A_170 = arith.mulf %mul3A_167, %mul3A_169 : vector<10000x128xf32>
    %broadcast_in_dim3A_171 = vector.shape_cast %get3A_144 : vector<128xf32> to vector<1x128xf32>
    %add3A_172 = vector.broadcast %broadcast_in_dim3A_171 : vector<1x128xf32> to vector<10000x128xf32>
    %add3A_173 = arith.addf %mul3A_170, %add3A_172 : vector<10000x128xf32>
    %max3A_174 = arith.constant 0.000000e+00 : f32
    %max3A_175 = vector.broadcast %max3A_174 : f32 to vector<10000x128xf32>
    %max3A_176 = arith.maximumf %add3A_173, %max3A_175 : vector<10000x128xf32>
    %get3A_177 = arith.constant 1 : index
    %get3A_178 = arith.constant 0 : index
    %get3A_179 = arith.constant 0 : index
    %get3A_180 = arith.constant 0 : index
    %get3A_181 = vector.load %arg7[%get3A_177, %get3A_178, %get3A_179, %get3A_180] : memref<2x3x128x128xf32, #tpu.memory_space<vmem>>, vector<1x1x128x128xf32>
    %get3A_182 = vector.shape_cast %get3A_181 : vector<1x1x128x128xf32> to vector<128x128xf32>
    %dot_general3A_183 = arith.constant dense<0.000000e+00> : vector<10000x128xf32>
    %dot_general3A_184 = tpu.matmul %max3A_176, %get3A_182, %dot_general3A_183 {dimension_numbers = #tpu.dot_dimension_numbers<[1], [0], [0], [1], [0, 0, 1, 1], [], []>, transpose_lhs_hint = false} : vector<10000x128xf32>, vector<128x128xf32>, vector<10000x128xf32> -> vector<10000x128xf32>
    %get3A_185 = arith.constant 1 : index
    %get3A_186 = arith.constant 1 : index
    %get3A_187 = arith.constant 0 : index
    %get3A_188 = arith.constant 0 : index
    %get3A_189 = vector.load %arg7[%get3A_185, %get3A_186, %get3A_187, %get3A_188] : memref<2x3x128x128xf32, #tpu.memory_space<vmem>>, vector<1x1x128x128xf32>
    %get3A_190 = vector.shape_cast %get3A_189 : vector<1x1x128x128xf32> to vector<128x128xf32>
    %dot_general3A_191 = arith.constant dense<0.000000e+00> : vector<10000x128xf32>
    %dot_general3A_192 = tpu.matmul %max3A_176, %get3A_190, %dot_general3A_191 {dimension_numbers = #tpu.dot_dimension_numbers<[1], [0], [0], [1], [0, 0, 1, 1], [], []>, transpose_lhs_hint = false} : vector<10000x128xf32>, vector<128x128xf32>, vector<10000x128xf32> -> vector<10000x128xf32>
    %get3A_193 = arith.constant 1 : index
    %get3A_194 = arith.constant 2 : index
    %get3A_195 = arith.constant 0 : index
    %get3A_196 = arith.constant 0 : index
    %get3A_197 = vector.load %arg7[%get3A_193, %get3A_194, %get3A_195, %get3A_196] : memref<2x3x128x128xf32, #tpu.memory_space<vmem>>, vector<1x1x128x128xf32>
    %get3A_198 = vector.shape_cast %get3A_197 : vector<1x1x128x128xf32> to vector<128x128xf32>
    %dot_general3A_199 = arith.constant dense<0.000000e+00> : vector<10000x128xf32>
    %dot_general3A_200 = tpu.matmul %max3A_176, %get3A_198, %dot_general3A_199 {dimension_numbers = #tpu.dot_dimension_numbers<[1], [0], [0], [1], [0, 0, 1, 1], [], []>, transpose_lhs_hint = false} : vector<10000x128xf32>, vector<128x128xf32>, vector<10000x128xf32> -> vector<10000x128xf32>
    %mul3A_201 = arith.mulf %dot_general3A_184, %dot_general3A_184 : vector<10000x128xf32>
    %reduce_sum3A_202 = vector.shape_cast %mul3A_201 : vector<10000x128xf32> to vector<1x10000x128xf32>
    %reduce_sum3A_203 = arith.constant dense<0.000000e+00> : vector<1xf32>
    %reduce_sum3A_204 = vector.multi_reduction <add>, %reduce_sum3A_202, %reduce_sum3A_203 [1, 2] : vector<1x10000x128xf32> to vector<1xf32>
    %reduce_sum3A_205 = vector.shape_cast %reduce_sum3A_204 : vector<1xf32> to vector<1x1x1xf32>
    %reduce_sum3A_206 = vector.extract %reduce_sum3A_205[0, 0, 0] : f32 from vector<1x1x1xf32>
    %mul3A_207 = arith.mulf %dot_general3A_192, %dot_general3A_192 : vector<10000x128xf32>
    %reduce_sum3A_208 = vector.shape_cast %mul3A_207 : vector<10000x128xf32> to vector<1x10000x128xf32>
    %reduce_sum3A_209 = arith.constant dense<0.000000e+00> : vector<1xf32>
    %reduce_sum3A_210 = vector.multi_reduction <add>, %reduce_sum3A_208, %reduce_sum3A_209 [1, 2] : vector<1x10000x128xf32> to vector<1xf32>
    %reduce_sum3A_211 = vector.shape_cast %reduce_sum3A_210 : vector<1xf32> to vector<1x1x1xf32>
    %reduce_sum3A_212 = vector.extract %reduce_sum3A_211[0, 0, 0] : f32 from vector<1x1x1xf32>
    %mul3A_213 = arith.mulf %reduce_sum3A_206, %reduce_sum3A_212 : f32
    %rsqrt3A_214 = math.rsqrt %mul3A_213 : f32
    %dot_general3A_215 = arith.constant dense<0.000000e+00> : vector<128x128xf32>
    %dot_general3A_216 = tpu.matmul %dot_general3A_192, %dot_general3A_200, %dot_general3A_215 {dimension_numbers = #tpu.dot_dimension_numbers<[0], [0], [1], [1], [0, 1, 1, 1], [], []>, transpose_lhs_hint = false} : vector<10000x128xf32>, vector<10000x128xf32>, vector<128x128xf32> -> vector<128x128xf32>
    %reduce_sum3A_217 = arith.constant dense<0.000000e+00> : vector<128xf32>
    %reduce_sum3A_218 = vector.multi_reduction <add>, %dot_general3A_192, %reduce_sum3A_217 [0] : vector<10000x128xf32> to vector<128xf32>
    %dot_general3A_219 = arith.constant dense<0.000000e+00> : vector<10000x128xf32>
    %dot_general3A_220 = tpu.matmul %dot_general3A_184, %dot_general3A_216, %dot_general3A_219 {dimension_numbers = #tpu.dot_dimension_numbers<[1], [0], [0], [1], [0, 0, 1, 1], [], []>, transpose_lhs_hint = false} : vector<10000x128xf32>, vector<128x128xf32>, vector<10000x128xf32> -> vector<10000x128xf32>
    %mul3A_221 = vector.broadcast %rsqrt3A_214 : f32 to vector<10000x128xf32>
    %mul3A_222 = arith.mulf %dot_general3A_220, %mul3A_221 : vector<10000x128xf32>
    %mul3A_223 = arith.constant 1.000000e+04 : f32
    %mul3A_224 = vector.broadcast %mul3A_223 : f32 to vector<10000x128xf32>
    %mul3A_225 = arith.mulf %mul3A_224, %dot_general3A_200 : vector<10000x128xf32>
    %add3A_226 = arith.addf %mul3A_222, %mul3A_225 : vector<10000x128xf32>
    %broadcast_in_dim3A_227 = vector.shape_cast %reduce_sum3A_218 : vector<128xf32> to vector<1x128xf32>
    %mul3A_228 = vector.broadcast %broadcast_in_dim3A_227 : vector<1x128xf32> to vector<10000x128xf32>
    %mul3A_229 = arith.mulf %dot_general3A_184, %mul3A_228 : vector<10000x128xf32>
    %reduce_sum3A_230 = arith.constant dense<0.000000e+00> : vector<10000xf32>
    %reduce_sum3A_231 = vector.multi_reduction <add>, %mul3A_229, %reduce_sum3A_230 [1] : vector<10000x128xf32> to vector<10000xf32>
    %broadcast_in_dim3A_232 = vector.shape_cast %reduce_sum3A_231 : vector<10000xf32> to vector<10000x1xf32>
    %mul3A_233 = vector.broadcast %rsqrt3A_214 : f32 to vector<10000x1xf32>
    %mul3A_234 = arith.mulf %broadcast_in_dim3A_232, %mul3A_233 : vector<10000x1xf32>
    %add3A_235 = arith.constant 1.000000e+04 : f32
    %add3A_236 = vector.broadcast %add3A_235 : f32 to vector<10000x1xf32>
    %add3A_237 = arith.addf %mul3A_234, %add3A_236 : vector<10000x1xf32>
    %div3A_238 = vector.broadcast %add3A_237 : vector<10000x1xf32> to vector<10000x128xf32>
    %div3A_239 = arith.divf %add3A_226, %div3A_238 : vector<10000x128xf32>
    %add3A_240 = arith.addf %div3A_239, %max3A_176 : vector<10000x128xf32>
    %mul3A_241 = arith.constant 5.000000e-01 : f32
    %mul3A_242 = vector.broadcast %mul3A_241 : f32 to vector<10000x128xf32>
    %mul3A_243 = arith.mulf %add3A_240, %mul3A_242 : vector<10000x128xf32>
    %get3A_244 = arith.constant 2 : index
    %get3A_245 = arith.constant 0 : index
    %get3A_246 = vector.load %arg8[%get3A_244, %get3A_245] : memref<3x128xf32, #tpu.memory_space<vmem>>, vector<1x128xf32>
    %get3A_247 = vector.shape_cast %get3A_246 : vector<1x128xf32> to vector<128xf32>
    %get3A_248 = arith.constant 2 : index
    %get3A_249 = arith.constant 0 : index
    %get3A_250 = vector.load %arg9[%get3A_248, %get3A_249] : memref<3x128xf32, #tpu.memory_space<vmem>>, vector<1x128xf32>
    %get3A_251 = vector.shape_cast %get3A_250 : vector<1x128xf32> to vector<128xf32>
    %reduce_sum3A_252 = arith.constant dense<0.000000e+00> : vector<10000xf32>
    %reduce_sum3A_253 = vector.multi_reduction <add>, %mul3A_243, %reduce_sum3A_252 [1] : vector<10000x128xf32> to vector<10000xf32>
    %broadcast_in_dim3A_254 = vector.shape_cast %reduce_sum3A_253 : vector<10000xf32> to vector<10000x1xf32>
    %div3A_255 = arith.constant 1.280000e+02 : f32
    %div3A_256 = vector.broadcast %div3A_255 : f32 to vector<10000x1xf32>
    %div3A_257 = arith.divf %broadcast_in_dim3A_254, %div3A_256 : vector<10000x1xf32>
    %sub3A_258 = vector.broadcast %div3A_257 : vector<10000x1xf32> to vector<10000x128xf32>
    %sub3A_259 = arith.subf %mul3A_243, %sub3A_258 : vector<10000x128xf32>
    %integer_pow3A_260 = arith.mulf %sub3A_259, %sub3A_259 : vector<10000x128xf32>
    %reduce_sum3A_261 = arith.constant dense<0.000000e+00> : vector<10000xf32>
    %reduce_sum3A_262 = vector.multi_reduction <add>, %integer_pow3A_260, %reduce_sum3A_261 [1] : vector<10000x128xf32> to vector<10000xf32>
    %broadcast_in_dim3A_263 = vector.shape_cast %reduce_sum3A_262 : vector<10000xf32> to vector<10000x1xf32>
    %div3A_264 = arith.constant 1.280000e+02 : f32
    %div3A_265 = vector.broadcast %div3A_264 : f32 to vector<10000x1xf32>
    %div3A_266 = arith.divf %broadcast_in_dim3A_263, %div3A_265 : vector<10000x1xf32>
    %sub3A_267 = vector.broadcast %div3A_257 : vector<10000x1xf32> to vector<10000x128xf32>
    %sub3A_268 = arith.subf %mul3A_243, %sub3A_267 : vector<10000x128xf32>
    %add3A_269 = arith.constant 9.99999974E-6 : f32
    %add3A_270 = vector.broadcast %add3A_269 : f32 to vector<10000x1xf32>
    %add3A_271 = arith.addf %div3A_266, %add3A_270 : vector<10000x1xf32>
    %rsqrt3A_272 = math.rsqrt %add3A_271 : vector<10000x1xf32>
    %mul3A_273 = vector.broadcast %rsqrt3A_272 : vector<10000x1xf32> to vector<10000x128xf32>
    %mul3A_274 = arith.mulf %sub3A_268, %mul3A_273 : vector<10000x128xf32>
    %broadcast_in_dim3A_275 = vector.shape_cast %get3A_247 : vector<128xf32> to vector<1x128xf32>
    %mul3A_276 = vector.broadcast %broadcast_in_dim3A_275 : vector<1x128xf32> to vector<10000x128xf32>
    %mul3A_277 = arith.mulf %mul3A_274, %mul3A_276 : vector<10000x128xf32>
    %broadcast_in_dim3A_278 = vector.shape_cast %get3A_251 : vector<128xf32> to vector<1x128xf32>
    %add3A_279 = vector.broadcast %broadcast_in_dim3A_278 : vector<1x128xf32> to vector<10000x128xf32>
    %add3A_280 = arith.addf %mul3A_277, %add3A_279 : vector<10000x128xf32>
    %max3A_281 = arith.constant 0.000000e+00 : f32
    %max3A_282 = vector.broadcast %max3A_281 : f32 to vector<10000x128xf32>
    %max3A_283 = arith.maximumf %add3A_280, %max3A_282 : vector<10000x128xf32>
    %swap3A_284 = arith.constant 0 : index
    %swap3A_285 = arith.constant 0 : index
    %swap3A_286 = vector.load %arg11[%swap3A_284, %swap3A_285] : memref<10000x128xf32, #tpu.memory_space<vmem>>, vector<10000x128xf32>
    tpu.vector_store %arg11[%swap3A_284, %swap3A_285], %max3A_283 {strides = array<i32>} : memref<10000x128xf32, #tpu.memory_space<vmem>>, vector<10000x128xf32>,
    return
  }
}

module attributes {stable_mosaic.version = 14 : i64} {
  func.func @_tc_dinv_hw_body(%arg0: memref<2x10112x128xf32, #tpu.memory_space<vmem>>, %arg1: memref<10000x128xf32, #tpu.memory_space<vmem>>, %arg2: memref<128x128xf32, #tpu.memory_space<vmem>>, %arg3: memref<10000x128xf32, #tpu.memory_space<vmem>>, %arg4: memref<10000x128xf32, #tpu.memory_space<vmem>>) attributes {dimension_semantics = [], scalar_prefetch = 0 : i64, scratch_operands = 0 : i64, tpu.core_type = #tpu.core_type<tc>} {
    %get3A = arith.constant 0 : index
    %get3A_0 = arith.constant 0 : index
    %get3A_1 = arith.constant 0 : index
    %get3A_2 = vector.load %arg0[%get3A, %get3A_0, %get3A_1] : memref<2x10112x128xf32, #tpu.memory_space<vmem>>, vector<1x10000x1xf32>
    %get3A_3 = vector.shape_cast %get3A_2 : vector<1x10000x1xf32> to vector<10000x1xf32>
    %get3A_4 = arith.constant 1 : index
    %get3A_5 = arith.constant 0 : index
    %get3A_6 = arith.constant 0 : index
    %get3A_7 = vector.load %arg0[%get3A_4, %get3A_5, %get3A_6] : memref<2x10112x128xf32, #tpu.memory_space<vmem>>, vector<1x10000x1xf32>
    %get3A_8 = vector.shape_cast %get3A_7 : vector<1x10000x1xf32> to vector<10000x1xf32>
    %add3A = arith.addf %get3A_3, %get3A_8 : vector<10000x1xf32>
    %add3A_9 = arith.constant 1.000000e+00 : f32
    %add3A_10 = vector.broadcast %add3A_9 : f32 to vector<10000x1xf32>
    %add3A_11 = arith.addf %add3A, %add3A_10 : vector<10000x1xf32>
    %rsqrt3A = math.rsqrt %add3A_11 : vector<10000x1xf32>
    %broadcast_in_dim3A = vector.shape_cast %rsqrt3A : vector<10000x1xf32> to vector<10000x1xf32>
    %broadcast_in_dim3A_12 = vector.broadcast %broadcast_in_dim3A : vector<10000x1xf32> to vector<10000x128xf32>
    %swap3A = arith.constant 0 : index
    %swap3A_13 = arith.constant 0 : index
    %swap3A_14 = vector.load %arg3[%swap3A, %swap3A_13] : memref<10000x128xf32, #tpu.memory_space<vmem>>, vector<10000x128xf32>
    tpu.vector_store %arg3[%swap3A, %swap3A_13], %broadcast_in_dim3A_12 {strides = array<i32>} : memref<10000x128xf32, #tpu.memory_space<vmem>>, vector<10000x128xf32>,
    %get3A_15 = arith.constant 0 : index
    %get3A_16 = arith.constant 0 : index
    %get3A_17 = vector.load %arg1[%get3A_15, %get3A_16] : memref<10000x128xf32, #tpu.memory_space<vmem>>, vector<10000x128xf32>
    %get3A_18 = arith.constant 0 : index
    %get3A_19 = arith.constant 0 : index
    %get3A_20 = vector.load %arg2[%get3A_18, %get3A_19] : memref<128x128xf32, #tpu.memory_space<vmem>>, vector<128x128xf32>
    %dot_general3A = arith.constant dense<0.000000e+00> : vector<10000x128xf32>
    %dot_general3A_21 = tpu.matmul %get3A_17, %get3A_20, %dot_general3A {dimension_numbers = #tpu.dot_dimension_numbers<[1], [0], [0], [1], [0, 0, 1, 1], [], []>, transpose_lhs_hint = false} : vector<10000x128xf32>, vector<128x128xf32>, vector<10000x128xf32> -> vector<10000x128xf32>
    %mul3A = arith.mulf %broadcast_in_dim3A_12, %dot_general3A_21 : vector<10000x128xf32>
    %swap3A_22 = arith.constant 0 : index
    %swap3A_23 = arith.constant 0 : index
    %swap3A_24 = vector.load %arg4[%swap3A_22, %swap3A_23] : memref<10000x128xf32, #tpu.memory_space<vmem>>, vector<10000x128xf32>
    tpu.vector_store %arg4[%swap3A_22, %swap3A_23], %mul3A {strides = array<i32>} : memref<10000x128xf32, #tpu.memory_space<vmem>>, vector<10000x128xf32>,
    return
  }
}

module attributes {stable_mosaic.version = 14 : i64} {
  func.func @_tc_gcn_body(%arg0: memref<2x10112x128xf32, #tpu.memory_space<vmem>>, %arg1: memref<10000x128xf32, #tpu.memory_space<vmem>>, %arg2: memref<10000x128xf32, #tpu.memory_space<vmem>>, %arg3: memref<10000x128xf32, #tpu.memory_space<vmem>>, %arg4: memref<128xf32, #tpu.memory_space<vmem>>, %arg5: memref<128xf32, #tpu.memory_space<vmem>>, %arg6: memref<128xf32, #tpu.memory_space<vmem>>, %arg7: memref<128x128xf32, #tpu.memory_space<vmem>>, %arg8: memref<10000x128xf32, #tpu.memory_space<vmem>>, %arg9: memref<10000x128xf32, #tpu.memory_space<vmem>>) attributes {dimension_semantics = [], scalar_prefetch = 0 : i64, scratch_operands = 0 : i64, tpu.core_type = #tpu.core_type<tc>} {
    %get3A = arith.constant 0 : index
    %get3A_0 = arith.constant 0 : index
    %get3A_1 = vector.load %arg3[%get3A, %get3A_0] : memref<10000x128xf32, #tpu.memory_space<vmem>>, vector<10000x128xf32>
    %get3A_2 = arith.constant 0 : index
    %get3A_3 = arith.constant 0 : index
    %get3A_4 = arith.constant 0 : index
    %get3A_5 = vector.load %arg0[%get3A_2, %get3A_3, %get3A_4] : memref<2x10112x128xf32, #tpu.memory_space<vmem>>, vector<1x10000x128xf32>
    %get3A_6 = vector.shape_cast %get3A_5 : vector<1x10000x128xf32> to vector<10000x128xf32>
    %get3A_7 = arith.constant 1 : index
    %get3A_8 = arith.constant 0 : index
    %get3A_9 = arith.constant 0 : index
    %get3A_10 = vector.load %arg0[%get3A_7, %get3A_8, %get3A_9] : memref<2x10112x128xf32, #tpu.memory_space<vmem>>, vector<1x10000x128xf32>
    %get3A_11 = vector.shape_cast %get3A_10 : vector<1x10000x128xf32> to vector<10000x128xf32>
    %add3A = arith.addf %get3A_6, %get3A_11 : vector<10000x128xf32>
    %get3A_12 = arith.constant 0 : index
    %get3A_13 = arith.constant 0 : index
    %get3A_14 = vector.load %arg1[%get3A_12, %get3A_13] : memref<10000x128xf32, #tpu.memory_space<vmem>>, vector<10000x128xf32>
    %add3A_15 = arith.addf %add3A, %get3A_14 : vector<10000x128xf32>
    %mul3A = arith.mulf %get3A_1, %add3A_15 : vector<10000x128xf32>
    %get3A_16 = arith.constant 0 : index
    %get3A_17 = vector.load %arg6[%get3A_16] : memref<128xf32, #tpu.memory_space<vmem>>, vector<128xf32>
    %broadcast_in_dim3A = vector.shape_cast %get3A_17 : vector<128xf32> to vector<1x128xf32>
    %add3A_18 = vector.broadcast %broadcast_in_dim3A : vector<1x128xf32> to vector<10000x128xf32>
    %add3A_19 = arith.addf %mul3A, %add3A_18 : vector<10000x128xf32>
    %get3A_20 = arith.constant 0 : index
    %get3A_21 = vector.load %arg4[%get3A_20] : memref<128xf32, #tpu.memory_space<vmem>>, vector<128xf32>
    %mul3A_22 = arith.constant 0.999994993 : f32
    %mul3A_23 = vector.broadcast %mul3A_22 : f32 to vector<128xf32>
    %mul3A_24 = arith.mulf %mul3A_23, %get3A_21 : vector<128xf32>
    %broadcast_in_dim3A_25 = vector.shape_cast %mul3A_24 : vector<128xf32> to vector<1x128xf32>
    %mul3A_26 = vector.broadcast %broadcast_in_dim3A_25 : vector<1x128xf32> to vector<10000x128xf32>
    %mul3A_27 = arith.mulf %add3A_19, %mul3A_26 : vector<10000x128xf32>
    %get3A_28 = arith.constant 0 : index
    %get3A_29 = vector.load %arg5[%get3A_28] : memref<128xf32, #tpu.memory_space<vmem>>, vector<128xf32>
    %broadcast_in_dim3A_30 = vector.shape_cast %get3A_29 : vector<128xf32> to vector<1x128xf32>
    %add3A_31 = vector.broadcast %broadcast_in_dim3A_30 : vector<1x128xf32> to vector<10000x128xf32>
    %add3A_32 = arith.addf %mul3A_27, %add3A_31 : vector<10000x128xf32>
    %max3A = arith.constant 0.000000e+00 : f32
    %max3A_33 = vector.broadcast %max3A : f32 to vector<10000x128xf32>
    %max3A_34 = arith.maximumf %add3A_32, %max3A_33 : vector<10000x128xf32>
    %get3A_35 = arith.constant 0 : index
    %get3A_36 = arith.constant 0 : index
    %get3A_37 = vector.load %arg2[%get3A_35, %get3A_36] : memref<10000x128xf32, #tpu.memory_space<vmem>>, vector<10000x128xf32>
    %add3A_38 = arith.addf %max3A_34, %get3A_37 : vector<10000x128xf32>
    %swap3A = arith.constant 0 : index
    %swap3A_39 = arith.constant 0 : index
    %swap3A_40 = vector.load %arg8[%swap3A, %swap3A_39] : memref<10000x128xf32, #tpu.memory_space<vmem>>, vector<10000x128xf32>
    tpu.vector_store %arg8[%swap3A, %swap3A_39], %add3A_38 {strides = array<i32>} : memref<10000x128xf32, #tpu.memory_space<vmem>>, vector<10000x128xf32>,
    %get3A_41 = arith.constant 0 : index
    %get3A_42 = arith.constant 0 : index
    %get3A_43 = vector.load %arg7[%get3A_41, %get3A_42] : memref<128x128xf32, #tpu.memory_space<vmem>>, vector<128x128xf32>
    %dot_general3A = arith.constant dense<0.000000e+00> : vector<10000x128xf32>
    %dot_general3A_44 = tpu.matmul %add3A_38, %get3A_43, %dot_general3A {dimension_numbers = #tpu.dot_dimension_numbers<[1], [0], [0], [1], [0, 0, 1, 1], [], []>, transpose_lhs_hint = false} : vector<10000x128xf32>, vector<128x128xf32>, vector<10000x128xf32> -> vector<10000x128xf32>
    %mul3A_45 = arith.mulf %get3A_1, %dot_general3A_44 : vector<10000x128xf32>
    %swap3A_46 = arith.constant 0 : index
    %swap3A_47 = arith.constant 0 : index
    %swap3A_48 = vector.load %arg9[%swap3A_46, %swap3A_47] : memref<10000x128xf32, #tpu.memory_space<vmem>>, vector<10000x128xf32>
    tpu.vector_store %arg9[%swap3A_46, %swap3A_47], %mul3A_45 {strides = array<i32>} : memref<10000x128xf32, #tpu.memory_space<vmem>>, vector<10000x128xf32>,
    return
  }
}

module attributes {stable_mosaic.version = 14 : i64} {
  func.func @_tc_gcn_final_body(%arg0: memref<2x10112x128xf32, #tpu.memory_space<vmem>>, %arg1: memref<10000x128xf32, #tpu.memory_space<vmem>>, %arg2: memref<10000x128xf32, #tpu.memory_space<vmem>>, %arg3: memref<10000x128xf32, #tpu.memory_space<vmem>>, %arg4: memref<128xf32, #tpu.memory_space<vmem>>, %arg5: memref<128xf32, #tpu.memory_space<vmem>>, %arg6: memref<128xf32, #tpu.memory_space<vmem>>, %arg7: memref<10000x128xf32, #tpu.memory_space<vmem>>, %arg8: memref<128x128xf32, #tpu.memory_space<vmem>>, %arg9: memref<128xf32, #tpu.memory_space<vmem>>, %arg10: memref<10000x128xf32, #tpu.memory_space<vmem>>) attributes {dimension_semantics = [], scalar_prefetch = 0 : i64, scratch_operands = 0 : i64, tpu.core_type = #tpu.core_type<tc>} {
    %get3A = arith.constant 0 : index
    %get3A_0 = arith.constant 0 : index
    %get3A_1 = vector.load %arg3[%get3A, %get3A_0] : memref<10000x128xf32, #tpu.memory_space<vmem>>, vector<10000x128xf32>
    %get3A_2 = arith.constant 0 : index
    %get3A_3 = arith.constant 0 : index
    %get3A_4 = arith.constant 0 : index
    %get3A_5 = vector.load %arg0[%get3A_2, %get3A_3, %get3A_4] : memref<2x10112x128xf32, #tpu.memory_space<vmem>>, vector<1x10000x128xf32>
    %get3A_6 = vector.shape_cast %get3A_5 : vector<1x10000x128xf32> to vector<10000x128xf32>
    %get3A_7 = arith.constant 1 : index
    %get3A_8 = arith.constant 0 : index
    %get3A_9 = arith.constant 0 : index
    %get3A_10 = vector.load %arg0[%get3A_7, %get3A_8, %get3A_9] : memref<2x10112x128xf32, #tpu.memory_space<vmem>>, vector<1x10000x128xf32>
    %get3A_11 = vector.shape_cast %get3A_10 : vector<1x10000x128xf32> to vector<10000x128xf32>
    %add3A = arith.addf %get3A_6, %get3A_11 : vector<10000x128xf32>
    %get3A_12 = arith.constant 0 : index
    %get3A_13 = arith.constant 0 : index
    %get3A_14 = vector.load %arg1[%get3A_12, %get3A_13] : memref<10000x128xf32, #tpu.memory_space<vmem>>, vector<10000x128xf32>
    %add3A_15 = arith.addf %add3A, %get3A_14 : vector<10000x128xf32>
    %mul3A = arith.mulf %get3A_1, %add3A_15 : vector<10000x128xf32>
    %get3A_16 = arith.constant 0 : index
    %get3A_17 = vector.load %arg6[%get3A_16] : memref<128xf32, #tpu.memory_space<vmem>>, vector<128xf32>
    %broadcast_in_dim3A = vector.shape_cast %get3A_17 : vector<128xf32> to vector<1x128xf32>
    %add3A_18 = vector.broadcast %broadcast_in_dim3A : vector<1x128xf32> to vector<10000x128xf32>
    %add3A_19 = arith.addf %mul3A, %add3A_18 : vector<10000x128xf32>
    %get3A_20 = arith.constant 0 : index
    %get3A_21 = vector.load %arg4[%get3A_20] : memref<128xf32, #tpu.memory_space<vmem>>, vector<128xf32>
    %mul3A_22 = arith.constant 0.999994993 : f32
    %mul3A_23 = vector.broadcast %mul3A_22 : f32 to vector<128xf32>
    %mul3A_24 = arith.mulf %mul3A_23, %get3A_21 : vector<128xf32>
    %broadcast_in_dim3A_25 = vector.shape_cast %mul3A_24 : vector<128xf32> to vector<1x128xf32>
    %mul3A_26 = vector.broadcast %broadcast_in_dim3A_25 : vector<1x128xf32> to vector<10000x128xf32>
    %mul3A_27 = arith.mulf %add3A_19, %mul3A_26 : vector<10000x128xf32>
    %get3A_28 = arith.constant 0 : index
    %get3A_29 = vector.load %arg5[%get3A_28] : memref<128xf32, #tpu.memory_space<vmem>>, vector<128xf32>
    %broadcast_in_dim3A_30 = vector.shape_cast %get3A_29 : vector<128xf32> to vector<1x128xf32>
    %add3A_31 = vector.broadcast %broadcast_in_dim3A_30 : vector<1x128xf32> to vector<10000x128xf32>
    %add3A_32 = arith.addf %mul3A_27, %add3A_31 : vector<10000x128xf32>
    %max3A = arith.constant 0.000000e+00 : f32
    %max3A_33 = vector.broadcast %max3A : f32 to vector<10000x128xf32>
    %max3A_34 = arith.maximumf %add3A_32, %max3A_33 : vector<10000x128xf32>
    %get3A_35 = arith.constant 0 : index
    %get3A_36 = arith.constant 0 : index
    %get3A_37 = vector.load %arg2[%get3A_35, %get3A_36] : memref<10000x128xf32, #tpu.memory_space<vmem>>, vector<10000x128xf32>
    %add3A_38 = arith.addf %max3A_34, %get3A_37 : vector<10000x128xf32>
    %mul3A_39 = arith.constant 5.000000e-01 : f32
    %mul3A_40 = vector.broadcast %mul3A_39 : f32 to vector<10000x128xf32>
    %mul3A_41 = arith.mulf %mul3A_40, %add3A_38 : vector<10000x128xf32>
    %get3A_42 = arith.constant 0 : index
    %get3A_43 = arith.constant 0 : index
    %get3A_44 = vector.load %arg7[%get3A_42, %get3A_43] : memref<10000x128xf32, #tpu.memory_space<vmem>>, vector<10000x128xf32>
    %mul3A_45 = arith.constant 5.000000e-01 : f32
    %mul3A_46 = vector.broadcast %mul3A_45 : f32 to vector<10000x128xf32>
    %mul3A_47 = arith.mulf %mul3A_46, %get3A_44 : vector<10000x128xf32>
    %add3A_48 = arith.addf %mul3A_41, %mul3A_47 : vector<10000x128xf32>
    %get3A_49 = arith.constant 0 : index
    %get3A_50 = arith.constant 0 : index
    %get3A_51 = vector.load %arg8[%get3A_49, %get3A_50] : memref<128x128xf32, #tpu.memory_space<vmem>>, vector<128x128xf32>
    %dot_general3A = arith.constant dense<0.000000e+00> : vector<10000x128xf32>
    %dot_general3A_52 = tpu.matmul %add3A_48, %get3A_51, %dot_general3A {dimension_numbers = #tpu.dot_dimension_numbers<[1], [0], [0], [1], [0, 0, 1, 1], [], []>, transpose_lhs_hint = false} : vector<10000x128xf32>, vector<128x128xf32>, vector<10000x128xf32> -> vector<10000x128xf32>
    %get3A_53 = arith.constant 0 : index
    %get3A_54 = vector.load %arg9[%get3A_53] : memref<128xf32, #tpu.memory_space<vmem>>, vector<128xf32>
    %broadcast_in_dim3A_55 = vector.shape_cast %get3A_54 : vector<128xf32> to vector<1x128xf32>
    %add3A_56 = vector.broadcast %broadcast_in_dim3A_55 : vector<1x128xf32> to vector<10000x128xf32>
    %add3A_57 = arith.addf %dot_general3A_52, %add3A_56 : vector<10000x128xf32>
    %reduce_max3A = arith.constant dense<0xFF800000> : vector<10000xf32>
    %reduce_max3A_58 = vector.multi_reduction <maximumf>, %add3A_57, %reduce_max3A [1] : vector<10000x128xf32> to vector<10000xf32>
    %broadcast_in_dim3A_59 = vector.shape_cast %reduce_max3A_58 : vector<10000xf32> to vector<10000x1xf32>
    %sub3A = vector.broadcast %broadcast_in_dim3A_59 : vector<10000x1xf32> to vector<10000x128xf32>
    %sub3A_60 = arith.subf %add3A_57, %sub3A : vector<10000x128xf32>
    %exp3A = math.exp %sub3A_60 : vector<10000x128xf32>
    %reduce_sum3A = arith.constant dense<0.000000e+00> : vector<10000xf32>
    %reduce_sum3A_61 = vector.multi_reduction <add>, %exp3A, %reduce_sum3A [1] : vector<10000x128xf32> to vector<10000xf32>
    %broadcast_in_dim3A_62 = vector.shape_cast %reduce_sum3A_61 : vector<10000xf32> to vector<10000x1xf32>
    %sub3A_63 = vector.broadcast %broadcast_in_dim3A_59 : vector<10000x1xf32> to vector<10000x128xf32>
    %sub3A_64 = arith.subf %add3A_57, %sub3A_63 : vector<10000x128xf32>
    %log3A = math.log %broadcast_in_dim3A_62 : vector<10000x1xf32>
    %sub3A_65 = vector.broadcast %log3A : vector<10000x1xf32> to vector<10000x128xf32>
    %sub3A_66 = arith.subf %sub3A_64, %sub3A_65 : vector<10000x128xf32>
    %swap3A = arith.constant 0 : index
    %swap3A_67 = arith.constant 0 : index
    %swap3A_68 = vector.load %arg10[%swap3A, %swap3A_67] : memref<10000x128xf32, #tpu.memory_space<vmem>>, vector<10000x128xf32>
    tpu.vector_store %arg10[%swap3A, %swap3A_67], %sub3A_66 {strides = array<i32>} : memref<10000x128xf32, #tpu.memory_space<vmem>>, vector<10000x128xf32>,
    return
  }
}

</mosaic_0001>

<sc_bundles>
// kernel: kernel.11.cloned.1.call-start
scs
__scs_entry_jumppad:
0x0: {  	(pc) =	sbr.rel $0x88, $3  }
0x1: {  	(tag) =	ssettag $0x0;
	lr =	simm.s32 $0x1  }
0x2: {  	[smem:$0x3F92] =	sst lr;
	_ =	strace $0xD0000000  }
0x3: {  	_ = 	snop  }
0x4: {  	_ = 	snop  }
0x5: {  	_ = 	snop  }
0x6: {  	_ = 	snop  }
0x7: {  	_ = 	snop  }
__scs_overlays_trampoline_lowered:
0x8: {  	[smem:$0x3FA1] =	sst s0  }
0x9: {  	[smem:$0x3FA2] =	sst s1  }
0xa: {  	[smem:$0x3FA3] =	sst s2  }
0xb: {  	[smem:$0x3FA4] =	sst s3  }
0xc: {  	[smem:$0x3FA5] =	sst s4  }
0xd: {  	[smem:$0x3FA6] =	sst s5  }
0xe: {  	[smem:$0x3FA7] =	sst s6  }
0xf: {  	[smem:$0x3FA8] =	sst s7  }
0x10: {  	[smem:$0x3FA9] =	sst s8  }
0x11: {  	[smem:$0x3FAA] =	sst s9;
	s0 =	simm.s32 @!p0 $0x0  }
0x12: {  	s1 =	sld [smem:$0x3F90];
	s0 =	simm.s32 @p0 $0x1  }
0x13: {  	[smem:$0x3FAB] =	sst s0;
	s0 =	simm.s32 @!p1 $0x0  }
0x14: {  	s2 =	sld [smem:$0x3F8F];
	s0 =	simm.s32 @p1 $0x1  }
0x15: {  	[smem:$0x3FAC] =	sst s0;
	s0 =	simm.s32 @!p2 $0x0  }
0x16: {  	s3 =	sld [smem:$0x3FDB];
	s0 =	simm.s32 @p2 $0x1  }
0x17: {  	s4 =	simm.s32 $0x1BF5;
	[smem:$0x3FAE] =	sst s0  }
0x18: {  	s0 =	sld [smem:$0x3F91];
	_ =	swait.ge [sflag:s4], $0x0  }
0x19: {  	s7 =	sld [smem:$0x3F92]  }
0x1a: {  	s8 =	sadd.s32 $0xFFFFE003, lr  }
0x1b: {  	s9 =	sadd.s32 $0xFFFFFEF7, lr;
	s5 =	simm.s32 $0xFFFFFFFF;
	p2 =	slt.u32 s8, $0xFFFFF086  }
0x1c: {  	p1 =	slt.u32 s9, $0xF7A;
	s5 =	simm.s32 @!p2 $0x0  }
0x1d: {  	s5 =	simm.s32 @p1 $0x1;
	p0 =	seq.s32 s7, s2  }
0x1e: {  	s7 =	smul.u32 @!p0 $0xF7A, s2;
	p2 =	seq.s32 @!p0 s5, $0x0  }
0x1f: {  	s9 =	smul.u32 $0xF7A, s1;
	s8 =	simm.s32 @!p0 $0x1BF5;
	p2 =	por !p2, p0  }
0x20: {  	[sflag:s8] =	ssyncset.s32 @!p0 $0xFFFFF086;
	s6 =	sadd.s32 @!p0 s3, s7;
	s7 =	simm.s32 @!p0 $0x108  }
0x21: {  	s3 =	sadd.s32 s3, s9;
	s6 =	sadd.s32 @!p0 $0x88, s6;
	s7 =	simm.s32 @p2 $0x1082  }
0x22: {  	[simem:s7], [sflag:s8] =	dma.local @!p0 [hbm:s6], $0xF7A  }
0x23: {  	s9 =	sor.u32 $0xD0000000, s2;
	s6 =	simm.s32 $0x108;
	_ =	swait.ge @!p0 [sflag:s8], $0x0  }
0x24: {  	s3 =	sadd.s32 $0x88, s3;
	s6 =	simm.s32 @!p1 $0x1082;
	[sflag:s4] =	ssyncset.s32 $0xFFFFF086  }
0x25: {  	[simem:s6], [sflag:s4] =	dma.local [hbm:s3], $0xF7A  }
0x26: {  	[smem:$0x3F92] =	sst s1;
	(tag) =	ssettag s2;
	_ =	strace s9  }
0x27: {  	s1 =	sld [smem:$0x3FA2]  }
0x28: {  	s2 =	sld [smem:$0x3FA3]  }
0x29: {  	s4 =	sld [smem:$0x3FA5]  }
0x2a: {  	p0 =	seq.s32 s5, $0x0;
	s5 =	sld [smem:$0x3FA6]  }
0x2b: {  	s6 =	sld [smem:$0x3FA7]  }
0x2c: {  	s7 =	sld [smem:$0x3FA8]  }
0x2d: {  	s3 =	simm.s32 $0x108;
	s8 =	sld [smem:$0x3FA9]  }
0x2e: {  	s3 =	simm.s32 @!p0 $0x1082;
	s9 =	sld [smem:$0x3FAA]  }
0x2f: {  	lr =	sadd.s32 s0, s3;
	s0 =	sld [smem:$0x3FA1]  }
0x30: {  	s3 =	sld [smem:$0x3FA4]  }
0x31: {  	[smem:$0x3FAD] =	sst s10  }
0x32: {  	s10 =	sld [smem:$0x3FAB];
	_ =	sdelay $0x3  }
0x33: {  	p0 =	seq.s32 s10, $0x1;
	s10 =	sld [smem:$0x3FAD];
	_ =	sdelay $0x3  }
0x34: {  	[smem:$0x3FAD] =	sst s10  }
0x35: {  	s10 =	sld [smem:$0x3FAC];
	_ =	sdelay $0x3  }
0x36: {  	p1 =	seq.s32 s10, $0x1;
	s10 =	sld [smem:$0x3FAD];
	_ =	sdelay $0x3  }
0x37: {  	[smem:$0x3FAD] =	sst s10  }
0x38: {  	s10 =	sld [smem:$0x3FAE]  }
0x39: {  	_ = 	snop;
	(pc) =	sbr.ind lr, $3  }
0x3a: {  	_ = 	snop  }
0x3b: {  	_ = 	snop  }
0x3c: {  	p2 =	seq.s32 s10, $0x1;
	s10 =	sld [smem:$0x3FAD]  }
0x3d: {  	_ =	shalt  }
0x3e: {  	_ =	shalt  }
0x3f: {  	_ =	shalt  }
0x40: {  	_ =	shalt  }
0x41: {  	_ =	shalt  }
0x42: {  	_ =	shalt  }
0x43: {  	_ =	shalt  }
0x44: {  	_ =	shalt  }
0x45: {  	_ =	shalt  }
0x46: {  	_ =	shalt  }
0x47: {  	_ =	shalt  }
0x48: {  	_ =	shalt  }
0x49: {  	_ =	shalt  }
0x4a: {  	_ =	shalt  }
0x4b: {  	_ =	shalt  }
0x4c: {  	_ =	shalt  }
0x4d: {  	_ =	shalt  }
0x4e: {  	_ =	shalt  }
0x4f: {  	_ =	shalt  }
0x50: {  	_ =	shalt  }
0x51: {  	_ =	shalt  }
0x52: {  	_ =	shalt  }
0x53: {  	_ =	shalt  }
0x54: {  	_ =	shalt  }
0x55: {  	_ =	shalt  }
0x56: {  	_ =	shalt  }
0x57: {  	_ =	shalt  }
0x58: {  	_ =	shalt  }
0x59: {  	_ =	shalt  }
0x5a: {  	_ =	shalt  }
0x5b: {  	_ =	shalt  }
0x5c: {  	_ =	shalt  }
0x5d: {  	_ =	shalt  }
0x5e: {  	_ =	shalt  }
0x5f: {  	_ =	shalt  }
0x60: {  	_ =	shalt  }
0x61: {  	_ =	shalt  }
0x62: {  	_ =	shalt  }
0x63: {  	_ =	shalt  }
0x64: {  	_ =	shalt  }
0x65: {  	_ =	shalt  }
0x66: {  	_ =	shalt  }
0x67: {  	_ =	shalt  }
0x68: {  	_ =	shalt  }
0x69: {  	_ =	shalt  }
0x6a: {  	_ =	shalt  }
0x6b: {  	_ =	shalt  }
0x6c: {  	_ =	shalt  }
0x6d: {  	_ =	shalt  }
0x6e: {  	_ =	shalt  }
0x6f: {  	_ =	shalt  }
0x70: {  	_ =	shalt  }
0x71: {  	_ =	shalt  }
0x72: {  	_ =	shalt  }
0x73: {  	_ =	shalt  }
0x74: {  	_ =	shalt  }
0x75: {  	_ =	shalt  }
0x76: {  	_ =	shalt  }
0x77: {  	_ =	shalt  }
0x78: {  	_ =	shalt  }
0x79: {  	_ =	shalt  }
0x7a: {  	_ =	shalt  }
0x7b: {  	_ =	shalt  }
0x7c: {  	_ =	shalt  }
0x7d: {  	_ =	shalt  }
0x7e: {  	_ =	shalt  }
0x7f: {  	_ =	shalt  }
0x80: {  	_ =	shalt  }
0x81: {  	_ =	shalt  }
0x82: {  	_ =	shalt  }
0x83: {  	_ =	shalt  }
0x84: {  	_ =	shalt  }
0x85: {  	_ =	shalt  }
0x86: {  	_ =	shalt  }
0x87: {  	_ =	shalt  }
.Lfunc_end0:
.L_simem_size_0:
called_computation_lowered:
.L_overlay_start_0:
0x88: {  	s2 =	sld [smem:$0x3FD9]  }
0x89: {  	s3 =	sld [smem:$0x3FFE];
	_ =	sdelay $0x1  }
0x8a: {  	s1 =	srdreg.scid  }
0x8b: {  	s0 =	sand.u32 $0x1, s1  }
0x8c: {  	s17 =	sshll.u32 s0, $0xA;
	s2 =	sadd.s32 s3, s2  }
0x8d: {  	s2 =	sadd.s32 s2, s17  }
0x8e: {  	[smem:$0x3FB9] =	sst s2  }
0x8f: {  	_ = 	snop  }
0x90: {  	s2 =	sld [smem:$0x3FD0];
	(tm) =	ssettm $0x1  }
0x91: {  	s18 =	sld [smem:$0x3FFB];
	_ =	sdelay $0x3  }
0x92: {  	_ =	strace s18  }
0x93: {  	s3 =	sld [smem:$0x3FFC];
	_ =	sdelay $0x3  }
0x94: {  	_ =	strace s3  }
0x95: {  	s3 =	sld [smem:$0x3FFD];
	_ =	sdelay $0x3  }
0x96: {  	_ =	strace s3  }
0x97: {  	_ =	strace $0x8FFFFFFF  }
0x98: {  	s19 =	sld [smem:$0x3FDB];
	_ =	sdelay $0x1  }
0x99: {  	s4 =	simm.s32 $_scs_section_size  }
0x9a: {  	s5 =	simm.s32 $_size__tile_overlayer_lowered;
	s6 =	simm.s32 $_tile_overlayer_lowered  }
0x9b: {  	s22 =	simm.s32 $0x1BFF;
	s21 =	sshll.u32 s6, $0x1;
	s3 =	sadd.s32 s4, s19  }
0x9c: {  	s7 =	simm.s32 $0x0;
	s20 =	sshll.u32 s5, $0x1;
	s5 =	sadd.s32 s21, s3  }
0x9d: {  	[timem:s7], [sflag:s22] =	dma.local [hbm:s5], s20  }
0x9e: {  	_ =	swait.ge [sflag:s22], s20  }
0x9f: {  	s4 =	ssub.s32 $0x0, s20;
	[sflag:s22] =	ssyncset.done $0x0  }
0xa0: {  	[sflag:s22] =	ssyncadd.s32 s4;
	_ =	sdelay $0x1  }
0xa1: {  	s23 =	simm.s32 $0x1B8B  }
0xa2: {  	_ =	swait.ge [sflag:s23], $0x1  }
0xa3: {  	[sflag:s23] =	ssyncset.done $0x0  }
0xa4: {  	s25 =	simm.s32 $0x1B8E;
	s24 =	sld [smem:$0x3FFE];
	[sflag:s23] =	ssyncadd.s32 $0xFFFFFFFF  }
0xa5: {  	s26 =	simm.s32 $execute0_lowered;
	[smem:$0x3FD2] =	sst s25  }
0xa6: {  	s5 =	sshll.u32 s26, $0x1;
	_ =	strace $0x80000046;
	[dreg:$0x1] =	wrdreg $0xFFFFFFFF  }
0xa7: {  	s28 =	simm.s32 $_size_execute0_lowered;
	s3 =	sadd.s32 s3, s5;
	[dreg:$0x0] =	wrdreg $0x0  }
0xa8: {  	s5 =	sshll.u32 s28, $0x1;
	[dreg:$0x2] =	wrdreg s3  }
0xa9: {  	[dreg:$0x3] =	wrdreg s5  }
0xaa: {  	[dreg:$0x4] =	wrdreg $0xC0  }
0xab: {  	_ =	task [dreg:s7], $0x5FFFF  }
0xac: {  	[dreg:$0x1] =	wrdreg $0xFFFFFFFF  }
0xad: {  	[dreg:$0x0] =	wrdreg $0x60  }
0xae: {  	[dreg:$0x2] =	wrdreg s2  }
0xaf: {  	[dreg:$0x3] =	wrdreg s24  }
0xb0: {  	[dreg:$0x4] =	wrdreg $0x54000  }
0xb1: {  	[dreg:$0x5] =	wrdreg $0x9  }
0xb2: {  	_ =	task.clear_ibuf [dreg:s7], $0x6FFFF;
	_ =	strace $0x90000046  }
0xb3: {  	s29 =	simm.s32 $0x9;
	_ =	strace $0x80000048  }
0xb4: {  	_ =	swait.ge [sflag:s29], $0x1  }
0xb5: {  	[sflag:s29] =	ssyncadd.s32 $0xFFFFFFFF  }
0xb6: {  	_ =	strace $0x90000048  }
0xb7: {  	_ =	sfence  }
0xb8: {  	s30 =	sld [smem:$0x0];
	_ =	sdelay $0x2  }
0xb9: {  	s31 =	sshll.u32 s1, $0xD;
	s1 =	sshrl.u32 s1, $0x2  }
0xba: {  	s3 =	sand.u32 $0x4000, s31;
	s1 =	sadd.s32 s1, s30  }
0xbb: {  	s0 =	sor.u32 s3, s0;
	s1 =	sshll.u32 s1, $0x11  }
0xbc: {  	s0 =	sor.u32 s1, s0  }
0xbd: {  	s0 =	sadd.s32 $0x8F2B, s0  }
0xbe: {  	[sflag:s0] =	ssyncadd.remote.s32 $0x1  }
0xbf: {  	_ =	sfence.sel $0xFFFF  }
0xc0: {  	[dreg:$0x0] =	wrdreg $0xFFFFFFFF;
	(pc) =	sbr.abs _section_cstart, $3  }
0xc1: {  	[dreg:$0x1] =	wrdreg $0xFFFFFFFF  }
0xc2: {  	_ =	task.clear_ibuf [dreg:s7], $0x2FFFF;
	_ =	strace $0x9FFFFFFF  }
0xc3: {  	(tm) =	ssettm $0x7FFFFFFF  }
tec
execute0_lowered:
.L_overlay_start_1:
0x0: {  	(tag) =	ssettag $0x1  }
0x1: {  	s1 =	rddreg [dreg:$0x0]  }
0x2: {  	s2 =	srdreg.scid;
	s6 =	rddreg [dreg:$0x1]  }
0x3: {  	s0 =	stileid.u32;
	s3 =	rddreg [dreg:$0x2];
	s4 =	simm.s32 $0x0  }
0x4: {  	s21 =	simm.s32 $0x80;
	s22 =	simm.s32 $0x0;
	s7 =	sand.u32 $0x1, s2  }
0x5: {  	s30 =	sshll.u32 s0, $0x1;
	s2 =	rddreg [dreg:$0x3];
	s8 =	smul.u32 $0x4F000, s0  }
0x6: {  	[smem:$0x7FF] =	sst s4;
	s10 =	smul.u32 $0x13C00, s0;
	s15 =	sadd.s32 $0x1B000, s6  }
0x7: {  	s5 =	sor.u32 s7, s30;
	s9 =	ssub.s32 $0x2, s7;
	s17 =	smul.u32 $0x13C000, s7  }
0x8: {  	_ =	strace $0x80000047;
	s5 =	smul.u32 $0x500, s5;
	s31 =	sshrl.u32 s9, $0x1  }
0x9: {  	s8 =	sshrl.u32 s8, $0x2;
	s11 =	sadd.s32 $0x4000, s10;
	s13 =	sadd.s32 $0x8000, s10  }
0xa: {  	s14 =	sadd.s32 $0xC000, s10;
	s19 =	sadd.s32 $0x10000, s10;
	s16 =	ssub.s32 s9, s31  }
0xb: {  	s7 =	sadd.s32 s11, s3;
	s9 =	sadd.s32 s14, s3;
	s12 =	sadd.s32 s10, s17  }
0xc: {  	s11 =	sadd.s32 s17, s11;
	s10 =	sadd.s32 s19, s3;
	s14 =	sadd.s32 s17, s14  }
0xd: {  	s18 =	sadd.s32 s5, s6;
	s5 =	sadd.s32 $0x1A800, s6;
	s6 =	sadd.s32 s8, s3  }
0xe: {  	s8 =	sadd.s32 s13, s3;
	s12 =	sshrl.u32 s12, $0x3;
	s20 =	sshrl.u32 s11, $0x3  }
0xf: {  	s13 =	sadd.s32 s17, s13;
	s17 =	sadd.s32 s17, s19;
	s14 =	sshrl.u32 s14, $0x3  }
0x10: {  	s16 =	smax.u32 s16, $0x1;
	s19 =	simm.s32 $0x1400;
	s11 =	sadd.s32 s15, s12  }
0x11: {  	s12 =	sadd.s32 s15, s20;
	s13 =	sshrl.u32 s13, $0x3;
	s17 =	sshrl.u32 s17, $0x3  }
0x12: {  	s14 =	sadd.s32 s15, s14;
	s20 =	simm.s32 $0x1;
	s13 =	sadd.s32 s15, s13  }
0x13: {  	s15 =	sadd.s32 s15, s17;
	s17 =	sadd.s32 $0x10800, s18;
	s18 =	sadd.s32 $0x10A80, s18  }
.LBB2_1:
0x14: {  	[tilespmem:s19], [sflag:$0x1] =	stream.linear.gather [hbm4b:s5+s4], $0x4000, $0x38;
	[tilespmem:$0x19000] =	vst v63  }
0x15: {  	_ =	swait.ge [sflag:s20], $0x4000  }
0x16: {  	[sflag:s20] =	ssyncset.done $0x0  }
0x17: {  	[sflag:s20] =	ssyncadd.s32 $0xFFFFC000  }
0x18: {  	[spmem:s6] =	stream.linear.scatter [tilespmem:s19], [sflag:$0x1], $0x4000, $0x38;
	[tilespmem:$0x19000] =	vst v63  }
0x19: {  	_ =	swait.ge [sflag:s20], $0x4000  }
0x1a: {  	[sflag:s20] =	ssyncset.done $0x0  }
0x1b: {  	[sflag:s20] =	ssyncadd.s32 $0xFFFFC000  }
0x1c: {  	[spmem:s7] =	stream.linear.scatter [tilespmem:s19], [sflag:$0x1], $0x4000, $0x38;
	[tilespmem:$0x19000] =	vst v63  }
0x1d: {  	_ =	swait.ge [sflag:s20], $0x4000  }
0x1e: {  	[sflag:s20] =	ssyncset.done $0x0  }
0x1f: {  	[sflag:s20] =	ssyncadd.s32 $0xFFFFC000  }
0x20: {  	[spmem:s8] =	stream.linear.scatter [tilespmem:s19], [sflag:$0x1], $0x4000, $0x38;
	[tilespmem:$0x19000] =	vst v63  }
0x21: {  	_ =	swait.ge [sflag:s20], $0x4000  }
0x22: {  	[sflag:s20] =	ssyncset.done $0x0  }
0x23: {  	[sflag:s20] =	ssyncadd.s32 $0xFFFFC000  }
0x24: {  	[spmem:s9] =	stream.linear.scatter [tilespmem:s19], [sflag:$0x1], $0x4000, $0x38;
	[tilespmem:$0x19000] =	vst v63  }
0x25: {  	_ =	swait.ge [sflag:s20], $0x4000  }
0x26: {  	[sflag:s20] =	ssyncset.done $0x0  }
0x27: {  	[sflag:s20] =	ssyncadd.s32 $0xFFFFC000  }
0x28: {  	[spmem:s10] =	stream.linear.scatter [tilespmem:s19], [sflag:$0x1], $0x3C00, $0x38;
	[tilespmem:$0x19000] =	vst v63  }
0x29: {  	_ =	swait.ge [sflag:s20], $0x3C00  }
0x2a: {  	[sflag:s20] =	ssyncset.done $0x0  }
0x2b: {  	[sflag:s20] =	ssyncadd.s32 $0xFFFFC400  }
0x2c: {  	[tilespmem:s19], [sflag:$0x1] =	stream.linear.gather [hbm4b:s1+s4], $0x4000, $0x38;
	[tilespmem:$0x19000] =	vst v63  }
0x2d: {  	_ =	swait.ge [sflag:s20], $0x4000  }
0x2e: {  	[sflag:s20] =	ssyncset.done $0x0  }
0x2f: {  	[sflag:s20] =	ssyncadd.s32 $0xFFFFC000  }
0x30: {  	[bflag:$0x0] =	sbarrier.arrive $0xFFFF  }
0x31: {  	[tilespmem:s4], [sflag:$0x1] =	stream.linear.gather [hbm4b:s17+s4], $0x1400, $0x38;
	[tilespmem:$0x19000] =	vst v63  }
0x32: {  	_ =	swait.ge [sflag:s20], $0x1400  }
0x33: {  	[sflag:s20] =	ssyncset.done $0x0  }
0x34: {  	s23 =	simm.s32 $0x0;
	[sflag:s20] =	ssyncadd.s32 $0xFFFFEC00  }
0x35: {  	[spmem:s3] =	stream.indirect.scatter.add.f32 [tilespmem:s19], [sflag:$0x1], $0x80, s23, s21, $0xb8;
	[tilespmem:$0x19000] =	vst v63  }
0x36: {  	_ =	swait.ge [sflag:s20], $0x4000  }
0x37: {  	s23 =	simm.s32 $0x200;
	[sflag:s20] =	ssyncset.done $0x0  }
.LBB2_2:
0x38: {  	s24 =	sshra.s32 s23, $0x2;
	[sflag:s20] =	ssyncadd.s32 $0xFFFFC000;
	p0 =	sne.s32 s23, $0x4E00  }
0x39: {  	[spmem:s3] =	stream.indirect.scatter.add.f32 [tilespmem:s19], [sflag:$0x1], $0x80, s24, s21, $0xb8;
	[tilespmem:$0x19000] =	vst v63  }
.Ltmp0:
0x3a: {  	_ = 	snop;
	(pc) =	sbr.rel @p0 .LBB2_2-.Ltmp0, $4  }
0x3b: {  	_ = 	snop  }
0x3c: {  	s23 =	sadd.s32 $0x200, s23  }
0x3d: {  	_ =	swait.ge [sflag:s20], $0x4000  }
0x3e: {  	[sflag:s20] =	ssyncset.done $0x0  }
0x3f: {  	[sflag:s20] =	ssyncadd.s32 $0xFFFFC000;
	s23 =	simm.s32 $0x0  }
0x40: {  	[tilespmem:s23], [sflag:$0x1] =	stream.linear.gather [hbm4b:s18+s23], $0x1400, $0x38;
	[tilespmem:$0x19000] =	vst v63  }
0x41: {  	_ =	swait.ge [sflag:s20], $0x1400  }
0x42: {  	[sflag:s20] =	ssyncset.done $0x0  }
0x43: {  	s31 =	simm.s32 $0x0;
	[sflag:s20] =	ssyncadd.s32 $0xFFFFEC00  }
0x44: {  	[spmem:s3] =	stream.indirect.scatter.add.f32 [tilespmem:s19], [sflag:$0x1], $0x80, s31, s21, $0xb8;
	[tilespmem:$0x19000] =	vst v63  }
0x45: {  	_ =	swait.ge [sflag:s20], $0x4000  }
0x46: {  	s23 =	simm.s32 $0x200;
	[sflag:s20] =	ssyncset.done $0x0  }
.LBB2_4:
0x47: {  	s24 =	sshra.s32 s23, $0x2;
	[sflag:s20] =	ssyncadd.s32 $0xFFFFC000;
	p0 =	sne.s32 s23, $0x4E00  }
0x48: {  	[spmem:s3] =	stream.indirect.scatter.add.f32 [tilespmem:s19], [sflag:$0x1], $0x80, s24, s21, $0xb8;
	[tilespmem:$0x19000] =	vst v63  }
.Ltmp1:
0x49: {  	_ = 	snop;
	(pc) =	sbr.rel @p0 .LBB2_4-.Ltmp1, $4  }
0x4a: {  	_ = 	snop  }
0x4b: {  	s23 =	sadd.s32 $0x200, s23  }
0x4c: {  	_ =	swait.ge [sflag:s20], $0x4000  }
0x4d: {  	[sflag:s20] =	ssyncset.done $0x0  }
0x4e: {  	[sflag:s20] =	ssyncadd.s32 $0xFFFFC000  }
0x4f: {  	[bflag:$0x0] =	sbarrier.arrive $0xFFFF  }
0x50: {  	[tilespmem:s19], [sflag:$0x1] =	stream.linear.gather [spmem:s6], $0x4000, $0x38;
	[tilespmem:$0x19000] =	vst v63  }
0x51: {  	_ =	swait.ge [sflag:s20], $0x4000  }
0x52: {  	[sflag:s20] =	ssyncset.done $0x0  }
0x53: {  	[sflag:s20] =	ssyncadd.s32 $0xFFFFC000  }
0x54: {  	[hbm4b:s11+s4] =	stream.linear.scatter [tilespmem:s19], [sflag:$0x1], $0x4000, $0x38;
	[tilespmem:$0x19000] =	vst v63  }
0x55: {  	_ =	swait.ge [sflag:s20], $0x4000  }
0x56: {  	[sflag:s20] =	ssyncset.done $0x0  }
0x57: {  	[sflag:s20] =	ssyncadd.s32 $0xFFFFC000  }
0x58: {  	[tilespmem:s19], [sflag:$0x1] =	stream.linear.gather [spmem:s7], $0x4000, $0x38;
	[tilespmem:$0x19000] =	vst v63  }
0x59: {  	_ =	swait.ge [sflag:s20], $0x4000  }
0x5a: {  	[sflag:s20] =	ssyncset.done $0x0  }
0x5b: {  	[sflag:s20] =	ssyncadd.s32 $0xFFFFC000  }
0x5c: {  	[hbm4b:s12+s4] =	stream.linear.scatter [tilespmem:s19], [sflag:$0x1], $0x4000, $0x38;
	[tilespmem:$0x19000] =	vst v63  }
0x5d: {  	_ =	swait.ge [sflag:s20], $0x4000  }
0x5e: {  	[sflag:s20] =	ssyncset.done $0x0  }
0x5f: {  	[sflag:s20] =	ssyncadd.s32 $0xFFFFC000  }
0x60: {  	[tilespmem:s19], [sflag:$0x1] =	stream.linear.gather [spmem:s8], $0x4000, $0x38;
	[tilespmem:$0x19000] =	vst v63  }
0x61: {  	_ =	swait.ge [sflag:s20], $0x4000  }
0x62: {  	[sflag:s20] =	ssyncset.done $0x0  }
0x63: {  	[sflag:s20] =	ssyncadd.s32 $0xFFFFC000  }
0x64: {  	[hbm4b:s13+s4] =	stream.linear.scatter [tilespmem:s19], [sflag:$0x1], $0x4000, $0x38;
	[tilespmem:$0x19000] =	vst v63  }
0x65: {  	_ =	swait.ge [sflag:s20], $0x4000  }
0x66: {  	[sflag:s20] =	ssyncset.done $0x0  }
0x67: {  	[sflag:s20] =	ssyncadd.s32 $0xFFFFC000  }
0x68: {  	[tilespmem:s19], [sflag:$0x1] =	stream.linear.gather [spmem:s9], $0x4000, $0x38;
	[tilespmem:$0x19000] =	vst v63  }
0x69: {  	_ =	swait.ge [sflag:s20], $0x4000  }
0x6a: {  	[sflag:s20] =	ssyncset.done $0x0  }
0x6b: {  	[sflag:s20] =	ssyncadd.s32 $0xFFFFC000  }
0x6c: {  	[hbm4b:s14+s4] =	stream.linear.scatter [tilespmem:s19], [sflag:$0x1], $0x4000, $0x38;
	[tilespmem:$0x19000] =	vst v63  }
0x6d: {  	_ =	swait.ge [sflag:s20], $0x4000  }
0x6e: {  	[sflag:s20] =	ssyncset.done $0x0  }
0x6f: {  	[sflag:s20] =	ssyncadd.s32 $0xFFFFC000  }
0x70: {  	[tilespmem:s19], [sflag:$0x1] =	stream.linear.gather [spmem:s10], $0x3C00, $0x38;
	[tilespmem:$0x19000] =	vst v63  }
0x71: {  	s22 =	sadd.s32 $0x1, s22;
	_ =	swait.ge [sflag:s20], $0x3C00  }
0x72: {  	p0 =	sne.s32 s22, s16;
	[sflag:s20] =	ssyncset.done $0x0  }
.Ltmp2:
0x73: {  	[sflag:s20] =	ssyncadd.s32 $0xFFFFC400;
	(pc) =	sbr.rel @p0 .LBB2_1-.Ltmp2, $4  }
0x74: {  	[hbm4b:s15+s4] =	stream.linear.scatter [tilespmem:s19], [sflag:$0x1], $0x3C00, $0x38;
	[tilespmem:$0x19000] =	vst v63  }
0x75: {  	_ =	swait.ge [sflag:s20], $0x3C00  }
0x76: {  	[sflag:s20] =	ssyncset.done $0x0  }
0x77: {  	[sflag:s20] =	ssyncadd.s32 $0xFFFFC400  }
0x78: {  	_ =	sfence.sel $0x180000  }
0x79: {  	[bflag:$0x0] =	sbarrier.arrive $0xFFFF  }
0x7a: {  	p0 =	sne.s32 s0, $0x0;
	_ =	strace $0x90000047  }
0x7b: {  	s0 =	sadd.s32 @!p0 $0x100000, s2;
	[bflag:$0x2] =	sbarrier.arrive $0xFFFF  }
0x7c: {  	[sflag:s0] =	ssyncadd.tile.s32 @!p0 $0x1;
	_ =	shalt  }
.Lfunc_end2:
_tile_overlayer_lowered:
.L_overlay_start_2:
0x7d: {  	(tag) =	ssettag $0x2  }
0x7e: {  	s0 =	rddreg [dreg:$0x0];
	s2 =	stileid.u32  }
0x7f: {  	s1 =	rddreg [dreg:$0x1];
	p0 =	sne.s32 s2, $0x0  }
0x80: {  	s3 =	rddreg [dreg:$0x2];
	[bflag:$0x3] =	sbarrier.arrive $0xFFFF;
	s2 =	simm.s32 @!p0 $0x1C01  }
0x81: {  	[timem:s3], [sflag:s2] =	dma.local @!p0 [hbm:s0], s1  }
0x82: {  	s0 =	simm.s32 @!p0 $0x1  }
0x83: {  	_ =	swait.ge @!p0 [sflag:s0], s1  }
0x84: {  	s1 =	ssub.s32 @!p0 $0x0, s1;
	[sflag:s0] =	ssyncset.done @!p0 $0x0  }
0x85: {  	[sflag:s0] =	ssyncadd.s32 @!p0 s1  }
0x86: {  	[bflag:$0x3] =	sbarrier.arrive $0xFFFF  }
0x87: {  	_ =	shalt  }

// kernel: kernel.14.cloned.1.call-start
scs
__scs_entry_jumppad:
0x0: {  	(pc) =	sbr.rel $0x88, $3  }
0x1: {  	(tag) =	ssettag $0x0;
	lr =	simm.s32 $0x1  }
0x2: {  	[smem:$0x3F92] =	sst lr;
	_ =	strace $0xD0000000  }
0x3: {  	_ = 	snop  }
0x4: {  	_ = 	snop  }
0x5: {  	_ = 	snop  }
0x6: {  	_ = 	snop  }
0x7: {  	_ = 	snop  }
__scs_overlays_trampoline_lowered:
0x8: {  	[smem:$0x3FA1] =	sst s0  }
0x9: {  	[smem:$0x3FA2] =	sst s1  }
0xa: {  	[smem:$0x3FA3] =	sst s2  }
0xb: {  	[smem:$0x3FA4] =	sst s3  }
0xc: {  	[smem:$0x3FA5] =	sst s4  }
0xd: {  	[smem:$0x3FA6] =	sst s5  }
0xe: {  	[smem:$0x3FA7] =	sst s6  }
0xf: {  	[smem:$0x3FA8] =	sst s7  }
0x10: {  	[smem:$0x3FA9] =	sst s8  }
0x11: {  	[smem:$0x3FAA] =	sst s9;
	s0 =	simm.s32 @!p0 $0x0  }
0x12: {  	s1 =	sld [smem:$0x3F90];
	s0 =	simm.s32 @p0 $0x1  }
0x13: {  	[smem:$0x3FAB] =	sst s0;
	s0 =	simm.s32 @!p1 $0x0  }
0x14: {  	s2 =	sld [smem:$0x3F8F];
	s0 =	simm.s32 @p1 $0x1  }
0x15: {  	[smem:$0x3FAC] =	sst s0;
	s0 =	simm.s32 @!p2 $0x0  }
0x16: {  	s3 =	sld [smem:$0x3FDB];
	s0 =	simm.s32 @p2 $0x1  }
0x17: {  	s4 =	simm.s32 $0x1BF5;
	[smem:$0x3FAE] =	sst s0  }
0x18: {  	s0 =	sld [smem:$0x3F91];
	_ =	swait.ge [sflag:s4], $0x0  }
0x19: {  	s7 =	sld [smem:$0x3F92]  }
0x1a: {  	s8 =	sadd.s32 $0xFFFFE003, lr  }
0x1b: {  	s9 =	sadd.s32 $0xFFFFFEF7, lr;
	s5 =	simm.s32 $0xFFFFFFFF;
	p2 =	slt.u32 s8, $0xFFFFF086  }
0x1c: {  	p1 =	slt.u32 s9, $0xF7A;
	s5 =	simm.s32 @!p2 $0x0  }
0x1d: {  	s5 =	simm.s32 @p1 $0x1;
	p0 =	seq.s32 s7, s2  }
0x1e: {  	s7 =	smul.u32 @!p0 $0xF7A, s2;
	p2 =	seq.s32 @!p0 s5, $0x0  }
0x1f: {  	s9 =	smul.u32 $0xF7A, s1;
	s8 =	simm.s32 @!p0 $0x1BF5;
	p2 =	por !p2, p0  }
0x20: {  	[sflag:s8] =	ssyncset.s32 @!p0 $0xFFFFF086;
	s6 =	sadd.s32 @!p0 s3, s7;
	s7 =	simm.s32 @!p0 $0x108  }
0x21: {  	s3 =	sadd.s32 s3, s9;
	s6 =	sadd.s32 @!p0 $0x88, s6;
	s7 =	simm.s32 @p2 $0x1082  }
0x22: {  	[simem:s7], [sflag:s8] =	dma.local @!p0 [hbm:s6], $0xF7A  }
0x23: {  	s9 =	sor.u32 $0xD0000000, s2;
	s6 =	simm.s32 $0x108;
	_ =	swait.ge @!p0 [sflag:s8], $0x0  }
0x24: {  	s3 =	sadd.s32 $0x88, s3;
	s6 =	simm.s32 @!p1 $0x1082;
	[sflag:s4] =	ssyncset.s32 $0xFFFFF086  }
0x25: {  	[simem:s6], [sflag:s4] =	dma.local [hbm:s3], $0xF7A  }
0x26: {  	[smem:$0x3F92] =	sst s1;
	(tag) =	ssettag s2;
	_ =	strace s9  }
0x27: {  	s1 =	sld [smem:$0x3FA2]  }
0x28: {  	s2 =	sld [smem:$0x3FA3]  }
0x29: {  	s4 =	sld [smem:$0x3FA5]  }
0x2a: {  	p0 =	seq.s32 s5, $0x0;
	s5 =	sld [smem:$0x3FA6]  }
0x2b: {  	s6 =	sld [smem:$0x3FA7]  }
0x2c: {  	s7 =	sld [smem:$0x3FA8]  }
0x2d: {  	s3 =	simm.s32 $0x108;
	s8 =	sld [smem:$0x3FA9]  }
0x2e: {  	s3 =	simm.s32 @!p0 $0x1082;
	s9 =	sld [smem:$0x3FAA]  }
0x2f: {  	lr =	sadd.s32 s0, s3;
	s0 =	sld [smem:$0x3FA1]  }
0x30: {  	s3 =	sld [smem:$0x3FA4]  }
0x31: {  	[smem:$0x3FAD] =	sst s10  }
0x32: {  	s10 =	sld [smem:$0x3FAB];
	_ =	sdelay $0x3  }
0x33: {  	p0 =	seq.s32 s10, $0x1;
	s10 =	sld [smem:$0x3FAD];
	_ =	sdelay $0x3  }
0x34: {  	[smem:$0x3FAD] =	sst s10  }
0x35: {  	s10 =	sld [smem:$0x3FAC];
	_ =	sdelay $0x3  }
0x36: {  	p1 =	seq.s32 s10, $0x1;
	s10 =	sld [smem:$0x3FAD];
	_ =	sdelay $0x3  }
0x37: {  	[smem:$0x3FAD] =	sst s10  }
0x38: {  	s10 =	sld [smem:$0x3FAE]  }
0x39: {  	_ = 	snop;
	(pc) =	sbr.ind lr, $3  }
0x3a: {  	_ = 	snop  }
0x3b: {  	_ = 	snop  }
0x3c: {  	p2 =	seq.s32 s10, $0x1;
	s10 =	sld [smem:$0x3FAD]  }
0x3d: {  	_ =	shalt  }
0x3e: {  	_ =	shalt  }
0x3f: {  	_ =	shalt  }
0x40: {  	_ =	shalt  }
0x41: {  	_ =	shalt  }
0x42: {  	_ =	shalt  }
0x43: {  	_ =	shalt  }
0x44: {  	_ =	shalt  }
0x45: {  	_ =	shalt  }
0x46: {  	_ =	shalt  }
0x47: {  	_ =	shalt  }
0x48: {  	_ =	shalt  }
0x49: {  	_ =	shalt  }
0x4a: {  	_ =	shalt  }
0x4b: {  	_ =	shalt  }
0x4c: {  	_ =	shalt  }
0x4d: {  	_ =	shalt  }
0x4e: {  	_ =	shalt  }
0x4f: {  	_ =	shalt  }
0x50: {  	_ =	shalt  }
0x51: {  	_ =	shalt  }
0x52: {  	_ =	shalt  }
0x53: {  	_ =	shalt  }
0x54: {  	_ =	shalt  }
0x55: {  	_ =	shalt  }
0x56: {  	_ =	shalt  }
0x57: {  	_ =	shalt  }
0x58: {  	_ =	shalt  }
0x59: {  	_ =	shalt  }
0x5a: {  	_ =	shalt  }
0x5b: {  	_ =	shalt  }
0x5c: {  	_ =	shalt  }
0x5d: {  	_ =	shalt  }
0x5e: {  	_ =	shalt  }
0x5f: {  	_ =	shalt  }
0x60: {  	_ =	shalt  }
0x61: {  	_ =	shalt  }
0x62: {  	_ =	shalt  }
0x63: {  	_ =	shalt  }
0x64: {  	_ =	shalt  }
0x65: {  	_ =	shalt  }
0x66: {  	_ =	shalt  }
0x67: {  	_ =	shalt  }
0x68: {  	_ =	shalt  }
0x69: {  	_ =	shalt  }
0x6a: {  	_ =	shalt  }
0x6b: {  	_ =	shalt  }
0x6c: {  	_ =	shalt  }
0x6d: {  	_ =	shalt  }
0x6e: {  	_ =	shalt  }
0x6f: {  	_ =	shalt  }
0x70: {  	_ =	shalt  }
0x71: {  	_ =	shalt  }
0x72: {  	_ =	shalt  }
0x73: {  	_ =	shalt  }
0x74: {  	_ =	shalt  }
0x75: {  	_ =	shalt  }
0x76: {  	_ =	shalt  }
0x77: {  	_ =	shalt  }
0x78: {  	_ =	shalt  }
0x79: {  	_ =	shalt  }
0x7a: {  	_ =	shalt  }
0x7b: {  	_ =	shalt  }
0x7c: {  	_ =	shalt  }
0x7d: {  	_ =	shalt  }
0x7e: {  	_ =	shalt  }
0x7f: {  	_ =	shalt  }
0x80: {  	_ =	shalt  }
0x81: {  	_ =	shalt  }
0x82: {  	_ =	shalt  }
0x83: {  	_ =	shalt  }
0x84: {  	_ =	shalt  }
0x85: {  	_ =	shalt  }
0x86: {  	_ =	shalt  }
0x87: {  	_ =	shalt  }
.Lfunc_end0:
.L_simem_size_0:
called_computation.1_lowered:
.L_overlay_start_0:
0x88: {  	s2 =	sld [smem:$0x3FD9]  }
0x89: {  	s3 =	sld [smem:$0x3FFE];
	_ =	sdelay $0x1  }
0x8a: {  	s1 =	srdreg.scid  }
0x8b: {  	s0 =	sand.u32 $0x1, s1  }
0x8c: {  	s17 =	sshll.u32 s0, $0xA;
	s2 =	sadd.s32 s3, s2  }
0x8d: {  	s2 =	sadd.s32 s2, s17  }
0x8e: {  	[smem:$0x3FB9] =	sst s2  }
0x8f: {  	_ = 	snop  }
0x90: {  	s2 =	sld [smem:$0x3FD0];
	(tm) =	ssettm $0x1  }
0x91: {  	s18 =	sld [smem:$0x3FFB];
	_ =	sdelay $0x3  }
0x92: {  	_ =	strace s18  }
0x93: {  	s3 =	sld [smem:$0x3FFC];
	_ =	sdelay $0x3  }
0x94: {  	_ =	strace s3  }
0x95: {  	s3 =	sld [smem:$0x3FFD];
	_ =	sdelay $0x3  }
0x96: {  	_ =	strace s3  }
0x97: {  	_ =	strace $0x8FFFFFFF  }
0x98: {  	s19 =	sld [smem:$0x3FDB];
	_ =	sdelay $0x1  }
0x99: {  	s4 =	simm.s32 $_scs_section_size  }
0x9a: {  	s5 =	simm.s32 $_size__tile_overlayer_lowered;
	s6 =	simm.s32 $_tile_overlayer_lowered  }
0x9b: {  	s22 =	simm.s32 $0x1BFF;
	s21 =	sshll.u32 s6, $0x1;
	s3 =	sadd.s32 s4, s19  }
0x9c: {  	s7 =	simm.s32 $0x0;
	s20 =	sshll.u32 s5, $0x1;
	s5 =	sadd.s32 s21, s3  }
0x9d: {  	[timem:s7], [sflag:s22] =	dma.local [hbm:s5], s20  }
0x9e: {  	_ =	swait.ge [sflag:s22], s20  }
0x9f: {  	s4 =	ssub.s32 $0x0, s20;
	[sflag:s22] =	ssyncset.done $0x0  }
0xa0: {  	[sflag:s22] =	ssyncadd.s32 s4;
	_ =	sdelay $0x1  }
0xa1: {  	s23 =	simm.s32 $0x1B8B  }
0xa2: {  	_ =	swait.ge [sflag:s23], $0x1  }
0xa3: {  	[sflag:s23] =	ssyncset.done $0x0  }
0xa4: {  	s25 =	simm.s32 $0x1B8E;
	s24 =	sld [smem:$0x3FFE];
	[sflag:s23] =	ssyncadd.s32 $0xFFFFFFFF  }
0xa5: {  	s26 =	simm.s32 $execute0_lowered;
	[smem:$0x3FD2] =	sst s25  }
0xa6: {  	s5 =	sshll.u32 s26, $0x1;
	_ =	strace $0x80000049;
	[dreg:$0x1] =	wrdreg $0xFFFFFFFF  }
0xa7: {  	s28 =	simm.s32 $_size_execute0_lowered;
	s3 =	sadd.s32 s3, s5;
	[dreg:$0x0] =	wrdreg $0x0  }
0xa8: {  	s5 =	sshll.u32 s28, $0x1;
	[dreg:$0x2] =	wrdreg s3  }
0xa9: {  	[dreg:$0x3] =	wrdreg s5  }
0xaa: {  	[dreg:$0x4] =	wrdreg $0xC0  }
0xab: {  	_ =	task [dreg:s7], $0x5FFFF  }
0xac: {  	[dreg:$0x1] =	wrdreg $0xFFFFFFFF  }
0xad: {  	[dreg:$0x0] =	wrdreg $0x60  }
0xae: {  	[dreg:$0x2] =	wrdreg s2  }
0xaf: {  	[dreg:$0x3] =	wrdreg s24  }
0xb0: {  	[dreg:$0x4] =	wrdreg $0x68000  }
0xb1: {  	[dreg:$0x5] =	wrdreg $0x9  }
0xb2: {  	_ =	task.clear_ibuf [dreg:s7], $0x6FFFF;
	_ =	strace $0x90000049  }
0xb3: {  	s29 =	simm.s32 $0x9;
	_ =	strace $0x8000004B  }
0xb4: {  	_ =	swait.ge [sflag:s29], $0x1  }
0xb5: {  	[sflag:s29] =	ssyncadd.s32 $0xFFFFFFFF  }
0xb6: {  	_ =	strace $0x9000004B  }
0xb7: {  	_ =	sfence  }
0xb8: {  	s30 =	sld [smem:$0x0];
	_ =	sdelay $0x2  }
0xb9: {  	s31 =	sshll.u32 s1, $0xD;
	s1 =	sshrl.u32 s1, $0x2  }
0xba: {  	s3 =	sand.u32 $0x4000, s31;
	s1 =	sadd.s32 s1, s30  }
0xbb: {  	s0 =	sor.u32 s3, s0;
	s1 =	sshll.u32 s1, $0x11  }
0xbc: {  	s0 =	sor.u32 s1, s0  }
0xbd: {  	s0 =	sadd.s32 $0x8F2B, s0  }
0xbe: {  	[sflag:s0] =	ssyncadd.remote.s32 $0x1  }
0xbf: {  	_ =	sfence.sel $0xFFFF  }
0xc0: {  	[dreg:$0x0] =	wrdreg $0xFFFFFFFF;
	(pc) =	sbr.abs _section_cstart, $3  }
0xc1: {  	[dreg:$0x1] =	wrdreg $0xFFFFFFFF  }
0xc2: {  	_ =	task.clear_ibuf [dreg:s7], $0x2FFFF;
	_ =	strace $0x9FFFFFFF  }
0xc3: {  	(tm) =	ssettm $0x7FFFFFFF  }
tec
execute0_lowered:
.L_overlay_start_1:
0x0: {  	(tag) =	ssettag $0x1  }
0x1: {  	s1 =	rddreg [dreg:$0x0]  }
0x2: {  	s6 =	rddreg [dreg:$0x1]  }
0x3: {  	s2 =	rddreg [dreg:$0x2]  }
0x4: {  	s0 =	rddreg [dreg:$0x3];
	s3 =	simm.s32 $0x0;
	s5 =	srdreg.scid  }
0x5: {  	s4 =	stileid.u32;
	s23 =	simm.s32 $0x1400;
	s24 =	simm.s32 $0x80  }
0x6: {  	s25 =	simm.s32 $0x1;
	[smem:$0x7FF] =	sst s3;
	s19 =	sadd.s32 $0x6800, s6  }
0x7: {  	s20 =	sadd.s32 $0x10800, s6;
	s7 =	sand.u32 $0x1, s5;
	s9 =	smul.u32 $0x4F000, s4  }
0x8: {  	s5 =	sadd.s32 $0x1A800, s6;
	s15 =	sadd.s32 $0x42200, s6;
	s10 =	smul.u32 $0x13C00, s4  }
0x9: {  	s28 =	sshll.u32 s4, $0x1;
	_ =	strace $0x8000004A;
	s8 =	ssub.s32 $0x2, s7  }
0xa: {  	s13 =	sor.u32 s7, s28;
	s18 =	smul.u32 $0x13C000, s7;
	s26 =	sshrl.u32 s8, $0x1  }
0xb: {  	s29 =	sshrl.u32 s9, $0x2;
	s11 =	sadd.s32 $0x4000, s10;
	s14 =	sadd.s32 $0x8000, s10  }
0xc: {  	s17 =	sadd.s32 $0xC000, s10;
	s21 =	sadd.s32 $0x10000, s10;
	s30 =	smul.u32 $0x500, s13  }
0xd: {  	s16 =	ssub.s32 s8, s26;
	s6 =	sadd.s32 s29, s2;
	s7 =	sadd.s32 s11, s2  }
0xe: {  	s8 =	sadd.s32 s14, s2;
	s9 =	sadd.s32 s17, s2;
	s12 =	sadd.s32 s10, s18  }
0xf: {  	s11 =	sadd.s32 s18, s11;
	s10 =	sadd.s32 s21, s2;
	s14 =	sadd.s32 s18, s14  }
0x10: {  	s17 =	sadd.s32 s18, s17;
	s18 =	sadd.s32 s18, s21;
	s21 =	simm.s32 $0x2800  }
0x11: {  	s26 =	simm.s32 $0x0;
	s12 =	sshrl.u32 s12, $0x3;
	s22 =	sshrl.u32 s11, $0x3  }
0x12: {  	s14 =	sshrl.u32 s14, $0x3;
	s17 =	sshrl.u32 s17, $0x3;
	s18 =	sshrl.u32 s18, $0x3  }
0x13: {  	s16 =	smax.u32 s16, $0x1;
	s31 =	sadd.s32 $0x280, s30;
	s11 =	sadd.s32 s15, s12  }
0x14: {  	s12 =	sadd.s32 s15, s22;
	s13 =	sadd.s32 s15, s14;
	s14 =	sadd.s32 s15, s17  }
0x15: {  	s15 =	sadd.s32 s15, s18;
	s17 =	sadd.s32 s19, s30;
	s18 =	sadd.s32 s20, s30  }
0x16: {  	s19 =	sadd.s32 s19, s31;
	s20 =	sadd.s32 s20, s31;
	s22 =	simm.s32 $0x2  }
.LBB2_1:
0x17: {  	[tilespmem:s21], [sflag:$0x2] =	stream.linear.gather [hbm4b:s5+s3], $0x4000, $0x38;
	[tilespmem:$0x1A400] =	vst v63  }
0x18: {  	_ =	swait.ge [sflag:s22], $0x4000  }
0x19: {  	[sflag:s22] =	ssyncset.done $0x0  }
0x1a: {  	[sflag:s22] =	ssyncadd.s32 $0xFFFFC000  }
0x1b: {  	[spmem:s6] =	stream.linear.scatter [tilespmem:s21], [sflag:$0x2], $0x4000, $0x38;
	[tilespmem:$0x1A400] =	vst v63  }
0x1c: {  	_ =	swait.ge [sflag:s22], $0x4000  }
0x1d: {  	[sflag:s22] =	ssyncset.done $0x0  }
0x1e: {  	[sflag:s22] =	ssyncadd.s32 $0xFFFFC000  }
0x1f: {  	[spmem:s7] =	stream.linear.scatter [tilespmem:s21], [sflag:$0x2], $0x4000, $0x38;
	[tilespmem:$0x1A400] =	vst v63  }
0x20: {  	_ =	swait.ge [sflag:s22], $0x4000  }
0x21: {  	[sflag:s22] =	ssyncset.done $0x0  }
0x22: {  	[sflag:s22] =	ssyncadd.s32 $0xFFFFC000  }
0x23: {  	[spmem:s8] =	stream.linear.scatter [tilespmem:s21], [sflag:$0x2], $0x4000, $0x38;
	[tilespmem:$0x1A400] =	vst v63  }
0x24: {  	_ =	swait.ge [sflag:s22], $0x4000  }
0x25: {  	[sflag:s22] =	ssyncset.done $0x0  }
0x26: {  	[sflag:s22] =	ssyncadd.s32 $0xFFFFC000  }
0x27: {  	[spmem:s9] =	stream.linear.scatter [tilespmem:s21], [sflag:$0x2], $0x4000, $0x38;
	[tilespmem:$0x1A400] =	vst v63  }
0x28: {  	_ =	swait.ge [sflag:s22], $0x4000  }
0x29: {  	[sflag:s22] =	ssyncset.done $0x0  }
0x2a: {  	[sflag:s22] =	ssyncadd.s32 $0xFFFFC000  }
0x2b: {  	[spmem:s10] =	stream.linear.scatter [tilespmem:s21], [sflag:$0x2], $0x3C00, $0x38;
	[tilespmem:$0x1A400] =	vst v63  }
0x2c: {  	_ =	swait.ge [sflag:s22], $0x3C00  }
0x2d: {  	[sflag:s22] =	ssyncset.done $0x0  }
0x2e: {  	[sflag:s22] =	ssyncadd.s32 $0xFFFFC400  }
0x2f: {  	[bflag:$0x0] =	sbarrier.arrive $0xFFFF  }
0x30: {  	[tilespmem:s3], [sflag:$0x2] =	stream.linear.gather [hbm4b:s17+s3], $0x1400, $0x38;
	[tilespmem:$0x1A400] =	vst v63  }
0x31: {  	_ =	swait.ge [sflag:s22], $0x1400  }
0x32: {  	[sflag:s22] =	ssyncset.done $0x0  }
0x33: {  	[sflag:s22] =	ssyncadd.s32 $0xFFFFEC00  }
0x34: {  	[tilespmem:s23], [sflag:$0x2] =	stream.linear.gather [hbm4b:s18+s3], $0x1400, $0x38;
	[tilespmem:$0x1A400] =	vst v63  }
0x35: {  	_ =	swait.ge [sflag:s22], $0x1400  }
0x36: {  	[sflag:s22] =	ssyncset.done $0x0  }
0x37: {  	s28 =	simm.s32 $0x0;
	[sflag:s22] =	ssyncadd.s32 $0xFFFFEC00  }
0x38: {  	[tilespmem:s21], [sflag:$0x1] =	stream.indirect.gather [hbm4b:s1+s24], $0x80, s28, s24, $0xb8;
	[tilespmem:$0x1A400] =	vst v63  }
0x39: {  	_ =	swait.ge [sflag:s25], $0x4000  }
0x3a: {  	[sflag:s25] =	ssyncset.done $0x0  }
0x3b: {  	s28 =	simm.s32 $0x1400;
	[sflag:s25] =	ssyncadd.s32 $0xFFFFC000  }
0x3c: {  	[spmem:s2] =	stream.indirect.scatter.add.f32 [tilespmem:s21], [sflag:$0x2], $0x80, s28, s24, $0xb8;
	[tilespmem:$0x1A400] =	vst v63  }
0x3d: {  	_ =	swait.ge [sflag:s22], $0x4000  }
0x3e: {  	s29 =	simm.s32 $0x400;
	s28 =	simm.s32 $0x200;
	[sflag:s22] =	ssyncset.done $0x0  }
.LBB2_2:
0x3f: {  	s30 =	sshra.s32 s28, $0x2  }
0x40: {  	[sflag:s22] =	ssyncadd.s32 $0xFFFFC000;
	s28 =	smov.u32 s29;
	s31 =	sadd.s32 $0x200, s29  }
0x41: {  	[tilespmem:s21], [sflag:$0x1] =	stream.indirect.gather [hbm4b:s1+s24], $0x80, s30, s24, $0xb8;
	[tilespmem:$0x1A400] =	vst v63  }
0x42: {  	p0 =	sne.s32 s29, $0x4E00;
	_ =	swait.ge [sflag:s25], $0x4000  }
.Ltmp0:
0x43: {  	[sflag:s25] =	ssyncset.done $0x0;
	(pc) =	sbr.rel @p0 .LBB2_2-.Ltmp0, $4  }
0x44: {  	s29 =	sadd.s32 $0x1400, s30;
	[sflag:s25] =	ssyncadd.s32 $0xFFFFC000  }
0x45: {  	[spmem:s2] =	stream.indirect.scatter.add.f32 [tilespmem:s21], [sflag:$0x2], $0x80, s29, s24, $0xb8;
	[tilespmem:$0x1A400] =	vst v63  }
0x46: {  	_ =	swait.ge [sflag:s22], $0x4000  }
0x47: {  	s29 =	smov.u32 s31;
	[sflag:s22] =	ssyncset.done $0x0  }
0x48: {  	s28 =	sshra.s32 s28, $0x2;
	[sflag:s22] =	ssyncadd.s32 $0xFFFFC000  }
0x49: {  	[tilespmem:s21], [sflag:$0x1] =	stream.indirect.gather [hbm4b:s1+s24], $0x80, s28, s24, $0xb8;
	[tilespmem:$0x1A400] =	vst v63  }
0x4a: {  	_ =	swait.ge [sflag:s25], $0x4000  }
0x4b: {  	[sflag:s25] =	ssyncset.done $0x0  }
0x4c: {  	s28 =	sadd.s32 $0x1400, s28;
	[sflag:s25] =	ssyncadd.s32 $0xFFFFC000  }
0x4d: {  	[spmem:s2] =	stream.indirect.scatter.add.f32 [tilespmem:s21], [sflag:$0x2], $0x80, s28, s24, $0xb8;
	[tilespmem:$0x1A400] =	vst v63  }
0x4e: {  	_ =	swait.ge [sflag:s22], $0x4000  }
0x4f: {  	[sflag:s22] =	ssyncset.done $0x0  }
0x50: {  	s28 =	simm.s32 $0x0;
	[sflag:s22] =	ssyncadd.s32 $0xFFFFC000  }
0x51: {  	[tilespmem:s28], [sflag:$0x2] =	stream.linear.gather [hbm4b:s19+s28], $0x1400, $0x38;
	[tilespmem:$0x1A400] =	vst v63  }
0x52: {  	_ =	swait.ge [sflag:s22], $0x1400  }
0x53: {  	[sflag:s22] =	ssyncset.done $0x0  }
0x54: {  	[sflag:s22] =	ssyncadd.s32 $0xFFFFEC00  }
0x55: {  	[tilespmem:s23], [sflag:$0x2] =	stream.linear.gather [hbm4b:s20+s28], $0x1400, $0x38;
	[tilespmem:$0x1A400] =	vst v63  }
0x56: {  	_ =	swait.ge [sflag:s22], $0x1400  }
0x57: {  	[sflag:s22] =	ssyncset.done $0x0  }
0x58: {  	s28 =	simm.s32 $0x0;
	[sflag:s22] =	ssyncadd.s32 $0xFFFFEC00  }
0x59: {  	[tilespmem:s21], [sflag:$0x1] =	stream.indirect.gather [hbm4b:s1+s24], $0x80, s28, s24, $0xb8;
	[tilespmem:$0x1A400] =	vst v63  }
0x5a: {  	_ =	swait.ge [sflag:s25], $0x4000  }
0x5b: {  	[sflag:s25] =	ssyncset.done $0x0  }
0x5c: {  	s28 =	simm.s32 $0x1400;
	[sflag:s25] =	ssyncadd.s32 $0xFFFFC000  }
0x5d: {  	[spmem:s2] =	stream.indirect.scatter.add.f32 [tilespmem:s21], [sflag:$0x2], $0x80, s28, s24, $0xb8;
	[tilespmem:$0x1A400] =	vst v63  }
0x5e: {  	_ =	swait.ge [sflag:s22], $0x4000  }
0x5f: {  	s29 =	simm.s32 $0x400;
	s28 =	simm.s32 $0x200;
	[sflag:s22] =	ssyncset.done $0x0  }
.LBB2_4:
0x60: {  	s30 =	sshra.s32 s28, $0x2  }
0x61: {  	[sflag:s22] =	ssyncadd.s32 $0xFFFFC000;
	s28 =	smov.u32 s29;
	s31 =	sadd.s32 $0x200, s29  }
0x62: {  	[tilespmem:s21], [sflag:$0x1] =	stream.indirect.gather [hbm4b:s1+s24], $0x80, s30, s24, $0xb8;
	[tilespmem:$0x1A400] =	vst v63  }
0x63: {  	p0 =	sne.s32 s29, $0x4E00;
	_ =	swait.ge [sflag:s25], $0x4000  }
.Ltmp1:
0x64: {  	[sflag:s25] =	ssyncset.done $0x0;
	(pc) =	sbr.rel @p0 .LBB2_4-.Ltmp1, $4  }
0x65: {  	s29 =	sadd.s32 $0x1400, s30;
	[sflag:s25] =	ssyncadd.s32 $0xFFFFC000  }
0x66: {  	[spmem:s2] =	stream.indirect.scatter.add.f32 [tilespmem:s21], [sflag:$0x2], $0x80, s29, s24, $0xb8;
	[tilespmem:$0x1A400] =	vst v63  }
0x67: {  	_ =	swait.ge [sflag:s22], $0x4000  }
0x68: {  	s29 =	smov.u32 s31;
	[sflag:s22] =	ssyncset.done $0x0  }
0x69: {  	s28 =	sshra.s32 s28, $0x2;
	[sflag:s22] =	ssyncadd.s32 $0xFFFFC000  }
0x6a: {  	[tilespmem:s21], [sflag:$0x1] =	stream.indirect.gather [hbm4b:s1+s24], $0x80, s28, s24, $0xb8;
	[tilespmem:$0x1A400] =	vst v63  }
0x6b: {  	_ =	swait.ge [sflag:s25], $0x4000  }
0x6c: {  	[sflag:s25] =	ssyncset.done $0x0  }
0x6d: {  	s28 =	sadd.s32 $0x1400, s28;
	[sflag:s25] =	ssyncadd.s32 $0xFFFFC000  }
0x6e: {  	[spmem:s2] =	stream.indirect.scatter.add.f32 [tilespmem:s21], [sflag:$0x2], $0x80, s28, s24, $0xb8;
	[tilespmem:$0x1A400] =	vst v63  }
0x6f: {  	_ =	swait.ge [sflag:s22], $0x4000  }
0x70: {  	[sflag:s22] =	ssyncset.done $0x0  }
0x71: {  	[sflag:s22] =	ssyncadd.s32 $0xFFFFC000  }
0x72: {  	[bflag:$0x0] =	sbarrier.arrive $0xFFFF  }
0x73: {  	[tilespmem:s21], [sflag:$0x2] =	stream.linear.gather [spmem:s6], $0x4000, $0x38;
	[tilespmem:$0x1A400] =	vst v63  }
0x74: {  	_ =	swait.ge [sflag:s22], $0x4000  }
0x75: {  	[sflag:s22] =	ssyncset.done $0x0  }
0x76: {  	[sflag:s22] =	ssyncadd.s32 $0xFFFFC000  }
0x77: {  	[hbm4b:s11+s3] =	stream.linear.scatter [tilespmem:s21], [sflag:$0x2], $0x4000, $0x38;
	[tilespmem:$0x1A400] =	vst v63  }
0x78: {  	_ =	swait.ge [sflag:s22], $0x4000  }
0x79: {  	[sflag:s22] =	ssyncset.done $0x0  }
0x7a: {  	[sflag:s22] =	ssyncadd.s32 $0xFFFFC000  }
0x7b: {  	[tilespmem:s21], [sflag:$0x2] =	stream.linear.gather [spmem:s7], $0x4000, $0x38;
	[tilespmem:$0x1A400] =	vst v63  }
0x7c: {  	_ =	swait.ge [sflag:s22], $0x4000  }
0x7d: {  	[sflag:s22] =	ssyncset.done $0x0  }
0x7e: {  	[sflag:s22] =	ssyncadd.s32 $0xFFFFC000  }
0x7f: {  	[hbm4b:s12+s3] =	stream.linear.scatter [tilespmem:s21], [sflag:$0x2], $0x4000, $0x38;
	[tilespmem:$0x1A400] =	vst v63  }
0x80: {  	_ =	swait.ge [sflag:s22], $0x4000  }
0x81: {  	[sflag:s22] =	ssyncset.done $0x0  }
0x82: {  	[sflag:s22] =	ssyncadd.s32 $0xFFFFC000  }
0x83: {  	[tilespmem:s21], [sflag:$0x2] =	stream.linear.gather [spmem:s8], $0x4000, $0x38;
	[tilespmem:$0x1A400] =	vst v63  }
0x84: {  	_ =	swait.ge [sflag:s22], $0x4000  }
0x85: {  	[sflag:s22] =	ssyncset.done $0x0  }
0x86: {  	[sflag:s22] =	ssyncadd.s32 $0xFFFFC000  }
0x87: {  	[hbm4b:s13+s3] =	stream.linear.scatter [tilespmem:s21], [sflag:$0x2], $0x4000, $0x38;
	[tilespmem:$0x1A400] =	vst v63  }
0x88: {  	_ =	swait.ge [sflag:s22], $0x4000  }
0x89: {  	[sflag:s22] =	ssyncset.done $0x0  }
0x8a: {  	[sflag:s22] =	ssyncadd.s32 $0xFFFFC000  }
0x8b: {  	[tilespmem:s21], [sflag:$0x2] =	stream.linear.gather [spmem:s9], $0x4000, $0x38;
	[tilespmem:$0x1A400] =	vst v63  }
0x8c: {  	_ =	swait.ge [sflag:s22], $0x4000  }
0x8d: {  	[sflag:s22] =	ssyncset.done $0x0  }
0x8e: {  	[sflag:s22] =	ssyncadd.s32 $0xFFFFC000  }
0x8f: {  	[hbm4b:s14+s3] =	stream.linear.scatter [tilespmem:s21], [sflag:$0x2], $0x4000, $0x38;
	[tilespmem:$0x1A400] =	vst v63  }
0x90: {  	_ =	swait.ge [sflag:s22], $0x4000  }
0x91: {  	[sflag:s22] =	ssyncset.done $0x0  }
0x92: {  	[sflag:s22] =	ssyncadd.s32 $0xFFFFC000  }
0x93: {  	[tilespmem:s21], [sflag:$0x2] =	stream.linear.gather [spmem:s10], $0x3C00, $0x38;
	[tilespmem:$0x1A400] =	vst v63  }
0x94: {  	s26 =	sadd.s32 $0x1, s26;
	_ =	swait.ge [sflag:s22], $0x3C00  }
0x95: {  	p0 =	sne.s32 s26, s16;
	[sflag:s22] =	ssyncset.done $0x0  }
.Ltmp2:
0x96: {  	[sflag:s22] =	ssyncadd.s32 $0xFFFFC400;
	(pc) =	sbr.rel @p0 .LBB2_1-.Ltmp2, $4  }
0x97: {  	[hbm4b:s15+s3] =	stream.linear.scatter [tilespmem:s21], [sflag:$0x2], $0x3C00, $0x38;
	[tilespmem:$0x1A400] =	vst v63  }
0x98: {  	_ =	swait.ge [sflag:s22], $0x3C00  }
0x99: {  	[sflag:s22] =	ssyncset.done $0x0  }
0x9a: {  	[sflag:s22] =	ssyncadd.s32 $0xFFFFC400  }
0x9b: {  	_ =	sfence.sel $0x180000  }
0x9c: {  	[bflag:$0x0] =	sbarrier.arrive $0xFFFF  }
0x9d: {  	p0 =	sne.s32 s4, $0x0;
	_ =	strace $0x9000004A  }
0x9e: {  	s0 =	sadd.s32 @!p0 $0x100000, s0;
	[bflag:$0x2] =	sbarrier.arrive $0xFFFF  }
0x9f: {  	[sflag:s0] =	ssyncadd.tile.s32 @!p0 $0x1;
	_ =	shalt  }
.Lfunc_end2:
_tile_overlayer_lowered:
.L_overlay_start_2:
0xa0: {  	(tag) =	ssettag $0x2  }
0xa1: {  	s0 =	rddreg [dreg:$0x0];
	s2 =	stileid.u32  }
0xa2: {  	s1 =	rddreg [dreg:$0x1];
	p0 =	sne.s32 s2, $0x0  }
0xa3: {  	s3 =	rddreg [dreg:$0x2];
	[bflag:$0x3] =	sbarrier.arrive $0xFFFF;
	s2 =	simm.s32 @!p0 $0x1C02  }
0xa4: {  	[timem:s3], [sflag:s2] =	dma.local @!p0 [hbm:s0], s1  }
0xa5: {  	s0 =	simm.s32 @!p0 $0x2  }
0xa6: {  	_ =	swait.ge @!p0 [sflag:s0], s1  }
0xa7: {  	s1 =	ssub.s32 @!p0 $0x0, s1;
	[sflag:s0] =	ssyncset.done @!p0 $0x0  }
0xa8: {  	[sflag:s0] =	ssyncadd.s32 @!p0 s1  }
0xa9: {  	[bflag:$0x3] =	sbarrier.arrive $0xFFFF  }
0xaa: {  	_ =	shalt  }

// kernel: kernel.17.cloned.1.call-start
scs
__scs_entry_jumppad:
0x0: {  	(pc) =	sbr.rel $0x88, $3  }
0x1: {  	(tag) =	ssettag $0x0;
	lr =	simm.s32 $0x1  }
0x2: {  	[smem:$0x3F92] =	sst lr;
	_ =	strace $0xD0000000  }
0x3: {  	_ = 	snop  }
0x4: {  	_ = 	snop  }
0x5: {  	_ = 	snop  }
0x6: {  	_ = 	snop  }
0x7: {  	_ = 	snop  }
__scs_overlays_trampoline_lowered:
0x8: {  	[smem:$0x3FA1] =	sst s0  }
0x9: {  	[smem:$0x3FA2] =	sst s1  }
0xa: {  	[smem:$0x3FA3] =	sst s2  }
0xb: {  	[smem:$0x3FA4] =	sst s3  }
0xc: {  	[smem:$0x3FA5] =	sst s4  }
0xd: {  	[smem:$0x3FA6] =	sst s5  }
0xe: {  	[smem:$0x3FA7] =	sst s6  }
0xf: {  	[smem:$0x3FA8] =	sst s7  }
0x10: {  	[smem:$0x3FA9] =	sst s8  }
0x11: {  	[smem:$0x3FAA] =	sst s9;
	s0 =	simm.s32 @!p0 $0x0  }
0x12: {  	s1 =	sld [smem:$0x3F90];
	s0 =	simm.s32 @p0 $0x1  }
0x13: {  	[smem:$0x3FAB] =	sst s0;
	s0 =	simm.s32 @!p1 $0x0  }
0x14: {  	s2 =	sld [smem:$0x3F8F];
	s0 =	simm.s32 @p1 $0x1  }
0x15: {  	[smem:$0x3FAC] =	sst s0;
	s0 =	simm.s32 @!p2 $0x0  }
0x16: {  	s3 =	sld [smem:$0x3FDB];
	s0 =	simm.s32 @p2 $0x1  }
0x17: {  	s4 =	simm.s32 $0x1BF5;
	[smem:$0x3FAE] =	sst s0  }
0x18: {  	s0 =	sld [smem:$0x3F91];
	_ =	swait.ge [sflag:s4], $0x0  }
0x19: {  	s7 =	sld [smem:$0x3F92]  }
0x1a: {  	s8 =	sadd.s32 $0xFFFFE003, lr  }
0x1b: {  	s9 =	sadd.s32 $0xFFFFFEF7, lr;
	s5 =	simm.s32 $0xFFFFFFFF;
	p2 =	slt.u32 s8, $0xFFFFF086  }
0x1c: {  	p1 =	slt.u32 s9, $0xF7A;
	s5 =	simm.s32 @!p2 $0x0  }
0x1d: {  	s5 =	simm.s32 @p1 $0x1;
	p0 =	seq.s32 s7, s2  }
0x1e: {  	s7 =	smul.u32 @!p0 $0xF7A, s2;
	p2 =	seq.s32 @!p0 s5, $0x0  }
0x1f: {  	s9 =	smul.u32 $0xF7A, s1;
	s8 =	simm.s32 @!p0 $0x1BF5;
	p2 =	por !p2, p0  }
0x20: {  	[sflag:s8] =	ssyncset.s32 @!p0 $0xFFFFF086;
	s6 =	sadd.s32 @!p0 s3, s7;
	s7 =	simm.s32 @!p0 $0x108  }
0x21: {  	s3 =	sadd.s32 s3, s9;
	s6 =	sadd.s32 @!p0 $0x88, s6;
	s7 =	simm.s32 @p2 $0x1082  }
0x22: {  	[simem:s7], [sflag:s8] =	dma.local @!p0 [hbm:s6], $0xF7A  }
0x23: {  	s9 =	sor.u32 $0xD0000000, s2;
	s6 =	simm.s32 $0x108;
	_ =	swait.ge @!p0 [sflag:s8], $0x0  }
0x24: {  	s3 =	sadd.s32 $0x88, s3;
	s6 =	simm.s32 @!p1 $0x1082;
	[sflag:s4] =	ssyncset.s32 $0xFFFFF086  }
0x25: {  	[simem:s6], [sflag:s4] =	dma.local [hbm:s3], $0xF7A  }
0x26: {  	[smem:$0x3F92] =	sst s1;
	(tag) =	ssettag s2;
	_ =	strace s9  }
0x27: {  	s1 =	sld [smem:$0x3FA2]  }
0x28: {  	s2 =	sld [smem:$0x3FA3]  }
0x29: {  	s4 =	sld [smem:$0x3FA5]  }
0x2a: {  	p0 =	seq.s32 s5, $0x0;
	s5 =	sld [smem:$0x3FA6]  }
0x2b: {  	s6 =	sld [smem:$0x3FA7]  }
0x2c: {  	s7 =	sld [smem:$0x3FA8]  }
0x2d: {  	s3 =	simm.s32 $0x108;
	s8 =	sld [smem:$0x3FA9]  }
0x2e: {  	s3 =	simm.s32 @!p0 $0x1082;
	s9 =	sld [smem:$0x3FAA]  }
0x2f: {  	lr =	sadd.s32 s0, s3;
	s0 =	sld [smem:$0x3FA1]  }
0x30: {  	s3 =	sld [smem:$0x3FA4]  }
0x31: {  	[smem:$0x3FAD] =	sst s10  }
0x32: {  	s10 =	sld [smem:$0x3FAB];
	_ =	sdelay $0x3  }
0x33: {  	p0 =	seq.s32 s10, $0x1;
	s10 =	sld [smem:$0x3FAD];
	_ =	sdelay $0x3  }
0x34: {  	[smem:$0x3FAD] =	sst s10  }
0x35: {  	s10 =	sld [smem:$0x3FAC];
	_ =	sdelay $0x3  }
0x36: {  	p1 =	seq.s32 s10, $0x1;
	s10 =	sld [smem:$0x3FAD];
	_ =	sdelay $0x3  }
0x37: {  	[smem:$0x3FAD] =	sst s10  }
0x38: {  	s10 =	sld [smem:$0x3FAE]  }
0x39: {  	_ = 	snop;
	(pc) =	sbr.ind lr, $3  }
0x3a: {  	_ = 	snop  }
0x3b: {  	_ = 	snop  }
0x3c: {  	p2 =	seq.s32 s10, $0x1;
	s10 =	sld [smem:$0x3FAD]  }
0x3d: {  	_ =	shalt  }
0x3e: {  	_ =	shalt  }
0x3f: {  	_ =	shalt  }
0x40: {  	_ =	shalt  }
0x41: {  	_ =	shalt  }
0x42: {  	_ =	shalt  }
0x43: {  	_ =	shalt  }
0x44: {  	_ =	shalt  }
0x45: {  	_ =	shalt  }
0x46: {  	_ =	shalt  }
0x47: {  	_ =	shalt  }
0x48: {  	_ =	shalt  }
0x49: {  	_ =	shalt  }
0x4a: {  	_ =	shalt  }
0x4b: {  	_ =	shalt  }
0x4c: {  	_ =	shalt  }
0x4d: {  	_ =	shalt  }
0x4e: {  	_ =	shalt  }
0x4f: {  	_ =	shalt  }
0x50: {  	_ =	shalt  }
0x51: {  	_ =	shalt  }
0x52: {  	_ =	shalt  }
0x53: {  	_ =	shalt  }
0x54: {  	_ =	shalt  }
0x55: {  	_ =	shalt  }
0x56: {  	_ =	shalt  }
0x57: {  	_ =	shalt  }
0x58: {  	_ =	shalt  }
0x59: {  	_ =	shalt  }
0x5a: {  	_ =	shalt  }
0x5b: {  	_ =	shalt  }
0x5c: {  	_ =	shalt  }
0x5d: {  	_ =	shalt  }
0x5e: {  	_ =	shalt  }
0x5f: {  	_ =	shalt  }
0x60: {  	_ =	shalt  }
0x61: {  	_ =	shalt  }
0x62: {  	_ =	shalt  }
0x63: {  	_ =	shalt  }
0x64: {  	_ =	shalt  }
0x65: {  	_ =	shalt  }
0x66: {  	_ =	shalt  }
0x67: {  	_ =	shalt  }
0x68: {  	_ =	shalt  }
0x69: {  	_ =	shalt  }
0x6a: {  	_ =	shalt  }
0x6b: {  	_ =	shalt  }
0x6c: {  	_ =	shalt  }
0x6d: {  	_ =	shalt  }
0x6e: {  	_ =	shalt  }
0x6f: {  	_ =	shalt  }
0x70: {  	_ =	shalt  }
0x71: {  	_ =	shalt  }
0x72: {  	_ =	shalt  }
0x73: {  	_ =	shalt  }
0x74: {  	_ =	shalt  }
0x75: {  	_ =	shalt  }
0x76: {  	_ =	shalt  }
0x77: {  	_ =	shalt  }
0x78: {  	_ =	shalt  }
0x79: {  	_ =	shalt  }
0x7a: {  	_ =	shalt  }
0x7b: {  	_ =	shalt  }
0x7c: {  	_ =	shalt  }
0x7d: {  	_ =	shalt  }
0x7e: {  	_ =	shalt  }
0x7f: {  	_ =	shalt  }
0x80: {  	_ =	shalt  }
0x81: {  	_ =	shalt  }
0x82: {  	_ =	shalt  }
0x83: {  	_ =	shalt  }
0x84: {  	_ =	shalt  }
0x85: {  	_ =	shalt  }
0x86: {  	_ =	shalt  }
0x87: {  	_ =	shalt  }
.Lfunc_end0:
.L_simem_size_0:
called_computation.2_lowered:
.L_overlay_start_0:
0x88: {  	s2 =	sld [smem:$0x3FD9]  }
0x89: {  	s3 =	sld [smem:$0x3FFE];
	_ =	sdelay $0x1  }
0x8a: {  	s1 =	srdreg.scid  }
0x8b: {  	s0 =	sand.u32 $0x1, s1  }
0x8c: {  	s17 =	sshll.u32 s0, $0xA;
	s2 =	sadd.s32 s3, s2  }
0x8d: {  	s2 =	sadd.s32 s2, s17  }
0x8e: {  	[smem:$0x3FB9] =	sst s2  }
0x8f: {  	_ = 	snop  }
0x90: {  	s2 =	sld [smem:$0x3FD0];
	(tm) =	ssettm $0x1  }
0x91: {  	s18 =	sld [smem:$0x3FFB];
	_ =	sdelay $0x3  }
0x92: {  	_ =	strace s18  }
0x93: {  	s3 =	sld [smem:$0x3FFC];
	_ =	sdelay $0x3  }
0x94: {  	_ =	strace s3  }
0x95: {  	s3 =	sld [smem:$0x3FFD];
	_ =	sdelay $0x3  }
0x96: {  	_ =	strace s3  }
0x97: {  	_ =	strace $0x8FFFFFFF  }
0x98: {  	s19 =	sld [smem:$0x3FDB];
	_ =	sdelay $0x1  }
0x99: {  	s4 =	simm.s32 $_scs_section_size  }
0x9a: {  	s5 =	simm.s32 $_size__tile_overlayer_lowered;
	s6 =	simm.s32 $_tile_overlayer_lowered  }
0x9b: {  	s22 =	simm.s32 $0x1BFF;
	s21 =	sshll.u32 s6, $0x1;
	s3 =	sadd.s32 s4, s19  }
0x9c: {  	s7 =	simm.s32 $0x0;
	s20 =	sshll.u32 s5, $0x1;
	s5 =	sadd.s32 s21, s3  }
0x9d: {  	[timem:s7], [sflag:s22] =	dma.local [hbm:s5], s20  }
0x9e: {  	_ =	swait.ge [sflag:s22], s20  }
0x9f: {  	s4 =	ssub.s32 $0x0, s20;
	[sflag:s22] =	ssyncset.done $0x0  }
0xa0: {  	[sflag:s22] =	ssyncadd.s32 s4;
	_ =	sdelay $0x1  }
0xa1: {  	s23 =	simm.s32 $0x1B8B  }
0xa2: {  	_ =	swait.ge [sflag:s23], $0x1  }
0xa3: {  	[sflag:s23] =	ssyncset.done $0x0  }
0xa4: {  	s25 =	simm.s32 $0x1B8E;
	s24 =	sld [smem:$0x3FFE];
	[sflag:s23] =	ssyncadd.s32 $0xFFFFFFFF  }
0xa5: {  	s26 =	simm.s32 $execute0_lowered;
	[smem:$0x3FD2] =	sst s25  }
0xa6: {  	s5 =	sshll.u32 s26, $0x1;
	_ =	strace $0x8000004C;
	[dreg:$0x1] =	wrdreg $0xFFFFFFFF  }
0xa7: {  	s28 =	simm.s32 $_size_execute0_lowered;
	s3 =	sadd.s32 s3, s5;
	[dreg:$0x0] =	wrdreg $0x0  }
0xa8: {  	s5 =	sshll.u32 s28, $0x1;
	[dreg:$0x2] =	wrdreg s3  }
0xa9: {  	[dreg:$0x3] =	wrdreg s5  }
0xaa: {  	[dreg:$0x4] =	wrdreg $0xC0  }
0xab: {  	_ =	task [dreg:s7], $0x5FFFF  }
0xac: {  	[dreg:$0x1] =	wrdreg $0xFFFFFFFF  }
0xad: {  	[dreg:$0x0] =	wrdreg $0x60  }
0xae: {  	[dreg:$0x2] =	wrdreg s2  }
0xaf: {  	[dreg:$0x3] =	wrdreg s24  }
0xb0: {  	[dreg:$0x4] =	wrdreg $0x68000  }
0xb1: {  	[dreg:$0x5] =	wrdreg $0x9  }
0xb2: {  	_ =	task.clear_ibuf [dreg:s7], $0x6FFFF;
	_ =	strace $0x9000004C  }
0xb3: {  	s29 =	simm.s32 $0x9;
	_ =	strace $0x8000004E  }
0xb4: {  	_ =	swait.ge [sflag:s29], $0x1  }
0xb5: {  	[sflag:s29] =	ssyncadd.s32 $0xFFFFFFFF  }
0xb6: {  	_ =	strace $0x9000004E  }
0xb7: {  	_ =	sfence  }
0xb8: {  	s30 =	sld [smem:$0x0];
	_ =	sdelay $0x2  }
0xb9: {  	s31 =	sshll.u32 s1, $0xD;
	s1 =	sshrl.u32 s1, $0x2  }
0xba: {  	s3 =	sand.u32 $0x4000, s31;
	s1 =	sadd.s32 s1, s30  }
0xbb: {  	s0 =	sor.u32 s3, s0;
	s1 =	sshll.u32 s1, $0x11  }
0xbc: {  	s0 =	sor.u32 s1, s0  }
0xbd: {  	s0 =	sadd.s32 $0x8F2B, s0  }
0xbe: {  	[sflag:s0] =	ssyncadd.remote.s32 $0x1  }
0xbf: {  	_ =	sfence.sel $0xFFFF  }
0xc0: {  	[dreg:$0x0] =	wrdreg $0xFFFFFFFF;
	(pc) =	sbr.abs _section_cstart, $3  }
0xc1: {  	[dreg:$0x1] =	wrdreg $0xFFFFFFFF  }
0xc2: {  	_ =	task.clear_ibuf [dreg:s7], $0x2FFFF;
	_ =	strace $0x9FFFFFFF  }
0xc3: {  	(tm) =	ssettm $0x7FFFFFFF  }
tec
execute0_lowered:
.L_overlay_start_1:
0x0: {  	(tag) =	ssettag $0x1  }
0x1: {  	s1 =	rddreg [dreg:$0x0]  }
0x2: {  	s6 =	rddreg [dreg:$0x1]  }
0x3: {  	s2 =	rddreg [dreg:$0x2]  }
0x4: {  	s0 =	rddreg [dreg:$0x3];
	s3 =	simm.s32 $0x0;
	s5 =	srdreg.scid  }
0x5: {  	s4 =	stileid.u32;
	s23 =	simm.s32 $0x1400;
	s24 =	simm.s32 $0x80  }
0x6: {  	s25 =	simm.s32 $0x1;
	[smem:$0x7FF] =	sst s3;
	s19 =	sadd.s32 $0x6800, s6  }
0x7: {  	s20 =	sadd.s32 $0x10800, s6;
	s7 =	sand.u32 $0x1, s5;
	s9 =	smul.u32 $0x4F000, s4  }
0x8: {  	s5 =	sadd.s32 $0x1A800, s6;
	s15 =	sadd.s32 $0x42200, s6;
	s10 =	smul.u32 $0x13C00, s4  }
0x9: {  	s28 =	sshll.u32 s4, $0x1;
	_ =	strace $0x8000004D;
	s8 =	ssub.s32 $0x2, s7  }
0xa: {  	s13 =	sor.u32 s7, s28;
	s18 =	smul.u32 $0x13C000, s7;
	s26 =	sshrl.u32 s8, $0x1  }
0xb: {  	s29 =	sshrl.u32 s9, $0x2;
	s11 =	sadd.s32 $0x4000, s10;
	s14 =	sadd.s32 $0x8000, s10  }
0xc: {  	s17 =	sadd.s32 $0xC000, s10;
	s21 =	sadd.s32 $0x10000, s10;
	s30 =	smul.u32 $0x500, s13  }
0xd: {  	s16 =	ssub.s32 s8, s26;
	s6 =	sadd.s32 s29, s2;
	s7 =	sadd.s32 s11, s2  }
0xe: {  	s8 =	sadd.s32 s14, s2;
	s9 =	sadd.s32 s17, s2;
	s12 =	sadd.s32 s10, s18  }
0xf: {  	s11 =	sadd.s32 s18, s11;
	s10 =	sadd.s32 s21, s2;
	s14 =	sadd.s32 s18, s14  }
0x10: {  	s17 =	sadd.s32 s18, s17;
	s18 =	sadd.s32 s18, s21;
	s21 =	simm.s32 $0x2800  }
0x11: {  	s26 =	simm.s32 $0x0;
	s12 =	sshrl.u32 s12, $0x3;
	s22 =	sshrl.u32 s11, $0x3  }
0x12: {  	s14 =	sshrl.u32 s14, $0x3;
	s17 =	sshrl.u32 s17, $0x3;
	s18 =	sshrl.u32 s18, $0x3  }
0x13: {  	s16 =	smax.u32 s16, $0x1;
	s31 =	sadd.s32 $0x280, s30;
	s11 =	sadd.s32 s15, s12  }
0x14: {  	s12 =	sadd.s32 s15, s22;
	s13 =	sadd.s32 s15, s14;
	s14 =	sadd.s32 s15, s17  }
0x15: {  	s15 =	sadd.s32 s15, s18;
	s17 =	sadd.s32 s19, s30;
	s18 =	sadd.s32 s20, s30  }
0x16: {  	s19 =	sadd.s32 s19, s31;
	s20 =	sadd.s32 s20, s31;
	s22 =	simm.s32 $0x2  }
.LBB2_1:
0x17: {  	[tilespmem:s21], [sflag:$0x2] =	stream.linear.gather [hbm4b:s5+s3], $0x4000, $0x38;
	[tilespmem:$0x1A400] =	vst v63  }
0x18: {  	_ =	swait.ge [sflag:s22], $0x4000  }
0x19: {  	[sflag:s22] =	ssyncset.done $0x0  }
0x1a: {  	[sflag:s22] =	ssyncadd.s32 $0xFFFFC000  }
0x1b: {  	[spmem:s6] =	stream.linear.scatter [tilespmem:s21], [sflag:$0x2], $0x4000, $0x38;
	[tilespmem:$0x1A400] =	vst v63  }
0x1c: {  	_ =	swait.ge [sflag:s22], $0x4000  }
0x1d: {  	[sflag:s22] =	ssyncset.done $0x0  }
0x1e: {  	[sflag:s22] =	ssyncadd.s32 $0xFFFFC000  }
0x1f: {  	[spmem:s7] =	stream.linear.scatter [tilespmem:s21], [sflag:$0x2], $0x4000, $0x38;
	[tilespmem:$0x1A400] =	vst v63  }
0x20: {  	_ =	swait.ge [sflag:s22], $0x4000  }
0x21: {  	[sflag:s22] =	ssyncset.done $0x0  }
0x22: {  	[sflag:s22] =	ssyncadd.s32 $0xFFFFC000  }
0x23: {  	[spmem:s8] =	stream.linear.scatter [tilespmem:s21], [sflag:$0x2], $0x4000, $0x38;
	[tilespmem:$0x1A400] =	vst v63  }
0x24: {  	_ =	swait.ge [sflag:s22], $0x4000  }
0x25: {  	[sflag:s22] =	ssyncset.done $0x0  }
0x26: {  	[sflag:s22] =	ssyncadd.s32 $0xFFFFC000  }
0x27: {  	[spmem:s9] =	stream.linear.scatter [tilespmem:s21], [sflag:$0x2], $0x4000, $0x38;
	[tilespmem:$0x1A400] =	vst v63  }
0x28: {  	_ =	swait.ge [sflag:s22], $0x4000  }
0x29: {  	[sflag:s22] =	ssyncset.done $0x0  }
0x2a: {  	[sflag:s22] =	ssyncadd.s32 $0xFFFFC000  }
0x2b: {  	[spmem:s10] =	stream.linear.scatter [tilespmem:s21], [sflag:$0x2], $0x3C00, $0x38;
	[tilespmem:$0x1A400] =	vst v63  }
0x2c: {  	_ =	swait.ge [sflag:s22], $0x3C00  }
0x2d: {  	[sflag:s22] =	ssyncset.done $0x0  }
0x2e: {  	[sflag:s22] =	ssyncadd.s32 $0xFFFFC400  }
0x2f: {  	[bflag:$0x0] =	sbarrier.arrive $0xFFFF  }
0x30: {  	[tilespmem:s3], [sflag:$0x2] =	stream.linear.gather [hbm4b:s17+s3], $0x1400, $0x38;
	[tilespmem:$0x1A400] =	vst v63  }
0x31: {  	_ =	swait.ge [sflag:s22], $0x1400  }
0x32: {  	[sflag:s22] =	ssyncset.done $0x0  }
0x33: {  	[sflag:s22] =	ssyncadd.s32 $0xFFFFEC00  }
0x34: {  	[tilespmem:s23], [sflag:$0x2] =	stream.linear.gather [hbm4b:s18+s3], $0x1400, $0x38;
	[tilespmem:$0x1A400] =	vst v63  }
0x35: {  	_ =	swait.ge [sflag:s22], $0x1400  }
0x36: {  	[sflag:s22] =	ssyncset.done $0x0  }
0x37: {  	s28 =	simm.s32 $0x0;
	[sflag:s22] =	ssyncadd.s32 $0xFFFFEC00  }
0x38: {  	[tilespmem:s21], [sflag:$0x1] =	stream.indirect.gather [hbm4b:s1+s24], $0x80, s28, s24, $0xb8;
	[tilespmem:$0x1A400] =	vst v63  }
0x39: {  	_ =	swait.ge [sflag:s25], $0x4000  }
0x3a: {  	[sflag:s25] =	ssyncset.done $0x0  }
0x3b: {  	s28 =	simm.s32 $0x1400;
	[sflag:s25] =	ssyncadd.s32 $0xFFFFC000  }
0x3c: {  	[spmem:s2] =	stream.indirect.scatter.add.f32 [tilespmem:s21], [sflag:$0x2], $0x80, s28, s24, $0xb8;
	[tilespmem:$0x1A400] =	vst v63  }
0x3d: {  	_ =	swait.ge [sflag:s22], $0x4000  }
0x3e: {  	s29 =	simm.s32 $0x400;
	s28 =	simm.s32 $0x200;
	[sflag:s22] =	ssyncset.done $0x0  }
.LBB2_2:
0x3f: {  	s30 =	sshra.s32 s28, $0x2  }
0x40: {  	[sflag:s22] =	ssyncadd.s32 $0xFFFFC000;
	s28 =	smov.u32 s29;
	s31 =	sadd.s32 $0x200, s29  }
0x41: {  	[tilespmem:s21], [sflag:$0x1] =	stream.indirect.gather [hbm4b:s1+s24], $0x80, s30, s24, $0xb8;
	[tilespmem:$0x1A400] =	vst v63  }
0x42: {  	p0 =	sne.s32 s29, $0x4E00;
	_ =	swait.ge [sflag:s25], $0x4000  }
.Ltmp0:
0x43: {  	[sflag:s25] =	ssyncset.done $0x0;
	(pc) =	sbr.rel @p0 .LBB2_2-.Ltmp0, $4  }
0x44: {  	s29 =	sadd.s32 $0x1400, s30;
	[sflag:s25] =	ssyncadd.s32 $0xFFFFC000  }
0x45: {  	[spmem:s2] =	stream.indirect.scatter.add.f32 [tilespmem:s21], [sflag:$0x2], $0x80, s29, s24, $0xb8;
	[tilespmem:$0x1A400] =	vst v63  }
0x46: {  	_ =	swait.ge [sflag:s22], $0x4000  }
0x47: {  	s29 =	smov.u32 s31;
	[sflag:s22] =	ssyncset.done $0x0  }
0x48: {  	s28 =	sshra.s32 s28, $0x2;
	[sflag:s22] =	ssyncadd.s32 $0xFFFFC000  }
0x49: {  	[tilespmem:s21], [sflag:$0x1] =	stream.indirect.gather [hbm4b:s1+s24], $0x80, s28, s24, $0xb8;
	[tilespmem:$0x1A400] =	vst v63  }
0x4a: {  	_ =	swait.ge [sflag:s25], $0x4000  }
0x4b: {  	[sflag:s25] =	ssyncset.done $0x0  }
0x4c: {  	s28 =	sadd.s32 $0x1400, s28;
	[sflag:s25] =	ssyncadd.s32 $0xFFFFC000  }
0x4d: {  	[spmem:s2] =	stream.indirect.scatter.add.f32 [tilespmem:s21], [sflag:$0x2], $0x80, s28, s24, $0xb8;
	[tilespmem:$0x1A400] =	vst v63  }
0x4e: {  	_ =	swait.ge [sflag:s22], $0x4000  }
0x4f: {  	[sflag:s22] =	ssyncset.done $0x0  }
0x50: {  	s28 =	simm.s32 $0x0;
	[sflag:s22] =	ssyncadd.s32 $0xFFFFC000  }
0x51: {  	[tilespmem:s28], [sflag:$0x2] =	stream.linear.gather [hbm4b:s19+s28], $0x1400, $0x38;
	[tilespmem:$0x1A400] =	vst v63  }
0x52: {  	_ =	swait.ge [sflag:s22], $0x1400  }
0x53: {  	[sflag:s22] =	ssyncset.done $0x0  }
0x54: {  	[sflag:s22] =	ssyncadd.s32 $0xFFFFEC00  }
0x55: {  	[tilespmem:s23], [sflag:$0x2] =	stream.linear.gather [hbm4b:s20+s28], $0x1400, $0x38;
	[tilespmem:$0x1A400] =	vst v63  }
0x56: {  	_ =	swait.ge [sflag:s22], $0x1400  }
0x57: {  	[sflag:s22] =	ssyncset.done $0x0  }
0x58: {  	s28 =	simm.s32 $0x0;
	[sflag:s22] =	ssyncadd.s32 $0xFFFFEC00  }
0x59: {  	[tilespmem:s21], [sflag:$0x1] =	stream.indirect.gather [hbm4b:s1+s24], $0x80, s28, s24, $0xb8;
	[tilespmem:$0x1A400] =	vst v63  }
0x5a: {  	_ =	swait.ge [sflag:s25], $0x4000  }
0x5b: {  	[sflag:s25] =	ssyncset.done $0x0  }
0x5c: {  	s28 =	simm.s32 $0x1400;
	[sflag:s25] =	ssyncadd.s32 $0xFFFFC000  }
0x5d: {  	[spmem:s2] =	stream.indirect.scatter.add.f32 [tilespmem:s21], [sflag:$0x2], $0x80, s28, s24, $0xb8;
	[tilespmem:$0x1A400] =	vst v63  }
0x5e: {  	_ =	swait.ge [sflag:s22], $0x4000  }
0x5f: {  	s29 =	simm.s32 $0x400;
	s28 =	simm.s32 $0x200;
	[sflag:s22] =	ssyncset.done $0x0  }
.LBB2_4:
0x60: {  	s30 =	sshra.s32 s28, $0x2  }
0x61: {  	[sflag:s22] =	ssyncadd.s32 $0xFFFFC000;
	s28 =	smov.u32 s29;
	s31 =	sadd.s32 $0x200, s29  }
0x62: {  	[tilespmem:s21], [sflag:$0x1] =	stream.indirect.gather [hbm4b:s1+s24], $0x80, s30, s24, $0xb8;
	[tilespmem:$0x1A400] =	vst v63  }
0x63: {  	p0 =	sne.s32 s29, $0x4E00;
	_ =	swait.ge [sflag:s25], $0x4000  }
.Ltmp1:
0x64: {  	[sflag:s25] =	ssyncset.done $0x0;
	(pc) =	sbr.rel @p0 .LBB2_4-.Ltmp1, $4  }
0x65: {  	s29 =	sadd.s32 $0x1400, s30;
	[sflag:s25] =	ssyncadd.s32 $0xFFFFC000  }
0x66: {  	[spmem:s2] =	stream.indirect.scatter.add.f32 [tilespmem:s21], [sflag:$0x2], $0x80, s29, s24, $0xb8;
	[tilespmem:$0x1A400] =	vst v63  }
0x67: {  	_ =	swait.ge [sflag:s22], $0x4000  }
0x68: {  	s29 =	smov.u32 s31;
	[sflag:s22] =	ssyncset.done $0x0  }
0x69: {  	s28 =	sshra.s32 s28, $0x2;
	[sflag:s22] =	ssyncadd.s32 $0xFFFFC000  }
0x6a: {  	[tilespmem:s21], [sflag:$0x1] =	stream.indirect.gather [hbm4b:s1+s24], $0x80, s28, s24, $0xb8;
	[tilespmem:$0x1A400] =	vst v63  }
0x6b: {  	_ =	swait.ge [sflag:s25], $0x4000  }
0x6c: {  	[sflag:s25] =	ssyncset.done $0x0  }
0x6d: {  	s28 =	sadd.s32 $0x1400, s28;
	[sflag:s25] =	ssyncadd.s32 $0xFFFFC000  }
0x6e: {  	[spmem:s2] =	stream.indirect.scatter.add.f32 [tilespmem:s21], [sflag:$0x2], $0x80, s28, s24, $0xb8;
	[tilespmem:$0x1A400] =	vst v63  }
0x6f: {  	_ =	swait.ge [sflag:s22], $0x4000  }
0x70: {  	[sflag:s22] =	ssyncset.done $0x0  }
0x71: {  	[sflag:s22] =	ssyncadd.s32 $0xFFFFC000  }
0x72: {  	[bflag:$0x0] =	sbarrier.arrive $0xFFFF  }
0x73: {  	[tilespmem:s21], [sflag:$0x2] =	stream.linear.gather [spmem:s6], $0x4000, $0x38;
	[tilespmem:$0x1A400] =	vst v63  }
0x74: {  	_ =	swait.ge [sflag:s22], $0x4000  }
0x75: {  	[sflag:s22] =	ssyncset.done $0x0  }
0x76: {  	[sflag:s22] =	ssyncadd.s32 $0xFFFFC000  }
0x77: {  	[hbm4b:s11+s3] =	stream.linear.scatter [tilespmem:s21], [sflag:$0x2], $0x4000, $0x38;
	[tilespmem:$0x1A400] =	vst v63  }
0x78: {  	_ =	swait.ge [sflag:s22], $0x4000  }
0x79: {  	[sflag:s22] =	ssyncset.done $0x0  }
0x7a: {  	[sflag:s22] =	ssyncadd.s32 $0xFFFFC000  }
0x7b: {  	[tilespmem:s21], [sflag:$0x2] =	stream.linear.gather [spmem:s7], $0x4000, $0x38;
	[tilespmem:$0x1A400] =	vst v63  }
0x7c: {  	_ =	swait.ge [sflag:s22], $0x4000  }
0x7d: {  	[sflag:s22] =	ssyncset.done $0x0  }
0x7e: {  	[sflag:s22] =	ssyncadd.s32 $0xFFFFC000  }
0x7f: {  	[hbm4b:s12+s3] =	stream.linear.scatter [tilespmem:s21], [sflag:$0x2], $0x4000, $0x38;
	[tilespmem:$0x1A400] =	vst v63  }
0x80: {  	_ =	swait.ge [sflag:s22], $0x4000  }
0x81: {  	[sflag:s22] =	ssyncset.done $0x0  }
0x82: {  	[sflag:s22] =	ssyncadd.s32 $0xFFFFC000  }
0x83: {  	[tilespmem:s21], [sflag:$0x2] =	stream.linear.gather [spmem:s8], $0x4000, $0x38;
	[tilespmem:$0x1A400] =	vst v63  }
0x84: {  	_ =	swait.ge [sflag:s22], $0x4000  }
0x85: {  	[sflag:s22] =	ssyncset.done $0x0  }
0x86: {  	[sflag:s22] =	ssyncadd.s32 $0xFFFFC000  }
0x87: {  	[hbm4b:s13+s3] =	stream.linear.scatter [tilespmem:s21], [sflag:$0x2], $0x4000, $0x38;
	[tilespmem:$0x1A400] =	vst v63  }
0x88: {  	_ =	swait.ge [sflag:s22], $0x4000  }
0x89: {  	[sflag:s22] =	ssyncset.done $0x0  }
0x8a: {  	[sflag:s22] =	ssyncadd.s32 $0xFFFFC000  }
0x8b: {  	[tilespmem:s21], [sflag:$0x2] =	stream.linear.gather [spmem:s9], $0x4000, $0x38;
	[tilespmem:$0x1A400] =	vst v63  }
0x8c: {  	_ =	swait.ge [sflag:s22], $0x4000  }
0x8d: {  	[sflag:s22] =	ssyncset.done $0x0  }
0x8e: {  	[sflag:s22] =	ssyncadd.s32 $0xFFFFC000  }
0x8f: {  	[hbm4b:s14+s3] =	stream.linear.scatter [tilespmem:s21], [sflag:$0x2], $0x4000, $0x38;
	[tilespmem:$0x1A400] =	vst v63  }
0x90: {  	_ =	swait.ge [sflag:s22], $0x4000  }
0x91: {  	[sflag:s22] =	ssyncset.done $0x0  }
0x92: {  	[sflag:s22] =	ssyncadd.s32 $0xFFFFC000  }
0x93: {  	[tilespmem:s21], [sflag:$0x2] =	stream.linear.gather [spmem:s10], $0x3C00, $0x38;
	[tilespmem:$0x1A400] =	vst v63  }
0x94: {  	s26 =	sadd.s32 $0x1, s26;
	_ =	swait.ge [sflag:s22], $0x3C00  }
0x95: {  	p0 =	sne.s32 s26, s16;
	[sflag:s22] =	ssyncset.done $0x0  }
.Ltmp2:
0x96: {  	[sflag:s22] =	ssyncadd.s32 $0xFFFFC400;
	(pc) =	sbr.rel @p0 .LBB2_1-.Ltmp2, $4  }
0x97: {  	[hbm4b:s15+s3] =	stream.linear.scatter [tilespmem:s21], [sflag:$0x2], $0x3C00, $0x38;
	[tilespmem:$0x1A400] =	vst v63  }
0x98: {  	_ =	swait.ge [sflag:s22], $0x3C00  }
0x99: {  	[sflag:s22] =	ssyncset.done $0x0  }
0x9a: {  	[sflag:s22] =	ssyncadd.s32 $0xFFFFC400  }
0x9b: {  	_ =	sfence.sel $0x180000  }
0x9c: {  	[bflag:$0x0] =	sbarrier.arrive $0xFFFF  }
0x9d: {  	p0 =	sne.s32 s4, $0x0;
	_ =	strace $0x9000004D  }
0x9e: {  	s0 =	sadd.s32 @!p0 $0x100000, s0;
	[bflag:$0x2] =	sbarrier.arrive $0xFFFF  }
0x9f: {  	[sflag:s0] =	ssyncadd.tile.s32 @!p0 $0x1;
	_ =	shalt  }
.Lfunc_end2:
_tile_overlayer_lowered:
.L_overlay_start_2:
0xa0: {  	(tag) =	ssettag $0x2  }
0xa1: {  	s0 =	rddreg [dreg:$0x0];
	s2 =	stileid.u32  }
0xa2: {  	s1 =	rddreg [dreg:$0x1];
	p0 =	sne.s32 s2, $0x0  }
0xa3: {  	s3 =	rddreg [dreg:$0x2];
	[bflag:$0x3] =	sbarrier.arrive $0xFFFF;
	s2 =	simm.s32 @!p0 $0x1C02  }
0xa4: {  	[timem:s3], [sflag:s2] =	dma.local @!p0 [hbm:s0], s1  }
0xa5: {  	s0 =	simm.s32 @!p0 $0x2  }
0xa6: {  	_ =	swait.ge @!p0 [sflag:s0], s1  }
0xa7: {  	s1 =	ssub.s32 @!p0 $0x0, s1;
	[sflag:s0] =	ssyncset.done @!p0 $0x0  }
0xa8: {  	[sflag:s0] =	ssyncadd.s32 @!p0 s1  }
0xa9: {  	[bflag:$0x3] =	sbarrier.arrive $0xFFFF  }
0xaa: {  	_ =	shalt  }

// kernel: kernel.20.cloned.1.call-start
scs
__scs_entry_jumppad:
0x0: {  	(pc) =	sbr.rel $0x88, $3  }
0x1: {  	(tag) =	ssettag $0x0;
	lr =	simm.s32 $0x1  }
0x2: {  	[smem:$0x3F92] =	sst lr;
	_ =	strace $0xD0000000  }
0x3: {  	_ = 	snop  }
0x4: {  	_ = 	snop  }
0x5: {  	_ = 	snop  }
0x6: {  	_ = 	snop  }
0x7: {  	_ = 	snop  }
__scs_overlays_trampoline_lowered:
0x8: {  	[smem:$0x3FA1] =	sst s0  }
0x9: {  	[smem:$0x3FA2] =	sst s1  }
0xa: {  	[smem:$0x3FA3] =	sst s2  }
0xb: {  	[smem:$0x3FA4] =	sst s3  }
0xc: {  	[smem:$0x3FA5] =	sst s4  }
0xd: {  	[smem:$0x3FA6] =	sst s5  }
0xe: {  	[smem:$0x3FA7] =	sst s6  }
0xf: {  	[smem:$0x3FA8] =	sst s7  }
0x10: {  	[smem:$0x3FA9] =	sst s8  }
0x11: {  	[smem:$0x3FAA] =	sst s9;
	s0 =	simm.s32 @!p0 $0x0  }
0x12: {  	s1 =	sld [smem:$0x3F90];
	s0 =	simm.s32 @p0 $0x1  }
0x13: {  	[smem:$0x3FAB] =	sst s0;
	s0 =	simm.s32 @!p1 $0x0  }
0x14: {  	s2 =	sld [smem:$0x3F8F];
	s0 =	simm.s32 @p1 $0x1  }
0x15: {  	[smem:$0x3FAC] =	sst s0;
	s0 =	simm.s32 @!p2 $0x0  }
0x16: {  	s3 =	sld [smem:$0x3FDB];
	s0 =	simm.s32 @p2 $0x1  }
0x17: {  	s4 =	simm.s32 $0x1BF5;
	[smem:$0x3FAE] =	sst s0  }
0x18: {  	s0 =	sld [smem:$0x3F91];
	_ =	swait.ge [sflag:s4], $0x0  }
0x19: {  	s7 =	sld [smem:$0x3F92]  }
0x1a: {  	s8 =	sadd.s32 $0xFFFFE003, lr  }
0x1b: {  	s9 =	sadd.s32 $0xFFFFFEF7, lr;
	s5 =	simm.s32 $0xFFFFFFFF;
	p2 =	slt.u32 s8, $0xFFFFF086  }
0x1c: {  	p1 =	slt.u32 s9, $0xF7A;
	s5 =	simm.s32 @!p2 $0x0  }
0x1d: {  	s5 =	simm.s32 @p1 $0x1;
	p0 =	seq.s32 s7, s2  }
0x1e: {  	s7 =	smul.u32 @!p0 $0xF7A, s2;
	p2 =	seq.s32 @!p0 s5, $0x0  }
0x1f: {  	s9 =	smul.u32 $0xF7A, s1;
	s8 =	simm.s32 @!p0 $0x1BF5;
	p2 =	por !p2, p0  }
0x20: {  	[sflag:s8] =	ssyncset.s32 @!p0 $0xFFFFF086;
	s6 =	sadd.s32 @!p0 s3, s7;
	s7 =	simm.s32 @!p0 $0x108  }
0x21: {  	s3 =	sadd.s32 s3, s9;
	s6 =	sadd.s32 @!p0 $0x88, s6;
	s7 =	simm.s32 @p2 $0x1082  }
0x22: {  	[simem:s7], [sflag:s8] =	dma.local @!p0 [hbm:s6], $0xF7A  }
0x23: {  	s9 =	sor.u32 $0xD0000000, s2;
	s6 =	simm.s32 $0x108;
	_ =	swait.ge @!p0 [sflag:s8], $0x0  }
0x24: {  	s3 =	sadd.s32 $0x88, s3;
	s6 =	simm.s32 @!p1 $0x1082;
	[sflag:s4] =	ssyncset.s32 $0xFFFFF086  }
0x25: {  	[simem:s6], [sflag:s4] =	dma.local [hbm:s3], $0xF7A  }
0x26: {  	[smem:$0x3F92] =	sst s1;
	(tag) =	ssettag s2;
	_ =	strace s9  }
0x27: {  	s1 =	sld [smem:$0x3FA2]  }
0x28: {  	s2 =	sld [smem:$0x3FA3]  }
0x29: {  	s4 =	sld [smem:$0x3FA5]  }
0x2a: {  	p0 =	seq.s32 s5, $0x0;
	s5 =	sld [smem:$0x3FA6]  }
0x2b: {  	s6 =	sld [smem:$0x3FA7]  }
0x2c: {  	s7 =	sld [smem:$0x3FA8]  }
0x2d: {  	s3 =	simm.s32 $0x108;
	s8 =	sld [smem:$0x3FA9]  }
0x2e: {  	s3 =	simm.s32 @!p0 $0x1082;
	s9 =	sld [smem:$0x3FAA]  }
0x2f: {  	lr =	sadd.s32 s0, s3;
	s0 =	sld [smem:$0x3FA1]  }
0x30: {  	s3 =	sld [smem:$0x3FA4]  }
0x31: {  	[smem:$0x3FAD] =	sst s10  }
0x32: {  	s10 =	sld [smem:$0x3FAB];
	_ =	sdelay $0x3  }
0x33: {  	p0 =	seq.s32 s10, $0x1;
	s10 =	sld [smem:$0x3FAD];
	_ =	sdelay $0x3  }
0x34: {  	[smem:$0x3FAD] =	sst s10  }
0x35: {  	s10 =	sld [smem:$0x3FAC];
	_ =	sdelay $0x3  }
0x36: {  	p1 =	seq.s32 s10, $0x1;
	s10 =	sld [smem:$0x3FAD];
	_ =	sdelay $0x3  }
0x37: {  	[smem:$0x3FAD] =	sst s10  }
0x38: {  	s10 =	sld [smem:$0x3FAE]  }
0x39: {  	_ = 	snop;
	(pc) =	sbr.ind lr, $3  }
0x3a: {  	_ = 	snop  }
0x3b: {  	_ = 	snop  }
0x3c: {  	p2 =	seq.s32 s10, $0x1;
	s10 =	sld [smem:$0x3FAD]  }
0x3d: {  	_ =	shalt  }
0x3e: {  	_ =	shalt  }
0x3f: {  	_ =	shalt  }
0x40: {  	_ =	shalt  }
0x41: {  	_ =	shalt  }
0x42: {  	_ =	shalt  }
0x43: {  	_ =	shalt  }
0x44: {  	_ =	shalt  }
0x45: {  	_ =	shalt  }
0x46: {  	_ =	shalt  }
0x47: {  	_ =	shalt  }
0x48: {  	_ =	shalt  }
0x49: {  	_ =	shalt  }
0x4a: {  	_ =	shalt  }
0x4b: {  	_ =	shalt  }
0x4c: {  	_ =	shalt  }
0x4d: {  	_ =	shalt  }
0x4e: {  	_ =	shalt  }
0x4f: {  	_ =	shalt  }
0x50: {  	_ =	shalt  }
0x51: {  	_ =	shalt  }
0x52: {  	_ =	shalt  }
0x53: {  	_ =	shalt  }
0x54: {  	_ =	shalt  }
0x55: {  	_ =	shalt  }
0x56: {  	_ =	shalt  }
0x57: {  	_ =	shalt  }
0x58: {  	_ =	shalt  }
0x59: {  	_ =	shalt  }
0x5a: {  	_ =	shalt  }
0x5b: {  	_ =	shalt  }
0x5c: {  	_ =	shalt  }
0x5d: {  	_ =	shalt  }
0x5e: {  	_ =	shalt  }
0x5f: {  	_ =	shalt  }
0x60: {  	_ =	shalt  }
0x61: {  	_ =	shalt  }
0x62: {  	_ =	shalt  }
0x63: {  	_ =	shalt  }
0x64: {  	_ =	shalt  }
0x65: {  	_ =	shalt  }
0x66: {  	_ =	shalt  }
0x67: {  	_ =	shalt  }
0x68: {  	_ =	shalt  }
0x69: {  	_ =	shalt  }
0x6a: {  	_ =	shalt  }
0x6b: {  	_ =	shalt  }
0x6c: {  	_ =	shalt  }
0x6d: {  	_ =	shalt  }
0x6e: {  	_ =	shalt  }
0x6f: {  	_ =	shalt  }
0x70: {  	_ =	shalt  }
0x71: {  	_ =	shalt  }
0x72: {  	_ =	shalt  }
0x73: {  	_ =	shalt  }
0x74: {  	_ =	shalt  }
0x75: {  	_ =	shalt  }
0x76: {  	_ =	shalt  }
0x77: {  	_ =	shalt  }
0x78: {  	_ =	shalt  }
0x79: {  	_ =	shalt  }
0x7a: {  	_ =	shalt  }
0x7b: {  	_ =	shalt  }
0x7c: {  	_ =	shalt  }
0x7d: {  	_ =	shalt  }
0x7e: {  	_ =	shalt  }
0x7f: {  	_ =	shalt  }
0x80: {  	_ =	shalt  }
0x81: {  	_ =	shalt  }
0x82: {  	_ =	shalt  }
0x83: {  	_ =	shalt  }
0x84: {  	_ =	shalt  }
0x85: {  	_ =	shalt  }
0x86: {  	_ =	shalt  }
0x87: {  	_ =	shalt  }
.Lfunc_end0:
.L_simem_size_0:
called_computation.3_lowered:
.L_overlay_start_0:
0x88: {  	s2 =	sld [smem:$0x3FD9]  }
0x89: {  	s3 =	sld [smem:$0x3FFE];
	_ =	sdelay $0x1  }
0x8a: {  	s1 =	srdreg.scid  }
0x8b: {  	s0 =	sand.u32 $0x1, s1  }
0x8c: {  	s17 =	sshll.u32 s0, $0xA;
	s2 =	sadd.s32 s3, s2  }
0x8d: {  	s2 =	sadd.s32 s2, s17  }
0x8e: {  	[smem:$0x3FB9] =	sst s2  }
0x8f: {  	_ = 	snop  }
0x90: {  	s2 =	sld [smem:$0x3FD0];
	(tm) =	ssettm $0x1  }
0x91: {  	s18 =	sld [smem:$0x3FFB];
	_ =	sdelay $0x3  }
0x92: {  	_ =	strace s18  }
0x93: {  	s3 =	sld [smem:$0x3FFC];
	_ =	sdelay $0x3  }
0x94: {  	_ =	strace s3  }
0x95: {  	s3 =	sld [smem:$0x3FFD];
	_ =	sdelay $0x3  }
0x96: {  	_ =	strace s3  }
0x97: {  	_ =	strace $0x8FFFFFFF  }
0x98: {  	s19 =	sld [smem:$0x3FDB];
	_ =	sdelay $0x1  }
0x99: {  	s4 =	simm.s32 $_scs_section_size  }
0x9a: {  	s5 =	simm.s32 $_size__tile_overlayer_lowered;
	s6 =	simm.s32 $_tile_overlayer_lowered  }
0x9b: {  	s22 =	simm.s32 $0x1BFF;
	s21 =	sshll.u32 s6, $0x1;
	s3 =	sadd.s32 s4, s19  }
0x9c: {  	s7 =	simm.s32 $0x0;
	s20 =	sshll.u32 s5, $0x1;
	s5 =	sadd.s32 s21, s3  }
0x9d: {  	[timem:s7], [sflag:s22] =	dma.local [hbm:s5], s20  }
0x9e: {  	_ =	swait.ge [sflag:s22], s20  }
0x9f: {  	s4 =	ssub.s32 $0x0, s20;
	[sflag:s22] =	ssyncset.done $0x0  }
0xa0: {  	[sflag:s22] =	ssyncadd.s32 s4;
	_ =	sdelay $0x1  }
0xa1: {  	s23 =	simm.s32 $0x1B8B  }
0xa2: {  	_ =	swait.ge [sflag:s23], $0x1  }
0xa3: {  	[sflag:s23] =	ssyncset.done $0x0  }
0xa4: {  	s25 =	simm.s32 $0x1B8E;
	s24 =	sld [smem:$0x3FFE];
	[sflag:s23] =	ssyncadd.s32 $0xFFFFFFFF  }
0xa5: {  	s26 =	simm.s32 $execute0_lowered;
	[smem:$0x3FD2] =	sst s25  }
0xa6: {  	s5 =	sshll.u32 s26, $0x1;
	_ =	strace $0x8000004F;
	[dreg:$0x1] =	wrdreg $0xFFFFFFFF  }
0xa7: {  	s28 =	simm.s32 $_size_execute0_lowered;
	s3 =	sadd.s32 s3, s5;
	[dreg:$0x0] =	wrdreg $0x0  }
0xa8: {  	s5 =	sshll.u32 s28, $0x1;
	[dreg:$0x2] =	wrdreg s3  }
0xa9: {  	[dreg:$0x3] =	wrdreg s5  }
0xaa: {  	[dreg:$0x4] =	wrdreg $0xC0  }
0xab: {  	_ =	task [dreg:s7], $0x5FFFF  }
0xac: {  	[dreg:$0x1] =	wrdreg $0xFFFFFFFF  }
0xad: {  	[dreg:$0x0] =	wrdreg $0x60  }
0xae: {  	[dreg:$0x2] =	wrdreg s2  }
0xaf: {  	[dreg:$0x3] =	wrdreg s24  }
0xb0: {  	[dreg:$0x4] =	wrdreg $0x68000  }
0xb1: {  	[dreg:$0x5] =	wrdreg $0x9  }
0xb2: {  	_ =	task.clear_ibuf [dreg:s7], $0x6FFFF;
	_ =	strace $0x9000004F  }
0xb3: {  	s29 =	simm.s32 $0x9;
	_ =	strace $0x80000051  }
0xb4: {  	_ =	swait.ge [sflag:s29], $0x1  }
0xb5: {  	[sflag:s29] =	ssyncadd.s32 $0xFFFFFFFF  }
0xb6: {  	_ =	strace $0x90000051  }
0xb7: {  	_ =	sfence  }
0xb8: {  	s30 =	sld [smem:$0x0];
	_ =	sdelay $0x2  }
0xb9: {  	s31 =	sshll.u32 s1, $0xD;
	s1 =	sshrl.u32 s1, $0x2  }
0xba: {  	s3 =	sand.u32 $0x4000, s31;
	s1 =	sadd.s32 s1, s30  }
0xbb: {  	s0 =	sor.u32 s3, s0;
	s1 =	sshll.u32 s1, $0x11  }
0xbc: {  	s0 =	sor.u32 s1, s0  }
0xbd: {  	s0 =	sadd.s32 $0x8F2B, s0  }
0xbe: {  	[sflag:s0] =	ssyncadd.remote.s32 $0x1  }
0xbf: {  	_ =	sfence.sel $0xFFFF  }
0xc0: {  	[dreg:$0x0] =	wrdreg $0xFFFFFFFF;
	(pc) =	sbr.abs _section_cstart, $3  }
0xc1: {  	[dreg:$0x1] =	wrdreg $0xFFFFFFFF  }
0xc2: {  	_ =	task.clear_ibuf [dreg:s7], $0x2FFFF;
	_ =	strace $0x9FFFFFFF  }
0xc3: {  	(tm) =	ssettm $0x7FFFFFFF  }
tec
execute0_lowered:
.L_overlay_start_1:
0x0: {  	(tag) =	ssettag $0x1  }
0x1: {  	s1 =	rddreg [dreg:$0x0]  }
0x2: {  	s6 =	rddreg [dreg:$0x1]  }
0x3: {  	s2 =	rddreg [dreg:$0x2]  }
0x4: {  	s0 =	rddreg [dreg:$0x3];
	s3 =	simm.s32 $0x0;
	s5 =	srdreg.scid  }
0x5: {  	s4 =	stileid.u32;
	s23 =	simm.s32 $0x1400;
	s24 =	simm.s32 $0x80  }
0x6: {  	s25 =	simm.s32 $0x1;
	[smem:$0x7FF] =	sst s3;
	s19 =	sadd.s32 $0x6800, s6  }
0x7: {  	s20 =	sadd.s32 $0x10800, s6;
	s7 =	sand.u32 $0x1, s5;
	s9 =	smul.u32 $0x4F000, s4  }
0x8: {  	s5 =	sadd.s32 $0x1A800, s6;
	s15 =	sadd.s32 $0x69400, s6;
	s10 =	smul.u32 $0x13C00, s4  }
0x9: {  	s28 =	sshll.u32 s4, $0x1;
	_ =	strace $0x80000050;
	s8 =	ssub.s32 $0x2, s7  }
0xa: {  	s13 =	sor.u32 s7, s28;
	s18 =	smul.u32 $0x13C000, s7;
	s26 =	sshrl.u32 s8, $0x1  }
0xb: {  	s29 =	sshrl.u32 s9, $0x2;
	s11 =	sadd.s32 $0x4000, s10;
	s14 =	sadd.s32 $0x8000, s10  }
0xc: {  	s17 =	sadd.s32 $0xC000, s10;
	s21 =	sadd.s32 $0x10000, s10;
	s30 =	smul.u32 $0x500, s13  }
0xd: {  	s16 =	ssub.s32 s8, s26;
	s6 =	sadd.s32 s29, s2;
	s7 =	sadd.s32 s11, s2  }
0xe: {  	s8 =	sadd.s32 s14, s2;
	s9 =	sadd.s32 s17, s2;
	s12 =	sadd.s32 s10, s18  }
0xf: {  	s11 =	sadd.s32 s18, s11;
	s10 =	sadd.s32 s21, s2;
	s14 =	sadd.s32 s18, s14  }
0x10: {  	s17 =	sadd.s32 s18, s17;
	s18 =	sadd.s32 s18, s21;
	s21 =	simm.s32 $0x2800  }
0x11: {  	s26 =	simm.s32 $0x0;
	s12 =	sshrl.u32 s12, $0x3;
	s22 =	sshrl.u32 s11, $0x3  }
0x12: {  	s14 =	sshrl.u32 s14, $0x3;
	s17 =	sshrl.u32 s17, $0x3;
	s18 =	sshrl.u32 s18, $0x3  }
0x13: {  	s16 =	smax.u32 s16, $0x1;
	s31 =	sadd.s32 $0x280, s30;
	s11 =	sadd.s32 s15, s12  }
0x14: {  	s12 =	sadd.s32 s15, s22;
	s13 =	sadd.s32 s15, s14;
	s14 =	sadd.s32 s15, s17  }
0x15: {  	s15 =	sadd.s32 s15, s18;
	s17 =	sadd.s32 s19, s30;
	s18 =	sadd.s32 s20, s30  }
0x16: {  	s19 =	sadd.s32 s19, s31;
	s20 =	sadd.s32 s20, s31;
	s22 =	simm.s32 $0x2  }
.LBB2_1:
0x17: {  	[tilespmem:s21], [sflag:$0x2] =	stream.linear.gather [hbm4b:s5+s3], $0x4000, $0x38;
	[tilespmem:$0x1A400] =	vst v63  }
0x18: {  	_ =	swait.ge [sflag:s22], $0x4000  }
0x19: {  	[sflag:s22] =	ssyncset.done $0x0  }
0x1a: {  	[sflag:s22] =	ssyncadd.s32 $0xFFFFC000  }
0x1b: {  	[spmem:s6] =	stream.linear.scatter [tilespmem:s21], [sflag:$0x2], $0x4000, $0x38;
	[tilespmem:$0x1A400] =	vst v63  }
0x1c: {  	_ =	swait.ge [sflag:s22], $0x4000  }
0x1d: {  	[sflag:s22] =	ssyncset.done $0x0  }
0x1e: {  	[sflag:s22] =	ssyncadd.s32 $0xFFFFC000  }
0x1f: {  	[spmem:s7] =	stream.linear.scatter [tilespmem:s21], [sflag:$0x2], $0x4000, $0x38;
	[tilespmem:$0x1A400] =	vst v63  }
0x20: {  	_ =	swait.ge [sflag:s22], $0x4000  }
0x21: {  	[sflag:s22] =	ssyncset.done $0x0  }
0x22: {  	[sflag:s22] =	ssyncadd.s32 $0xFFFFC000  }
0x23: {  	[spmem:s8] =	stream.linear.scatter [tilespmem:s21], [sflag:$0x2], $0x4000, $0x38;
	[tilespmem:$0x1A400] =	vst v63  }
0x24: {  	_ =	swait.ge [sflag:s22], $0x4000  }
0x25: {  	[sflag:s22] =	ssyncset.done $0x0  }
0x26: {  	[sflag:s22] =	ssyncadd.s32 $0xFFFFC000  }
0x27: {  	[spmem:s9] =	stream.linear.scatter [tilespmem:s21], [sflag:$0x2], $0x4000, $0x38;
	[tilespmem:$0x1A400] =	vst v63  }
0x28: {  	_ =	swait.ge [sflag:s22], $0x4000  }
0x29: {  	[sflag:s22] =	ssyncset.done $0x0  }
0x2a: {  	[sflag:s22] =	ssyncadd.s32 $0xFFFFC000  }
0x2b: {  	[spmem:s10] =	stream.linear.scatter [tilespmem:s21], [sflag:$0x2], $0x3C00, $0x38;
	[tilespmem:$0x1A400] =	vst v63  }
0x2c: {  	_ =	swait.ge [sflag:s22], $0x3C00  }
0x2d: {  	[sflag:s22] =	ssyncset.done $0x0  }
0x2e: {  	[sflag:s22] =	ssyncadd.s32 $0xFFFFC400  }
0x2f: {  	[bflag:$0x0] =	sbarrier.arrive $0xFFFF  }
0x30: {  	[tilespmem:s3], [sflag:$0x2] =	stream.linear.gather [hbm4b:s17+s3], $0x1400, $0x38;
	[tilespmem:$0x1A400] =	vst v63  }
0x31: {  	_ =	swait.ge [sflag:s22], $0x1400  }
0x32: {  	[sflag:s22] =	ssyncset.done $0x0  }
0x33: {  	[sflag:s22] =	ssyncadd.s32 $0xFFFFEC00  }
0x34: {  	[tilespmem:s23], [sflag:$0x2] =	stream.linear.gather [hbm4b:s18+s3], $0x1400, $0x38;
	[tilespmem:$0x1A400] =	vst v63  }
0x35: {  	_ =	swait.ge [sflag:s22], $0x1400  }
0x36: {  	[sflag:s22] =	ssyncset.done $0x0  }
0x37: {  	s28 =	simm.s32 $0x0;
	[sflag:s22] =	ssyncadd.s32 $0xFFFFEC00  }
0x38: {  	[tilespmem:s21], [sflag:$0x1] =	stream.indirect.gather [hbm4b:s1+s24], $0x80, s28, s24, $0xb8;
	[tilespmem:$0x1A400] =	vst v63  }
0x39: {  	_ =	swait.ge [sflag:s25], $0x4000  }
0x3a: {  	[sflag:s25] =	ssyncset.done $0x0  }
0x3b: {  	s28 =	simm.s32 $0x1400;
	[sflag:s25] =	ssyncadd.s32 $0xFFFFC000  }
0x3c: {  	[spmem:s2] =	stream.indirect.scatter.add.f32 [tilespmem:s21], [sflag:$0x2], $0x80, s28, s24, $0xb8;
	[tilespmem:$0x1A400] =	vst v63  }
0x3d: {  	_ =	swait.ge [sflag:s22], $0x4000  }
0x3e: {  	s29 =	simm.s32 $0x400;
	s28 =	simm.s32 $0x200;
	[sflag:s22] =	ssyncset.done $0x0  }
.LBB2_2:
0x3f: {  	s30 =	sshra.s32 s28, $0x2  }
0x40: {  	[sflag:s22] =	ssyncadd.s32 $0xFFFFC000;
	s28 =	smov.u32 s29;
	s31 =	sadd.s32 $0x200, s29  }
0x41: {  	[tilespmem:s21], [sflag:$0x1] =	stream.indirect.gather [hbm4b:s1+s24], $0x80, s30, s24, $0xb8;
	[tilespmem:$0x1A400] =	vst v63  }
0x42: {  	p0 =	sne.s32 s29, $0x4E00;
	_ =	swait.ge [sflag:s25], $0x4000  }
.Ltmp0:
0x43: {  	[sflag:s25] =	ssyncset.done $0x0;
	(pc) =	sbr.rel @p0 .LBB2_2-.Ltmp0, $4  }
0x44: {  	s29 =	sadd.s32 $0x1400, s30;
	[sflag:s25] =	ssyncadd.s32 $0xFFFFC000  }
0x45: {  	[spmem:s2] =	stream.indirect.scatter.add.f32 [tilespmem:s21], [sflag:$0x2], $0x80, s29, s24, $0xb8;
	[tilespmem:$0x1A400] =	vst v63  }
0x46: {  	_ =	swait.ge [sflag:s22], $0x4000  }
0x47: {  	s29 =	smov.u32 s31;
	[sflag:s22] =	ssyncset.done $0x0  }
0x48: {  	s28 =	sshra.s32 s28, $0x2;
	[sflag:s22] =	ssyncadd.s32 $0xFFFFC000  }
0x49: {  	[tilespmem:s21], [sflag:$0x1] =	stream.indirect.gather [hbm4b:s1+s24], $0x80, s28, s24, $0xb8;
	[tilespmem:$0x1A400] =	vst v63  }
0x4a: {  	_ =	swait.ge [sflag:s25], $0x4000  }
0x4b: {  	[sflag:s25] =	ssyncset.done $0x0  }
0x4c: {  	s28 =	sadd.s32 $0x1400, s28;
	[sflag:s25] =	ssyncadd.s32 $0xFFFFC000  }
0x4d: {  	[spmem:s2] =	stream.indirect.scatter.add.f32 [tilespmem:s21], [sflag:$0x2], $0x80, s28, s24, $0xb8;
	[tilespmem:$0x1A400] =	vst v63  }
0x4e: {  	_ =	swait.ge [sflag:s22], $0x4000  }
0x4f: {  	[sflag:s22] =	ssyncset.done $0x0  }
0x50: {  	s28 =	simm.s32 $0x0;
	[sflag:s22] =	ssyncadd.s32 $0xFFFFC000  }
0x51: {  	[tilespmem:s28], [sflag:$0x2] =	stream.linear.gather [hbm4b:s19+s28], $0x1400, $0x38;
	[tilespmem:$0x1A400] =	vst v63  }
0x52: {  	_ =	swait.ge [sflag:s22], $0x1400  }
0x53: {  	[sflag:s22] =	ssyncset.done $0x0  }
0x54: {  	[sflag:s22] =	ssyncadd.s32 $0xFFFFEC00  }
0x55: {  	[tilespmem:s23], [sflag:$0x2] =	stream.linear.gather [hbm4b:s20+s28], $0x1400, $0x38;
	[tilespmem:$0x1A400] =	vst v63  }
0x56: {  	_ =	swait.ge [sflag:s22], $0x1400  }
0x57: {  	[sflag:s22] =	ssyncset.done $0x0  }
0x58: {  	s28 =	simm.s32 $0x0;
	[sflag:s22] =	ssyncadd.s32 $0xFFFFEC00  }
0x59: {  	[tilespmem:s21], [sflag:$0x1] =	stream.indirect.gather [hbm4b:s1+s24], $0x80, s28, s24, $0xb8;
	[tilespmem:$0x1A400] =	vst v63  }
0x5a: {  	_ =	swait.ge [sflag:s25], $0x4000  }
0x5b: {  	[sflag:s25] =	ssyncset.done $0x0  }
0x5c: {  	s28 =	simm.s32 $0x1400;
	[sflag:s25] =	ssyncadd.s32 $0xFFFFC000  }
0x5d: {  	[spmem:s2] =	stream.indirect.scatter.add.f32 [tilespmem:s21], [sflag:$0x2], $0x80, s28, s24, $0xb8;
	[tilespmem:$0x1A400] =	vst v63  }
0x5e: {  	_ =	swait.ge [sflag:s22], $0x4000  }
0x5f: {  	s29 =	simm.s32 $0x400;
	s28 =	simm.s32 $0x200;
	[sflag:s22] =	ssyncset.done $0x0  }
.LBB2_4:
0x60: {  	s30 =	sshra.s32 s28, $0x2  }
0x61: {  	[sflag:s22] =	ssyncadd.s32 $0xFFFFC000;
	s28 =	smov.u32 s29;
	s31 =	sadd.s32 $0x200, s29  }
0x62: {  	[tilespmem:s21], [sflag:$0x1] =	stream.indirect.gather [hbm4b:s1+s24], $0x80, s30, s24, $0xb8;
	[tilespmem:$0x1A400] =	vst v63  }
0x63: {  	p0 =	sne.s32 s29, $0x4E00;
	_ =	swait.ge [sflag:s25], $0x4000  }
.Ltmp1:
0x64: {  	[sflag:s25] =	ssyncset.done $0x0;
	(pc) =	sbr.rel @p0 .LBB2_4-.Ltmp1, $4  }
0x65: {  	s29 =	sadd.s32 $0x1400, s30;
	[sflag:s25] =	ssyncadd.s32 $0xFFFFC000  }
0x66: {  	[spmem:s2] =	stream.indirect.scatter.add.f32 [tilespmem:s21], [sflag:$0x2], $0x80, s29, s24, $0xb8;
	[tilespmem:$0x1A400] =	vst v63  }
0x67: {  	_ =	swait.ge [sflag:s22], $0x4000  }
0x68: {  	s29 =	smov.u32 s31;
	[sflag:s22] =	ssyncset.done $0x0  }
0x69: {  	s28 =	sshra.s32 s28, $0x2;
	[sflag:s22] =	ssyncadd.s32 $0xFFFFC000  }
0x6a: {  	[tilespmem:s21], [sflag:$0x1] =	stream.indirect.gather [hbm4b:s1+s24], $0x80, s28, s24, $0xb8;
	[tilespmem:$0x1A400] =	vst v63  }
0x6b: {  	_ =	swait.ge [sflag:s25], $0x4000  }
0x6c: {  	[sflag:s25] =	ssyncset.done $0x0  }
0x6d: {  	s28 =	sadd.s32 $0x1400, s28;
	[sflag:s25] =	ssyncadd.s32 $0xFFFFC000  }
0x6e: {  	[spmem:s2] =	stream.indirect.scatter.add.f32 [tilespmem:s21], [sflag:$0x2], $0x80, s28, s24, $0xb8;
	[tilespmem:$0x1A400] =	vst v63  }
0x6f: {  	_ =	swait.ge [sflag:s22], $0x4000  }
0x70: {  	[sflag:s22] =	ssyncset.done $0x0  }
0x71: {  	[sflag:s22] =	ssyncadd.s32 $0xFFFFC000  }
0x72: {  	[bflag:$0x0] =	sbarrier.arrive $0xFFFF  }
0x73: {  	[tilespmem:s21], [sflag:$0x2] =	stream.linear.gather [spmem:s6], $0x4000, $0x38;
	[tilespmem:$0x1A400] =	vst v63  }
0x74: {  	_ =	swait.ge [sflag:s22], $0x4000  }
0x75: {  	[sflag:s22] =	ssyncset.done $0x0  }
0x76: {  	[sflag:s22] =	ssyncadd.s32 $0xFFFFC000  }
0x77: {  	[hbm4b:s11+s3] =	stream.linear.scatter [tilespmem:s21], [sflag:$0x2], $0x4000, $0x38;
	[tilespmem:$0x1A400] =	vst v63  }
0x78: {  	_ =	swait.ge [sflag:s22], $0x4000  }
0x79: {  	[sflag:s22] =	ssyncset.done $0x0  }
0x7a: {  	[sflag:s22] =	ssyncadd.s32 $0xFFFFC000  }
0x7b: {  	[tilespmem:s21], [sflag:$0x2] =	stream.linear.gather [spmem:s7], $0x4000, $0x38;
	[tilespmem:$0x1A400] =	vst v63  }
0x7c: {  	_ =	swait.ge [sflag:s22], $0x4000  }
0x7d: {  	[sflag:s22] =	ssyncset.done $0x0  }
0x7e: {  	[sflag:s22] =	ssyncadd.s32 $0xFFFFC000  }
0x7f: {  	[hbm4b:s12+s3] =	stream.linear.scatter [tilespmem:s21], [sflag:$0x2], $0x4000, $0x38;
	[tilespmem:$0x1A400] =	vst v63  }
0x80: {  	_ =	swait.ge [sflag:s22], $0x4000  }
0x81: {  	[sflag:s22] =	ssyncset.done $0x0  }
0x82: {  	[sflag:s22] =	ssyncadd.s32 $0xFFFFC000  }
0x83: {  	[tilespmem:s21], [sflag:$0x2] =	stream.linear.gather [spmem:s8], $0x4000, $0x38;
	[tilespmem:$0x1A400] =	vst v63  }
0x84: {  	_ =	swait.ge [sflag:s22], $0x4000  }
0x85: {  	[sflag:s22] =	ssyncset.done $0x0  }
0x86: {  	[sflag:s22] =	ssyncadd.s32 $0xFFFFC000  }
0x87: {  	[hbm4b:s13+s3] =	stream.linear.scatter [tilespmem:s21], [sflag:$0x2], $0x4000, $0x38;
	[tilespmem:$0x1A400] =	vst v63  }
0x88: {  	_ =	swait.ge [sflag:s22], $0x4000  }
0x89: {  	[sflag:s22] =	ssyncset.done $0x0  }
0x8a: {  	[sflag:s22] =	ssyncadd.s32 $0xFFFFC000  }
0x8b: {  	[tilespmem:s21], [sflag:$0x2] =	stream.linear.gather [spmem:s9], $0x4000, $0x38;
	[tilespmem:$0x1A400] =	vst v63  }
0x8c: {  	_ =	swait.ge [sflag:s22], $0x4000  }
0x8d: {  	[sflag:s22] =	ssyncset.done $0x0  }
0x8e: {  	[sflag:s22] =	ssyncadd.s32 $0xFFFFC000  }
0x8f: {  	[hbm4b:s14+s3] =	stream.linear.scatter [tilespmem:s21], [sflag:$0x2], $0x4000, $0x38;
	[tilespmem:$0x1A400] =	vst v63  }
0x90: {  	_ =	swait.ge [sflag:s22], $0x4000  }
0x91: {  	[sflag:s22] =	ssyncset.done $0x0  }
0x92: {  	[sflag:s22] =	ssyncadd.s32 $0xFFFFC000  }
0x93: {  	[tilespmem:s21], [sflag:$0x2] =	stream.linear.gather [spmem:s10], $0x3C00, $0x38;
	[tilespmem:$0x1A400] =	vst v63  }
0x94: {  	s26 =	sadd.s32 $0x1, s26;
	_ =	swait.ge [sflag:s22], $0x3C00  }
0x95: {  	p0 =	sne.s32 s26, s16;
	[sflag:s22] =	ssyncset.done $0x0  }
.Ltmp2:
0x96: {  	[sflag:s22] =	ssyncadd.s32 $0xFFFFC400;
	(pc) =	sbr.rel @p0 .LBB2_1-.Ltmp2, $4  }
0x97: {  	[hbm4b:s15+s3] =	stream.linear.scatter [tilespmem:s21], [sflag:$0x2], $0x3C00, $0x38;
	[tilespmem:$0x1A400] =	vst v63  }
0x98: {  	_ =	swait.ge [sflag:s22], $0x3C00  }
0x99: {  	[sflag:s22] =	ssyncset.done $0x0  }
0x9a: {  	[sflag:s22] =	ssyncadd.s32 $0xFFFFC400  }
0x9b: {  	_ =	sfence.sel $0x180000  }
0x9c: {  	[bflag:$0x0] =	sbarrier.arrive $0xFFFF  }
0x9d: {  	p0 =	sne.s32 s4, $0x0;
	_ =	strace $0x90000050  }
0x9e: {  	s0 =	sadd.s32 @!p0 $0x100000, s0;
	[bflag:$0x2] =	sbarrier.arrive $0xFFFF  }
0x9f: {  	[sflag:s0] =	ssyncadd.tile.s32 @!p0 $0x1;
	_ =	shalt  }
.Lfunc_end2:
_tile_overlayer_lowered:
.L_overlay_start_2:
0xa0: {  	(tag) =	ssettag $0x2  }
0xa1: {  	s0 =	rddreg [dreg:$0x0];
	s2 =	stileid.u32  }
0xa2: {  	s1 =	rddreg [dreg:$0x1];
	p0 =	sne.s32 s2, $0x0  }
0xa3: {  	s3 =	rddreg [dreg:$0x2];
	[bflag:$0x3] =	sbarrier.arrive $0xFFFF;
	s2 =	simm.s32 @!p0 $0x1C02  }
0xa4: {  	[timem:s3], [sflag:s2] =	dma.local @!p0 [hbm:s0], s1  }
0xa5: {  	s0 =	simm.s32 @!p0 $0x2  }
0xa6: {  	_ =	swait.ge @!p0 [sflag:s0], s1  }
0xa7: {  	s1 =	ssub.s32 @!p0 $0x0, s1;
	[sflag:s0] =	ssyncset.done @!p0 $0x0  }
0xa8: {  	[sflag:s0] =	ssyncadd.s32 @!p0 s1  }
0xa9: {  	[bflag:$0x3] =	sbarrier.arrive $0xFFFF  }
0xaa: {  	_ =	shalt  }

</sc_bundles>
